<compile_context>
chip_gen: v7x
topology: tpu7x:2x2x1
jax: 0.10.2.dev20260603
libtpu: 0.0.44.dev20260713+nightly
codegen_flags: <defaults>
</compile_context>

<pallas_src>
import functools

import jax
import jax.numpy as jnp
from jax import lax
from jax.experimental import pallas as pl
from jax.experimental.pallas import tpu as pltpu
from jax.experimental.pallas import tpu_sc as plsc

N_NODES = 10000
N_EDGES = 320000
D = 128
NC = 2
NS = 16
NW = NC * NS
EPT = N_EDGES // NW
CHUNK = 80
NCHUNK = EPT // CHUNK
ROWS_PT = 640
_LAST_R0 = N_NODES - ROWS_PT
ACH = 80
ANCH = EPT // ACH
DRAIN_C = ROWS_PT // ACH
_MESH = plsc.VectorSubcoreMesh(
    core_axis_name="c", subcore_axis_name="s", num_cores=NC, num_subcores=NS
)



@functools.partial(
    pl.kernel,
    out_type=jax.ShapeDtypeStruct((NC * N_NODES,), jnp.float32),
    mesh=_MESH,
    scratch_types=[
        pltpu.VMEM((EPT,), jnp.int32),
        pltpu.VMEM((CHUNK,), jnp.float32),
        pltpu.VMEM((ROWS_PT,), jnp.float32),
        pltpu.VMEM_SHARED((N_NODES,), jnp.float32),
        pltpu.SemaphoreType.DMA,
        pltpu.SemaphoreType.DMA,
    ],
)
def _deg_kernel(edges_hbm, out_hbm, didx, ones_v, zbuf, acc_sh, d0, d1):
    cid = lax.axis_index("c")
    sid = lax.axis_index("s")
    wid = cid * NS + sid
    r0 = jnp.minimum(sid * ROWS_PT, _LAST_R0)

    pltpu.async_copy(edges_hbm.at[NW + wid], didx, d0)

    @pl.loop(0, ROWS_PT, step=16)
    def _(i):
        zbuf[pl.ds(i, 16)] = jnp.zeros((16,), jnp.float32)

    @pl.loop(0, CHUNK, step=16)
    def _(i):
        ones_v[pl.ds(i, 16)] = jnp.full((16,), 1.0, jnp.float32)

    pltpu.sync_copy(zbuf, acc_sh.at[pl.ds(r0, ROWS_PT)])
    pltpu.make_async_copy(edges_hbm.at[NW + wid], didx, d0).wait()
    plsc.subcore_barrier()

    dsem = (d0, d1)

    def _dsc(j, b):
        pltpu.async_copy(ones_v, acc_sh.at[didx.at[pl.ds(j * CHUNK, CHUNK)]],
                         dsem[b], add=True)

    def _dscw(j, b):
        pltpu.make_async_copy(ones_v,
                              acc_sh.at[didx.at[pl.ds(j * CHUNK, CHUNK)]],
                              dsem[b]).wait()

    _dsc(0, 0)

    @pl.loop(0, (NCHUNK - 1) // 2)
    def _(blk):
        j0 = 1 + blk * 2
        _dsc(j0, 1)
        _dscw(j0 - 1, 0)
        _dsc(j0 + 1, 0)
        _dscw(j0, 1)

    _dscw(NCHUNK - 1, 0)
    plsc.subcore_barrier()
    pltpu.sync_copy(acc_sh.at[pl.ds(r0, ROWS_PT)], zbuf)
    pltpu.sync_copy(zbuf, out_hbm.at[pl.ds(cid * N_NODES + r0, ROWS_PT)])


@functools.partial(
    pl.kernel,
    out_type=jax.ShapeDtypeStruct((NC, N_NODES, D), jnp.float32),
    mesh=_MESH,
    scratch_types=[
        pltpu.VMEM((EPT,), jnp.int32),
        pltpu.VMEM((EPT,), jnp.int32),
        pltpu.VMEM((2, ACH, D), jnp.float32),
        pltpu.VMEM_SHARED((N_NODES, D), jnp.float32),
    ] + [pltpu.SemaphoreType.DMA] * 4,
)
def _agg_kernel(table_hbm, edges_hbm, out_hbm,
                sidx, didx, rowbuf, acc_sh, g0, g1, s0, s1):
    rows = (rowbuf.at[0], rowbuf.at[1])
    gsem = (g0, g1)
    ssem = (s0, s1)
    cid = lax.axis_index("c")
    sid = lax.axis_index("s")
    wid = cid * NS + sid
    r0 = jnp.minimum(sid * ROWS_PT, _LAST_R0)

    pltpu.async_copy(edges_hbm.at[wid], sidx, g0)
    pltpu.async_copy(edges_hbm.at[NW + wid], didx, g1)

    @pl.loop(0, ACH)
    def _(i):
        @pl.loop(0, D, step=16)
        def _(j):
            rowbuf[1, i, pl.ds(j, 16)] = jnp.zeros((16,), jnp.float32)

    def _gather(j, b):
        pltpu.async_copy(table_hbm.at[sidx.at[pl.ds(j * ACH, ACH)]],
                         rows[b], gsem[b])

    def _wait_gather(j, b):
        pltpu.make_async_copy(table_hbm.at[sidx.at[pl.ds(j * ACH, ACH)]],
                              rows[b], gsem[b]).wait()

    def _scatter(j, b):
        pltpu.async_copy(rows[b], acc_sh.at[didx.at[pl.ds(j * ACH, ACH)]],
                         ssem[b], add=True)

    def _wait_scatter(j, b):
        pltpu.make_async_copy(rows[b], acc_sh.at[didx.at[pl.ds(j * ACH, ACH)]],
                              ssem[b]).wait()

    def _step(j, b, wait_scat=True, issue_gather=True):
        _wait_gather(j, b)
        _scatter(j, b)
        if issue_gather:
            if wait_scat:
                _wait_scatter(j - 1, 1 - b)
            _gather(j + 1, 1 - b)

    pltpu.make_async_copy(edges_hbm.at[wid], sidx, g0).wait()
    _gather(0, 0)

    @pl.loop(0, DRAIN_C)
    def _(k):
        pltpu.sync_copy(rows[1], acc_sh.at[pl.ds(r0 + k * ACH, ACH)])

    pltpu.make_async_copy(edges_hbm.at[NW + wid], didx, g1).wait()
    plsc.subcore_barrier()

    _step(0, 0, wait_scat=False)
    _step(1, 1)
    _step(2, 0)

    @pl.loop(0, (ANCH - 5) // 2)
    def _(blk):
        j0 = 3 + blk * 2
        _step(j0, 1)
        _step(j0 + 1, 0)

    for j in range(3 + 2 * ((ANCH - 5) // 2), ANCH):
        _step(j, j % 2, issue_gather=(j < ANCH - 1))
    _wait_scatter(ANCH - 2, (ANCH - 2) % 2)
    _wait_scatter(ANCH - 1, (ANCH - 1) % 2)

    plsc.subcore_barrier()

    def _dfill(k):
        pltpu.async_copy(acc_sh.at[pl.ds(r0 + k * ACH, ACH)], rows[k % 2],
                         gsem[k % 2])

    def _dpush(k):
        pltpu.async_copy(rows[k % 2], out_hbm.at[cid, pl.ds(r0 + k * ACH, ACH)],
                         ssem[k % 2])

    _dfill(0)
    for k in range(DRAIN_C):
        pltpu.make_async_copy(acc_sh.at[pl.ds(r0 + k * ACH, ACH)],
                              rows[k % 2], gsem[k % 2]).wait()
        _dpush(k)
        if k + 1 < DRAIN_C:
            if k >= 1:
                pltpu.make_async_copy(
                    rows[(k - 1) % 2],
                    out_hbm.at[cid, pl.ds(r0 + (k - 1) * ACH, ACH)],
                    ssem[(k - 1) % 2]).wait()
            _dfill(k + 1)
    for k in (DRAIN_C - 2, DRAIN_C - 1):
        pltpu.make_async_copy(rows[k % 2],
                              out_hbm.at[cid, pl.ds(r0 + k * ACH, ACH)],
                              ssem[k % 2]).wait()



_RB = 2000
_GRID = N_NODES // _RB

_DN = (((1,), (0,)), ((), ()))


def _row_spec(width):
    return pl.BlockSpec((_RB, width), lambda i: (i, 0))


def _pair_spec(width):
    return pl.BlockSpec((NC, _RB, width), lambda i: (0, i, 0))


def _full_spec(shape):
    return pl.BlockSpec(shape, lambda i: tuple(0 for _ in shape))


def _prep_body(degp_ref, x_ref, xs_ref, dinv_ref, dinv2_ref):
    d = degp_ref[:, 0:1] + degp_ref[:, 1:2] + 1.0
    dc = lax.rsqrt(d)
    dinv_ref[...] = dc
    dinv2_ref[...] = 1.0 / d
    xs_ref[...] = x_ref[...] * dc


_prep = pl.pallas_call(
    _prep_body,
    grid=(_GRID,),
    in_specs=[pl.BlockSpec((_RB, NC), lambda i: (i, 0)), _row_spec(D)],
    out_specs=[_row_spec(D), _row_spec(1), _row_spec(1)],
    out_shape=[jax.ShapeDtypeStruct((N_NODES, D), jnp.float32),
               jax.ShapeDtypeStruct((N_NODES, 1), jnp.float32),
               jax.ShapeDtypeStruct((N_NODES, 1), jnp.float32)],
)


def _mid_body(pp_ref, x_ref, dinv_ref, dinv2_ref,
              w1_ref, b1_ref, w2_ref, y_ref, ys_ref):
    ax = (dinv_ref[...] * (pp_ref[0] + pp_ref[1])
          + dinv2_ref[...] * x_ref[...])
    h1 = lax.dot_general(ax, w1_ref[...], _DN,
                         preferred_element_type=jnp.float32)
    h1 = jnp.maximum(h1 + b1_ref[...], 0.0)
    y = lax.dot_general(h1, w2_ref[...], _DN,
                        preferred_element_type=jnp.float32)
    y_ref[...] = y
    ys_ref[...] = y * dinv_ref[...]


_mid = pl.pallas_call(
    _mid_body,
    grid=(_GRID,),
    in_specs=[_pair_spec(D), _row_spec(D), _row_spec(1),
              _row_spec(1), _full_spec((D, 2 * D)), _full_spec((1, 2 * D)),
              _full_spec((2 * D, D))],
    out_specs=[_row_spec(D), _row_spec(D)],
    out_shape=[jax.ShapeDtypeStruct((N_NODES, D), jnp.float32),
               jax.ShapeDtypeStruct((N_NODES, D), jnp.float32)],
)


def _final_body(qq_ref, y_ref, dinv_ref, dinv2_ref, b2_ref, out_ref):
    agg = dinv_ref[...] * (qq_ref[0] + qq_ref[1])
    out_ref[...] = jnp.maximum(agg + dinv2_ref[...] * y_ref[...]
                               + b2_ref[...], 0.0)


_final = pl.pallas_call(
    _final_body,
    grid=(_GRID,),
    in_specs=[_pair_spec(D), _row_spec(D), _row_spec(1),
              _row_spec(1), _full_spec((1, D))],
    out_specs=_row_spec(D),
    out_shape=jax.ShapeDtypeStruct((N_NODES, D), jnp.float32),
)



def kernel(x, edge_index, W1, b1, W2, b2):
    edges = edge_index.astype(jnp.int32).reshape(2 * NW, EPT)
    deg_p = _deg_kernel(edges).reshape(NC, N_NODES)
    xs, dinv, dinv2 = _prep(deg_p.T, x)
    agg1 = _agg_kernel(xs, edges)
    y, ys = _mid(agg1, x, dinv, dinv2, W1, b1.reshape(1, 2 * D), W2)
    agg2 = _agg_kernel(ys, edges)
    return _final(agg2, y, dinv, dinv2, b2.reshape(1, D))

# --- scband reference (transcript-rebuilt; emitter-appended) ---
"""Pipeline reference for scband-hngcl-51479478010658 (READ-ONLY COPY).

The authoritative reference and input builder live on the scoring server;
editing this copy changes nothing except your own understanding.
"""

import jax, jax.numpy as jnp
import numpy as np

N_NODES = 10000
N_EDGES = 320000
D_IN = 128
D_HID = 256  # 2 * out_channels inside Encoder
D_OUT = 128


def gcn_conv(x, edge_index, W, b, num_nodes):
    # PyG GCNConv: add self-loops, symmetric normalization D^-1/2 (A+I) D^-1/2 X W + b
    src = edge_index[0]
    dst = edge_index[1]
    loop = jnp.arange(num_nodes, dtype=edge_index.dtype)
    src = jnp.concatenate([src, loop])
    dst = jnp.concatenate([dst, loop])
    deg = jnp.zeros((num_nodes,), dtype=x.dtype).at[dst].add(1.0)
    deg_inv_sqrt = jnp.where(deg > 0, deg ** -0.5, 0.0)
    norm = deg_inv_sqrt[src] * deg_inv_sqrt[dst]
    xw = x @ W
    msg = xw[src] * norm[:, None]
    out = jax.ops.segment_sum(msg, dst, num_segments=num_nodes)
    return out + b


def setup_inputs(seed: int = 0) -> dict:
    key = jax.random.key(seed)
    k1, k2, k3, k4 = jax.random.split(key, 4)
    x = jax.random.normal(k1, (N_NODES, D_IN), dtype=jnp.float32)
    edge_index = jax.random.randint(k2, (2, N_EDGES), 0, N_NODES, dtype=jnp.int64)
    W1 = jax.random.normal(k3, (D_IN, D_HID), dtype=jnp.float32) * 0.05
    b1 = jnp.zeros((D_HID,), dtype=jnp.float32)
    W2 = jax.random.normal(k4, (D_HID, D_OUT), dtype=jnp.float32) * 0.05
    b2 = jnp.zeros((D_OUT,), dtype=jnp.float32)
    return {"x": x, "edge_index": edge_index, "W1": W1, "b1": b1, "W2": W2, "b2": b2}


def reference(x, edge_index, W1, b1, W2, b2):
    # HNGCL.forward = Encoder.forward (k=2, skip=False):
    #   x = act(conv1(x, ei)); x = act(conv2(x, ei))
    num_nodes = x.shape[0]
    h = gcn_conv(x, edge_index, W1, b1, num_nodes)
    h = jax.nn.relu(h)
    h = gcn_conv(h, edge_index, W2, b2, num_nodes)
    h = jax.nn.relu(h)
    return h

if __name__ == "__main__":
    import jax
    _d = setup_inputs()
    print(jax.jit(kernel)(*tuple(_d.values())))

</pallas_src>

<mosaic_0001>
#map = affine_map<(d0, d1) -> (0, 0)>
#map1 = affine_map<(d0, d1) -> (0)>
module attributes {stable_mosaic.version = 14 : i64} {
  func.func @_deg_kernel(%arg0: i32, %arg1: i32, %arg2: memref<64x10000xi32, #tpu.memory_space<hbm>>, %arg3: memref<20000xf32, #tpu.memory_space<hbm>>, %arg4: memref<10000xi32, #tpu.memory_space<vmem>>, %arg5: memref<80xf32, #tpu.memory_space<vmem>>, %arg6: memref<640xf32, #tpu.memory_space<vmem>>, %arg7: memref<10000xf32, #tpu.memory_space<vmem_shared>>, %arg8: memref<!tpu.dma_semaphore, #tpu.memory_space<semaphore_mem>>, %arg9: memref<!tpu.dma_semaphore, #tpu.memory_space<semaphore_mem>>) attributes {dimension_semantics = [#tpu.dimension_semantics<core_parallel>, #tpu.dimension_semantics<subcore_parallel>], iteration_bounds = array<i64: 2, 16>, scalar_prefetch = 0 : i64, scratch_operands = 6 : i64, tpu.core_type = #tpu.core_type<sc_vector_subcore>, window_params = [{transform_indices = #map}, {transform_indices = #map1}]} {
    %mul3A = arith.constant 16 : i32
    %mul3A_0 = arith.muli %arg0, %mul3A : i32
    %add3A = arith.addi %mul3A_0, %arg1 : i32
    %mul3A_1 = arith.constant 640 : i32
    %mul3A_2 = arith.muli %arg1, %mul3A_1 : i32
    %min3A = arith.constant 9360 : i32
    %min3A_3 = arith.minsi %mul3A_2, %min3A : i32
    %add3A_4 = arith.constant 32 : i32
    %add3A_5 = arith.addi %add3A_4, %add3A : i32
    %dma_start3A = arith.constant 0 : i32
    %dma_start3A_6 = tpu.memref_slice %arg2[%add3A_5, %dma_start3A] : memref<64x10000xi32, #tpu.memory_space<hbm>> -> memref<1x10000xi32, #tpu.memory_space<hbm>>
    %dma_start3A_7 = tpu.memref_squeeze %dma_start3A_6 : memref<1x10000xi32, #tpu.memory_space<hbm>> -> memref<10000xi32, #tpu.memory_space<hbm>>
    %dma_start3A_8 = arith.constant 0 : i32
    %dma_start3A_9 = tpu.memref_slice %arg2[%add3A_5, %dma_start3A_8] : memref<64x10000xi32, #tpu.memory_space<hbm>> -> memref<1x10000xi32, #tpu.memory_space<hbm>>
    %dma_start3A_10 = tpu.memref_squeeze %dma_start3A_9 : memref<1x10000xi32, #tpu.memory_space<hbm>> -> memref<10000xi32, #tpu.memory_space<hbm>>
    tpu.enqueue_dma source(%dma_start3A_10 : memref<10000xi32, #tpu.memory_space<hbm>>) target(%arg4 : memref<10000xi32, #tpu.memory_space<vmem>>) target_semaphore(%arg8 : memref<!tpu.dma_semaphore, #tpu.memory_space<semaphore_mem>>)
    %scan3A = arith.constant 0 : i32
    %scan3A_11 = arith.constant 40 : i32
    %scan3A_12 = arith.addi %scan3A, %scan3A_11 : i32
    %scan3A_13 = arith.constant 1 : i32
    scf.for %scan3A_44 = %scan3A to %scan3A_12 step %scan3A_13  : i32 {
      %mul3A_45 = arith.constant 16 : i32
      %mul3A_46 = arith.muli %scan3A_44, %mul3A_45 : i32
      %add3A_47 = arith.constant 0 : i32
      %add3A_48 = arith.addi %add3A_47, %mul3A_46 : i32
      %broadcast_in_dim3A = arith.constant 0.000000e+00 : f32
      %broadcast_in_dim3A_49 = vector.broadcast %broadcast_in_dim3A : f32 to vector<16xf32>
      %swap3A = arith.index_cast %add3A_48 : i32 to index
      %swap3A_50 = tpu.vector_load %arg6[%swap3A] {strides = array<i32>} : memref<640xf32, #tpu.memory_space<vmem>>, vector<16xf32>,
      %swap3A_51 = vector.shape_cast %swap3A_50 : vector<16xf32> to vector<16xf32>
      %swap3A_52 = vector.shape_cast %broadcast_in_dim3A_49 : vector<16xf32> to vector<16xf32>
      tpu.vector_store %arg6[%swap3A], %swap3A_52 {strides = array<i32>} : memref<640xf32, #tpu.memory_space<vmem>>, vector<16xf32>,
    }
    %scan3A_14 = arith.constant 40 : i32
    %scan3A_15 = arith.constant 0 : i32
    %scan3A_16 = arith.constant 5 : i32
    %scan3A_17 = arith.addi %scan3A_15, %scan3A_16 : i32
    %scan3A_18 = arith.constant 1 : i32
    scf.for %scan3A_44 = %scan3A_15 to %scan3A_17 step %scan3A_18  : i32 {
      %mul3A_45 = arith.constant 16 : i32
      %mul3A_46 = arith.muli %scan3A_44, %mul3A_45 : i32
      %add3A_47 = arith.constant 0 : i32
      %add3A_48 = arith.addi %add3A_47, %mul3A_46 : i32
      %broadcast_in_dim3A = arith.constant 1.000000e+00 : f32
      %broadcast_in_dim3A_49 = vector.broadcast %broadcast_in_dim3A : f32 to vector<16xf32>
      %swap3A = arith.index_cast %add3A_48 : i32 to index
      %swap3A_50 = tpu.vector_load %arg5[%swap3A] {strides = array<i32>} : memref<80xf32, #tpu.memory_space<vmem>>, vector<16xf32>,
      %swap3A_51 = vector.shape_cast %swap3A_50 : vector<16xf32> to vector<16xf32>
      %swap3A_52 = vector.shape_cast %broadcast_in_dim3A_49 : vector<16xf32> to vector<16xf32>
      tpu.vector_store %arg5[%swap3A], %swap3A_52 {strides = array<i32>} : memref<80xf32, #tpu.memory_space<vmem>>, vector<16xf32>,
    }
    %scan3A_19 = arith.constant 5 : i32
    "tpu.region"() ({
      %run_scoped3A = tpu.sem_alloc : memref<!tpu.dma_semaphore, #tpu.memory_space<semaphore_mem>>
      %dma_start3A_44 = tpu.memref_slice %arg7[%min3A_3] : memref<10000xf32, #tpu.memory_space<vmem_shared>> -> memref<640xf32, #tpu.memory_space<vmem_shared>>
      %dma_start3A_45 = tpu.memref_slice %arg7[%min3A_3] : memref<10000xf32, #tpu.memory_space<vmem_shared>> -> memref<640xf32, #tpu.memory_space<vmem_shared>>
      tpu.enqueue_dma source(%arg6 : memref<640xf32, #tpu.memory_space<vmem>>) target(%dma_start3A_45 : memref<640xf32, #tpu.memory_space<vmem_shared>>) target_semaphore(%run_scoped3A : memref<!tpu.dma_semaphore, #tpu.memory_space<semaphore_mem>>)
      %dma_wait3A_46 = tpu.memref_slice %arg7[%min3A_3] : memref<10000xf32, #tpu.memory_space<vmem_shared>> -> memref<640xf32, #tpu.memory_space<vmem_shared>>
      %dma_wait3A_47 = tpu.memref_slice %arg7[%min3A_3] : memref<10000xf32, #tpu.memory_space<vmem_shared>> -> memref<640xf32, #tpu.memory_space<vmem_shared>>
      tpu.wait_dma2 semaphore(%run_scoped3A : memref<!tpu.dma_semaphore, #tpu.memory_space<semaphore_mem>>) src(%arg6 : memref<640xf32, #tpu.memory_space<vmem>>) dst(%dma_wait3A_47 : memref<640xf32, #tpu.memory_space<vmem_shared>>)
      tpu.yield
    }) : () -> ()
    %add3A_20 = arith.constant 32 : i32
    %add3A_21 = arith.addi %add3A_20, %add3A : i32
    %dma_wait3A = arith.constant 0 : i32
    %dma_wait3A_22 = tpu.memref_slice %arg2[%add3A_21, %dma_wait3A] : memref<64x10000xi32, #tpu.memory_space<hbm>> -> memref<1x10000xi32, #tpu.memory_space<hbm>>
    %dma_wait3A_23 = tpu.memref_squeeze %dma_wait3A_22 : memref<1x10000xi32, #tpu.memory_space<hbm>> -> memref<10000xi32, #tpu.memory_space<hbm>>
    %dma_wait3A_24 = arith.constant 0 : i32
    %dma_wait3A_25 = tpu.memref_slice %arg2[%add3A_21, %dma_wait3A_24] : memref<64x10000xi32, #tpu.memory_space<hbm>> -> memref<1x10000xi32, #tpu.memory_space<hbm>>
    %dma_wait3A_26 = tpu.memref_squeeze %dma_wait3A_25 : memref<1x10000xi32, #tpu.memory_space<hbm>> -> memref<10000xi32, #tpu.memory_space<hbm>>
    tpu.wait_dma2 semaphore(%arg8 : memref<!tpu.dma_semaphore, #tpu.memory_space<semaphore_mem>>) src(%dma_wait3A_26 : memref<10000xi32, #tpu.memory_space<hbm>>) dst(%arg4 : memref<10000xi32, #tpu.memory_space<vmem>>)
    %barrier3A = arith.constant 0 : index
    tpu.barrier barrier_id(%barrier3A)
    %dma_start3A_27 = arith.constant 0 : i32
    %dma_start3A_28 = tpu.memref_slice %arg4[%dma_start3A_27] : memref<10000xi32, #tpu.memory_space<vmem>> -> memref<80xi32, #tpu.memory_space<vmem>>
    %dma_start3A_29 = arith.constant 0 : i32
    %dma_start3A_30 = tpu.memref_slice %arg7[%dma_start3A_29] : memref<10000xf32, #tpu.memory_space<vmem_shared>> -> memref<10000xf32, #tpu.memory_space<vmem_shared>>
    tpu.enqueue_indirect_dma source(%arg5 : memref<80xf32, #tpu.memory_space<vmem>>) target(%dma_start3A_30 : memref<10000xf32, #tpu.memory_space<vmem_shared>>) offsets(%dma_start3A_28 : memref<80xi32, #tpu.memory_space<vmem>>) semaphore(%arg8 : memref<!tpu.dma_semaphore, #tpu.memory_space<semaphore_mem>>) {add = true}
    %scan3A_31 = arith.constant 0 : i32
    %scan3A_32 = arith.constant 62 : i32
    %scan3A_33 = arith.addi %scan3A_31, %scan3A_32 : i32
    %scan3A_34 = arith.constant 1 : i32
    scf.for %scan3A_44 = %scan3A_31 to %scan3A_33 step %scan3A_34  : i32 {
      %mul3A_45 = arith.constant 1 : i32
      %mul3A_46 = arith.muli %scan3A_44, %mul3A_45 : i32
      %add3A_47 = arith.constant 0 : i32
      %add3A_48 = arith.addi %add3A_47, %mul3A_46 : i32
      %mul3A_49 = arith.constant 2 : i32
      %mul3A_50 = arith.muli %add3A_48, %mul3A_49 : i32
      %add3A_51 = arith.constant 1 : i32
      %add3A_52 = arith.addi %add3A_51, %mul3A_50 : i32
      %mul3A_53 = arith.constant 80 : i32
      %mul3A_54 = arith.muli %add3A_52, %mul3A_53 : i32
      %dma_start3A_55 = tpu.memref_slice %arg4[%mul3A_54] : memref<10000xi32, #tpu.memory_space<vmem>> -> memref<80xi32, #tpu.memory_space<vmem>>
      %dma_start3A_56 = arith.constant 0 : i32
      %dma_start3A_57 = tpu.memref_slice %arg7[%dma_start3A_56] : memref<10000xf32, #tpu.memory_space<vmem_shared>> -> memref<10000xf32, #tpu.memory_space<vmem_shared>>
      tpu.enqueue_indirect_dma source(%arg5 : memref<80xf32, #tpu.memory_space<vmem>>) target(%dma_start3A_57 : memref<10000xf32, #tpu.memory_space<vmem_shared>>) offsets(%dma_start3A_55 : memref<80xi32, #tpu.memory_space<vmem>>) semaphore(%arg9 : memref<!tpu.dma_semaphore, #tpu.memory_space<semaphore_mem>>) {add = true}
      %sub3A = arith.constant 1 : i32
      %sub3A_58 = arith.subi %add3A_52, %sub3A : i32
      %mul3A_59 = arith.constant 80 : i32
      %mul3A_60 = arith.muli %sub3A_58, %mul3A_59 : i32
      %dma_wait3A_61 = tpu.memref_slice %arg4[%mul3A_60] : memref<10000xi32, #tpu.memory_space<vmem>> -> memref<80xi32, #tpu.memory_space<vmem>>
      %dma_wait3A_62 = arith.constant 0 : i32
      %dma_wait3A_63 = tpu.memref_slice %arg7[%dma_wait3A_62] : memref<10000xf32, #tpu.memory_space<vmem_shared>> -> memref<10000xf32, #tpu.memory_space<vmem_shared>>
      tpu.wait_indirect_dma semaphore(%arg8 : memref<!tpu.dma_semaphore, #tpu.memory_space<semaphore_mem>>) src(%arg5 : memref<80xf32, #tpu.memory_space<vmem>>) dst(%dma_wait3A_63 : memref<10000xf32, #tpu.memory_space<vmem_shared>>)
      %add3A_64 = arith.constant 1 : i32
      %add3A_65 = arith.addi %add3A_52, %add3A_64 : i32
      %mul3A_66 = arith.constant 80 : i32
      %mul3A_67 = arith.muli %add3A_65, %mul3A_66 : i32
      %dma_start3A_68 = tpu.memref_slice %arg4[%mul3A_67] : memref<10000xi32, #tpu.memory_space<vmem>> -> memref<80xi32, #tpu.memory_space<vmem>>
      %dma_start3A_69 = arith.constant 0 : i32
      %dma_start3A_70 = tpu.memref_slice %arg7[%dma_start3A_69] : memref<10000xf32, #tpu.memory_space<vmem_shared>> -> memref<10000xf32, #tpu.memory_space<vmem_shared>>
      tpu.enqueue_indirect_dma source(%arg5 : memref<80xf32, #tpu.memory_space<vmem>>) target(%dma_start3A_70 : memref<10000xf32, #tpu.memory_space<vmem_shared>>) offsets(%dma_start3A_68 : memref<80xi32, #tpu.memory_space<vmem>>) semaphore(%arg8 : memref<!tpu.dma_semaphore, #tpu.memory_space<semaphore_mem>>) {add = true}
      %mul3A_71 = arith.constant 80 : i32
      %mul3A_72 = arith.muli %add3A_52, %mul3A_71 : i32
      %dma_wait3A_73 = tpu.memref_slice %arg4[%mul3A_72] : memref<10000xi32, #tpu.memory_space<vmem>> -> memref<80xi32, #tpu.memory_space<vmem>>
      %dma_wait3A_74 = arith.constant 0 : i32
      %dma_wait3A_75 = tpu.memref_slice %arg7[%dma_wait3A_74] : memref<10000xf32, #tpu.memory_space<vmem_shared>> -> memref<10000xf32, #tpu.memory_space<vmem_shared>>
      tpu.wait_indirect_dma semaphore(%arg9 : memref<!tpu.dma_semaphore, #tpu.memory_space<semaphore_mem>>) src(%arg5 : memref<80xf32, #tpu.memory_space<vmem>>) dst(%dma_wait3A_75 : memref<10000xf32, #tpu.memory_space<vmem_shared>>)
    }
    %scan3A_35 = arith.constant 62 : i32
    %dma_wait3A_36 = arith.constant 9920 : i32
    %dma_wait3A_37 = tpu.memref_slice %arg4[%dma_wait3A_36] : memref<10000xi32, #tpu.memory_space<vmem>> -> memref<80xi32, #tpu.memory_space<vmem>>
    %dma_wait3A_38 = arith.constant 0 : i32
    %dma_wait3A_39 = tpu.memref_slice %arg7[%dma_wait3A_38] : memref<10000xf32, #tpu.memory_space<vmem_shared>> -> memref<10000xf32, #tpu.memory_space<vmem_shared>>
    tpu.wait_indirect_dma semaphore(%arg8 : memref<!tpu.dma_semaphore, #tpu.memory_space<semaphore_mem>>) src(%arg5 : memref<80xf32, #tpu.memory_space<vmem>>) dst(%dma_wait3A_39 : memref<10000xf32, #tpu.memory_space<vmem_shared>>)
    %barrier3A_40 = arith.constant 0 : index
    tpu.barrier barrier_id(%barrier3A_40)
    "tpu.region"() ({
      %run_scoped3A = tpu.sem_alloc : memref<!tpu.dma_semaphore, #tpu.memory_space<semaphore_mem>>
      %dma_start3A_44 = tpu.memref_slice %arg7[%min3A_3] : memref<10000xf32, #tpu.memory_space<vmem_shared>> -> memref<640xf32, #tpu.memory_space<vmem_shared>>
      %dma_start3A_45 = tpu.memref_slice %arg7[%min3A_3] : memref<10000xf32, #tpu.memory_space<vmem_shared>> -> memref<640xf32, #tpu.memory_space<vmem_shared>>
      tpu.enqueue_dma source(%dma_start3A_45 : memref<640xf32, #tpu.memory_space<vmem_shared>>) target(%arg6 : memref<640xf32, #tpu.memory_space<vmem>>) target_semaphore(%run_scoped3A : memref<!tpu.dma_semaphore, #tpu.memory_space<semaphore_mem>>)
      %dma_wait3A_46 = tpu.memref_slice %arg7[%min3A_3] : memref<10000xf32, #tpu.memory_space<vmem_shared>> -> memref<640xf32, #tpu.memory_space<vmem_shared>>
      %dma_wait3A_47 = tpu.memref_slice %arg7[%min3A_3] : memref<10000xf32, #tpu.memory_space<vmem_shared>> -> memref<640xf32, #tpu.memory_space<vmem_shared>>
      tpu.wait_dma2 semaphore(%run_scoped3A : memref<!tpu.dma_semaphore, #tpu.memory_space<semaphore_mem>>) src(%dma_wait3A_47 : memref<640xf32, #tpu.memory_space<vmem_shared>>) dst(%arg6 : memref<640xf32, #tpu.memory_space<vmem>>)
      tpu.yield
    }) : () -> ()
    %mul3A_41 = arith.constant 10000 : i32
    %mul3A_42 = arith.muli %arg0, %mul3A_41 : i32
    %add3A_43 = arith.addi %mul3A_42, %min3A_3 : i32
    "tpu.region"() ({
      %run_scoped3A = tpu.sem_alloc : memref<!tpu.dma_semaphore, #tpu.memory_space<semaphore_mem>>
      %dma_start3A_44 = tpu.memref_slice %arg3[%add3A_43] : memref<20000xf32, #tpu.memory_space<hbm>> -> memref<640xf32, #tpu.memory_space<hbm>>
      %dma_start3A_45 = tpu.memref_slice %arg3[%add3A_43] : memref<20000xf32, #tpu.memory_space<hbm>> -> memref<640xf32, #tpu.memory_space<hbm>>
      tpu.enqueue_dma source(%arg6 : memref<640xf32, #tpu.memory_space<vmem>>) target(%dma_start3A_45 : memref<640xf32, #tpu.memory_space<hbm>>) target_semaphore(%run_scoped3A : memref<!tpu.dma_semaphore, #tpu.memory_space<semaphore_mem>>)
      %dma_wait3A_46 = tpu.memref_slice %arg3[%add3A_43] : memref<20000xf32, #tpu.memory_space<hbm>> -> memref<640xf32, #tpu.memory_space<hbm>>
      %dma_wait3A_47 = tpu.memref_slice %arg3[%add3A_43] : memref<20000xf32, #tpu.memory_space<hbm>> -> memref<640xf32, #tpu.memory_space<hbm>>
      tpu.wait_dma2 semaphore(%run_scoped3A : memref<!tpu.dma_semaphore, #tpu.memory_space<semaphore_mem>>) src(%arg6 : memref<640xf32, #tpu.memory_space<vmem>>) dst(%dma_wait3A_47 : memref<640xf32, #tpu.memory_space<hbm>>)
      tpu.yield
    }) : () -> ()
    return
  }
}

#map = affine_map<(d0, d1) -> (0, 0)>
#map1 = affine_map<(d0, d1) -> (0, 0, 0)>
module attributes {stable_mosaic.version = 14 : i64} {
  func.func @_agg_kernel(%arg0: i32, %arg1: i32, %arg2: memref<10000x128xf32, #tpu.memory_space<hbm>>, %arg3: memref<64x10000xi32, #tpu.memory_space<hbm>>, %arg4: memref<2x10000x128xf32, #tpu.memory_space<hbm>>, %arg5: memref<10000xi32, #tpu.memory_space<vmem>>, %arg6: memref<10000xi32, #tpu.memory_space<vmem>>, %arg7: memref<2x80x128xf32, #tpu.memory_space<vmem>>, %arg8: memref<10000x128xf32, #tpu.memory_space<vmem_shared>>, %arg9: memref<!tpu.dma_semaphore, #tpu.memory_space<semaphore_mem>>, %arg10: memref<!tpu.dma_semaphore, #tpu.memory_space<semaphore_mem>>, %arg11: memref<!tpu.dma_semaphore, #tpu.memory_space<semaphore_mem>>, %arg12: memref<!tpu.dma_semaphore, #tpu.memory_space<semaphore_mem>>) attributes {dimension_semantics = [#tpu.dimension_semantics<core_parallel>, #tpu.dimension_semantics<subcore_parallel>], iteration_bounds = array<i64: 2, 16>, scalar_prefetch = 0 : i64, scratch_operands = 8 : i64, tpu.core_type = #tpu.core_type<sc_vector_subcore>, window_params = [{transform_indices = #map}, {transform_indices = #map}, {transform_indices = #map1}]} {
    %mul3A = arith.constant 16 : i32
    %mul3A_0 = arith.muli %arg0, %mul3A : i32
    %add3A = arith.addi %mul3A_0, %arg1 : i32
    %mul3A_1 = arith.constant 640 : i32
    %mul3A_2 = arith.muli %arg1, %mul3A_1 : i32
    %min3A = arith.constant 9360 : i32
    %min3A_3 = arith.minsi %mul3A_2, %min3A : i32
    %dma_start3A = arith.constant 0 : i32
    %dma_start3A_4 = tpu.memref_slice %arg3[%add3A, %dma_start3A] : memref<64x10000xi32, #tpu.memory_space<hbm>> -> memref<1x10000xi32, #tpu.memory_space<hbm>>
    %dma_start3A_5 = tpu.memref_squeeze %dma_start3A_4 : memref<1x10000xi32, #tpu.memory_space<hbm>> -> memref<10000xi32, #tpu.memory_space<hbm>>
    %dma_start3A_6 = arith.constant 0 : i32
    %dma_start3A_7 = tpu.memref_slice %arg3[%add3A, %dma_start3A_6] : memref<64x10000xi32, #tpu.memory_space<hbm>> -> memref<1x10000xi32, #tpu.memory_space<hbm>>
    %dma_start3A_8 = tpu.memref_squeeze %dma_start3A_7 : memref<1x10000xi32, #tpu.memory_space<hbm>> -> memref<10000xi32, #tpu.memory_space<hbm>>
    tpu.enqueue_dma source(%dma_start3A_8 : memref<10000xi32, #tpu.memory_space<hbm>>) target(%arg5 : memref<10000xi32, #tpu.memory_space<vmem>>) target_semaphore(%arg9 : memref<!tpu.dma_semaphore, #tpu.memory_space<semaphore_mem>>)
    %add3A_9 = arith.constant 32 : i32
    %add3A_10 = arith.addi %add3A_9, %add3A : i32
    %dma_start3A_11 = arith.constant 0 : i32
    %dma_start3A_12 = tpu.memref_slice %arg3[%add3A_10, %dma_start3A_11] : memref<64x10000xi32, #tpu.memory_space<hbm>> -> memref<1x10000xi32, #tpu.memory_space<hbm>>
    %dma_start3A_13 = tpu.memref_squeeze %dma_start3A_12 : memref<1x10000xi32, #tpu.memory_space<hbm>> -> memref<10000xi32, #tpu.memory_space<hbm>>
    %dma_start3A_14 = arith.constant 0 : i32
    %dma_start3A_15 = tpu.memref_slice %arg3[%add3A_10, %dma_start3A_14] : memref<64x10000xi32, #tpu.memory_space<hbm>> -> memref<1x10000xi32, #tpu.memory_space<hbm>>
    %dma_start3A_16 = tpu.memref_squeeze %dma_start3A_15 : memref<1x10000xi32, #tpu.memory_space<hbm>> -> memref<10000xi32, #tpu.memory_space<hbm>>
    tpu.enqueue_dma source(%dma_start3A_16 : memref<10000xi32, #tpu.memory_space<hbm>>) target(%arg6 : memref<10000xi32, #tpu.memory_space<vmem>>) target_semaphore(%arg10 : memref<!tpu.dma_semaphore, #tpu.memory_space<semaphore_mem>>)
    %scan3A = arith.constant 0 : i32
    %scan3A_17 = arith.constant 80 : i32
    %scan3A_18 = arith.addi %scan3A, %scan3A_17 : i32
    %scan3A_19 = arith.constant 1 : i32
    scf.for %scan3A_760 = %scan3A to %scan3A_18 step %scan3A_19  : i32 {
      %mul3A_761 = arith.constant 1 : i32
      %mul3A_762 = arith.muli %scan3A_760, %mul3A_761 : i32
      %add3A_763 = arith.constant 0 : i32
      %add3A_764 = arith.addi %add3A_763, %mul3A_762 : i32
      %scan3A_765 = arith.constant 0 : i32
      %scan3A_766 = arith.constant 8 : i32
      %scan3A_767 = arith.addi %scan3A_765, %scan3A_766 : i32
      %scan3A_768 = arith.constant 1 : i32
      scf.for %scan3A_770 = %scan3A_765 to %scan3A_767 step %scan3A_768  : i32 {
        %mul3A_771 = arith.constant 16 : i32
        %mul3A_772 = arith.muli %scan3A_770, %mul3A_771 : i32
        %add3A_773 = arith.constant 0 : i32
        %add3A_774 = arith.addi %add3A_773, %mul3A_772 : i32
        %broadcast_in_dim3A = arith.constant 0.000000e+00 : f32
        %broadcast_in_dim3A_775 = vector.broadcast %broadcast_in_dim3A : f32 to vector<16xf32>
        %swap3A = arith.constant 1 : i32
        %swap3A_776 = arith.index_cast %swap3A : i32 to index
        %swap3A_777 = arith.index_cast %add3A_764 : i32 to index
        %swap3A_778 = arith.index_cast %add3A_774 : i32 to index
        %swap3A_779 = tpu.vector_load %arg7[%swap3A_776, %swap3A_777, %swap3A_778] {strides = array<i32>} : memref<2x80x128xf32, #tpu.memory_space<vmem>>, vector<1x1x16xf32>,
        %swap3A_780 = vector.shape_cast %swap3A_779 : vector<1x1x16xf32> to vector<16xf32>
        %swap3A_781 = vector.shape_cast %broadcast_in_dim3A_775 : vector<16xf32> to vector<1x1x16xf32>
        tpu.vector_store %arg7[%swap3A_776, %swap3A_777, %swap3A_778], %swap3A_781 {strides = array<i32>} : memref<2x80x128xf32, #tpu.memory_space<vmem>>, vector<1x1x16xf32>,
      }
      %scan3A_769 = arith.constant 8 : i32
    }
    %scan3A_20 = arith.constant 80 : i32
    %dma_wait3A = arith.constant 0 : i32
    %dma_wait3A_21 = tpu.memref_slice %arg3[%add3A, %dma_wait3A] : memref<64x10000xi32, #tpu.memory_space<hbm>> -> memref<1x10000xi32, #tpu.memory_space<hbm>>
    %dma_wait3A_22 = tpu.memref_squeeze %dma_wait3A_21 : memref<1x10000xi32, #tpu.memory_space<hbm>> -> memref<10000xi32, #tpu.memory_space<hbm>>
    %dma_wait3A_23 = arith.constant 0 : i32
    %dma_wait3A_24 = tpu.memref_slice %arg3[%add3A, %dma_wait3A_23] : memref<64x10000xi32, #tpu.memory_space<hbm>> -> memref<1x10000xi32, #tpu.memory_space<hbm>>
    %dma_wait3A_25 = tpu.memref_squeeze %dma_wait3A_24 : memref<1x10000xi32, #tpu.memory_space<hbm>> -> memref<10000xi32, #tpu.memory_space<hbm>>
    tpu.wait_dma2 semaphore(%arg9 : memref<!tpu.dma_semaphore, #tpu.memory_space<semaphore_mem>>) src(%dma_wait3A_25 : memref<10000xi32, #tpu.memory_space<hbm>>) dst(%arg5 : memref<10000xi32, #tpu.memory_space<vmem>>)
    %dma_start3A_26 = arith.constant 0 : i32
    %dma_start3A_27 = arith.constant 0 : i32
    %dma_start3A_28 = arith.constant 0 : i32
    %dma_start3A_29 = tpu.memref_slice %arg7[%dma_start3A_26, %dma_start3A_27, %dma_start3A_28] : memref<2x80x128xf32, #tpu.memory_space<vmem>> -> memref<1x80x128xf32, #tpu.memory_space<vmem>>
    %dma_start3A_30 = tpu.memref_squeeze %dma_start3A_29 : memref<1x80x128xf32, #tpu.memory_space<vmem>> -> memref<80x128xf32, #tpu.memory_space<vmem>>
    %dma_start3A_31 = arith.constant 0 : i32
    %dma_start3A_32 = tpu.memref_slice %arg5[%dma_start3A_31] : memref<10000xi32, #tpu.memory_space<vmem>> -> memref<80xi32, #tpu.memory_space<vmem>>
    %dma_start3A_33 = arith.constant 0 : i32
    %dma_start3A_34 = arith.constant 0 : i32
    %dma_start3A_35 = tpu.memref_slice %arg2[%dma_start3A_33, %dma_start3A_34] : memref<10000x128xf32, #tpu.memory_space<hbm>> -> memref<10000x128xf32, #tpu.memory_space<hbm>>
    tpu.enqueue_indirect_dma source(%dma_start3A_35 : memref<10000x128xf32, #tpu.memory_space<hbm>>) target(%dma_start3A_30 : memref<80x128xf32, #tpu.memory_space<vmem>>) offsets(%dma_start3A_32 : memref<80xi32, #tpu.memory_space<vmem>>) semaphore(%arg9 : memref<!tpu.dma_semaphore, #tpu.memory_space<semaphore_mem>>)
    %scan3A_36 = arith.constant 1 : i32
    %scan3A_37 = arith.constant 0 : i32
    %scan3A_38 = arith.constant 8 : i32
    %scan3A_39 = arith.addi %scan3A_37, %scan3A_38 : i32
    %scan3A_40 = arith.constant 1 : i32
    scf.for %scan3A_760 = %scan3A_37 to %scan3A_39 step %scan3A_40  : i32 {
      %mul3A_761 = arith.constant 1 : i32
      %mul3A_762 = arith.muli %scan3A_760, %mul3A_761 : i32
      %add3A_763 = arith.constant 0 : i32
      %add3A_764 = arith.addi %add3A_763, %mul3A_762 : i32
      %mul3A_765 = arith.constant 80 : i32
      %mul3A_766 = arith.muli %add3A_764, %mul3A_765 : i32
      %add3A_767 = arith.addi %min3A_3, %mul3A_766 : i32
      "tpu.region"() ({
        %run_scoped3A = tpu.sem_alloc : memref<!tpu.dma_semaphore, #tpu.memory_space<semaphore_mem>>
        %dma_start3A_768 = arith.constant 0 : i32
        %dma_start3A_769 = arith.constant 0 : i32
        %dma_start3A_770 = tpu.memref_slice %arg7[%scan3A_36, %dma_start3A_768, %dma_start3A_769] : memref<2x80x128xf32, #tpu.memory_space<vmem>> -> memref<1x80x128xf32, #tpu.memory_space<vmem>>
        %dma_start3A_771 = tpu.memref_squeeze %dma_start3A_770 : memref<1x80x128xf32, #tpu.memory_space<vmem>> -> memref<80x128xf32, #tpu.memory_space<vmem>>
        %dma_start3A_772 = arith.constant 0 : i32
        %dma_start3A_773 = tpu.memref_slice %arg8[%add3A_767, %dma_start3A_772] : memref<10000x128xf32, #tpu.memory_space<vmem_shared>> -> memref<80x128xf32, #tpu.memory_space<vmem_shared>>
        %dma_start3A_774 = arith.constant 0 : i32
        %dma_start3A_775 = tpu.memref_slice %arg8[%add3A_767, %dma_start3A_774] : memref<10000x128xf32, #tpu.memory_space<vmem_shared>> -> memref<80x128xf32, #tpu.memory_space<vmem_shared>>
        %dma_start3A_776 = arith.constant 0 : i32
        %dma_start3A_777 = arith.constant 0 : i32
        %dma_start3A_778 = tpu.memref_slice %arg7[%scan3A_36, %dma_start3A_776, %dma_start3A_777] : memref<2x80x128xf32, #tpu.memory_space<vmem>> -> memref<1x80x128xf32, #tpu.memory_space<vmem>>
        %dma_start3A_779 = tpu.memref_squeeze %dma_start3A_778 : memref<1x80x128xf32, #tpu.memory_space<vmem>> -> memref<80x128xf32, #tpu.memory_space<vmem>>
        tpu.enqueue_dma source(%dma_start3A_779 : memref<80x128xf32, #tpu.memory_space<vmem>>) target(%dma_start3A_775 : memref<80x128xf32, #tpu.memory_space<vmem_shared>>) target_semaphore(%run_scoped3A : memref<!tpu.dma_semaphore, #tpu.memory_space<semaphore_mem>>)
        %dma_wait3A_780 = arith.constant 0 : i32
        %dma_wait3A_781 = arith.constant 0 : i32
        %dma_wait3A_782 = tpu.memref_slice %arg7[%scan3A_36, %dma_wait3A_780, %dma_wait3A_781] : memref<2x80x128xf32, #tpu.memory_space<vmem>> -> memref<1x80x128xf32, #tpu.memory_space<vmem>>
        %dma_wait3A_783 = tpu.memref_squeeze %dma_wait3A_782 : memref<1x80x128xf32, #tpu.memory_space<vmem>> -> memref<80x128xf32, #tpu.memory_space<vmem>>
        %dma_wait3A_784 = arith.constant 0 : i32
        %dma_wait3A_785 = tpu.memref_slice %arg8[%add3A_767, %dma_wait3A_784] : memref<10000x128xf32, #tpu.memory_space<vmem_shared>> -> memref<80x128xf32, #tpu.memory_space<vmem_shared>>
        %dma_wait3A_786 = arith.constant 0 : i32
        %dma_wait3A_787 = tpu.memref_slice %arg8[%add3A_767, %dma_wait3A_786] : memref<10000x128xf32, #tpu.memory_space<vmem_shared>> -> memref<80x128xf32, #tpu.memory_space<vmem_shared>>
        %dma_wait3A_788 = arith.constant 0 : i32
        %dma_wait3A_789 = arith.constant 0 : i32
        %dma_wait3A_790 = tpu.memref_slice %arg7[%scan3A_36, %dma_wait3A_788, %dma_wait3A_789] : memref<2x80x128xf32, #tpu.memory_space<vmem>> -> memref<1x80x128xf32, #tpu.memory_space<vmem>>
        %dma_wait3A_791 = tpu.memref_squeeze %dma_wait3A_790 : memref<1x80x128xf32, #tpu.memory_space<vmem>> -> memref<80x128xf32, #tpu.memory_space<vmem>>
        tpu.wait_dma2 semaphore(%run_scoped3A : memref<!tpu.dma_semaphore, #tpu.memory_space<semaphore_mem>>) src(%dma_wait3A_791 : memref<80x128xf32, #tpu.memory_space<vmem>>) dst(%dma_wait3A_787 : memref<80x128xf32, #tpu.memory_space<vmem_shared>>)
        tpu.yield
      }) : () -> ()
    }
    %scan3A_41 = arith.constant 8 : i32
    %add3A_42 = arith.constant 32 : i32
    %add3A_43 = arith.addi %add3A_42, %add3A : i32
    %dma_wait3A_44 = arith.constant 0 : i32
    %dma_wait3A_45 = tpu.memref_slice %arg3[%add3A_43, %dma_wait3A_44] : memref<64x10000xi32, #tpu.memory_space<hbm>> -> memref<1x10000xi32, #tpu.memory_space<hbm>>
    %dma_wait3A_46 = tpu.memref_squeeze %dma_wait3A_45 : memref<1x10000xi32, #tpu.memory_space<hbm>> -> memref<10000xi32, #tpu.memory_space<hbm>>
    %dma_wait3A_47 = arith.constant 0 : i32
    %dma_wait3A_48 = tpu.memref_slice %arg3[%add3A_43, %dma_wait3A_47] : memref<64x10000xi32, #tpu.memory_space<hbm>> -> memref<1x10000xi32, #tpu.memory_space<hbm>>
    %dma_wait3A_49 = tpu.memref_squeeze %dma_wait3A_48 : memref<1x10000xi32, #tpu.memory_space<hbm>> -> memref<10000xi32, #tpu.memory_space<hbm>>
    tpu.wait_dma2 semaphore(%arg10 : memref<!tpu.dma_semaphore, #tpu.memory_space<semaphore_mem>>) src(%dma_wait3A_49 : memref<10000xi32, #tpu.memory_space<hbm>>) dst(%arg6 : memref<10000xi32, #tpu.memory_space<vmem>>)
    %barrier3A = arith.constant 0 : index
    tpu.barrier barrier_id(%barrier3A)
    %dma_wait3A_50 = arith.constant 0 : i32
    %dma_wait3A_51 = arith.constant 0 : i32
    %dma_wait3A_52 = arith.constant 0 : i32
    %dma_wait3A_53 = tpu.memref_slice %arg7[%dma_wait3A_50, %dma_wait3A_51, %dma_wait3A_52] : memref<2x80x128xf32, #tpu.memory_space<vmem>> -> memref<1x80x128xf32, #tpu.memory_space<vmem>>
    %dma_wait3A_54 = tpu.memref_squeeze %dma_wait3A_53 : memref<1x80x128xf32, #tpu.memory_space<vmem>> -> memref<80x128xf32, #tpu.memory_space<vmem>>
    %dma_wait3A_55 = arith.constant 0 : i32
    %dma_wait3A_56 = tpu.memref_slice %arg5[%dma_wait3A_55] : memref<10000xi32, #tpu.memory_space<vmem>> -> memref<80xi32, #tpu.memory_space<vmem>>
    %dma_wait3A_57 = arith.constant 0 : i32
    %dma_wait3A_58 = arith.constant 0 : i32
    %dma_wait3A_59 = tpu.memref_slice %arg2[%dma_wait3A_57, %dma_wait3A_58] : memref<10000x128xf32, #tpu.memory_space<hbm>> -> memref<10000x128xf32, #tpu.memory_space<hbm>>
    tpu.wait_indirect_dma semaphore(%arg9 : memref<!tpu.dma_semaphore, #tpu.memory_space<semaphore_mem>>) src(%dma_wait3A_59 : memref<10000x128xf32, #tpu.memory_space<hbm>>) dst(%dma_wait3A_54 : memref<80x128xf32, #tpu.memory_space<vmem>>)
    %dma_start3A_60 = arith.constant 0 : i32
    %dma_start3A_61 = arith.constant 0 : i32
    %dma_start3A_62 = arith.constant 0 : i32
    %dma_start3A_63 = tpu.memref_slice %arg7[%dma_start3A_60, %dma_start3A_61, %dma_start3A_62] : memref<2x80x128xf32, #tpu.memory_space<vmem>> -> memref<1x80x128xf32, #tpu.memory_space<vmem>>
    %dma_start3A_64 = tpu.memref_squeeze %dma_start3A_63 : memref<1x80x128xf32, #tpu.memory_space<vmem>> -> memref<80x128xf32, #tpu.memory_space<vmem>>
    %dma_start3A_65 = arith.constant 0 : i32
    %dma_start3A_66 = tpu.memref_slice %arg6[%dma_start3A_65] : memref<10000xi32, #tpu.memory_space<vmem>> -> memref<80xi32, #tpu.memory_space<vmem>>
    %dma_start3A_67 = arith.constant 0 : i32
    %dma_start3A_68 = arith.constant 0 : i32
    %dma_start3A_69 = tpu.memref_slice %arg8[%dma_start3A_67, %dma_start3A_68] : memref<10000x128xf32, #tpu.memory_space<vmem_shared>> -> memref<10000x128xf32, #tpu.memory_space<vmem_shared>>
    tpu.enqueue_indirect_dma source(%dma_start3A_64 : memref<80x128xf32, #tpu.memory_space<vmem>>) target(%dma_start3A_69 : memref<10000x128xf32, #tpu.memory_space<vmem_shared>>) offsets(%dma_start3A_66 : memref<80xi32, #tpu.memory_space<vmem>>) semaphore(%arg11 : memref<!tpu.dma_semaphore, #tpu.memory_space<semaphore_mem>>) {add = true}
    %dma_start3A_70 = arith.constant 1 : i32
    %dma_start3A_71 = arith.constant 0 : i32
    %dma_start3A_72 = arith.constant 0 : i32
    %dma_start3A_73 = tpu.memref_slice %arg7[%dma_start3A_70, %dma_start3A_71, %dma_start3A_72] : memref<2x80x128xf32, #tpu.memory_space<vmem>> -> memref<1x80x128xf32, #tpu.memory_space<vmem>>
    %dma_start3A_74 = tpu.memref_squeeze %dma_start3A_73 : memref<1x80x128xf32, #tpu.memory_space<vmem>> -> memref<80x128xf32, #tpu.memory_space<vmem>>
    %dma_start3A_75 = arith.constant 80 : i32
    %dma_start3A_76 = tpu.memref_slice %arg5[%dma_start3A_75] : memref<10000xi32, #tpu.memory_space<vmem>> -> memref<80xi32, #tpu.memory_space<vmem>>
    %dma_start3A_77 = arith.constant 0 : i32
    %dma_start3A_78 = arith.constant 0 : i32
    %dma_start3A_79 = tpu.memref_slice %arg2[%dma_start3A_77, %dma_start3A_78] : memref<10000x128xf32, #tpu.memory_space<hbm>> -> memref<10000x128xf32, #tpu.memory_space<hbm>>
    tpu.enqueue_indirect_dma source(%dma_start3A_79 : memref<10000x128xf32, #tpu.memory_space<hbm>>) target(%dma_start3A_74 : memref<80x128xf32, #tpu.memory_space<vmem>>) offsets(%dma_start3A_76 : memref<80xi32, #tpu.memory_space<vmem>>) semaphore(%arg10 : memref<!tpu.dma_semaphore, #tpu.memory_space<semaphore_mem>>)
    %dma_wait3A_80 = arith.constant 1 : i32
    %dma_wait3A_81 = arith.constant 0 : i32
    %dma_wait3A_82 = arith.constant 0 : i32
    %dma_wait3A_83 = tpu.memref_slice %arg7[%dma_wait3A_80, %dma_wait3A_81, %dma_wait3A_82] : memref<2x80x128xf32, #tpu.memory_space<vmem>> -> memref<1x80x128xf32, #tpu.memory_space<vmem>>
    %dma_wait3A_84 = tpu.memref_squeeze %dma_wait3A_83 : memref<1x80x128xf32, #tpu.memory_space<vmem>> -> memref<80x128xf32, #tpu.memory_space<vmem>>
    %dma_wait3A_85 = arith.constant 80 : i32
    %dma_wait3A_86 = tpu.memref_slice %arg5[%dma_wait3A_85] : memref<10000xi32, #tpu.memory_space<vmem>> -> memref<80xi32, #tpu.memory_space<vmem>>
    %dma_wait3A_87 = arith.constant 0 : i32
    %dma_wait3A_88 = arith.constant 0 : i32
    %dma_wait3A_89 = tpu.memref_slice %arg2[%dma_wait3A_87, %dma_wait3A_88] : memref<10000x128xf32, #tpu.memory_space<hbm>> -> memref<10000x128xf32, #tpu.memory_space<hbm>>
    tpu.wait_indirect_dma semaphore(%arg10 : memref<!tpu.dma_semaphore, #tpu.memory_space<semaphore_mem>>) src(%dma_wait3A_89 : memref<10000x128xf32, #tpu.memory_space<hbm>>) dst(%dma_wait3A_84 : memref<80x128xf32, #tpu.memory_space<vmem>>)
    %dma_start3A_90 = arith.constant 1 : i32
    %dma_start3A_91 = arith.constant 0 : i32
    %dma_start3A_92 = arith.constant 0 : i32
    %dma_start3A_93 = tpu.memref_slice %arg7[%dma_start3A_90, %dma_start3A_91, %dma_start3A_92] : memref<2x80x128xf32, #tpu.memory_space<vmem>> -> memref<1x80x128xf32, #tpu.memory_space<vmem>>
    %dma_start3A_94 = tpu.memref_squeeze %dma_start3A_93 : memref<1x80x128xf32, #tpu.memory_space<vmem>> -> memref<80x128xf32, #tpu.memory_space<vmem>>
    %dma_start3A_95 = arith.constant 80 : i32
    %dma_start3A_96 = tpu.memref_slice %arg6[%dma_start3A_95] : memref<10000xi32, #tpu.memory_space<vmem>> -> memref<80xi32, #tpu.memory_space<vmem>>
    %dma_start3A_97 = arith.constant 0 : i32
    %dma_start3A_98 = arith.constant 0 : i32
    %dma_start3A_99 = tpu.memref_slice %arg8[%dma_start3A_97, %dma_start3A_98] : memref<10000x128xf32, #tpu.memory_space<vmem_shared>> -> memref<10000x128xf32, #tpu.memory_space<vmem_shared>>
    tpu.enqueue_indirect_dma source(%dma_start3A_94 : memref<80x128xf32, #tpu.memory_space<vmem>>) target(%dma_start3A_99 : memref<10000x128xf32, #tpu.memory_space<vmem_shared>>) offsets(%dma_start3A_96 : memref<80xi32, #tpu.memory_space<vmem>>) semaphore(%arg12 : memref<!tpu.dma_semaphore, #tpu.memory_space<semaphore_mem>>) {add = true}
    %dma_wait3A_100 = arith.constant 0 : i32
    %dma_wait3A_101 = arith.constant 0 : i32
    %dma_wait3A_102 = arith.constant 0 : i32
    %dma_wait3A_103 = tpu.memref_slice %arg7[%dma_wait3A_100, %dma_wait3A_101, %dma_wait3A_102] : memref<2x80x128xf32, #tpu.memory_space<vmem>> -> memref<1x80x128xf32, #tpu.memory_space<vmem>>
    %dma_wait3A_104 = tpu.memref_squeeze %dma_wait3A_103 : memref<1x80x128xf32, #tpu.memory_space<vmem>> -> memref<80x128xf32, #tpu.memory_space<vmem>>
    %dma_wait3A_105 = arith.constant 0 : i32
    %dma_wait3A_106 = tpu.memref_slice %arg6[%dma_wait3A_105] : memref<10000xi32, #tpu.memory_space<vmem>> -> memref<80xi32, #tpu.memory_space<vmem>>
    %dma_wait3A_107 = arith.constant 0 : i32
    %dma_wait3A_108 = arith.constant 0 : i32
    %dma_wait3A_109 = tpu.memref_slice %arg8[%dma_wait3A_107, %dma_wait3A_108] : memref<10000x128xf32, #tpu.memory_space<vmem_shared>> -> memref<10000x128xf32, #tpu.memory_space<vmem_shared>>
    tpu.wait_indirect_dma semaphore(%arg11 : memref<!tpu.dma_semaphore, #tpu.memory_space<semaphore_mem>>) src(%dma_wait3A_104 : memref<80x128xf32, #tpu.memory_space<vmem>>) dst(%dma_wait3A_109 : memref<10000x128xf32, #tpu.memory_space<vmem_shared>>)
    %dma_start3A_110 = arith.constant 0 : i32
    %dma_start3A_111 = arith.constant 0 : i32
    %dma_start3A_112 = arith.constant 0 : i32
    %dma_start3A_113 = tpu.memref_slice %arg7[%dma_start3A_110, %dma_start3A_111, %dma_start3A_112] : memref<2x80x128xf32, #tpu.memory_space<vmem>> -> memref<1x80x128xf32, #tpu.memory_space<vmem>>
    %dma_start3A_114 = tpu.memref_squeeze %dma_start3A_113 : memref<1x80x128xf32, #tpu.memory_space<vmem>> -> memref<80x128xf32, #tpu.memory_space<vmem>>
    %dma_start3A_115 = arith.constant 160 : i32
    %dma_start3A_116 = tpu.memref_slice %arg5[%dma_start3A_115] : memref<10000xi32, #tpu.memory_space<vmem>> -> memref<80xi32, #tpu.memory_space<vmem>>
    %dma_start3A_117 = arith.constant 0 : i32
    %dma_start3A_118 = arith.constant 0 : i32
    %dma_start3A_119 = tpu.memref_slice %arg2[%dma_start3A_117, %dma_start3A_118] : memref<10000x128xf32, #tpu.memory_space<hbm>> -> memref<10000x128xf32, #tpu.memory_space<hbm>>
    tpu.enqueue_indirect_dma source(%dma_start3A_119 : memref<10000x128xf32, #tpu.memory_space<hbm>>) target(%dma_start3A_114 : memref<80x128xf32, #tpu.memory_space<vmem>>) offsets(%dma_start3A_116 : memref<80xi32, #tpu.memory_space<vmem>>) semaphore(%arg9 : memref<!tpu.dma_semaphore, #tpu.memory_space<semaphore_mem>>)
    %dma_wait3A_120 = arith.constant 0 : i32
    %dma_wait3A_121 = arith.constant 0 : i32
    %dma_wait3A_122 = arith.constant 0 : i32
    %dma_wait3A_123 = tpu.memref_slice %arg7[%dma_wait3A_120, %dma_wait3A_121, %dma_wait3A_122] : memref<2x80x128xf32, #tpu.memory_space<vmem>> -> memref<1x80x128xf32, #tpu.memory_space<vmem>>
    %dma_wait3A_124 = tpu.memref_squeeze %dma_wait3A_123 : memref<1x80x128xf32, #tpu.memory_space<vmem>> -> memref<80x128xf32, #tpu.memory_space<vmem>>
    %dma_wait3A_125 = arith.constant 160 : i32
    %dma_wait3A_126 = tpu.memref_slice %arg5[%dma_wait3A_125] : memref<10000xi32, #tpu.memory_space<vmem>> -> memref<80xi32, #tpu.memory_space<vmem>>
    %dma_wait3A_127 = arith.constant 0 : i32
    %dma_wait3A_128 = arith.constant 0 : i32
    %dma_wait3A_129 = tpu.memref_slice %arg2[%dma_wait3A_127, %dma_wait3A_128] : memref<10000x128xf32, #tpu.memory_space<hbm>> -> memref<10000x128xf32, #tpu.memory_space<hbm>>
    tpu.wait_indirect_dma semaphore(%arg9 : memref<!tpu.dma_semaphore, #tpu.memory_space<semaphore_mem>>) src(%dma_wait3A_129 : memref<10000x128xf32, #tpu.memory_space<hbm>>) dst(%dma_wait3A_124 : memref<80x128xf32, #tpu.memory_space<vmem>>)
    %dma_start3A_130 = arith.constant 0 : i32
    %dma_start3A_131 = arith.constant 0 : i32
    %dma_start3A_132 = arith.constant 0 : i32
    %dma_start3A_133 = tpu.memref_slice %arg7[%dma_start3A_130, %dma_start3A_131, %dma_start3A_132] : memref<2x80x128xf32, #tpu.memory_space<vmem>> -> memref<1x80x128xf32, #tpu.memory_space<vmem>>
    %dma_start3A_134 = tpu.memref_squeeze %dma_start3A_133 : memref<1x80x128xf32, #tpu.memory_space<vmem>> -> memref<80x128xf32, #tpu.memory_space<vmem>>
    %dma_start3A_135 = arith.constant 160 : i32
    %dma_start3A_136 = tpu.memref_slice %arg6[%dma_start3A_135] : memref<10000xi32, #tpu.memory_space<vmem>> -> memref<80xi32, #tpu.memory_space<vmem>>
    %dma_start3A_137 = arith.constant 0 : i32
    %dma_start3A_138 = arith.constant 0 : i32
    %dma_start3A_139 = tpu.memref_slice %arg8[%dma_start3A_137, %dma_start3A_138] : memref<10000x128xf32, #tpu.memory_space<vmem_shared>> -> memref<10000x128xf32, #tpu.memory_space<vmem_shared>>
    tpu.enqueue_indirect_dma source(%dma_start3A_134 : memref<80x128xf32, #tpu.memory_space<vmem>>) target(%dma_start3A_139 : memref<10000x128xf32, #tpu.memory_space<vmem_shared>>) offsets(%dma_start3A_136 : memref<80xi32, #tpu.memory_space<vmem>>) semaphore(%arg11 : memref<!tpu.dma_semaphore, #tpu.memory_space<semaphore_mem>>) {add = true}
    %dma_wait3A_140 = arith.constant 1 : i32
    %dma_wait3A_141 = arith.constant 0 : i32
    %dma_wait3A_142 = arith.constant 0 : i32
    %dma_wait3A_143 = tpu.memref_slice %arg7[%dma_wait3A_140, %dma_wait3A_141, %dma_wait3A_142] : memref<2x80x128xf32, #tpu.memory_space<vmem>> -> memref<1x80x128xf32, #tpu.memory_space<vmem>>
    %dma_wait3A_144 = tpu.memref_squeeze %dma_wait3A_143 : memref<1x80x128xf32, #tpu.memory_space<vmem>> -> memref<80x128xf32, #tpu.memory_space<vmem>>
    %dma_wait3A_145 = arith.constant 80 : i32
    %dma_wait3A_146 = tpu.memref_slice %arg6[%dma_wait3A_145] : memref<10000xi32, #tpu.memory_space<vmem>> -> memref<80xi32, #tpu.memory_space<vmem>>
    %dma_wait3A_147 = arith.constant 0 : i32
    %dma_wait3A_148 = arith.constant 0 : i32
    %dma_wait3A_149 = tpu.memref_slice %arg8[%dma_wait3A_147, %dma_wait3A_148] : memref<10000x128xf32, #tpu.memory_space<vmem_shared>> -> memref<10000x128xf32, #tpu.memory_space<vmem_shared>>
    tpu.wait_indirect_dma semaphore(%arg12 : memref<!tpu.dma_semaphore, #tpu.memory_space<semaphore_mem>>) src(%dma_wait3A_144 : memref<80x128xf32, #tpu.memory_space<vmem>>) dst(%dma_wait3A_149 : memref<10000x128xf32, #tpu.memory_space<vmem_shared>>)
    %dma_start3A_150 = arith.constant 1 : i32
    %dma_start3A_151 = arith.constant 0 : i32
    %dma_start3A_152 = arith.constant 0 : i32
    %dma_start3A_153 = tpu.memref_slice %arg7[%dma_start3A_150, %dma_start3A_151, %dma_start3A_152] : memref<2x80x128xf32, #tpu.memory_space<vmem>> -> memref<1x80x128xf32, #tpu.memory_space<vmem>>
    %dma_start3A_154 = tpu.memref_squeeze %dma_start3A_153 : memref<1x80x128xf32, #tpu.memory_space<vmem>> -> memref<80x128xf32, #tpu.memory_space<vmem>>
    %dma_start3A_155 = arith.constant 240 : i32
    %dma_start3A_156 = tpu.memref_slice %arg5[%dma_start3A_155] : memref<10000xi32, #tpu.memory_space<vmem>> -> memref<80xi32, #tpu.memory_space<vmem>>
    %dma_start3A_157 = arith.constant 0 : i32
    %dma_start3A_158 = arith.constant 0 : i32
    %dma_start3A_159 = tpu.memref_slice %arg2[%dma_start3A_157, %dma_start3A_158] : memref<10000x128xf32, #tpu.memory_space<hbm>> -> memref<10000x128xf32, #tpu.memory_space<hbm>>
    tpu.enqueue_indirect_dma source(%dma_start3A_159 : memref<10000x128xf32, #tpu.memory_space<hbm>>) target(%dma_start3A_154 : memref<80x128xf32, #tpu.memory_space<vmem>>) offsets(%dma_start3A_156 : memref<80xi32, #tpu.memory_space<vmem>>) semaphore(%arg10 : memref<!tpu.dma_semaphore, #tpu.memory_space<semaphore_mem>>)
    %scan3A_160 = arith.constant 1 : i32
    %scan3A_161 = arith.constant 0 : i32
    %scan3A_162 = arith.constant 0 : i32
    %scan3A_163 = arith.constant 60 : i32
    %scan3A_164 = arith.addi %scan3A_162, %scan3A_163 : i32
    %scan3A_165 = arith.constant 1 : i32
    scf.for %scan3A_760 = %scan3A_162 to %scan3A_164 step %scan3A_165  : i32 {
      %mul3A_761 = arith.constant 1 : i32
      %mul3A_762 = arith.muli %scan3A_760, %mul3A_761 : i32
      %add3A_763 = arith.constant 0 : i32
      %add3A_764 = arith.addi %add3A_763, %mul3A_762 : i32
      %mul3A_765 = arith.constant 2 : i32
      %mul3A_766 = arith.muli %add3A_764, %mul3A_765 : i32
      %add3A_767 = arith.constant 3 : i32
      %add3A_768 = arith.addi %add3A_767, %mul3A_766 : i32
      %mul3A_769 = arith.constant 80 : i32
      %mul3A_770 = arith.muli %add3A_768, %mul3A_769 : i32
      %dma_wait3A_771 = arith.constant 0 : i32
      %dma_wait3A_772 = arith.constant 0 : i32
      %dma_wait3A_773 = tpu.memref_slice %arg7[%scan3A_160, %dma_wait3A_771, %dma_wait3A_772] : memref<2x80x128xf32, #tpu.memory_space<vmem>> -> memref<1x80x128xf32, #tpu.memory_space<vmem>>
      %dma_wait3A_774 = tpu.memref_squeeze %dma_wait3A_773 : memref<1x80x128xf32, #tpu.memory_space<vmem>> -> memref<80x128xf32, #tpu.memory_space<vmem>>
      %dma_wait3A_775 = tpu.memref_slice %arg5[%mul3A_770] : memref<10000xi32, #tpu.memory_space<vmem>> -> memref<80xi32, #tpu.memory_space<vmem>>
      %dma_wait3A_776 = arith.constant 0 : i32
      %dma_wait3A_777 = arith.constant 0 : i32
      %dma_wait3A_778 = tpu.memref_slice %arg2[%dma_wait3A_776, %dma_wait3A_777] : memref<10000x128xf32, #tpu.memory_space<hbm>> -> memref<10000x128xf32, #tpu.memory_space<hbm>>
      tpu.wait_indirect_dma semaphore(%arg10 : memref<!tpu.dma_semaphore, #tpu.memory_space<semaphore_mem>>) src(%dma_wait3A_778 : memref<10000x128xf32, #tpu.memory_space<hbm>>) dst(%dma_wait3A_774 : memref<80x128xf32, #tpu.memory_space<vmem>>)
      %mul3A_779 = arith.constant 80 : i32
      %mul3A_780 = arith.muli %add3A_768, %mul3A_779 : i32
      %dma_start3A_781 = arith.constant 0 : i32
      %dma_start3A_782 = arith.constant 0 : i32
      %dma_start3A_783 = tpu.memref_slice %arg7[%scan3A_160, %dma_start3A_781, %dma_start3A_782] : memref<2x80x128xf32, #tpu.memory_space<vmem>> -> memref<1x80x128xf32, #tpu.memory_space<vmem>>
      %dma_start3A_784 = tpu.memref_squeeze %dma_start3A_783 : memref<1x80x128xf32, #tpu.memory_space<vmem>> -> memref<80x128xf32, #tpu.memory_space<vmem>>
      %dma_start3A_785 = tpu.memref_slice %arg6[%mul3A_780] : memref<10000xi32, #tpu.memory_space<vmem>> -> memref<80xi32, #tpu.memory_space<vmem>>
      %dma_start3A_786 = arith.constant 0 : i32
      %dma_start3A_787 = arith.constant 0 : i32
      %dma_start3A_788 = tpu.memref_slice %arg8[%dma_start3A_786, %dma_start3A_787] : memref<10000x128xf32, #tpu.memory_space<vmem_shared>> -> memref<10000x128xf32, #tpu.memory_space<vmem_shared>>
      tpu.enqueue_indirect_dma source(%dma_start3A_784 : memref<80x128xf32, #tpu.memory_space<vmem>>) target(%dma_start3A_788 : memref<10000x128xf32, #tpu.memory_space<vmem_shared>>) offsets(%dma_start3A_785 : memref<80xi32, #tpu.memory_space<vmem>>) semaphore(%arg12 : memref<!tpu.dma_semaphore, #tpu.memory_space<semaphore_mem>>) {add = true}
      %sub3A = arith.constant 1 : i32
      %sub3A_789 = arith.subi %add3A_768, %sub3A : i32
      %mul3A_790 = arith.constant 80 : i32
      %mul3A_791 = arith.muli %sub3A_789, %mul3A_790 : i32
      %dma_wait3A_792 = arith.constant 0 : i32
      %dma_wait3A_793 = arith.constant 0 : i32
      %dma_wait3A_794 = tpu.memref_slice %arg7[%scan3A_161, %dma_wait3A_792, %dma_wait3A_793] : memref<2x80x128xf32, #tpu.memory_space<vmem>> -> memref<1x80x128xf32, #tpu.memory_space<vmem>>
      %dma_wait3A_795 = tpu.memref_squeeze %dma_wait3A_794 : memref<1x80x128xf32, #tpu.memory_space<vmem>> -> memref<80x128xf32, #tpu.memory_space<vmem>>
      %dma_wait3A_796 = tpu.memref_slice %arg6[%mul3A_791] : memref<10000xi32, #tpu.memory_space<vmem>> -> memref<80xi32, #tpu.memory_space<vmem>>
      %dma_wait3A_797 = arith.constant 0 : i32
      %dma_wait3A_798 = arith.constant 0 : i32
      %dma_wait3A_799 = tpu.memref_slice %arg8[%dma_wait3A_797, %dma_wait3A_798] : memref<10000x128xf32, #tpu.memory_space<vmem_shared>> -> memref<10000x128xf32, #tpu.memory_space<vmem_shared>>
      tpu.wait_indirect_dma semaphore(%arg11 : memref<!tpu.dma_semaphore, #tpu.memory_space<semaphore_mem>>) src(%dma_wait3A_795 : memref<80x128xf32, #tpu.memory_space<vmem>>) dst(%dma_wait3A_799 : memref<10000x128xf32, #tpu.memory_space<vmem_shared>>)
      %add3A_800 = arith.constant 1 : i32
      %add3A_801 = arith.addi %add3A_768, %add3A_800 : i32
      %mul3A_802 = arith.constant 80 : i32
      %mul3A_803 = arith.muli %add3A_801, %mul3A_802 : i32
      %dma_start3A_804 = arith.constant 0 : i32
      %dma_start3A_805 = arith.constant 0 : i32
      %dma_start3A_806 = tpu.memref_slice %arg7[%scan3A_161, %dma_start3A_804, %dma_start3A_805] : memref<2x80x128xf32, #tpu.memory_space<vmem>> -> memref<1x80x128xf32, #tpu.memory_space<vmem>>
      %dma_start3A_807 = tpu.memref_squeeze %dma_start3A_806 : memref<1x80x128xf32, #tpu.memory_space<vmem>> -> memref<80x128xf32, #tpu.memory_space<vmem>>
      %dma_start3A_808 = tpu.memref_slice %arg5[%mul3A_803] : memref<10000xi32, #tpu.memory_space<vmem>> -> memref<80xi32, #tpu.memory_space<vmem>>
      %dma_start3A_809 = arith.constant 0 : i32
      %dma_start3A_810 = arith.constant 0 : i32
      %dma_start3A_811 = tpu.memref_slice %arg2[%dma_start3A_809, %dma_start3A_810] : memref<10000x128xf32, #tpu.memory_space<hbm>> -> memref<10000x128xf32, #tpu.memory_space<hbm>>
      tpu.enqueue_indirect_dma source(%dma_start3A_811 : memref<10000x128xf32, #tpu.memory_space<hbm>>) target(%dma_start3A_807 : memref<80x128xf32, #tpu.memory_space<vmem>>) offsets(%dma_start3A_808 : memref<80xi32, #tpu.memory_space<vmem>>) semaphore(%arg9 : memref<!tpu.dma_semaphore, #tpu.memory_space<semaphore_mem>>)
      %add3A_812 = arith.constant 1 : i32
      %add3A_813 = arith.addi %add3A_768, %add3A_812 : i32
      %mul3A_814 = arith.constant 80 : i32
      %mul3A_815 = arith.muli %add3A_813, %mul3A_814 : i32
      %dma_wait3A_816 = arith.constant 0 : i32
      %dma_wait3A_817 = arith.constant 0 : i32
      %dma_wait3A_818 = tpu.memref_slice %arg7[%scan3A_161, %dma_wait3A_816, %dma_wait3A_817] : memref<2x80x128xf32, #tpu.memory_space<vmem>> -> memref<1x80x128xf32, #tpu.memory_space<vmem>>
      %dma_wait3A_819 = tpu.memref_squeeze %dma_wait3A_818 : memref<1x80x128xf32, #tpu.memory_space<vmem>> -> memref<80x128xf32, #tpu.memory_space<vmem>>
      %dma_wait3A_820 = tpu.memref_slice %arg5[%mul3A_815] : memref<10000xi32, #tpu.memory_space<vmem>> -> memref<80xi32, #tpu.memory_space<vmem>>
      %dma_wait3A_821 = arith.constant 0 : i32
      %dma_wait3A_822 = arith.constant 0 : i32
      %dma_wait3A_823 = tpu.memref_slice %arg2[%dma_wait3A_821, %dma_wait3A_822] : memref<10000x128xf32, #tpu.memory_space<hbm>> -> memref<10000x128xf32, #tpu.memory_space<hbm>>
      tpu.wait_indirect_dma semaphore(%arg9 : memref<!tpu.dma_semaphore, #tpu.memory_space<semaphore_mem>>) src(%dma_wait3A_823 : memref<10000x128xf32, #tpu.memory_space<hbm>>) dst(%dma_wait3A_819 : memref<80x128xf32, #tpu.memory_space<vmem>>)
      %mul3A_824 = arith.constant 80 : i32
      %mul3A_825 = arith.muli %add3A_813, %mul3A_824 : i32
      %dma_start3A_826 = arith.constant 0 : i32
      %dma_start3A_827 = arith.constant 0 : i32
      %dma_start3A_828 = tpu.memref_slice %arg7[%scan3A_161, %dma_start3A_826, %dma_start3A_827] : memref<2x80x128xf32, #tpu.memory_space<vmem>> -> memref<1x80x128xf32, #tpu.memory_space<vmem>>
      %dma_start3A_829 = tpu.memref_squeeze %dma_start3A_828 : memref<1x80x128xf32, #tpu.memory_space<vmem>> -> memref<80x128xf32, #tpu.memory_space<vmem>>
      %dma_start3A_830 = tpu.memref_slice %arg6[%mul3A_825] : memref<10000xi32, #tpu.memory_space<vmem>> -> memref<80xi32, #tpu.memory_space<vmem>>
      %dma_start3A_831 = arith.constant 0 : i32
      %dma_start3A_832 = arith.constant 0 : i32
      %dma_start3A_833 = tpu.memref_slice %arg8[%dma_start3A_831, %dma_start3A_832] : memref<10000x128xf32, #tpu.memory_space<vmem_shared>> -> memref<10000x128xf32, #tpu.memory_space<vmem_shared>>
      tpu.enqueue_indirect_dma source(%dma_start3A_829 : memref<80x128xf32, #tpu.memory_space<vmem>>) target(%dma_start3A_833 : memref<10000x128xf32, #tpu.memory_space<vmem_shared>>) offsets(%dma_start3A_830 : memref<80xi32, #tpu.memory_space<vmem>>) semaphore(%arg11 : memref<!tpu.dma_semaphore, #tpu.memory_space<semaphore_mem>>) {add = true}
      %sub3A_834 = arith.constant 1 : i32
      %sub3A_835 = arith.subi %add3A_813, %sub3A_834 : i32
      %mul3A_836 = arith.constant 80 : i32
      %mul3A_837 = arith.muli %sub3A_835, %mul3A_836 : i32
      %dma_wait3A_838 = arith.constant 0 : i32
      %dma_wait3A_839 = arith.constant 0 : i32
      %dma_wait3A_840 = tpu.memref_slice %arg7[%scan3A_160, %dma_wait3A_838, %dma_wait3A_839] : memref<2x80x128xf32, #tpu.memory_space<vmem>> -> memref<1x80x128xf32, #tpu.memory_space<vmem>>
      %dma_wait3A_841 = tpu.memref_squeeze %dma_wait3A_840 : memref<1x80x128xf32, #tpu.memory_space<vmem>> -> memref<80x128xf32, #tpu.memory_space<vmem>>
      %dma_wait3A_842 = tpu.memref_slice %arg6[%mul3A_837] : memref<10000xi32, #tpu.memory_space<vmem>> -> memref<80xi32, #tpu.memory_space<vmem>>
      %dma_wait3A_843 = arith.constant 0 : i32
      %dma_wait3A_844 = arith.constant 0 : i32
      %dma_wait3A_845 = tpu.memref_slice %arg8[%dma_wait3A_843, %dma_wait3A_844] : memref<10000x128xf32, #tpu.memory_space<vmem_shared>> -> memref<10000x128xf32, #tpu.memory_space<vmem_shared>>
      tpu.wait_indirect_dma semaphore(%arg12 : memref<!tpu.dma_semaphore, #tpu.memory_space<semaphore_mem>>) src(%dma_wait3A_841 : memref<80x128xf32, #tpu.memory_space<vmem>>) dst(%dma_wait3A_845 : memref<10000x128xf32, #tpu.memory_space<vmem_shared>>)
      %add3A_846 = arith.constant 1 : i32
      %add3A_847 = arith.addi %add3A_813, %add3A_846 : i32
      %mul3A_848 = arith.constant 80 : i32
      %mul3A_849 = arith.muli %add3A_847, %mul3A_848 : i32
      %dma_start3A_850 = arith.constant 0 : i32
      %dma_start3A_851 = arith.constant 0 : i32
      %dma_start3A_852 = tpu.memref_slice %arg7[%scan3A_160, %dma_start3A_850, %dma_start3A_851] : memref<2x80x128xf32, #tpu.memory_space<vmem>> -> memref<1x80x128xf32, #tpu.memory_space<vmem>>
      %dma_start3A_853 = tpu.memref_squeeze %dma_start3A_852 : memref<1x80x128xf32, #tpu.memory_space<vmem>> -> memref<80x128xf32, #tpu.memory_space<vmem>>
      %dma_start3A_854 = tpu.memref_slice %arg5[%mul3A_849] : memref<10000xi32, #tpu.memory_space<vmem>> -> memref<80xi32, #tpu.memory_space<vmem>>
      %dma_start3A_855 = arith.constant 0 : i32
      %dma_start3A_856 = arith.constant 0 : i32
      %dma_start3A_857 = tpu.memref_slice %arg2[%dma_start3A_855, %dma_start3A_856] : memref<10000x128xf32, #tpu.memory_space<hbm>> -> memref<10000x128xf32, #tpu.memory_space<hbm>>
      tpu.enqueue_indirect_dma source(%dma_start3A_857 : memref<10000x128xf32, #tpu.memory_space<hbm>>) target(%dma_start3A_853 : memref<80x128xf32, #tpu.memory_space<vmem>>) offsets(%dma_start3A_854 : memref<80xi32, #tpu.memory_space<vmem>>) semaphore(%arg10 : memref<!tpu.dma_semaphore, #tpu.memory_space<semaphore_mem>>)
    }
    %scan3A_166 = arith.constant 60 : i32
    %dma_wait3A_167 = arith.constant 1 : i32
    %dma_wait3A_168 = arith.constant 0 : i32
    %dma_wait3A_169 = arith.constant 0 : i32
    %dma_wait3A_170 = tpu.memref_slice %arg7[%dma_wait3A_167, %dma_wait3A_168, %dma_wait3A_169] : memref<2x80x128xf32, #tpu.memory_space<vmem>> -> memref<1x80x128xf32, #tpu.memory_space<vmem>>
    %dma_wait3A_171 = tpu.memref_squeeze %dma_wait3A_170 : memref<1x80x128xf32, #tpu.memory_space<vmem>> -> memref<80x128xf32, #tpu.memory_space<vmem>>
    %dma_wait3A_172 = arith.constant 9840 : i32
    %dma_wait3A_173 = tpu.memref_slice %arg5[%dma_wait3A_172] : memref<10000xi32, #tpu.memory_space<vmem>> -> memref<80xi32, #tpu.memory_space<vmem>>
    %dma_wait3A_174 = arith.constant 0 : i32
    %dma_wait3A_175 = arith.constant 0 : i32
    %dma_wait3A_176 = tpu.memref_slice %arg2[%dma_wait3A_174, %dma_wait3A_175] : memref<10000x128xf32, #tpu.memory_space<hbm>> -> memref<10000x128xf32, #tpu.memory_space<hbm>>
    tpu.wait_indirect_dma semaphore(%arg10 : memref<!tpu.dma_semaphore, #tpu.memory_space<semaphore_mem>>) src(%dma_wait3A_176 : memref<10000x128xf32, #tpu.memory_space<hbm>>) dst(%dma_wait3A_171 : memref<80x128xf32, #tpu.memory_space<vmem>>)
    %dma_start3A_177 = arith.constant 1 : i32
    %dma_start3A_178 = arith.constant 0 : i32
    %dma_start3A_179 = arith.constant 0 : i32
    %dma_start3A_180 = tpu.memref_slice %arg7[%dma_start3A_177, %dma_start3A_178, %dma_start3A_179] : memref<2x80x128xf32, #tpu.memory_space<vmem>> -> memref<1x80x128xf32, #tpu.memory_space<vmem>>
    %dma_start3A_181 = tpu.memref_squeeze %dma_start3A_180 : memref<1x80x128xf32, #tpu.memory_space<vmem>> -> memref<80x128xf32, #tpu.memory_space<vmem>>
    %dma_start3A_182 = arith.constant 9840 : i32
    %dma_start3A_183 = tpu.memref_slice %arg6[%dma_start3A_182] : memref<10000xi32, #tpu.memory_space<vmem>> -> memref<80xi32, #tpu.memory_space<vmem>>
    %dma_start3A_184 = arith.constant 0 : i32
    %dma_start3A_185 = arith.constant 0 : i32
    %dma_start3A_186 = tpu.memref_slice %arg8[%dma_start3A_184, %dma_start3A_185] : memref<10000x128xf32, #tpu.memory_space<vmem_shared>> -> memref<10000x128xf32, #tpu.memory_space<vmem_shared>>
    tpu.enqueue_indirect_dma source(%dma_start3A_181 : memref<80x128xf32, #tpu.memory_space<vmem>>) target(%dma_start3A_186 : memref<10000x128xf32, #tpu.memory_space<vmem_shared>>) offsets(%dma_start3A_183 : memref<80xi32, #tpu.memory_space<vmem>>) semaphore(%arg12 : memref<!tpu.dma_semaphore, #tpu.memory_space<semaphore_mem>>) {add = true}
    %dma_wait3A_187 = arith.constant 0 : i32
    %dma_wait3A_188 = arith.constant 0 : i32
    %dma_wait3A_189 = arith.constant 0 : i32
    %dma_wait3A_190 = tpu.memref_slice %arg7[%dma_wait3A_187, %dma_wait3A_188, %dma_wait3A_189] : memref<2x80x128xf32, #tpu.memory_space<vmem>> -> memref<1x80x128xf32, #tpu.memory_space<vmem>>
    %dma_wait3A_191 = tpu.memref_squeeze %dma_wait3A_190 : memref<1x80x128xf32, #tpu.memory_space<vmem>> -> memref<80x128xf32, #tpu.memory_space<vmem>>
    %dma_wait3A_192 = arith.constant 9760 : i32
    %dma_wait3A_193 = tpu.memref_slice %arg6[%dma_wait3A_192] : memref<10000xi32, #tpu.memory_space<vmem>> -> memref<80xi32, #tpu.memory_space<vmem>>
    %dma_wait3A_194 = arith.constant 0 : i32
    %dma_wait3A_195 = arith.constant 0 : i32
    %dma_wait3A_196 = tpu.memref_slice %arg8[%dma_wait3A_194, %dma_wait3A_195] : memref<10000x128xf32, #tpu.memory_space<vmem_shared>> -> memref<10000x128xf32, #tpu.memory_space<vmem_shared>>
    tpu.wait_indirect_dma semaphore(%arg11 : memref<!tpu.dma_semaphore, #tpu.memory_space<semaphore_mem>>) src(%dma_wait3A_191 : memref<80x128xf32, #tpu.memory_space<vmem>>) dst(%dma_wait3A_196 : memref<10000x128xf32, #tpu.memory_space<vmem_shared>>)
    %dma_start3A_197 = arith.constant 0 : i32
    %dma_start3A_198 = arith.constant 0 : i32
    %dma_start3A_199 = arith.constant 0 : i32
    %dma_start3A_200 = tpu.memref_slice %arg7[%dma_start3A_197, %dma_start3A_198, %dma_start3A_199] : memref<2x80x128xf32, #tpu.memory_space<vmem>> -> memref<1x80x128xf32, #tpu.memory_space<vmem>>
    %dma_start3A_201 = tpu.memref_squeeze %dma_start3A_200 : memref<1x80x128xf32, #tpu.memory_space<vmem>> -> memref<80x128xf32, #tpu.memory_space<vmem>>
    %dma_start3A_202 = arith.constant 9920 : i32
    %dma_start3A_203 = tpu.memref_slice %arg5[%dma_start3A_202] : memref<10000xi32, #tpu.memory_space<vmem>> -> memref<80xi32, #tpu.memory_space<vmem>>
    %dma_start3A_204 = arith.constant 0 : i32
    %dma_start3A_205 = arith.constant 0 : i32
    %dma_start3A_206 = tpu.memref_slice %arg2[%dma_start3A_204, %dma_start3A_205] : memref<10000x128xf32, #tpu.memory_space<hbm>> -> memref<10000x128xf32, #tpu.memory_space<hbm>>
    tpu.enqueue_indirect_dma source(%dma_start3A_206 : memref<10000x128xf32, #tpu.memory_space<hbm>>) target(%dma_start3A_201 : memref<80x128xf32, #tpu.memory_space<vmem>>) offsets(%dma_start3A_203 : memref<80xi32, #tpu.memory_space<vmem>>) semaphore(%arg9 : memref<!tpu.dma_semaphore, #tpu.memory_space<semaphore_mem>>)
    %dma_wait3A_207 = arith.constant 0 : i32
    %dma_wait3A_208 = arith.constant 0 : i32
    %dma_wait3A_209 = arith.constant 0 : i32
    %dma_wait3A_210 = tpu.memref_slice %arg7[%dma_wait3A_207, %dma_wait3A_208, %dma_wait3A_209] : memref<2x80x128xf32, #tpu.memory_space<vmem>> -> memref<1x80x128xf32, #tpu.memory_space<vmem>>
    %dma_wait3A_211 = tpu.memref_squeeze %dma_wait3A_210 : memref<1x80x128xf32, #tpu.memory_space<vmem>> -> memref<80x128xf32, #tpu.memory_space<vmem>>
    %dma_wait3A_212 = arith.constant 9920 : i32
    %dma_wait3A_213 = tpu.memref_slice %arg5[%dma_wait3A_212] : memref<10000xi32, #tpu.memory_space<vmem>> -> memref<80xi32, #tpu.memory_space<vmem>>
    %dma_wait3A_214 = arith.constant 0 : i32
    %dma_wait3A_215 = arith.constant 0 : i32
    %dma_wait3A_216 = tpu.memref_slice %arg2[%dma_wait3A_214, %dma_wait3A_215] : memref<10000x128xf32, #tpu.memory_space<hbm>> -> memref<10000x128xf32, #tpu.memory_space<hbm>>
    tpu.wait_indirect_dma semaphore(%arg9 : memref<!tpu.dma_semaphore, #tpu.memory_space<semaphore_mem>>) src(%dma_wait3A_216 : memref<10000x128xf32, #tpu.memory_space<hbm>>) dst(%dma_wait3A_211 : memref<80x128xf32, #tpu.memory_space<vmem>>)
    %dma_start3A_217 = arith.constant 0 : i32
    %dma_start3A_218 = arith.constant 0 : i32
    %dma_start3A_219 = arith.constant 0 : i32
    %dma_start3A_220 = tpu.memref_slice %arg7[%dma_start3A_217, %dma_start3A_218, %dma_start3A_219] : memref<2x80x128xf32, #tpu.memory_space<vmem>> -> memref<1x80x128xf32, #tpu.memory_space<vmem>>
    %dma_start3A_221 = tpu.memref_squeeze %dma_start3A_220 : memref<1x80x128xf32, #tpu.memory_space<vmem>> -> memref<80x128xf32, #tpu.memory_space<vmem>>
    %dma_start3A_222 = arith.constant 9920 : i32
    %dma_start3A_223 = tpu.memref_slice %arg6[%dma_start3A_222] : memref<10000xi32, #tpu.memory_space<vmem>> -> memref<80xi32, #tpu.memory_space<vmem>>
    %dma_start3A_224 = arith.constant 0 : i32
    %dma_start3A_225 = arith.constant 0 : i32
    %dma_start3A_226 = tpu.memref_slice %arg8[%dma_start3A_224, %dma_start3A_225] : memref<10000x128xf32, #tpu.memory_space<vmem_shared>> -> memref<10000x128xf32, #tpu.memory_space<vmem_shared>>
    tpu.enqueue_indirect_dma source(%dma_start3A_221 : memref<80x128xf32, #tpu.memory_space<vmem>>) target(%dma_start3A_226 : memref<10000x128xf32, #tpu.memory_space<vmem_shared>>) offsets(%dma_start3A_223 : memref<80xi32, #tpu.memory_space<vmem>>) semaphore(%arg11 : memref<!tpu.dma_semaphore, #tpu.memory_space<semaphore_mem>>) {add = true}
    %dma_wait3A_227 = arith.constant 1 : i32
    %dma_wait3A_228 = arith.constant 0 : i32
    %dma_wait3A_229 = arith.constant 0 : i32
    %dma_wait3A_230 = tpu.memref_slice %arg7[%dma_wait3A_227, %dma_wait3A_228, %dma_wait3A_229] : memref<2x80x128xf32, #tpu.memory_space<vmem>> -> memref<1x80x128xf32, #tpu.memory_space<vmem>>
    %dma_wait3A_231 = tpu.memref_squeeze %dma_wait3A_230 : memref<1x80x128xf32, #tpu.memory_space<vmem>> -> memref<80x128xf32, #tpu.memory_space<vmem>>
    %dma_wait3A_232 = arith.constant 9840 : i32
    %dma_wait3A_233 = tpu.memref_slice %arg6[%dma_wait3A_232] : memref<10000xi32, #tpu.memory_space<vmem>> -> memref<80xi32, #tpu.memory_space<vmem>>
    %dma_wait3A_234 = arith.constant 0 : i32
    %dma_wait3A_235 = arith.constant 0 : i32
    %dma_wait3A_236 = tpu.memref_slice %arg8[%dma_wait3A_234, %dma_wait3A_235] : memref<10000x128xf32, #tpu.memory_space<vmem_shared>> -> memref<10000x128xf32, #tpu.memory_space<vmem_shared>>
    tpu.wait_indirect_dma semaphore(%arg12 : memref<!tpu.dma_semaphore, #tpu.memory_space<semaphore_mem>>) src(%dma_wait3A_231 : memref<80x128xf32, #tpu.memory_space<vmem>>) dst(%dma_wait3A_236 : memref<10000x128xf32, #tpu.memory_space<vmem_shared>>)
    %dma_wait3A_237 = arith.constant 0 : i32
    %dma_wait3A_238 = arith.constant 0 : i32
    %dma_wait3A_239 = arith.constant 0 : i32
    %dma_wait3A_240 = tpu.memref_slice %arg7[%dma_wait3A_237, %dma_wait3A_238, %dma_wait3A_239] : memref<2x80x128xf32, #tpu.memory_space<vmem>> -> memref<1x80x128xf32, #tpu.memory_space<vmem>>
    %dma_wait3A_241 = tpu.memref_squeeze %dma_wait3A_240 : memref<1x80x128xf32, #tpu.memory_space<vmem>> -> memref<80x128xf32, #tpu.memory_space<vmem>>
    %dma_wait3A_242 = arith.constant 9920 : i32
    %dma_wait3A_243 = tpu.memref_slice %arg6[%dma_wait3A_242] : memref<10000xi32, #tpu.memory_space<vmem>> -> memref<80xi32, #tpu.memory_space<vmem>>
    %dma_wait3A_244 = arith.constant 0 : i32
    %dma_wait3A_245 = arith.constant 0 : i32
    %dma_wait3A_246 = tpu.memref_slice %arg8[%dma_wait3A_244, %dma_wait3A_245] : memref<10000x128xf32, #tpu.memory_space<vmem_shared>> -> memref<10000x128xf32, #tpu.memory_space<vmem_shared>>
    tpu.wait_indirect_dma semaphore(%arg11 : memref<!tpu.dma_semaphore, #tpu.memory_space<semaphore_mem>>) src(%dma_wait3A_241 : memref<80x128xf32, #tpu.memory_space<vmem>>) dst(%dma_wait3A_246 : memref<10000x128xf32, #tpu.memory_space<vmem_shared>>)
    %barrier3A_247 = arith.constant 0 : index
    tpu.barrier barrier_id(%barrier3A_247)
    %add3A_248 = arith.constant 0 : i32
    %add3A_249 = arith.addi %min3A_3, %add3A_248 : i32
    %dma_start3A_250 = arith.constant 0 : i32
    %dma_start3A_251 = arith.constant 0 : i32
    %dma_start3A_252 = arith.constant 0 : i32
    %dma_start3A_253 = tpu.memref_slice %arg7[%dma_start3A_250, %dma_start3A_251, %dma_start3A_252] : memref<2x80x128xf32, #tpu.memory_space<vmem>> -> memref<1x80x128xf32, #tpu.memory_space<vmem>>
    %dma_start3A_254 = tpu.memref_squeeze %dma_start3A_253 : memref<1x80x128xf32, #tpu.memory_space<vmem>> -> memref<80x128xf32, #tpu.memory_space<vmem>>
    %dma_start3A_255 = arith.constant 0 : i32
    %dma_start3A_256 = tpu.memref_slice %arg8[%add3A_249, %dma_start3A_255] : memref<10000x128xf32, #tpu.memory_space<vmem_shared>> -> memref<80x128xf32, #tpu.memory_space<vmem_shared>>
    %dma_start3A_257 = arith.constant 0 : i32
    %dma_start3A_258 = arith.constant 0 : i32
    %dma_start3A_259 = tpu.memref_slice %arg7[%dma_start3A_250, %dma_start3A_257, %dma_start3A_258] : memref<2x80x128xf32, #tpu.memory_space<vmem>> -> memref<1x80x128xf32, #tpu.memory_space<vmem>>
    %dma_start3A_260 = tpu.memref_squeeze %dma_start3A_259 : memref<1x80x128xf32, #tpu.memory_space<vmem>> -> memref<80x128xf32, #tpu.memory_space<vmem>>
    %dma_start3A_261 = arith.constant 0 : i32
    %dma_start3A_262 = tpu.memref_slice %arg8[%add3A_249, %dma_start3A_261] : memref<10000x128xf32, #tpu.memory_space<vmem_shared>> -> memref<80x128xf32, #tpu.memory_space<vmem_shared>>
    tpu.enqueue_dma source(%dma_start3A_262 : memref<80x128xf32, #tpu.memory_space<vmem_shared>>) target(%dma_start3A_260 : memref<80x128xf32, #tpu.memory_space<vmem>>) target_semaphore(%arg9 : memref<!tpu.dma_semaphore, #tpu.memory_space<semaphore_mem>>)
    %add3A_263 = arith.constant 0 : i32
    %add3A_264 = arith.addi %min3A_3, %add3A_263 : i32
    %dma_wait3A_265 = arith.constant 0 : i32
    %dma_wait3A_266 = arith.constant 0 : i32
    %dma_wait3A_267 = arith.constant 0 : i32
    %dma_wait3A_268 = tpu.memref_slice %arg7[%dma_wait3A_265, %dma_wait3A_266, %dma_wait3A_267] : memref<2x80x128xf32, #tpu.memory_space<vmem>> -> memref<1x80x128xf32, #tpu.memory_space<vmem>>
    %dma_wait3A_269 = tpu.memref_squeeze %dma_wait3A_268 : memref<1x80x128xf32, #tpu.memory_space<vmem>> -> memref<80x128xf32, #tpu.memory_space<vmem>>
    %dma_wait3A_270 = arith.constant 0 : i32
    %dma_wait3A_271 = tpu.memref_slice %arg8[%add3A_264, %dma_wait3A_270] : memref<10000x128xf32, #tpu.memory_space<vmem_shared>> -> memref<80x128xf32, #tpu.memory_space<vmem_shared>>
    %dma_wait3A_272 = arith.constant 0 : i32
    %dma_wait3A_273 = arith.constant 0 : i32
    %dma_wait3A_274 = tpu.memref_slice %arg7[%dma_wait3A_265, %dma_wait3A_272, %dma_wait3A_273] : memref<2x80x128xf32, #tpu.memory_space<vmem>> -> memref<1x80x128xf32, #tpu.memory_space<vmem>>
    %dma_wait3A_275 = tpu.memref_squeeze %dma_wait3A_274 : memref<1x80x128xf32, #tpu.memory_space<vmem>> -> memref<80x128xf32, #tpu.memory_space<vmem>>
    %dma_wait3A_276 = arith.constant 0 : i32
    %dma_wait3A_277 = tpu.memref_slice %arg8[%add3A_264, %dma_wait3A_276] : memref<10000x128xf32, #tpu.memory_space<vmem_shared>> -> memref<80x128xf32, #tpu.memory_space<vmem_shared>>
    tpu.wait_dma2 semaphore(%arg9 : memref<!tpu.dma_semaphore, #tpu.memory_space<semaphore_mem>>) src(%dma_wait3A_277 : memref<80x128xf32, #tpu.memory_space<vmem_shared>>) dst(%dma_wait3A_275 : memref<80x128xf32, #tpu.memory_space<vmem>>)
    %add3A_278 = arith.constant 0 : i32
    %add3A_279 = arith.addi %min3A_3, %add3A_278 : i32
    %dma_start3A_280 = arith.constant 0 : i32
    %dma_start3A_281 = arith.constant 0 : i32
    %dma_start3A_282 = arith.constant 0 : i32
    %dma_start3A_283 = tpu.memref_slice %arg7[%dma_start3A_280, %dma_start3A_281, %dma_start3A_282] : memref<2x80x128xf32, #tpu.memory_space<vmem>> -> memref<1x80x128xf32, #tpu.memory_space<vmem>>
    %dma_start3A_284 = tpu.memref_squeeze %dma_start3A_283 : memref<1x80x128xf32, #tpu.memory_space<vmem>> -> memref<80x128xf32, #tpu.memory_space<vmem>>
    %dma_start3A_285 = arith.constant 0 : i32
    %dma_start3A_286 = tpu.memref_slice %arg4[%arg0, %add3A_279, %dma_start3A_285] : memref<2x10000x128xf32, #tpu.memory_space<hbm>> -> memref<1x80x128xf32, #tpu.memory_space<hbm>>
    %dma_start3A_287 = tpu.memref_squeeze %dma_start3A_286 : memref<1x80x128xf32, #tpu.memory_space<hbm>> -> memref<80x128xf32, #tpu.memory_space<hbm>>
    %dma_start3A_288 = arith.constant 0 : i32
    %dma_start3A_289 = tpu.memref_slice %arg4[%arg0, %add3A_279, %dma_start3A_288] : memref<2x10000x128xf32, #tpu.memory_space<hbm>> -> memref<1x80x128xf32, #tpu.memory_space<hbm>>
    %dma_start3A_290 = tpu.memref_squeeze %dma_start3A_289 : memref<1x80x128xf32, #tpu.memory_space<hbm>> -> memref<80x128xf32, #tpu.memory_space<hbm>>
    %dma_start3A_291 = arith.constant 0 : i32
    %dma_start3A_292 = arith.constant 0 : i32
    %dma_start3A_293 = tpu.memref_slice %arg7[%dma_start3A_280, %dma_start3A_291, %dma_start3A_292] : memref<2x80x128xf32, #tpu.memory_space<vmem>> -> memref<1x80x128xf32, #tpu.memory_space<vmem>>
    %dma_start3A_294 = tpu.memref_squeeze %dma_start3A_293 : memref<1x80x128xf32, #tpu.memory_space<vmem>> -> memref<80x128xf32, #tpu.memory_space<vmem>>
    tpu.enqueue_dma source(%dma_start3A_294 : memref<80x128xf32, #tpu.memory_space<vmem>>) target(%dma_start3A_290 : memref<80x128xf32, #tpu.memory_space<hbm>>) target_semaphore(%arg11 : memref<!tpu.dma_semaphore, #tpu.memory_space<semaphore_mem>>)
    %add3A_295 = arith.constant 80 : i32
    %add3A_296 = arith.addi %min3A_3, %add3A_295 : i32
    %dma_start3A_297 = arith.constant 1 : i32
    %dma_start3A_298 = arith.constant 0 : i32
    %dma_start3A_299 = arith.constant 0 : i32
    %dma_start3A_300 = tpu.memref_slice %arg7[%dma_start3A_297, %dma_start3A_298, %dma_start3A_299] : memref<2x80x128xf32, #tpu.memory_space<vmem>> -> memref<1x80x128xf32, #tpu.memory_space<vmem>>
    %dma_start3A_301 = tpu.memref_squeeze %dma_start3A_300 : memref<1x80x128xf32, #tpu.memory_space<vmem>> -> memref<80x128xf32, #tpu.memory_space<vmem>>
    %dma_start3A_302 = arith.constant 0 : i32
    %dma_start3A_303 = tpu.memref_slice %arg8[%add3A_296, %dma_start3A_302] : memref<10000x128xf32, #tpu.memory_space<vmem_shared>> -> memref<80x128xf32, #tpu.memory_space<vmem_shared>>
    %dma_start3A_304 = arith.constant 0 : i32
    %dma_start3A_305 = arith.constant 0 : i32
    %dma_start3A_306 = tpu.memref_slice %arg7[%dma_start3A_297, %dma_start3A_304, %dma_start3A_305] : memref<2x80x128xf32, #tpu.memory_space<vmem>> -> memref<1x80x128xf32, #tpu.memory_space<vmem>>
    %dma_start3A_307 = tpu.memref_squeeze %dma_start3A_306 : memref<1x80x128xf32, #tpu.memory_space<vmem>> -> memref<80x128xf32, #tpu.memory_space<vmem>>
    %dma_start3A_308 = arith.constant 0 : i32
    %dma_start3A_309 = tpu.memref_slice %arg8[%add3A_296, %dma_start3A_308] : memref<10000x128xf32, #tpu.memory_space<vmem_shared>> -> memref<80x128xf32, #tpu.memory_space<vmem_shared>>
    tpu.enqueue_dma source(%dma_start3A_309 : memref<80x128xf32, #tpu.memory_space<vmem_shared>>) target(%dma_start3A_307 : memref<80x128xf32, #tpu.memory_space<vmem>>) target_semaphore(%arg10 : memref<!tpu.dma_semaphore, #tpu.memory_space<semaphore_mem>>)
    %add3A_310 = arith.constant 80 : i32
    %add3A_311 = arith.addi %min3A_3, %add3A_310 : i32
    %dma_wait3A_312 = arith.constant 1 : i32
    %dma_wait3A_313 = arith.constant 0 : i32
    %dma_wait3A_314 = arith.constant 0 : i32
    %dma_wait3A_315 = tpu.memref_slice %arg7[%dma_wait3A_312, %dma_wait3A_313, %dma_wait3A_314] : memref<2x80x128xf32, #tpu.memory_space<vmem>> -> memref<1x80x128xf32, #tpu.memory_space<vmem>>
    %dma_wait3A_316 = tpu.memref_squeeze %dma_wait3A_315 : memref<1x80x128xf32, #tpu.memory_space<vmem>> -> memref<80x128xf32, #tpu.memory_space<vmem>>
    %dma_wait3A_317 = arith.constant 0 : i32
    %dma_wait3A_318 = tpu.memref_slice %arg8[%add3A_311, %dma_wait3A_317] : memref<10000x128xf32, #tpu.memory_space<vmem_shared>> -> memref<80x128xf32, #tpu.memory_space<vmem_shared>>
    %dma_wait3A_319 = arith.constant 0 : i32
    %dma_wait3A_320 = arith.constant 0 : i32
    %dma_wait3A_321 = tpu.memref_slice %arg7[%dma_wait3A_312, %dma_wait3A_319, %dma_wait3A_320] : memref<2x80x128xf32, #tpu.memory_space<vmem>> -> memref<1x80x128xf32, #tpu.memory_space<vmem>>
    %dma_wait3A_322 = tpu.memref_squeeze %dma_wait3A_321 : memref<1x80x128xf32, #tpu.memory_space<vmem>> -> memref<80x128xf32, #tpu.memory_space<vmem>>
    %dma_wait3A_323 = arith.constant 0 : i32
    %dma_wait3A_324 = tpu.memref_slice %arg8[%add3A_311, %dma_wait3A_323] : memref<10000x128xf32, #tpu.memory_space<vmem_shared>> -> memref<80x128xf32, #tpu.memory_space<vmem_shared>>
    tpu.wait_dma2 semaphore(%arg10 : memref<!tpu.dma_semaphore, #tpu.memory_space<semaphore_mem>>) src(%dma_wait3A_324 : memref<80x128xf32, #tpu.memory_space<vmem_shared>>) dst(%dma_wait3A_322 : memref<80x128xf32, #tpu.memory_space<vmem>>)
    %add3A_325 = arith.constant 80 : i32
    %add3A_326 = arith.addi %min3A_3, %add3A_325 : i32
    %dma_start3A_327 = arith.constant 1 : i32
    %dma_start3A_328 = arith.constant 0 : i32
    %dma_start3A_329 = arith.constant 0 : i32
    %dma_start3A_330 = tpu.memref_slice %arg7[%dma_start3A_327, %dma_start3A_328, %dma_start3A_329] : memref<2x80x128xf32, #tpu.memory_space<vmem>> -> memref<1x80x128xf32, #tpu.memory_space<vmem>>
    %dma_start3A_331 = tpu.memref_squeeze %dma_start3A_330 : memref<1x80x128xf32, #tpu.memory_space<vmem>> -> memref<80x128xf32, #tpu.memory_space<vmem>>
    %dma_start3A_332 = arith.constant 0 : i32
    %dma_start3A_333 = tpu.memref_slice %arg4[%arg0, %add3A_326, %dma_start3A_332] : memref<2x10000x128xf32, #tpu.memory_space<hbm>> -> memref<1x80x128xf32, #tpu.memory_space<hbm>>
    %dma_start3A_334 = tpu.memref_squeeze %dma_start3A_333 : memref<1x80x128xf32, #tpu.memory_space<hbm>> -> memref<80x128xf32, #tpu.memory_space<hbm>>
    %dma_start3A_335 = arith.constant 0 : i32
    %dma_start3A_336 = tpu.memref_slice %arg4[%arg0, %add3A_326, %dma_start3A_335] : memref<2x10000x128xf32, #tpu.memory_space<hbm>> -> memref<1x80x128xf32, #tpu.memory_space<hbm>>
    %dma_start3A_337 = tpu.memref_squeeze %dma_start3A_336 : memref<1x80x128xf32, #tpu.memory_space<hbm>> -> memref<80x128xf32, #tpu.memory_space<hbm>>
    %dma_start3A_338 = arith.constant 0 : i32
    %dma_start3A_339 = arith.constant 0 : i32
    %dma_start3A_340 = tpu.memref_slice %arg7[%dma_start3A_327, %dma_start3A_338, %dma_start3A_339] : memref<2x80x128xf32, #tpu.memory_space<vmem>> -> memref<1x80x128xf32, #tpu.memory_space<vmem>>
    %dma_start3A_341 = tpu.memref_squeeze %dma_start3A_340 : memref<1x80x128xf32, #tpu.memory_space<vmem>> -> memref<80x128xf32, #tpu.memory_space<vmem>>
    tpu.enqueue_dma source(%dma_start3A_341 : memref<80x128xf32, #tpu.memory_space<vmem>>) target(%dma_start3A_337 : memref<80x128xf32, #tpu.memory_space<hbm>>) target_semaphore(%arg12 : memref<!tpu.dma_semaphore, #tpu.memory_space<semaphore_mem>>)
    %add3A_342 = arith.constant 0 : i32
    %add3A_343 = arith.addi %min3A_3, %add3A_342 : i32
    %dma_wait3A_344 = arith.constant 0 : i32
    %dma_wait3A_345 = arith.constant 0 : i32
    %dma_wait3A_346 = arith.constant 0 : i32
    %dma_wait3A_347 = tpu.memref_slice %arg7[%dma_wait3A_344, %dma_wait3A_345, %dma_wait3A_346] : memref<2x80x128xf32, #tpu.memory_space<vmem>> -> memref<1x80x128xf32, #tpu.memory_space<vmem>>
    %dma_wait3A_348 = tpu.memref_squeeze %dma_wait3A_347 : memref<1x80x128xf32, #tpu.memory_space<vmem>> -> memref<80x128xf32, #tpu.memory_space<vmem>>
    %dma_wait3A_349 = arith.constant 0 : i32
    %dma_wait3A_350 = tpu.memref_slice %arg4[%arg0, %add3A_343, %dma_wait3A_349] : memref<2x10000x128xf32, #tpu.memory_space<hbm>> -> memref<1x80x128xf32, #tpu.memory_space<hbm>>
    %dma_wait3A_351 = tpu.memref_squeeze %dma_wait3A_350 : memref<1x80x128xf32, #tpu.memory_space<hbm>> -> memref<80x128xf32, #tpu.memory_space<hbm>>
    %dma_wait3A_352 = arith.constant 0 : i32
    %dma_wait3A_353 = tpu.memref_slice %arg4[%arg0, %add3A_343, %dma_wait3A_352] : memref<2x10000x128xf32, #tpu.memory_space<hbm>> -> memref<1x80x128xf32, #tpu.memory_space<hbm>>
    %dma_wait3A_354 = tpu.memref_squeeze %dma_wait3A_353 : memref<1x80x128xf32, #tpu.memory_space<hbm>> -> memref<80x128xf32, #tpu.memory_space<hbm>>
    %dma_wait3A_355 = arith.constant 0 : i32
    %dma_wait3A_356 = arith.constant 0 : i32
    %dma_wait3A_357 = tpu.memref_slice %arg7[%dma_wait3A_344, %dma_wait3A_355, %dma_wait3A_356] : memref<2x80x128xf32, #tpu.memory_space<vmem>> -> memref<1x80x128xf32, #tpu.memory_space<vmem>>
    %dma_wait3A_358 = tpu.memref_squeeze %dma_wait3A_357 : memref<1x80x128xf32, #tpu.memory_space<vmem>> -> memref<80x128xf32, #tpu.memory_space<vmem>>
    tpu.wait_dma2 semaphore(%arg11 : memref<!tpu.dma_semaphore, #tpu.memory_space<semaphore_mem>>) src(%dma_wait3A_358 : memref<80x128xf32, #tpu.memory_space<vmem>>) dst(%dma_wait3A_354 : memref<80x128xf32, #tpu.memory_space<hbm>>)
    %add3A_359 = arith.constant 160 : i32
    %add3A_360 = arith.addi %min3A_3, %add3A_359 : i32
    %dma_start3A_361 = arith.constant 0 : i32
    %dma_start3A_362 = arith.constant 0 : i32
    %dma_start3A_363 = arith.constant 0 : i32
    %dma_start3A_364 = tpu.memref_slice %arg7[%dma_start3A_361, %dma_start3A_362, %dma_start3A_363] : memref<2x80x128xf32, #tpu.memory_space<vmem>> -> memref<1x80x128xf32, #tpu.memory_space<vmem>>
    %dma_start3A_365 = tpu.memref_squeeze %dma_start3A_364 : memref<1x80x128xf32, #tpu.memory_space<vmem>> -> memref<80x128xf32, #tpu.memory_space<vmem>>
    %dma_start3A_366 = arith.constant 0 : i32
    %dma_start3A_367 = tpu.memref_slice %arg8[%add3A_360, %dma_start3A_366] : memref<10000x128xf32, #tpu.memory_space<vmem_shared>> -> memref<80x128xf32, #tpu.memory_space<vmem_shared>>
    %dma_start3A_368 = arith.constant 0 : i32
    %dma_start3A_369 = arith.constant 0 : i32
    %dma_start3A_370 = tpu.memref_slice %arg7[%dma_start3A_361, %dma_start3A_368, %dma_start3A_369] : memref<2x80x128xf32, #tpu.memory_space<vmem>> -> memref<1x80x128xf32, #tpu.memory_space<vmem>>
    %dma_start3A_371 = tpu.memref_squeeze %dma_start3A_370 : memref<1x80x128xf32, #tpu.memory_space<vmem>> -> memref<80x128xf32, #tpu.memory_space<vmem>>
    %dma_start3A_372 = arith.constant 0 : i32
    %dma_start3A_373 = tpu.memref_slice %arg8[%add3A_360, %dma_start3A_372] : memref<10000x128xf32, #tpu.memory_space<vmem_shared>> -> memref<80x128xf32, #tpu.memory_space<vmem_shared>>
    tpu.enqueue_dma source(%dma_start3A_373 : memref<80x128xf32, #tpu.memory_space<vmem_shared>>) target(%dma_start3A_371 : memref<80x128xf32, #tpu.memory_space<vmem>>) target_semaphore(%arg9 : memref<!tpu.dma_semaphore, #tpu.memory_space<semaphore_mem>>)
    %add3A_374 = arith.constant 160 : i32
    %add3A_375 = arith.addi %min3A_3, %add3A_374 : i32
    %dma_wait3A_376 = arith.constant 0 : i32
    %dma_wait3A_377 = arith.constant 0 : i32
    %dma_wait3A_378 = arith.constant 0 : i32
    %dma_wait3A_379 = tpu.memref_slice %arg7[%dma_wait3A_376, %dma_wait3A_377, %dma_wait3A_378] : memref<2x80x128xf32, #tpu.memory_space<vmem>> -> memref<1x80x128xf32, #tpu.memory_space<vmem>>
    %dma_wait3A_380 = tpu.memref_squeeze %dma_wait3A_379 : memref<1x80x128xf32, #tpu.memory_space<vmem>> -> memref<80x128xf32, #tpu.memory_space<vmem>>
    %dma_wait3A_381 = arith.constant 0 : i32
    %dma_wait3A_382 = tpu.memref_slice %arg8[%add3A_375, %dma_wait3A_381] : memref<10000x128xf32, #tpu.memory_space<vmem_shared>> -> memref<80x128xf32, #tpu.memory_space<vmem_shared>>
    %dma_wait3A_383 = arith.constant 0 : i32
    %dma_wait3A_384 = arith.constant 0 : i32
    %dma_wait3A_385 = tpu.memref_slice %arg7[%dma_wait3A_376, %dma_wait3A_383, %dma_wait3A_384] : memref<2x80x128xf32, #tpu.memory_space<vmem>> -> memref<1x80x128xf32, #tpu.memory_space<vmem>>
    %dma_wait3A_386 = tpu.memref_squeeze %dma_wait3A_385 : memref<1x80x128xf32, #tpu.memory_space<vmem>> -> memref<80x128xf32, #tpu.memory_space<vmem>>
    %dma_wait3A_387 = arith.constant 0 : i32
    %dma_wait3A_388 = tpu.memref_slice %arg8[%add3A_375, %dma_wait3A_387] : memref<10000x128xf32, #tpu.memory_space<vmem_shared>> -> memref<80x128xf32, #tpu.memory_space<vmem_shared>>
    tpu.wait_dma2 semaphore(%arg9 : memref<!tpu.dma_semaphore, #tpu.memory_space<semaphore_mem>>) src(%dma_wait3A_388 : memref<80x128xf32, #tpu.memory_space<vmem_shared>>) dst(%dma_wait3A_386 : memref<80x128xf32, #tpu.memory_space<vmem>>)
    %add3A_389 = arith.constant 160 : i32
    %add3A_390 = arith.addi %min3A_3, %add3A_389 : i32
    %dma_start3A_391 = arith.constant 0 : i32
    %dma_start3A_392 = arith.constant 0 : i32
    %dma_start3A_393 = arith.constant 0 : i32
    %dma_start3A_394 = tpu.memref_slice %arg7[%dma_start3A_391, %dma_start3A_392, %dma_start3A_393] : memref<2x80x128xf32, #tpu.memory_space<vmem>> -> memref<1x80x128xf32, #tpu.memory_space<vmem>>
    %dma_start3A_395 = tpu.memref_squeeze %dma_start3A_394 : memref<1x80x128xf32, #tpu.memory_space<vmem>> -> memref<80x128xf32, #tpu.memory_space<vmem>>
    %dma_start3A_396 = arith.constant 0 : i32
    %dma_start3A_397 = tpu.memref_slice %arg4[%arg0, %add3A_390, %dma_start3A_396] : memref<2x10000x128xf32, #tpu.memory_space<hbm>> -> memref<1x80x128xf32, #tpu.memory_space<hbm>>
    %dma_start3A_398 = tpu.memref_squeeze %dma_start3A_397 : memref<1x80x128xf32, #tpu.memory_space<hbm>> -> memref<80x128xf32, #tpu.memory_space<hbm>>
    %dma_start3A_399 = arith.constant 0 : i32
    %dma_start3A_400 = tpu.memref_slice %arg4[%arg0, %add3A_390, %dma_start3A_399] : memref<2x10000x128xf32, #tpu.memory_space<hbm>> -> memref<1x80x128xf32, #tpu.memory_space<hbm>>
    %dma_start3A_401 = tpu.memref_squeeze %dma_start3A_400 : memref<1x80x128xf32, #tpu.memory_space<hbm>> -> memref<80x128xf32, #tpu.memory_space<hbm>>
    %dma_start3A_402 = arith.constant 0 : i32
    %dma_start3A_403 = arith.constant 0 : i32
    %dma_start3A_404 = tpu.memref_slice %arg7[%dma_start3A_391, %dma_start3A_402, %dma_start3A_403] : memref<2x80x128xf32, #tpu.memory_space<vmem>> -> memref<1x80x128xf32, #tpu.memory_space<vmem>>
    %dma_start3A_405 = tpu.memref_squeeze %dma_start3A_404 : memref<1x80x128xf32, #tpu.memory_space<vmem>> -> memref<80x128xf32, #tpu.memory_space<vmem>>
    tpu.enqueue_dma source(%dma_start3A_405 : memref<80x128xf32, #tpu.memory_space<vmem>>) target(%dma_start3A_401 : memref<80x128xf32, #tpu.memory_space<hbm>>) target_semaphore(%arg11 : memref<!tpu.dma_semaphore, #tpu.memory_space<semaphore_mem>>)
    %add3A_406 = arith.constant 80 : i32
    %add3A_407 = arith.addi %min3A_3, %add3A_406 : i32
    %dma_wait3A_408 = arith.constant 1 : i32
    %dma_wait3A_409 = arith.constant 0 : i32
    %dma_wait3A_410 = arith.constant 0 : i32
    %dma_wait3A_411 = tpu.memref_slice %arg7[%dma_wait3A_408, %dma_wait3A_409, %dma_wait3A_410] : memref<2x80x128xf32, #tpu.memory_space<vmem>> -> memref<1x80x128xf32, #tpu.memory_space<vmem>>
    %dma_wait3A_412 = tpu.memref_squeeze %dma_wait3A_411 : memref<1x80x128xf32, #tpu.memory_space<vmem>> -> memref<80x128xf32, #tpu.memory_space<vmem>>
    %dma_wait3A_413 = arith.constant 0 : i32
    %dma_wait3A_414 = tpu.memref_slice %arg4[%arg0, %add3A_407, %dma_wait3A_413] : memref<2x10000x128xf32, #tpu.memory_space<hbm>> -> memref<1x80x128xf32, #tpu.memory_space<hbm>>
    %dma_wait3A_415 = tpu.memref_squeeze %dma_wait3A_414 : memref<1x80x128xf32, #tpu.memory_space<hbm>> -> memref<80x128xf32, #tpu.memory_space<hbm>>
    %dma_wait3A_416 = arith.constant 0 : i32
    %dma_wait3A_417 = tpu.memref_slice %arg4[%arg0, %add3A_407, %dma_wait3A_416] : memref<2x10000x128xf32, #tpu.memory_space<hbm>> -> memref<1x80x128xf32, #tpu.memory_space<hbm>>
    %dma_wait3A_418 = tpu.memref_squeeze %dma_wait3A_417 : memref<1x80x128xf32, #tpu.memory_space<hbm>> -> memref<80x128xf32, #tpu.memory_space<hbm>>
    %dma_wait3A_419 = arith.constant 0 : i32
    %dma_wait3A_420 = arith.constant 0 : i32
    %dma_wait3A_421 = tpu.memref_slice %arg7[%dma_wait3A_408, %dma_wait3A_419, %dma_wait3A_420] : memref<2x80x128xf32, #tpu.memory_space<vmem>> -> memref<1x80x128xf32, #tpu.memory_space<vmem>>
    %dma_wait3A_422 = tpu.memref_squeeze %dma_wait3A_421 : memref<1x80x128xf32, #tpu.memory_space<vmem>> -> memref<80x128xf32, #tpu.memory_space<vmem>>
    tpu.wait_dma2 semaphore(%arg12 : memref<!tpu.dma_semaphore, #tpu.memory_space<semaphore_mem>>) src(%dma_wait3A_422 : memref<80x128xf32, #tpu.memory_space<vmem>>) dst(%dma_wait3A_418 : memref<80x128xf32, #tpu.memory_space<hbm>>)
    %add3A_423 = arith.constant 240 : i32
    %add3A_424 = arith.addi %min3A_3, %add3A_423 : i32
    %dma_start3A_425 = arith.constant 1 : i32
    %dma_start3A_426 = arith.constant 0 : i32
    %dma_start3A_427 = arith.constant 0 : i32
    %dma_start3A_428 = tpu.memref_slice %arg7[%dma_start3A_425, %dma_start3A_426, %dma_start3A_427] : memref<2x80x128xf32, #tpu.memory_space<vmem>> -> memref<1x80x128xf32, #tpu.memory_space<vmem>>
    %dma_start3A_429 = tpu.memref_squeeze %dma_start3A_428 : memref<1x80x128xf32, #tpu.memory_space<vmem>> -> memref<80x128xf32, #tpu.memory_space<vmem>>
    %dma_start3A_430 = arith.constant 0 : i32
    %dma_start3A_431 = tpu.memref_slice %arg8[%add3A_424, %dma_start3A_430] : memref<10000x128xf32, #tpu.memory_space<vmem_shared>> -> memref<80x128xf32, #tpu.memory_space<vmem_shared>>
    %dma_start3A_432 = arith.constant 0 : i32
    %dma_start3A_433 = arith.constant 0 : i32
    %dma_start3A_434 = tpu.memref_slice %arg7[%dma_start3A_425, %dma_start3A_432, %dma_start3A_433] : memref<2x80x128xf32, #tpu.memory_space<vmem>> -> memref<1x80x128xf32, #tpu.memory_space<vmem>>
    %dma_start3A_435 = tpu.memref_squeeze %dma_start3A_434 : memref<1x80x128xf32, #tpu.memory_space<vmem>> -> memref<80x128xf32, #tpu.memory_space<vmem>>
    %dma_start3A_436 = arith.constant 0 : i32
    %dma_start3A_437 = tpu.memref_slice %arg8[%add3A_424, %dma_start3A_436] : memref<10000x128xf32, #tpu.memory_space<vmem_shared>> -> memref<80x128xf32, #tpu.memory_space<vmem_shared>>
    tpu.enqueue_dma source(%dma_start3A_437 : memref<80x128xf32, #tpu.memory_space<vmem_shared>>) target(%dma_start3A_435 : memref<80x128xf32, #tpu.memory_space<vmem>>) target_semaphore(%arg10 : memref<!tpu.dma_semaphore, #tpu.memory_space<semaphore_mem>>)
    %add3A_438 = arith.constant 240 : i32
    %add3A_439 = arith.addi %min3A_3, %add3A_438 : i32
    %dma_wait3A_440 = arith.constant 1 : i32
    %dma_wait3A_441 = arith.constant 0 : i32
    %dma_wait3A_442 = arith.constant 0 : i32
    %dma_wait3A_443 = tpu.memref_slice %arg7[%dma_wait3A_440, %dma_wait3A_441, %dma_wait3A_442] : memref<2x80x128xf32, #tpu.memory_space<vmem>> -> memref<1x80x128xf32, #tpu.memory_space<vmem>>
    %dma_wait3A_444 = tpu.memref_squeeze %dma_wait3A_443 : memref<1x80x128xf32, #tpu.memory_space<vmem>> -> memref<80x128xf32, #tpu.memory_space<vmem>>
    %dma_wait3A_445 = arith.constant 0 : i32
    %dma_wait3A_446 = tpu.memref_slice %arg8[%add3A_439, %dma_wait3A_445] : memref<10000x128xf32, #tpu.memory_space<vmem_shared>> -> memref<80x128xf32, #tpu.memory_space<vmem_shared>>
    %dma_wait3A_447 = arith.constant 0 : i32
    %dma_wait3A_448 = arith.constant 0 : i32
    %dma_wait3A_449 = tpu.memref_slice %arg7[%dma_wait3A_440, %dma_wait3A_447, %dma_wait3A_448] : memref<2x80x128xf32, #tpu.memory_space<vmem>> -> memref<1x80x128xf32, #tpu.memory_space<vmem>>
    %dma_wait3A_450 = tpu.memref_squeeze %dma_wait3A_449 : memref<1x80x128xf32, #tpu.memory_space<vmem>> -> memref<80x128xf32, #tpu.memory_space<vmem>>
    %dma_wait3A_451 = arith.constant 0 : i32
    %dma_wait3A_452 = tpu.memref_slice %arg8[%add3A_439, %dma_wait3A_451] : memref<10000x128xf32, #tpu.memory_space<vmem_shared>> -> memref<80x128xf32, #tpu.memory_space<vmem_shared>>
    tpu.wait_dma2 semaphore(%arg10 : memref<!tpu.dma_semaphore, #tpu.memory_space<semaphore_mem>>) src(%dma_wait3A_452 : memref<80x128xf32, #tpu.memory_space<vmem_shared>>) dst(%dma_wait3A_450 : memref<80x128xf32, #tpu.memory_space<vmem>>)
    %add3A_453 = arith.constant 240 : i32
    %add3A_454 = arith.addi %min3A_3, %add3A_453 : i32
    %dma_start3A_455 = arith.constant 1 : i32
    %dma_start3A_456 = arith.constant 0 : i32
    %dma_start3A_457 = arith.constant 0 : i32
    %dma_start3A_458 = tpu.memref_slice %arg7[%dma_start3A_455, %dma_start3A_456, %dma_start3A_457] : memref<2x80x128xf32, #tpu.memory_space<vmem>> -> memref<1x80x128xf32, #tpu.memory_space<vmem>>
    %dma_start3A_459 = tpu.memref_squeeze %dma_start3A_458 : memref<1x80x128xf32, #tpu.memory_space<vmem>> -> memref<80x128xf32, #tpu.memory_space<vmem>>
    %dma_start3A_460 = arith.constant 0 : i32
    %dma_start3A_461 = tpu.memref_slice %arg4[%arg0, %add3A_454, %dma_start3A_460] : memref<2x10000x128xf32, #tpu.memory_space<hbm>> -> memref<1x80x128xf32, #tpu.memory_space<hbm>>
    %dma_start3A_462 = tpu.memref_squeeze %dma_start3A_461 : memref<1x80x128xf32, #tpu.memory_space<hbm>> -> memref<80x128xf32, #tpu.memory_space<hbm>>
    %dma_start3A_463 = arith.constant 0 : i32
    %dma_start3A_464 = tpu.memref_slice %arg4[%arg0, %add3A_454, %dma_start3A_463] : memref<2x10000x128xf32, #tpu.memory_space<hbm>> -> memref<1x80x128xf32, #tpu.memory_space<hbm>>
    %dma_start3A_465 = tpu.memref_squeeze %dma_start3A_464 : memref<1x80x128xf32, #tpu.memory_space<hbm>> -> memref<80x128xf32, #tpu.memory_space<hbm>>
    %dma_start3A_466 = arith.constant 0 : i32
    %dma_start3A_467 = arith.constant 0 : i32
    %dma_start3A_468 = tpu.memref_slice %arg7[%dma_start3A_455, %dma_start3A_466, %dma_start3A_467] : memref<2x80x128xf32, #tpu.memory_space<vmem>> -> memref<1x80x128xf32, #tpu.memory_space<vmem>>
    %dma_start3A_469 = tpu.memref_squeeze %dma_start3A_468 : memref<1x80x128xf32, #tpu.memory_space<vmem>> -> memref<80x128xf32, #tpu.memory_space<vmem>>
    tpu.enqueue_dma source(%dma_start3A_469 : memref<80x128xf32, #tpu.memory_space<vmem>>) target(%dma_start3A_465 : memref<80x128xf32, #tpu.memory_space<hbm>>) target_semaphore(%arg12 : memref<!tpu.dma_semaphore, #tpu.memory_space<semaphore_mem>>)
    %add3A_470 = arith.constant 160 : i32
    %add3A_471 = arith.addi %min3A_3, %add3A_470 : i32
    %dma_wait3A_472 = arith.constant 0 : i32
    %dma_wait3A_473 = arith.constant 0 : i32
    %dma_wait3A_474 = arith.constant 0 : i32
    %dma_wait3A_475 = tpu.memref_slice %arg7[%dma_wait3A_472, %dma_wait3A_473, %dma_wait3A_474] : memref<2x80x128xf32, #tpu.memory_space<vmem>> -> memref<1x80x128xf32, #tpu.memory_space<vmem>>
    %dma_wait3A_476 = tpu.memref_squeeze %dma_wait3A_475 : memref<1x80x128xf32, #tpu.memory_space<vmem>> -> memref<80x128xf32, #tpu.memory_space<vmem>>
    %dma_wait3A_477 = arith.constant 0 : i32
    %dma_wait3A_478 = tpu.memref_slice %arg4[%arg0, %add3A_471, %dma_wait3A_477] : memref<2x10000x128xf32, #tpu.memory_space<hbm>> -> memref<1x80x128xf32, #tpu.memory_space<hbm>>
    %dma_wait3A_479 = tpu.memref_squeeze %dma_wait3A_478 : memref<1x80x128xf32, #tpu.memory_space<hbm>> -> memref<80x128xf32, #tpu.memory_space<hbm>>
    %dma_wait3A_480 = arith.constant 0 : i32
    %dma_wait3A_481 = tpu.memref_slice %arg4[%arg0, %add3A_471, %dma_wait3A_480] : memref<2x10000x128xf32, #tpu.memory_space<hbm>> -> memref<1x80x128xf32, #tpu.memory_space<hbm>>
    %dma_wait3A_482 = tpu.memref_squeeze %dma_wait3A_481 : memref<1x80x128xf32, #tpu.memory_space<hbm>> -> memref<80x128xf32, #tpu.memory_space<hbm>>
    %dma_wait3A_483 = arith.constant 0 : i32
    %dma_wait3A_484 = arith.constant 0 : i32
    %dma_wait3A_485 = tpu.memref_slice %arg7[%dma_wait3A_472, %dma_wait3A_483, %dma_wait3A_484] : memref<2x80x128xf32, #tpu.memory_space<vmem>> -> memref<1x80x128xf32, #tpu.memory_space<vmem>>
    %dma_wait3A_486 = tpu.memref_squeeze %dma_wait3A_485 : memref<1x80x128xf32, #tpu.memory_space<vmem>> -> memref<80x128xf32, #tpu.memory_space<vmem>>
    tpu.wait_dma2 semaphore(%arg11 : memref<!tpu.dma_semaphore, #tpu.memory_space<semaphore_mem>>) src(%dma_wait3A_486 : memref<80x128xf32, #tpu.memory_space<vmem>>) dst(%dma_wait3A_482 : memref<80x128xf32, #tpu.memory_space<hbm>>)
    %add3A_487 = arith.constant 320 : i32
    %add3A_488 = arith.addi %min3A_3, %add3A_487 : i32
    %dma_start3A_489 = arith.constant 0 : i32
    %dma_start3A_490 = arith.constant 0 : i32
    %dma_start3A_491 = arith.constant 0 : i32
    %dma_start3A_492 = tpu.memref_slice %arg7[%dma_start3A_489, %dma_start3A_490, %dma_start3A_491] : memref<2x80x128xf32, #tpu.memory_space<vmem>> -> memref<1x80x128xf32, #tpu.memory_space<vmem>>
    %dma_start3A_493 = tpu.memref_squeeze %dma_start3A_492 : memref<1x80x128xf32, #tpu.memory_space<vmem>> -> memref<80x128xf32, #tpu.memory_space<vmem>>
    %dma_start3A_494 = arith.constant 0 : i32
    %dma_start3A_495 = tpu.memref_slice %arg8[%add3A_488, %dma_start3A_494] : memref<10000x128xf32, #tpu.memory_space<vmem_shared>> -> memref<80x128xf32, #tpu.memory_space<vmem_shared>>
    %dma_start3A_496 = arith.constant 0 : i32
    %dma_start3A_497 = arith.constant 0 : i32
    %dma_start3A_498 = tpu.memref_slice %arg7[%dma_start3A_489, %dma_start3A_496, %dma_start3A_497] : memref<2x80x128xf32, #tpu.memory_space<vmem>> -> memref<1x80x128xf32, #tpu.memory_space<vmem>>
    %dma_start3A_499 = tpu.memref_squeeze %dma_start3A_498 : memref<1x80x128xf32, #tpu.memory_space<vmem>> -> memref<80x128xf32, #tpu.memory_space<vmem>>
    %dma_start3A_500 = arith.constant 0 : i32
    %dma_start3A_501 = tpu.memref_slice %arg8[%add3A_488, %dma_start3A_500] : memref<10000x128xf32, #tpu.memory_space<vmem_shared>> -> memref<80x128xf32, #tpu.memory_space<vmem_shared>>
    tpu.enqueue_dma source(%dma_start3A_501 : memref<80x128xf32, #tpu.memory_space<vmem_shared>>) target(%dma_start3A_499 : memref<80x128xf32, #tpu.memory_space<vmem>>) target_semaphore(%arg9 : memref<!tpu.dma_semaphore, #tpu.memory_space<semaphore_mem>>)
    %add3A_502 = arith.constant 320 : i32
    %add3A_503 = arith.addi %min3A_3, %add3A_502 : i32
    %dma_wait3A_504 = arith.constant 0 : i32
    %dma_wait3A_505 = arith.constant 0 : i32
    %dma_wait3A_506 = arith.constant 0 : i32
    %dma_wait3A_507 = tpu.memref_slice %arg7[%dma_wait3A_504, %dma_wait3A_505, %dma_wait3A_506] : memref<2x80x128xf32, #tpu.memory_space<vmem>> -> memref<1x80x128xf32, #tpu.memory_space<vmem>>
    %dma_wait3A_508 = tpu.memref_squeeze %dma_wait3A_507 : memref<1x80x128xf32, #tpu.memory_space<vmem>> -> memref<80x128xf32, #tpu.memory_space<vmem>>
    %dma_wait3A_509 = arith.constant 0 : i32
    %dma_wait3A_510 = tpu.memref_slice %arg8[%add3A_503, %dma_wait3A_509] : memref<10000x128xf32, #tpu.memory_space<vmem_shared>> -> memref<80x128xf32, #tpu.memory_space<vmem_shared>>
    %dma_wait3A_511 = arith.constant 0 : i32
    %dma_wait3A_512 = arith.constant 0 : i32
    %dma_wait3A_513 = tpu.memref_slice %arg7[%dma_wait3A_504, %dma_wait3A_511, %dma_wait3A_512] : memref<2x80x128xf32, #tpu.memory_space<vmem>> -> memref<1x80x128xf32, #tpu.memory_space<vmem>>
    %dma_wait3A_514 = tpu.memref_squeeze %dma_wait3A_513 : memref<1x80x128xf32, #tpu.memory_space<vmem>> -> memref<80x128xf32, #tpu.memory_space<vmem>>
    %dma_wait3A_515 = arith.constant 0 : i32
    %dma_wait3A_516 = tpu.memref_slice %arg8[%add3A_503, %dma_wait3A_515] : memref<10000x128xf32, #tpu.memory_space<vmem_shared>> -> memref<80x128xf32, #tpu.memory_space<vmem_shared>>
    tpu.wait_dma2 semaphore(%arg9 : memref<!tpu.dma_semaphore, #tpu.memory_space<semaphore_mem>>) src(%dma_wait3A_516 : memref<80x128xf32, #tpu.memory_space<vmem_shared>>) dst(%dma_wait3A_514 : memref<80x128xf32, #tpu.memory_space<vmem>>)
    %add3A_517 = arith.constant 320 : i32
    %add3A_518 = arith.addi %min3A_3, %add3A_517 : i32
    %dma_start3A_519 = arith.constant 0 : i32
    %dma_start3A_520 = arith.constant 0 : i32
    %dma_start3A_521 = arith.constant 0 : i32
    %dma_start3A_522 = tpu.memref_slice %arg7[%dma_start3A_519, %dma_start3A_520, %dma_start3A_521] : memref<2x80x128xf32, #tpu.memory_space<vmem>> -> memref<1x80x128xf32, #tpu.memory_space<vmem>>
    %dma_start3A_523 = tpu.memref_squeeze %dma_start3A_522 : memref<1x80x128xf32, #tpu.memory_space<vmem>> -> memref<80x128xf32, #tpu.memory_space<vmem>>
    %dma_start3A_524 = arith.constant 0 : i32
    %dma_start3A_525 = tpu.memref_slice %arg4[%arg0, %add3A_518, %dma_start3A_524] : memref<2x10000x128xf32, #tpu.memory_space<hbm>> -> memref<1x80x128xf32, #tpu.memory_space<hbm>>
    %dma_start3A_526 = tpu.memref_squeeze %dma_start3A_525 : memref<1x80x128xf32, #tpu.memory_space<hbm>> -> memref<80x128xf32, #tpu.memory_space<hbm>>
    %dma_start3A_527 = arith.constant 0 : i32
    %dma_start3A_528 = tpu.memref_slice %arg4[%arg0, %add3A_518, %dma_start3A_527] : memref<2x10000x128xf32, #tpu.memory_space<hbm>> -> memref<1x80x128xf32, #tpu.memory_space<hbm>>
    %dma_start3A_529 = tpu.memref_squeeze %dma_start3A_528 : memref<1x80x128xf32, #tpu.memory_space<hbm>> -> memref<80x128xf32, #tpu.memory_space<hbm>>
    %dma_start3A_530 = arith.constant 0 : i32
    %dma_start3A_531 = arith.constant 0 : i32
    %dma_start3A_532 = tpu.memref_slice %arg7[%dma_start3A_519, %dma_start3A_530, %dma_start3A_531] : memref<2x80x128xf32, #tpu.memory_space<vmem>> -> memref<1x80x128xf32, #tpu.memory_space<vmem>>
    %dma_start3A_533 = tpu.memref_squeeze %dma_start3A_532 : memref<1x80x128xf32, #tpu.memory_space<vmem>> -> memref<80x128xf32, #tpu.memory_space<vmem>>
    tpu.enqueue_dma source(%dma_start3A_533 : memref<80x128xf32, #tpu.memory_space<vmem>>) target(%dma_start3A_529 : memref<80x128xf32, #tpu.memory_space<hbm>>) target_semaphore(%arg11 : memref<!tpu.dma_semaphore, #tpu.memory_space<semaphore_mem>>)
    %add3A_534 = arith.constant 240 : i32
    %add3A_535 = arith.addi %min3A_3, %add3A_534 : i32
    %dma_wait3A_536 = arith.constant 1 : i32
    %dma_wait3A_537 = arith.constant 0 : i32
    %dma_wait3A_538 = arith.constant 0 : i32
    %dma_wait3A_539 = tpu.memref_slice %arg7[%dma_wait3A_536, %dma_wait3A_537, %dma_wait3A_538] : memref<2x80x128xf32, #tpu.memory_space<vmem>> -> memref<1x80x128xf32, #tpu.memory_space<vmem>>
    %dma_wait3A_540 = tpu.memref_squeeze %dma_wait3A_539 : memref<1x80x128xf32, #tpu.memory_space<vmem>> -> memref<80x128xf32, #tpu.memory_space<vmem>>
    %dma_wait3A_541 = arith.constant 0 : i32
    %dma_wait3A_542 = tpu.memref_slice %arg4[%arg0, %add3A_535, %dma_wait3A_541] : memref<2x10000x128xf32, #tpu.memory_space<hbm>> -> memref<1x80x128xf32, #tpu.memory_space<hbm>>
    %dma_wait3A_543 = tpu.memref_squeeze %dma_wait3A_542 : memref<1x80x128xf32, #tpu.memory_space<hbm>> -> memref<80x128xf32, #tpu.memory_space<hbm>>
    %dma_wait3A_544 = arith.constant 0 : i32
    %dma_wait3A_545 = tpu.memref_slice %arg4[%arg0, %add3A_535, %dma_wait3A_544] : memref<2x10000x128xf32, #tpu.memory_space<hbm>> -> memref<1x80x128xf32, #tpu.memory_space<hbm>>
    %dma_wait3A_546 = tpu.memref_squeeze %dma_wait3A_545 : memref<1x80x128xf32, #tpu.memory_space<hbm>> -> memref<80x128xf32, #tpu.memory_space<hbm>>
    %dma_wait3A_547 = arith.constant 0 : i32
    %dma_wait3A_548 = arith.constant 0 : i32
    %dma_wait3A_549 = tpu.memref_slice %arg7[%dma_wait3A_536, %dma_wait3A_547, %dma_wait3A_548] : memref<2x80x128xf32, #tpu.memory_space<vmem>> -> memref<1x80x128xf32, #tpu.memory_space<vmem>>
    %dma_wait3A_550 = tpu.memref_squeeze %dma_wait3A_549 : memref<1x80x128xf32, #tpu.memory_space<vmem>> -> memref<80x128xf32, #tpu.memory_space<vmem>>
    tpu.wait_dma2 semaphore(%arg12 : memref<!tpu.dma_semaphore, #tpu.memory_space<semaphore_mem>>) src(%dma_wait3A_550 : memref<80x128xf32, #tpu.memory_space<vmem>>) dst(%dma_wait3A_546 : memref<80x128xf32, #tpu.memory_space<hbm>>)
    %add3A_551 = arith.constant 400 : i32
    %add3A_552 = arith.addi %min3A_3, %add3A_551 : i32
    %dma_start3A_553 = arith.constant 1 : i32
    %dma_start3A_554 = arith.constant 0 : i32
    %dma_start3A_555 = arith.constant 0 : i32
    %dma_start3A_556 = tpu.memref_slice %arg7[%dma_start3A_553, %dma_start3A_554, %dma_start3A_555] : memref<2x80x128xf32, #tpu.memory_space<vmem>> -> memref<1x80x128xf32, #tpu.memory_space<vmem>>
    %dma_start3A_557 = tpu.memref_squeeze %dma_start3A_556 : memref<1x80x128xf32, #tpu.memory_space<vmem>> -> memref<80x128xf32, #tpu.memory_space<vmem>>
    %dma_start3A_558 = arith.constant 0 : i32
    %dma_start3A_559 = tpu.memref_slice %arg8[%add3A_552, %dma_start3A_558] : memref<10000x128xf32, #tpu.memory_space<vmem_shared>> -> memref<80x128xf32, #tpu.memory_space<vmem_shared>>
    %dma_start3A_560 = arith.constant 0 : i32
    %dma_start3A_561 = arith.constant 0 : i32
    %dma_start3A_562 = tpu.memref_slice %arg7[%dma_start3A_553, %dma_start3A_560, %dma_start3A_561] : memref<2x80x128xf32, #tpu.memory_space<vmem>> -> memref<1x80x128xf32, #tpu.memory_space<vmem>>
    %dma_start3A_563 = tpu.memref_squeeze %dma_start3A_562 : memref<1x80x128xf32, #tpu.memory_space<vmem>> -> memref<80x128xf32, #tpu.memory_space<vmem>>
    %dma_start3A_564 = arith.constant 0 : i32
    %dma_start3A_565 = tpu.memref_slice %arg8[%add3A_552, %dma_start3A_564] : memref<10000x128xf32, #tpu.memory_space<vmem_shared>> -> memref<80x128xf32, #tpu.memory_space<vmem_shared>>
    tpu.enqueue_dma source(%dma_start3A_565 : memref<80x128xf32, #tpu.memory_space<vmem_shared>>) target(%dma_start3A_563 : memref<80x128xf32, #tpu.memory_space<vmem>>) target_semaphore(%arg10 : memref<!tpu.dma_semaphore, #tpu.memory_space<semaphore_mem>>)
    %add3A_566 = arith.constant 400 : i32
    %add3A_567 = arith.addi %min3A_3, %add3A_566 : i32
    %dma_wait3A_568 = arith.constant 1 : i32
    %dma_wait3A_569 = arith.constant 0 : i32
    %dma_wait3A_570 = arith.constant 0 : i32
    %dma_wait3A_571 = tpu.memref_slice %arg7[%dma_wait3A_568, %dma_wait3A_569, %dma_wait3A_570] : memref<2x80x128xf32, #tpu.memory_space<vmem>> -> memref<1x80x128xf32, #tpu.memory_space<vmem>>
    %dma_wait3A_572 = tpu.memref_squeeze %dma_wait3A_571 : memref<1x80x128xf32, #tpu.memory_space<vmem>> -> memref<80x128xf32, #tpu.memory_space<vmem>>
    %dma_wait3A_573 = arith.constant 0 : i32
    %dma_wait3A_574 = tpu.memref_slice %arg8[%add3A_567, %dma_wait3A_573] : memref<10000x128xf32, #tpu.memory_space<vmem_shared>> -> memref<80x128xf32, #tpu.memory_space<vmem_shared>>
    %dma_wait3A_575 = arith.constant 0 : i32
    %dma_wait3A_576 = arith.constant 0 : i32
    %dma_wait3A_577 = tpu.memref_slice %arg7[%dma_wait3A_568, %dma_wait3A_575, %dma_wait3A_576] : memref<2x80x128xf32, #tpu.memory_space<vmem>> -> memref<1x80x128xf32, #tpu.memory_space<vmem>>
    %dma_wait3A_578 = tpu.memref_squeeze %dma_wait3A_577 : memref<1x80x128xf32, #tpu.memory_space<vmem>> -> memref<80x128xf32, #tpu.memory_space<vmem>>
    %dma_wait3A_579 = arith.constant 0 : i32
    %dma_wait3A_580 = tpu.memref_slice %arg8[%add3A_567, %dma_wait3A_579] : memref<10000x128xf32, #tpu.memory_space<vmem_shared>> -> memref<80x128xf32, #tpu.memory_space<vmem_shared>>
    tpu.wait_dma2 semaphore(%arg10 : memref<!tpu.dma_semaphore, #tpu.memory_space<semaphore_mem>>) src(%dma_wait3A_580 : memref<80x128xf32, #tpu.memory_space<vmem_shared>>) dst(%dma_wait3A_578 : memref<80x128xf32, #tpu.memory_space<vmem>>)
    %add3A_581 = arith.constant 400 : i32
    %add3A_582 = arith.addi %min3A_3, %add3A_581 : i32
    %dma_start3A_583 = arith.constant 1 : i32
    %dma_start3A_584 = arith.constant 0 : i32
    %dma_start3A_585 = arith.constant 0 : i32
    %dma_start3A_586 = tpu.memref_slice %arg7[%dma_start3A_583, %dma_start3A_584, %dma_start3A_585] : memref<2x80x128xf32, #tpu.memory_space<vmem>> -> memref<1x80x128xf32, #tpu.memory_space<vmem>>
    %dma_start3A_587 = tpu.memref_squeeze %dma_start3A_586 : memref<1x80x128xf32, #tpu.memory_space<vmem>> -> memref<80x128xf32, #tpu.memory_space<vmem>>
    %dma_start3A_588 = arith.constant 0 : i32
    %dma_start3A_589 = tpu.memref_slice %arg4[%arg0, %add3A_582, %dma_start3A_588] : memref<2x10000x128xf32, #tpu.memory_space<hbm>> -> memref<1x80x128xf32, #tpu.memory_space<hbm>>
    %dma_start3A_590 = tpu.memref_squeeze %dma_start3A_589 : memref<1x80x128xf32, #tpu.memory_space<hbm>> -> memref<80x128xf32, #tpu.memory_space<hbm>>
    %dma_start3A_591 = arith.constant 0 : i32
    %dma_start3A_592 = tpu.memref_slice %arg4[%arg0, %add3A_582, %dma_start3A_591] : memref<2x10000x128xf32, #tpu.memory_space<hbm>> -> memref<1x80x128xf32, #tpu.memory_space<hbm>>
    %dma_start3A_593 = tpu.memref_squeeze %dma_start3A_592 : memref<1x80x128xf32, #tpu.memory_space<hbm>> -> memref<80x128xf32, #tpu.memory_space<hbm>>
    %dma_start3A_594 = arith.constant 0 : i32
    %dma_start3A_595 = arith.constant 0 : i32
    %dma_start3A_596 = tpu.memref_slice %arg7[%dma_start3A_583, %dma_start3A_594, %dma_start3A_595] : memref<2x80x128xf32, #tpu.memory_space<vmem>> -> memref<1x80x128xf32, #tpu.memory_space<vmem>>
    %dma_start3A_597 = tpu.memref_squeeze %dma_start3A_596 : memref<1x80x128xf32, #tpu.memory_space<vmem>> -> memref<80x128xf32, #tpu.memory_space<vmem>>
    tpu.enqueue_dma source(%dma_start3A_597 : memref<80x128xf32, #tpu.memory_space<vmem>>) target(%dma_start3A_593 : memref<80x128xf32, #tpu.memory_space<hbm>>) target_semaphore(%arg12 : memref<!tpu.dma_semaphore, #tpu.memory_space<semaphore_mem>>)
    %add3A_598 = arith.constant 320 : i32
    %add3A_599 = arith.addi %min3A_3, %add3A_598 : i32
    %dma_wait3A_600 = arith.constant 0 : i32
    %dma_wait3A_601 = arith.constant 0 : i32
    %dma_wait3A_602 = arith.constant 0 : i32
    %dma_wait3A_603 = tpu.memref_slice %arg7[%dma_wait3A_600, %dma_wait3A_601, %dma_wait3A_602] : memref<2x80x128xf32, #tpu.memory_space<vmem>> -> memref<1x80x128xf32, #tpu.memory_space<vmem>>
    %dma_wait3A_604 = tpu.memref_squeeze %dma_wait3A_603 : memref<1x80x128xf32, #tpu.memory_space<vmem>> -> memref<80x128xf32, #tpu.memory_space<vmem>>
    %dma_wait3A_605 = arith.constant 0 : i32
    %dma_wait3A_606 = tpu.memref_slice %arg4[%arg0, %add3A_599, %dma_wait3A_605] : memref<2x10000x128xf32, #tpu.memory_space<hbm>> -> memref<1x80x128xf32, #tpu.memory_space<hbm>>
    %dma_wait3A_607 = tpu.memref_squeeze %dma_wait3A_606 : memref<1x80x128xf32, #tpu.memory_space<hbm>> -> memref<80x128xf32, #tpu.memory_space<hbm>>
    %dma_wait3A_608 = arith.constant 0 : i32
    %dma_wait3A_609 = tpu.memref_slice %arg4[%arg0, %add3A_599, %dma_wait3A_608] : memref<2x10000x128xf32, #tpu.memory_space<hbm>> -> memref<1x80x128xf32, #tpu.memory_space<hbm>>
    %dma_wait3A_610 = tpu.memref_squeeze %dma_wait3A_609 : memref<1x80x128xf32, #tpu.memory_space<hbm>> -> memref<80x128xf32, #tpu.memory_space<hbm>>
    %dma_wait3A_611 = arith.constant 0 : i32
    %dma_wait3A_612 = arith.constant 0 : i32
    %dma_wait3A_613 = tpu.memref_slice %arg7[%dma_wait3A_600, %dma_wait3A_611, %dma_wait3A_612] : memref<2x80x128xf32, #tpu.memory_space<vmem>> -> memref<1x80x128xf32, #tpu.memory_space<vmem>>
    %dma_wait3A_614 = tpu.memref_squeeze %dma_wait3A_613 : memref<1x80x128xf32, #tpu.memory_space<vmem>> -> memref<80x128xf32, #tpu.memory_space<vmem>>
    tpu.wait_dma2 semaphore(%arg11 : memref<!tpu.dma_semaphore, #tpu.memory_space<semaphore_mem>>) src(%dma_wait3A_614 : memref<80x128xf32, #tpu.memory_space<vmem>>) dst(%dma_wait3A_610 : memref<80x128xf32, #tpu.memory_space<hbm>>)
    %add3A_615 = arith.constant 480 : i32
    %add3A_616 = arith.addi %min3A_3, %add3A_615 : i32
    %dma_start3A_617 = arith.constant 0 : i32
    %dma_start3A_618 = arith.constant 0 : i32
    %dma_start3A_619 = arith.constant 0 : i32
    %dma_start3A_620 = tpu.memref_slice %arg7[%dma_start3A_617, %dma_start3A_618, %dma_start3A_619] : memref<2x80x128xf32, #tpu.memory_space<vmem>> -> memref<1x80x128xf32, #tpu.memory_space<vmem>>
    %dma_start3A_621 = tpu.memref_squeeze %dma_start3A_620 : memref<1x80x128xf32, #tpu.memory_space<vmem>> -> memref<80x128xf32, #tpu.memory_space<vmem>>
    %dma_start3A_622 = arith.constant 0 : i32
    %dma_start3A_623 = tpu.memref_slice %arg8[%add3A_616, %dma_start3A_622] : memref<10000x128xf32, #tpu.memory_space<vmem_shared>> -> memref<80x128xf32, #tpu.memory_space<vmem_shared>>
    %dma_start3A_624 = arith.constant 0 : i32
    %dma_start3A_625 = arith.constant 0 : i32
    %dma_start3A_626 = tpu.memref_slice %arg7[%dma_start3A_617, %dma_start3A_624, %dma_start3A_625] : memref<2x80x128xf32, #tpu.memory_space<vmem>> -> memref<1x80x128xf32, #tpu.memory_space<vmem>>
    %dma_start3A_627 = tpu.memref_squeeze %dma_start3A_626 : memref<1x80x128xf32, #tpu.memory_space<vmem>> -> memref<80x128xf32, #tpu.memory_space<vmem>>
    %dma_start3A_628 = arith.constant 0 : i32
    %dma_start3A_629 = tpu.memref_slice %arg8[%add3A_616, %dma_start3A_628] : memref<10000x128xf32, #tpu.memory_space<vmem_shared>> -> memref<80x128xf32, #tpu.memory_space<vmem_shared>>
    tpu.enqueue_dma source(%dma_start3A_629 : memref<80x128xf32, #tpu.memory_space<vmem_shared>>) target(%dma_start3A_627 : memref<80x128xf32, #tpu.memory_space<vmem>>) target_semaphore(%arg9 : memref<!tpu.dma_semaphore, #tpu.memory_space<semaphore_mem>>)
    %add3A_630 = arith.constant 480 : i32
    %add3A_631 = arith.addi %min3A_3, %add3A_630 : i32
    %dma_wait3A_632 = arith.constant 0 : i32
    %dma_wait3A_633 = arith.constant 0 : i32
    %dma_wait3A_634 = arith.constant 0 : i32
    %dma_wait3A_635 = tpu.memref_slice %arg7[%dma_wait3A_632, %dma_wait3A_633, %dma_wait3A_634] : memref<2x80x128xf32, #tpu.memory_space<vmem>> -> memref<1x80x128xf32, #tpu.memory_space<vmem>>
    %dma_wait3A_636 = tpu.memref_squeeze %dma_wait3A_635 : memref<1x80x128xf32, #tpu.memory_space<vmem>> -> memref<80x128xf32, #tpu.memory_space<vmem>>
    %dma_wait3A_637 = arith.constant 0 : i32
    %dma_wait3A_638 = tpu.memref_slice %arg8[%add3A_631, %dma_wait3A_637] : memref<10000x128xf32, #tpu.memory_space<vmem_shared>> -> memref<80x128xf32, #tpu.memory_space<vmem_shared>>
    %dma_wait3A_639 = arith.constant 0 : i32
    %dma_wait3A_640 = arith.constant 0 : i32
    %dma_wait3A_641 = tpu.memref_slice %arg7[%dma_wait3A_632, %dma_wait3A_639, %dma_wait3A_640] : memref<2x80x128xf32, #tpu.memory_space<vmem>> -> memref<1x80x128xf32, #tpu.memory_space<vmem>>
    %dma_wait3A_642 = tpu.memref_squeeze %dma_wait3A_641 : memref<1x80x128xf32, #tpu.memory_space<vmem>> -> memref<80x128xf32, #tpu.memory_space<vmem>>
    %dma_wait3A_643 = arith.constant 0 : i32
    %dma_wait3A_644 = tpu.memref_slice %arg8[%add3A_631, %dma_wait3A_643] : memref<10000x128xf32, #tpu.memory_space<vmem_shared>> -> memref<80x128xf32, #tpu.memory_space<vmem_shared>>
    tpu.wait_dma2 semaphore(%arg9 : memref<!tpu.dma_semaphore, #tpu.memory_space<semaphore_mem>>) src(%dma_wait3A_644 : memref<80x128xf32, #tpu.memory_space<vmem_shared>>) dst(%dma_wait3A_642 : memref<80x128xf32, #tpu.memory_space<vmem>>)
    %add3A_645 = arith.constant 480 : i32
    %add3A_646 = arith.addi %min3A_3, %add3A_645 : i32
    %dma_start3A_647 = arith.constant 0 : i32
    %dma_start3A_648 = arith.constant 0 : i32
    %dma_start3A_649 = arith.constant 0 : i32
    %dma_start3A_650 = tpu.memref_slice %arg7[%dma_start3A_647, %dma_start3A_648, %dma_start3A_649] : memref<2x80x128xf32, #tpu.memory_space<vmem>> -> memref<1x80x128xf32, #tpu.memory_space<vmem>>
    %dma_start3A_651 = tpu.memref_squeeze %dma_start3A_650 : memref<1x80x128xf32, #tpu.memory_space<vmem>> -> memref<80x128xf32, #tpu.memory_space<vmem>>
    %dma_start3A_652 = arith.constant 0 : i32
    %dma_start3A_653 = tpu.memref_slice %arg4[%arg0, %add3A_646, %dma_start3A_652] : memref<2x10000x128xf32, #tpu.memory_space<hbm>> -> memref<1x80x128xf32, #tpu.memory_space<hbm>>
    %dma_start3A_654 = tpu.memref_squeeze %dma_start3A_653 : memref<1x80x128xf32, #tpu.memory_space<hbm>> -> memref<80x128xf32, #tpu.memory_space<hbm>>
    %dma_start3A_655 = arith.constant 0 : i32
    %dma_start3A_656 = tpu.memref_slice %arg4[%arg0, %add3A_646, %dma_start3A_655] : memref<2x10000x128xf32, #tpu.memory_space<hbm>> -> memref<1x80x128xf32, #tpu.memory_space<hbm>>
    %dma_start3A_657 = tpu.memref_squeeze %dma_start3A_656 : memref<1x80x128xf32, #tpu.memory_space<hbm>> -> memref<80x128xf32, #tpu.memory_space<hbm>>
    %dma_start3A_658 = arith.constant 0 : i32
    %dma_start3A_659 = arith.constant 0 : i32
    %dma_start3A_660 = tpu.memref_slice %arg7[%dma_start3A_647, %dma_start3A_658, %dma_start3A_659] : memref<2x80x128xf32, #tpu.memory_space<vmem>> -> memref<1x80x128xf32, #tpu.memory_space<vmem>>
    %dma_start3A_661 = tpu.memref_squeeze %dma_start3A_660 : memref<1x80x128xf32, #tpu.memory_space<vmem>> -> memref<80x128xf32, #tpu.memory_space<vmem>>
    tpu.enqueue_dma source(%dma_start3A_661 : memref<80x128xf32, #tpu.memory_space<vmem>>) target(%dma_start3A_657 : memref<80x128xf32, #tpu.memory_space<hbm>>) target_semaphore(%arg11 : memref<!tpu.dma_semaphore, #tpu.memory_space<semaphore_mem>>)
    %add3A_662 = arith.constant 400 : i32
    %add3A_663 = arith.addi %min3A_3, %add3A_662 : i32
    %dma_wait3A_664 = arith.constant 1 : i32
    %dma_wait3A_665 = arith.constant 0 : i32
    %dma_wait3A_666 = arith.constant 0 : i32
    %dma_wait3A_667 = tpu.memref_slice %arg7[%dma_wait3A_664, %dma_wait3A_665, %dma_wait3A_666] : memref<2x80x128xf32, #tpu.memory_space<vmem>> -> memref<1x80x128xf32, #tpu.memory_space<vmem>>
    %dma_wait3A_668 = tpu.memref_squeeze %dma_wait3A_667 : memref<1x80x128xf32, #tpu.memory_space<vmem>> -> memref<80x128xf32, #tpu.memory_space<vmem>>
    %dma_wait3A_669 = arith.constant 0 : i32
    %dma_wait3A_670 = tpu.memref_slice %arg4[%arg0, %add3A_663, %dma_wait3A_669] : memref<2x10000x128xf32, #tpu.memory_space<hbm>> -> memref<1x80x128xf32, #tpu.memory_space<hbm>>
    %dma_wait3A_671 = tpu.memref_squeeze %dma_wait3A_670 : memref<1x80x128xf32, #tpu.memory_space<hbm>> -> memref<80x128xf32, #tpu.memory_space<hbm>>
    %dma_wait3A_672 = arith.constant 0 : i32
    %dma_wait3A_673 = tpu.memref_slice %arg4[%arg0, %add3A_663, %dma_wait3A_672] : memref<2x10000x128xf32, #tpu.memory_space<hbm>> -> memref<1x80x128xf32, #tpu.memory_space<hbm>>
    %dma_wait3A_674 = tpu.memref_squeeze %dma_wait3A_673 : memref<1x80x128xf32, #tpu.memory_space<hbm>> -> memref<80x128xf32, #tpu.memory_space<hbm>>
    %dma_wait3A_675 = arith.constant 0 : i32
    %dma_wait3A_676 = arith.constant 0 : i32
    %dma_wait3A_677 = tpu.memref_slice %arg7[%dma_wait3A_664, %dma_wait3A_675, %dma_wait3A_676] : memref<2x80x128xf32, #tpu.memory_space<vmem>> -> memref<1x80x128xf32, #tpu.memory_space<vmem>>
    %dma_wait3A_678 = tpu.memref_squeeze %dma_wait3A_677 : memref<1x80x128xf32, #tpu.memory_space<vmem>> -> memref<80x128xf32, #tpu.memory_space<vmem>>
    tpu.wait_dma2 semaphore(%arg12 : memref<!tpu.dma_semaphore, #tpu.memory_space<semaphore_mem>>) src(%dma_wait3A_678 : memref<80x128xf32, #tpu.memory_space<vmem>>) dst(%dma_wait3A_674 : memref<80x128xf32, #tpu.memory_space<hbm>>)
    %add3A_679 = arith.constant 560 : i32
    %add3A_680 = arith.addi %min3A_3, %add3A_679 : i32
    %dma_start3A_681 = arith.constant 1 : i32
    %dma_start3A_682 = arith.constant 0 : i32
    %dma_start3A_683 = arith.constant 0 : i32
    %dma_start3A_684 = tpu.memref_slice %arg7[%dma_start3A_681, %dma_start3A_682, %dma_start3A_683] : memref<2x80x128xf32, #tpu.memory_space<vmem>> -> memref<1x80x128xf32, #tpu.memory_space<vmem>>
    %dma_start3A_685 = tpu.memref_squeeze %dma_start3A_684 : memref<1x80x128xf32, #tpu.memory_space<vmem>> -> memref<80x128xf32, #tpu.memory_space<vmem>>
    %dma_start3A_686 = arith.constant 0 : i32
    %dma_start3A_687 = tpu.memref_slice %arg8[%add3A_680, %dma_start3A_686] : memref<10000x128xf32, #tpu.memory_space<vmem_shared>> -> memref<80x128xf32, #tpu.memory_space<vmem_shared>>
    %dma_start3A_688 = arith.constant 0 : i32
    %dma_start3A_689 = arith.constant 0 : i32
    %dma_start3A_690 = tpu.memref_slice %arg7[%dma_start3A_681, %dma_start3A_688, %dma_start3A_689] : memref<2x80x128xf32, #tpu.memory_space<vmem>> -> memref<1x80x128xf32, #tpu.memory_space<vmem>>
    %dma_start3A_691 = tpu.memref_squeeze %dma_start3A_690 : memref<1x80x128xf32, #tpu.memory_space<vmem>> -> memref<80x128xf32, #tpu.memory_space<vmem>>
    %dma_start3A_692 = arith.constant 0 : i32
    %dma_start3A_693 = tpu.memref_slice %arg8[%add3A_680, %dma_start3A_692] : memref<10000x128xf32, #tpu.memory_space<vmem_shared>> -> memref<80x128xf32, #tpu.memory_space<vmem_shared>>
    tpu.enqueue_dma source(%dma_start3A_693 : memref<80x128xf32, #tpu.memory_space<vmem_shared>>) target(%dma_start3A_691 : memref<80x128xf32, #tpu.memory_space<vmem>>) target_semaphore(%arg10 : memref<!tpu.dma_semaphore, #tpu.memory_space<semaphore_mem>>)
    %add3A_694 = arith.constant 560 : i32
    %add3A_695 = arith.addi %min3A_3, %add3A_694 : i32
    %dma_wait3A_696 = arith.constant 1 : i32
    %dma_wait3A_697 = arith.constant 0 : i32
    %dma_wait3A_698 = arith.constant 0 : i32
    %dma_wait3A_699 = tpu.memref_slice %arg7[%dma_wait3A_696, %dma_wait3A_697, %dma_wait3A_698] : memref<2x80x128xf32, #tpu.memory_space<vmem>> -> memref<1x80x128xf32, #tpu.memory_space<vmem>>
    %dma_wait3A_700 = tpu.memref_squeeze %dma_wait3A_699 : memref<1x80x128xf32, #tpu.memory_space<vmem>> -> memref<80x128xf32, #tpu.memory_space<vmem>>
    %dma_wait3A_701 = arith.constant 0 : i32
    %dma_wait3A_702 = tpu.memref_slice %arg8[%add3A_695, %dma_wait3A_701] : memref<10000x128xf32, #tpu.memory_space<vmem_shared>> -> memref<80x128xf32, #tpu.memory_space<vmem_shared>>
    %dma_wait3A_703 = arith.constant 0 : i32
    %dma_wait3A_704 = arith.constant 0 : i32
    %dma_wait3A_705 = tpu.memref_slice %arg7[%dma_wait3A_696, %dma_wait3A_703, %dma_wait3A_704] : memref<2x80x128xf32, #tpu.memory_space<vmem>> -> memref<1x80x128xf32, #tpu.memory_space<vmem>>
    %dma_wait3A_706 = tpu.memref_squeeze %dma_wait3A_705 : memref<1x80x128xf32, #tpu.memory_space<vmem>> -> memref<80x128xf32, #tpu.memory_space<vmem>>
    %dma_wait3A_707 = arith.constant 0 : i32
    %dma_wait3A_708 = tpu.memref_slice %arg8[%add3A_695, %dma_wait3A_707] : memref<10000x128xf32, #tpu.memory_space<vmem_shared>> -> memref<80x128xf32, #tpu.memory_space<vmem_shared>>
    tpu.wait_dma2 semaphore(%arg10 : memref<!tpu.dma_semaphore, #tpu.memory_space<semaphore_mem>>) src(%dma_wait3A_708 : memref<80x128xf32, #tpu.memory_space<vmem_shared>>) dst(%dma_wait3A_706 : memref<80x128xf32, #tpu.memory_space<vmem>>)
    %add3A_709 = arith.constant 560 : i32
    %add3A_710 = arith.addi %min3A_3, %add3A_709 : i32
    %dma_start3A_711 = arith.constant 1 : i32
    %dma_start3A_712 = arith.constant 0 : i32
    %dma_start3A_713 = arith.constant 0 : i32
    %dma_start3A_714 = tpu.memref_slice %arg7[%dma_start3A_711, %dma_start3A_712, %dma_start3A_713] : memref<2x80x128xf32, #tpu.memory_space<vmem>> -> memref<1x80x128xf32, #tpu.memory_space<vmem>>
    %dma_start3A_715 = tpu.memref_squeeze %dma_start3A_714 : memref<1x80x128xf32, #tpu.memory_space<vmem>> -> memref<80x128xf32, #tpu.memory_space<vmem>>
    %dma_start3A_716 = arith.constant 0 : i32
    %dma_start3A_717 = tpu.memref_slice %arg4[%arg0, %add3A_710, %dma_start3A_716] : memref<2x10000x128xf32, #tpu.memory_space<hbm>> -> memref<1x80x128xf32, #tpu.memory_space<hbm>>
    %dma_start3A_718 = tpu.memref_squeeze %dma_start3A_717 : memref<1x80x128xf32, #tpu.memory_space<hbm>> -> memref<80x128xf32, #tpu.memory_space<hbm>>
    %dma_start3A_719 = arith.constant 0 : i32
    %dma_start3A_720 = tpu.memref_slice %arg4[%arg0, %add3A_710, %dma_start3A_719] : memref<2x10000x128xf32, #tpu.memory_space<hbm>> -> memref<1x80x128xf32, #tpu.memory_space<hbm>>
    %dma_start3A_721 = tpu.memref_squeeze %dma_start3A_720 : memref<1x80x128xf32, #tpu.memory_space<hbm>> -> memref<80x128xf32, #tpu.memory_space<hbm>>
    %dma_start3A_722 = arith.constant 0 : i32
    %dma_start3A_723 = arith.constant 0 : i32
    %dma_start3A_724 = tpu.memref_slice %arg7[%dma_start3A_711, %dma_start3A_722, %dma_start3A_723] : memref<2x80x128xf32, #tpu.memory_space<vmem>> -> memref<1x80x128xf32, #tpu.memory_space<vmem>>
    %dma_start3A_725 = tpu.memref_squeeze %dma_start3A_724 : memref<1x80x128xf32, #tpu.memory_space<vmem>> -> memref<80x128xf32, #tpu.memory_space<vmem>>
    tpu.enqueue_dma source(%dma_start3A_725 : memref<80x128xf32, #tpu.memory_space<vmem>>) target(%dma_start3A_721 : memref<80x128xf32, #tpu.memory_space<hbm>>) target_semaphore(%arg12 : memref<!tpu.dma_semaphore, #tpu.memory_space<semaphore_mem>>)
    %add3A_726 = arith.constant 480 : i32
    %add3A_727 = arith.addi %min3A_3, %add3A_726 : i32
    %dma_wait3A_728 = arith.constant 0 : i32
    %dma_wait3A_729 = arith.constant 0 : i32
    %dma_wait3A_730 = arith.constant 0 : i32
    %dma_wait3A_731 = tpu.memref_slice %arg7[%dma_wait3A_728, %dma_wait3A_729, %dma_wait3A_730] : memref<2x80x128xf32, #tpu.memory_space<vmem>> -> memref<1x80x128xf32, #tpu.memory_space<vmem>>
    %dma_wait3A_732 = tpu.memref_squeeze %dma_wait3A_731 : memref<1x80x128xf32, #tpu.memory_space<vmem>> -> memref<80x128xf32, #tpu.memory_space<vmem>>
    %dma_wait3A_733 = arith.constant 0 : i32
    %dma_wait3A_734 = tpu.memref_slice %arg4[%arg0, %add3A_727, %dma_wait3A_733] : memref<2x10000x128xf32, #tpu.memory_space<hbm>> -> memref<1x80x128xf32, #tpu.memory_space<hbm>>
    %dma_wait3A_735 = tpu.memref_squeeze %dma_wait3A_734 : memref<1x80x128xf32, #tpu.memory_space<hbm>> -> memref<80x128xf32, #tpu.memory_space<hbm>>
    %dma_wait3A_736 = arith.constant 0 : i32
    %dma_wait3A_737 = tpu.memref_slice %arg4[%arg0, %add3A_727, %dma_wait3A_736] : memref<2x10000x128xf32, #tpu.memory_space<hbm>> -> memref<1x80x128xf32, #tpu.memory_space<hbm>>
    %dma_wait3A_738 = tpu.memref_squeeze %dma_wait3A_737 : memref<1x80x128xf32, #tpu.memory_space<hbm>> -> memref<80x128xf32, #tpu.memory_space<hbm>>
    %dma_wait3A_739 = arith.constant 0 : i32
    %dma_wait3A_740 = arith.constant 0 : i32
    %dma_wait3A_741 = tpu.memref_slice %arg7[%dma_wait3A_728, %dma_wait3A_739, %dma_wait3A_740] : memref<2x80x128xf32, #tpu.memory_space<vmem>> -> memref<1x80x128xf32, #tpu.memory_space<vmem>>
    %dma_wait3A_742 = tpu.memref_squeeze %dma_wait3A_741 : memref<1x80x128xf32, #tpu.memory_space<vmem>> -> memref<80x128xf32, #tpu.memory_space<vmem>>
    tpu.wait_dma2 semaphore(%arg11 : memref<!tpu.dma_semaphore, #tpu.memory_space<semaphore_mem>>) src(%dma_wait3A_742 : memref<80x128xf32, #tpu.memory_space<vmem>>) dst(%dma_wait3A_738 : memref<80x128xf32, #tpu.memory_space<hbm>>)
    %add3A_743 = arith.constant 560 : i32
    %add3A_744 = arith.addi %min3A_3, %add3A_743 : i32
    %dma_wait3A_745 = arith.constant 1 : i32
    %dma_wait3A_746 = arith.constant 0 : i32
    %dma_wait3A_747 = arith.constant 0 : i32
    %dma_wait3A_748 = tpu.memref_slice %arg7[%dma_wait3A_745, %dma_wait3A_746, %dma_wait3A_747] : memref<2x80x128xf32, #tpu.memory_space<vmem>> -> memref<1x80x128xf32, #tpu.memory_space<vmem>>
    %dma_wait3A_749 = tpu.memref_squeeze %dma_wait3A_748 : memref<1x80x128xf32, #tpu.memory_space<vmem>> -> memref<80x128xf32, #tpu.memory_space<vmem>>
    %dma_wait3A_750 = arith.constant 0 : i32
    %dma_wait3A_751 = tpu.memref_slice %arg4[%arg0, %add3A_744, %dma_wait3A_750] : memref<2x10000x128xf32, #tpu.memory_space<hbm>> -> memref<1x80x128xf32, #tpu.memory_space<hbm>>
    %dma_wait3A_752 = tpu.memref_squeeze %dma_wait3A_751 : memref<1x80x128xf32, #tpu.memory_space<hbm>> -> memref<80x128xf32, #tpu.memory_space<hbm>>
    %dma_wait3A_753 = arith.constant 0 : i32
    %dma_wait3A_754 = tpu.memref_slice %arg4[%arg0, %add3A_744, %dma_wait3A_753] : memref<2x10000x128xf32, #tpu.memory_space<hbm>> -> memref<1x80x128xf32, #tpu.memory_space<hbm>>
    %dma_wait3A_755 = tpu.memref_squeeze %dma_wait3A_754 : memref<1x80x128xf32, #tpu.memory_space<hbm>> -> memref<80x128xf32, #tpu.memory_space<hbm>>
    %dma_wait3A_756 = arith.constant 0 : i32
    %dma_wait3A_757 = arith.constant 0 : i32
    %dma_wait3A_758 = tpu.memref_slice %arg7[%dma_wait3A_745, %dma_wait3A_756, %dma_wait3A_757] : memref<2x80x128xf32, #tpu.memory_space<vmem>> -> memref<1x80x128xf32, #tpu.memory_space<vmem>>
    %dma_wait3A_759 = tpu.memref_squeeze %dma_wait3A_758 : memref<1x80x128xf32, #tpu.memory_space<vmem>> -> memref<80x128xf32, #tpu.memory_space<vmem>>
    tpu.wait_dma2 semaphore(%arg12 : memref<!tpu.dma_semaphore, #tpu.memory_space<semaphore_mem>>) src(%dma_wait3A_759 : memref<80x128xf32, #tpu.memory_space<vmem>>) dst(%dma_wait3A_755 : memref<80x128xf32, #tpu.memory_space<hbm>>)
    return
  }
}

#map = affine_map<(d0, d1) -> (0, 0)>
#map1 = affine_map<(d0, d1) -> (0, 0, 0)>
module attributes {stable_mosaic.version = 14 : i64} {
  func.func @_agg_kernel(%arg0: i32, %arg1: i32, %arg2: memref<10000x128xf32, #tpu.memory_space<hbm>>, %arg3: memref<64x10000xi32, #tpu.memory_space<hbm>>, %arg4: memref<2x10000x128xf32, #tpu.memory_space<hbm>>, %arg5: memref<10000xi32, #tpu.memory_space<vmem>>, %arg6: memref<10000xi32, #tpu.memory_space<vmem>>, %arg7: memref<2x80x128xf32, #tpu.memory_space<vmem>>, %arg8: memref<10000x128xf32, #tpu.memory_space<vmem_shared>>, %arg9: memref<!tpu.dma_semaphore, #tpu.memory_space<semaphore_mem>>, %arg10: memref<!tpu.dma_semaphore, #tpu.memory_space<semaphore_mem>>, %arg11: memref<!tpu.dma_semaphore, #tpu.memory_space<semaphore_mem>>, %arg12: memref<!tpu.dma_semaphore, #tpu.memory_space<semaphore_mem>>) attributes {dimension_semantics = [#tpu.dimension_semantics<core_parallel>, #tpu.dimension_semantics<subcore_parallel>], iteration_bounds = array<i64: 2, 16>, scalar_prefetch = 0 : i64, scratch_operands = 8 : i64, tpu.core_type = #tpu.core_type<sc_vector_subcore>, window_params = [{transform_indices = #map}, {transform_indices = #map}, {transform_indices = #map1}]} {
    %mul3A = arith.constant 16 : i32
    %mul3A_0 = arith.muli %arg0, %mul3A : i32
    %add3A = arith.addi %mul3A_0, %arg1 : i32
    %mul3A_1 = arith.constant 640 : i32
    %mul3A_2 = arith.muli %arg1, %mul3A_1 : i32
    %min3A = arith.constant 9360 : i32
    %min3A_3 = arith.minsi %mul3A_2, %min3A : i32
    %dma_start3A = arith.constant 0 : i32
    %dma_start3A_4 = tpu.memref_slice %arg3[%add3A, %dma_start3A] : memref<64x10000xi32, #tpu.memory_space<hbm>> -> memref<1x10000xi32, #tpu.memory_space<hbm>>
    %dma_start3A_5 = tpu.memref_squeeze %dma_start3A_4 : memref<1x10000xi32, #tpu.memory_space<hbm>> -> memref<10000xi32, #tpu.memory_space<hbm>>
    %dma_start3A_6 = arith.constant 0 : i32
    %dma_start3A_7 = tpu.memref_slice %arg3[%add3A, %dma_start3A_6] : memref<64x10000xi32, #tpu.memory_space<hbm>> -> memref<1x10000xi32, #tpu.memory_space<hbm>>
    %dma_start3A_8 = tpu.memref_squeeze %dma_start3A_7 : memref<1x10000xi32, #tpu.memory_space<hbm>> -> memref<10000xi32, #tpu.memory_space<hbm>>
    tpu.enqueue_dma source(%dma_start3A_8 : memref<10000xi32, #tpu.memory_space<hbm>>) target(%arg5 : memref<10000xi32, #tpu.memory_space<vmem>>) target_semaphore(%arg9 : memref<!tpu.dma_semaphore, #tpu.memory_space<semaphore_mem>>)
    %add3A_9 = arith.constant 32 : i32
    %add3A_10 = arith.addi %add3A_9, %add3A : i32
    %dma_start3A_11 = arith.constant 0 : i32
    %dma_start3A_12 = tpu.memref_slice %arg3[%add3A_10, %dma_start3A_11] : memref<64x10000xi32, #tpu.memory_space<hbm>> -> memref<1x10000xi32, #tpu.memory_space<hbm>>
    %dma_start3A_13 = tpu.memref_squeeze %dma_start3A_12 : memref<1x10000xi32, #tpu.memory_space<hbm>> -> memref<10000xi32, #tpu.memory_space<hbm>>
    %dma_start3A_14 = arith.constant 0 : i32
    %dma_start3A_15 = tpu.memref_slice %arg3[%add3A_10, %dma_start3A_14] : memref<64x10000xi32, #tpu.memory_space<hbm>> -> memref<1x10000xi32, #tpu.memory_space<hbm>>
    %dma_start3A_16 = tpu.memref_squeeze %dma_start3A_15 : memref<1x10000xi32, #tpu.memory_space<hbm>> -> memref<10000xi32, #tpu.memory_space<hbm>>
    tpu.enqueue_dma source(%dma_start3A_16 : memref<10000xi32, #tpu.memory_space<hbm>>) target(%arg6 : memref<10000xi32, #tpu.memory_space<vmem>>) target_semaphore(%arg10 : memref<!tpu.dma_semaphore, #tpu.memory_space<semaphore_mem>>)
    %scan3A = arith.constant 0 : i32
    %scan3A_17 = arith.constant 80 : i32
    %scan3A_18 = arith.addi %scan3A, %scan3A_17 : i32
    %scan3A_19 = arith.constant 1 : i32
    scf.for %scan3A_760 = %scan3A to %scan3A_18 step %scan3A_19  : i32 {
      %mul3A_761 = arith.constant 1 : i32
      %mul3A_762 = arith.muli %scan3A_760, %mul3A_761 : i32
      %add3A_763 = arith.constant 0 : i32
      %add3A_764 = arith.addi %add3A_763, %mul3A_762 : i32
      %scan3A_765 = arith.constant 0 : i32
      %scan3A_766 = arith.constant 8 : i32
      %scan3A_767 = arith.addi %scan3A_765, %scan3A_766 : i32
      %scan3A_768 = arith.constant 1 : i32
      scf.for %scan3A_770 = %scan3A_765 to %scan3A_767 step %scan3A_768  : i32 {
        %mul3A_771 = arith.constant 16 : i32
        %mul3A_772 = arith.muli %scan3A_770, %mul3A_771 : i32
        %add3A_773 = arith.constant 0 : i32
        %add3A_774 = arith.addi %add3A_773, %mul3A_772 : i32
        %broadcast_in_dim3A = arith.constant 0.000000e+00 : f32
        %broadcast_in_dim3A_775 = vector.broadcast %broadcast_in_dim3A : f32 to vector<16xf32>
        %swap3A = arith.constant 1 : i32
        %swap3A_776 = arith.index_cast %swap3A : i32 to index
        %swap3A_777 = arith.index_cast %add3A_764 : i32 to index
        %swap3A_778 = arith.index_cast %add3A_774 : i32 to index
        %swap3A_779 = tpu.vector_load %arg7[%swap3A_776, %swap3A_777, %swap3A_778] {strides = array<i32>} : memref<2x80x128xf32, #tpu.memory_space<vmem>>, vector<1x1x16xf32>,
        %swap3A_780 = vector.shape_cast %swap3A_779 : vector<1x1x16xf32> to vector<16xf32>
        %swap3A_781 = vector.shape_cast %broadcast_in_dim3A_775 : vector<16xf32> to vector<1x1x16xf32>
        tpu.vector_store %arg7[%swap3A_776, %swap3A_777, %swap3A_778], %swap3A_781 {strides = array<i32>} : memref<2x80x128xf32, #tpu.memory_space<vmem>>, vector<1x1x16xf32>,
      }
      %scan3A_769 = arith.constant 8 : i32
    }
    %scan3A_20 = arith.constant 80 : i32
    %dma_wait3A = arith.constant 0 : i32
    %dma_wait3A_21 = tpu.memref_slice %arg3[%add3A, %dma_wait3A] : memref<64x10000xi32, #tpu.memory_space<hbm>> -> memref<1x10000xi32, #tpu.memory_space<hbm>>
    %dma_wait3A_22 = tpu.memref_squeeze %dma_wait3A_21 : memref<1x10000xi32, #tpu.memory_space<hbm>> -> memref<10000xi32, #tpu.memory_space<hbm>>
    %dma_wait3A_23 = arith.constant 0 : i32
    %dma_wait3A_24 = tpu.memref_slice %arg3[%add3A, %dma_wait3A_23] : memref<64x10000xi32, #tpu.memory_space<hbm>> -> memref<1x10000xi32, #tpu.memory_space<hbm>>
    %dma_wait3A_25 = tpu.memref_squeeze %dma_wait3A_24 : memref<1x10000xi32, #tpu.memory_space<hbm>> -> memref<10000xi32, #tpu.memory_space<hbm>>
    tpu.wait_dma2 semaphore(%arg9 : memref<!tpu.dma_semaphore, #tpu.memory_space<semaphore_mem>>) src(%dma_wait3A_25 : memref<10000xi32, #tpu.memory_space<hbm>>) dst(%arg5 : memref<10000xi32, #tpu.memory_space<vmem>>)
    %dma_start3A_26 = arith.constant 0 : i32
    %dma_start3A_27 = arith.constant 0 : i32
    %dma_start3A_28 = arith.constant 0 : i32
    %dma_start3A_29 = tpu.memref_slice %arg7[%dma_start3A_26, %dma_start3A_27, %dma_start3A_28] : memref<2x80x128xf32, #tpu.memory_space<vmem>> -> memref<1x80x128xf32, #tpu.memory_space<vmem>>
    %dma_start3A_30 = tpu.memref_squeeze %dma_start3A_29 : memref<1x80x128xf32, #tpu.memory_space<vmem>> -> memref<80x128xf32, #tpu.memory_space<vmem>>
    %dma_start3A_31 = arith.constant 0 : i32
    %dma_start3A_32 = tpu.memref_slice %arg5[%dma_start3A_31] : memref<10000xi32, #tpu.memory_space<vmem>> -> memref<80xi32, #tpu.memory_space<vmem>>
    %dma_start3A_33 = arith.constant 0 : i32
    %dma_start3A_34 = arith.constant 0 : i32
    %dma_start3A_35 = tpu.memref_slice %arg2[%dma_start3A_33, %dma_start3A_34] : memref<10000x128xf32, #tpu.memory_space<hbm>> -> memref<10000x128xf32, #tpu.memory_space<hbm>>
    tpu.enqueue_indirect_dma source(%dma_start3A_35 : memref<10000x128xf32, #tpu.memory_space<hbm>>) target(%dma_start3A_30 : memref<80x128xf32, #tpu.memory_space<vmem>>) offsets(%dma_start3A_32 : memref<80xi32, #tpu.memory_space<vmem>>) semaphore(%arg9 : memref<!tpu.dma_semaphore, #tpu.memory_space<semaphore_mem>>)
    %scan3A_36 = arith.constant 1 : i32
    %scan3A_37 = arith.constant 0 : i32
    %scan3A_38 = arith.constant 8 : i32
    %scan3A_39 = arith.addi %scan3A_37, %scan3A_38 : i32
    %scan3A_40 = arith.constant 1 : i32
    scf.for %scan3A_760 = %scan3A_37 to %scan3A_39 step %scan3A_40  : i32 {
      %mul3A_761 = arith.constant 1 : i32
      %mul3A_762 = arith.muli %scan3A_760, %mul3A_761 : i32
      %add3A_763 = arith.constant 0 : i32
      %add3A_764 = arith.addi %add3A_763, %mul3A_762 : i32
      %mul3A_765 = arith.constant 80 : i32
      %mul3A_766 = arith.muli %add3A_764, %mul3A_765 : i32
      %add3A_767 = arith.addi %min3A_3, %mul3A_766 : i32
      "tpu.region"() ({
        %run_scoped3A = tpu.sem_alloc : memref<!tpu.dma_semaphore, #tpu.memory_space<semaphore_mem>>
        %dma_start3A_768 = arith.constant 0 : i32
        %dma_start3A_769 = arith.constant 0 : i32
        %dma_start3A_770 = tpu.memref_slice %arg7[%scan3A_36, %dma_start3A_768, %dma_start3A_769] : memref<2x80x128xf32, #tpu.memory_space<vmem>> -> memref<1x80x128xf32, #tpu.memory_space<vmem>>
        %dma_start3A_771 = tpu.memref_squeeze %dma_start3A_770 : memref<1x80x128xf32, #tpu.memory_space<vmem>> -> memref<80x128xf32, #tpu.memory_space<vmem>>
        %dma_start3A_772 = arith.constant 0 : i32
        %dma_start3A_773 = tpu.memref_slice %arg8[%add3A_767, %dma_start3A_772] : memref<10000x128xf32, #tpu.memory_space<vmem_shared>> -> memref<80x128xf32, #tpu.memory_space<vmem_shared>>
        %dma_start3A_774 = arith.constant 0 : i32
        %dma_start3A_775 = tpu.memref_slice %arg8[%add3A_767, %dma_start3A_774] : memref<10000x128xf32, #tpu.memory_space<vmem_shared>> -> memref<80x128xf32, #tpu.memory_space<vmem_shared>>
        %dma_start3A_776 = arith.constant 0 : i32
        %dma_start3A_777 = arith.constant 0 : i32
        %dma_start3A_778 = tpu.memref_slice %arg7[%scan3A_36, %dma_start3A_776, %dma_start3A_777] : memref<2x80x128xf32, #tpu.memory_space<vmem>> -> memref<1x80x128xf32, #tpu.memory_space<vmem>>
        %dma_start3A_779 = tpu.memref_squeeze %dma_start3A_778 : memref<1x80x128xf32, #tpu.memory_space<vmem>> -> memref<80x128xf32, #tpu.memory_space<vmem>>
        tpu.enqueue_dma source(%dma_start3A_779 : memref<80x128xf32, #tpu.memory_space<vmem>>) target(%dma_start3A_775 : memref<80x128xf32, #tpu.memory_space<vmem_shared>>) target_semaphore(%run_scoped3A : memref<!tpu.dma_semaphore, #tpu.memory_space<semaphore_mem>>)
        %dma_wait3A_780 = arith.constant 0 : i32
        %dma_wait3A_781 = arith.constant 0 : i32
        %dma_wait3A_782 = tpu.memref_slice %arg7[%scan3A_36, %dma_wait3A_780, %dma_wait3A_781] : memref<2x80x128xf32, #tpu.memory_space<vmem>> -> memref<1x80x128xf32, #tpu.memory_space<vmem>>
        %dma_wait3A_783 = tpu.memref_squeeze %dma_wait3A_782 : memref<1x80x128xf32, #tpu.memory_space<vmem>> -> memref<80x128xf32, #tpu.memory_space<vmem>>
        %dma_wait3A_784 = arith.constant 0 : i32
        %dma_wait3A_785 = tpu.memref_slice %arg8[%add3A_767, %dma_wait3A_784] : memref<10000x128xf32, #tpu.memory_space<vmem_shared>> -> memref<80x128xf32, #tpu.memory_space<vmem_shared>>
        %dma_wait3A_786 = arith.constant 0 : i32
        %dma_wait3A_787 = tpu.memref_slice %arg8[%add3A_767, %dma_wait3A_786] : memref<10000x128xf32, #tpu.memory_space<vmem_shared>> -> memref<80x128xf32, #tpu.memory_space<vmem_shared>>
        %dma_wait3A_788 = arith.constant 0 : i32
        %dma_wait3A_789 = arith.constant 0 : i32
        %dma_wait3A_790 = tpu.memref_slice %arg7[%scan3A_36, %dma_wait3A_788, %dma_wait3A_789] : memref<2x80x128xf32, #tpu.memory_space<vmem>> -> memref<1x80x128xf32, #tpu.memory_space<vmem>>
        %dma_wait3A_791 = tpu.memref_squeeze %dma_wait3A_790 : memref<1x80x128xf32, #tpu.memory_space<vmem>> -> memref<80x128xf32, #tpu.memory_space<vmem>>
        tpu.wait_dma2 semaphore(%run_scoped3A : memref<!tpu.dma_semaphore, #tpu.memory_space<semaphore_mem>>) src(%dma_wait3A_791 : memref<80x128xf32, #tpu.memory_space<vmem>>) dst(%dma_wait3A_787 : memref<80x128xf32, #tpu.memory_space<vmem_shared>>)
        tpu.yield
      }) : () -> ()
    }
    %scan3A_41 = arith.constant 8 : i32
    %add3A_42 = arith.constant 32 : i32
    %add3A_43 = arith.addi %add3A_42, %add3A : i32
    %dma_wait3A_44 = arith.constant 0 : i32
    %dma_wait3A_45 = tpu.memref_slice %arg3[%add3A_43, %dma_wait3A_44] : memref<64x10000xi32, #tpu.memory_space<hbm>> -> memref<1x10000xi32, #tpu.memory_space<hbm>>
    %dma_wait3A_46 = tpu.memref_squeeze %dma_wait3A_45 : memref<1x10000xi32, #tpu.memory_space<hbm>> -> memref<10000xi32, #tpu.memory_space<hbm>>
    %dma_wait3A_47 = arith.constant 0 : i32
    %dma_wait3A_48 = tpu.memref_slice %arg3[%add3A_43, %dma_wait3A_47] : memref<64x10000xi32, #tpu.memory_space<hbm>> -> memref<1x10000xi32, #tpu.memory_space<hbm>>
    %dma_wait3A_49 = tpu.memref_squeeze %dma_wait3A_48 : memref<1x10000xi32, #tpu.memory_space<hbm>> -> memref<10000xi32, #tpu.memory_space<hbm>>
    tpu.wait_dma2 semaphore(%arg10 : memref<!tpu.dma_semaphore, #tpu.memory_space<semaphore_mem>>) src(%dma_wait3A_49 : memref<10000xi32, #tpu.memory_space<hbm>>) dst(%arg6 : memref<10000xi32, #tpu.memory_space<vmem>>)
    %barrier3A = arith.constant 0 : index
    tpu.barrier barrier_id(%barrier3A)
    %dma_wait3A_50 = arith.constant 0 : i32
    %dma_wait3A_51 = arith.constant 0 : i32
    %dma_wait3A_52 = arith.constant 0 : i32
    %dma_wait3A_53 = tpu.memref_slice %arg7[%dma_wait3A_50, %dma_wait3A_51, %dma_wait3A_52] : memref<2x80x128xf32, #tpu.memory_space<vmem>> -> memref<1x80x128xf32, #tpu.memory_space<vmem>>
    %dma_wait3A_54 = tpu.memref_squeeze %dma_wait3A_53 : memref<1x80x128xf32, #tpu.memory_space<vmem>> -> memref<80x128xf32, #tpu.memory_space<vmem>>
    %dma_wait3A_55 = arith.constant 0 : i32
    %dma_wait3A_56 = tpu.memref_slice %arg5[%dma_wait3A_55] : memref<10000xi32, #tpu.memory_space<vmem>> -> memref<80xi32, #tpu.memory_space<vmem>>
    %dma_wait3A_57 = arith.constant 0 : i32
    %dma_wait3A_58 = arith.constant 0 : i32
    %dma_wait3A_59 = tpu.memref_slice %arg2[%dma_wait3A_57, %dma_wait3A_58] : memref<10000x128xf32, #tpu.memory_space<hbm>> -> memref<10000x128xf32, #tpu.memory_space<hbm>>
    tpu.wait_indirect_dma semaphore(%arg9 : memref<!tpu.dma_semaphore, #tpu.memory_space<semaphore_mem>>) src(%dma_wait3A_59 : memref<10000x128xf32, #tpu.memory_space<hbm>>) dst(%dma_wait3A_54 : memref<80x128xf32, #tpu.memory_space<vmem>>)
    %dma_start3A_60 = arith.constant 0 : i32
    %dma_start3A_61 = arith.constant 0 : i32
    %dma_start3A_62 = arith.constant 0 : i32
    %dma_start3A_63 = tpu.memref_slice %arg7[%dma_start3A_60, %dma_start3A_61, %dma_start3A_62] : memref<2x80x128xf32, #tpu.memory_space<vmem>> -> memref<1x80x128xf32, #tpu.memory_space<vmem>>
    %dma_start3A_64 = tpu.memref_squeeze %dma_start3A_63 : memref<1x80x128xf32, #tpu.memory_space<vmem>> -> memref<80x128xf32, #tpu.memory_space<vmem>>
    %dma_start3A_65 = arith.constant 0 : i32
    %dma_start3A_66 = tpu.memref_slice %arg6[%dma_start3A_65] : memref<10000xi32, #tpu.memory_space<vmem>> -> memref<80xi32, #tpu.memory_space<vmem>>
    %dma_start3A_67 = arith.constant 0 : i32
    %dma_start3A_68 = arith.constant 0 : i32
    %dma_start3A_69 = tpu.memref_slice %arg8[%dma_start3A_67, %dma_start3A_68] : memref<10000x128xf32, #tpu.memory_space<vmem_shared>> -> memref<10000x128xf32, #tpu.memory_space<vmem_shared>>
    tpu.enqueue_indirect_dma source(%dma_start3A_64 : memref<80x128xf32, #tpu.memory_space<vmem>>) target(%dma_start3A_69 : memref<10000x128xf32, #tpu.memory_space<vmem_shared>>) offsets(%dma_start3A_66 : memref<80xi32, #tpu.memory_space<vmem>>) semaphore(%arg11 : memref<!tpu.dma_semaphore, #tpu.memory_space<semaphore_mem>>) {add = true}
    %dma_start3A_70 = arith.constant 1 : i32
    %dma_start3A_71 = arith.constant 0 : i32
    %dma_start3A_72 = arith.constant 0 : i32
    %dma_start3A_73 = tpu.memref_slice %arg7[%dma_start3A_70, %dma_start3A_71, %dma_start3A_72] : memref<2x80x128xf32, #tpu.memory_space<vmem>> -> memref<1x80x128xf32, #tpu.memory_space<vmem>>
    %dma_start3A_74 = tpu.memref_squeeze %dma_start3A_73 : memref<1x80x128xf32, #tpu.memory_space<vmem>> -> memref<80x128xf32, #tpu.memory_space<vmem>>
    %dma_start3A_75 = arith.constant 80 : i32
    %dma_start3A_76 = tpu.memref_slice %arg5[%dma_start3A_75] : memref<10000xi32, #tpu.memory_space<vmem>> -> memref<80xi32, #tpu.memory_space<vmem>>
    %dma_start3A_77 = arith.constant 0 : i32
    %dma_start3A_78 = arith.constant 0 : i32
    %dma_start3A_79 = tpu.memref_slice %arg2[%dma_start3A_77, %dma_start3A_78] : memref<10000x128xf32, #tpu.memory_space<hbm>> -> memref<10000x128xf32, #tpu.memory_space<hbm>>
    tpu.enqueue_indirect_dma source(%dma_start3A_79 : memref<10000x128xf32, #tpu.memory_space<hbm>>) target(%dma_start3A_74 : memref<80x128xf32, #tpu.memory_space<vmem>>) offsets(%dma_start3A_76 : memref<80xi32, #tpu.memory_space<vmem>>) semaphore(%arg10 : memref<!tpu.dma_semaphore, #tpu.memory_space<semaphore_mem>>)
    %dma_wait3A_80 = arith.constant 1 : i32
    %dma_wait3A_81 = arith.constant 0 : i32
    %dma_wait3A_82 = arith.constant 0 : i32
    %dma_wait3A_83 = tpu.memref_slice %arg7[%dma_wait3A_80, %dma_wait3A_81, %dma_wait3A_82] : memref<2x80x128xf32, #tpu.memory_space<vmem>> -> memref<1x80x128xf32, #tpu.memory_space<vmem>>
    %dma_wait3A_84 = tpu.memref_squeeze %dma_wait3A_83 : memref<1x80x128xf32, #tpu.memory_space<vmem>> -> memref<80x128xf32, #tpu.memory_space<vmem>>
    %dma_wait3A_85 = arith.constant 80 : i32
    %dma_wait3A_86 = tpu.memref_slice %arg5[%dma_wait3A_85] : memref<10000xi32, #tpu.memory_space<vmem>> -> memref<80xi32, #tpu.memory_space<vmem>>
    %dma_wait3A_87 = arith.constant 0 : i32
    %dma_wait3A_88 = arith.constant 0 : i32
    %dma_wait3A_89 = tpu.memref_slice %arg2[%dma_wait3A_87, %dma_wait3A_88] : memref<10000x128xf32, #tpu.memory_space<hbm>> -> memref<10000x128xf32, #tpu.memory_space<hbm>>
    tpu.wait_indirect_dma semaphore(%arg10 : memref<!tpu.dma_semaphore, #tpu.memory_space<semaphore_mem>>) src(%dma_wait3A_89 : memref<10000x128xf32, #tpu.memory_space<hbm>>) dst(%dma_wait3A_84 : memref<80x128xf32, #tpu.memory_space<vmem>>)
    %dma_start3A_90 = arith.constant 1 : i32
    %dma_start3A_91 = arith.constant 0 : i32
    %dma_start3A_92 = arith.constant 0 : i32
    %dma_start3A_93 = tpu.memref_slice %arg7[%dma_start3A_90, %dma_start3A_91, %dma_start3A_92] : memref<2x80x128xf32, #tpu.memory_space<vmem>> -> memref<1x80x128xf32, #tpu.memory_space<vmem>>
    %dma_start3A_94 = tpu.memref_squeeze %dma_start3A_93 : memref<1x80x128xf32, #tpu.memory_space<vmem>> -> memref<80x128xf32, #tpu.memory_space<vmem>>
    %dma_start3A_95 = arith.constant 80 : i32
    %dma_start3A_96 = tpu.memref_slice %arg6[%dma_start3A_95] : memref<10000xi32, #tpu.memory_space<vmem>> -> memref<80xi32, #tpu.memory_space<vmem>>
    %dma_start3A_97 = arith.constant 0 : i32
    %dma_start3A_98 = arith.constant 0 : i32
    %dma_start3A_99 = tpu.memref_slice %arg8[%dma_start3A_97, %dma_start3A_98] : memref<10000x128xf32, #tpu.memory_space<vmem_shared>> -> memref<10000x128xf32, #tpu.memory_space<vmem_shared>>
    tpu.enqueue_indirect_dma source(%dma_start3A_94 : memref<80x128xf32, #tpu.memory_space<vmem>>) target(%dma_start3A_99 : memref<10000x128xf32, #tpu.memory_space<vmem_shared>>) offsets(%dma_start3A_96 : memref<80xi32, #tpu.memory_space<vmem>>) semaphore(%arg12 : memref<!tpu.dma_semaphore, #tpu.memory_space<semaphore_mem>>) {add = true}
    %dma_wait3A_100 = arith.constant 0 : i32
    %dma_wait3A_101 = arith.constant 0 : i32
    %dma_wait3A_102 = arith.constant 0 : i32
    %dma_wait3A_103 = tpu.memref_slice %arg7[%dma_wait3A_100, %dma_wait3A_101, %dma_wait3A_102] : memref<2x80x128xf32, #tpu.memory_space<vmem>> -> memref<1x80x128xf32, #tpu.memory_space<vmem>>
    %dma_wait3A_104 = tpu.memref_squeeze %dma_wait3A_103 : memref<1x80x128xf32, #tpu.memory_space<vmem>> -> memref<80x128xf32, #tpu.memory_space<vmem>>
    %dma_wait3A_105 = arith.constant 0 : i32
    %dma_wait3A_106 = tpu.memref_slice %arg6[%dma_wait3A_105] : memref<10000xi32, #tpu.memory_space<vmem>> -> memref<80xi32, #tpu.memory_space<vmem>>
    %dma_wait3A_107 = arith.constant 0 : i32
    %dma_wait3A_108 = arith.constant 0 : i32
    %dma_wait3A_109 = tpu.memref_slice %arg8[%dma_wait3A_107, %dma_wait3A_108] : memref<10000x128xf32, #tpu.memory_space<vmem_shared>> -> memref<10000x128xf32, #tpu.memory_space<vmem_shared>>
    tpu.wait_indirect_dma semaphore(%arg11 : memref<!tpu.dma_semaphore, #tpu.memory_space<semaphore_mem>>) src(%dma_wait3A_104 : memref<80x128xf32, #tpu.memory_space<vmem>>) dst(%dma_wait3A_109 : memref<10000x128xf32, #tpu.memory_space<vmem_shared>>)
    %dma_start3A_110 = arith.constant 0 : i32
    %dma_start3A_111 = arith.constant 0 : i32
    %dma_start3A_112 = arith.constant 0 : i32
    %dma_start3A_113 = tpu.memref_slice %arg7[%dma_start3A_110, %dma_start3A_111, %dma_start3A_112] : memref<2x80x128xf32, #tpu.memory_space<vmem>> -> memref<1x80x128xf32, #tpu.memory_space<vmem>>
    %dma_start3A_114 = tpu.memref_squeeze %dma_start3A_113 : memref<1x80x128xf32, #tpu.memory_space<vmem>> -> memref<80x128xf32, #tpu.memory_space<vmem>>
    %dma_start3A_115 = arith.constant 160 : i32
    %dma_start3A_116 = tpu.memref_slice %arg5[%dma_start3A_115] : memref<10000xi32, #tpu.memory_space<vmem>> -> memref<80xi32, #tpu.memory_space<vmem>>
    %dma_start3A_117 = arith.constant 0 : i32
    %dma_start3A_118 = arith.constant 0 : i32
    %dma_start3A_119 = tpu.memref_slice %arg2[%dma_start3A_117, %dma_start3A_118] : memref<10000x128xf32, #tpu.memory_space<hbm>> -> memref<10000x128xf32, #tpu.memory_space<hbm>>
    tpu.enqueue_indirect_dma source(%dma_start3A_119 : memref<10000x128xf32, #tpu.memory_space<hbm>>) target(%dma_start3A_114 : memref<80x128xf32, #tpu.memory_space<vmem>>) offsets(%dma_start3A_116 : memref<80xi32, #tpu.memory_space<vmem>>) semaphore(%arg9 : memref<!tpu.dma_semaphore, #tpu.memory_space<semaphore_mem>>)
    %dma_wait3A_120 = arith.constant 0 : i32
    %dma_wait3A_121 = arith.constant 0 : i32
    %dma_wait3A_122 = arith.constant 0 : i32
    %dma_wait3A_123 = tpu.memref_slice %arg7[%dma_wait3A_120, %dma_wait3A_121, %dma_wait3A_122] : memref<2x80x128xf32, #tpu.memory_space<vmem>> -> memref<1x80x128xf32, #tpu.memory_space<vmem>>
    %dma_wait3A_124 = tpu.memref_squeeze %dma_wait3A_123 : memref<1x80x128xf32, #tpu.memory_space<vmem>> -> memref<80x128xf32, #tpu.memory_space<vmem>>
    %dma_wait3A_125 = arith.constant 160 : i32
    %dma_wait3A_126 = tpu.memref_slice %arg5[%dma_wait3A_125] : memref<10000xi32, #tpu.memory_space<vmem>> -> memref<80xi32, #tpu.memory_space<vmem>>
    %dma_wait3A_127 = arith.constant 0 : i32
    %dma_wait3A_128 = arith.constant 0 : i32
    %dma_wait3A_129 = tpu.memref_slice %arg2[%dma_wait3A_127, %dma_wait3A_128] : memref<10000x128xf32, #tpu.memory_space<hbm>> -> memref<10000x128xf32, #tpu.memory_space<hbm>>
    tpu.wait_indirect_dma semaphore(%arg9 : memref<!tpu.dma_semaphore, #tpu.memory_space<semaphore_mem>>) src(%dma_wait3A_129 : memref<10000x128xf32, #tpu.memory_space<hbm>>) dst(%dma_wait3A_124 : memref<80x128xf32, #tpu.memory_space<vmem>>)
    %dma_start3A_130 = arith.constant 0 : i32
    %dma_start3A_131 = arith.constant 0 : i32
    %dma_start3A_132 = arith.constant 0 : i32
    %dma_start3A_133 = tpu.memref_slice %arg7[%dma_start3A_130, %dma_start3A_131, %dma_start3A_132] : memref<2x80x128xf32, #tpu.memory_space<vmem>> -> memref<1x80x128xf32, #tpu.memory_space<vmem>>
    %dma_start3A_134 = tpu.memref_squeeze %dma_start3A_133 : memref<1x80x128xf32, #tpu.memory_space<vmem>> -> memref<80x128xf32, #tpu.memory_space<vmem>>
    %dma_start3A_135 = arith.constant 160 : i32
    %dma_start3A_136 = tpu.memref_slice %arg6[%dma_start3A_135] : memref<10000xi32, #tpu.memory_space<vmem>> -> memref<80xi32, #tpu.memory_space<vmem>>
    %dma_start3A_137 = arith.constant 0 : i32
    %dma_start3A_138 = arith.constant 0 : i32
    %dma_start3A_139 = tpu.memref_slice %arg8[%dma_start3A_137, %dma_start3A_138] : memref<10000x128xf32, #tpu.memory_space<vmem_shared>> -> memref<10000x128xf32, #tpu.memory_space<vmem_shared>>
    tpu.enqueue_indirect_dma source(%dma_start3A_134 : memref<80x128xf32, #tpu.memory_space<vmem>>) target(%dma_start3A_139 : memref<10000x128xf32, #tpu.memory_space<vmem_shared>>) offsets(%dma_start3A_136 : memref<80xi32, #tpu.memory_space<vmem>>) semaphore(%arg11 : memref<!tpu.dma_semaphore, #tpu.memory_space<semaphore_mem>>) {add = true}
    %dma_wait3A_140 = arith.constant 1 : i32
    %dma_wait3A_141 = arith.constant 0 : i32
    %dma_wait3A_142 = arith.constant 0 : i32
    %dma_wait3A_143 = tpu.memref_slice %arg7[%dma_wait3A_140, %dma_wait3A_141, %dma_wait3A_142] : memref<2x80x128xf32, #tpu.memory_space<vmem>> -> memref<1x80x128xf32, #tpu.memory_space<vmem>>
    %dma_wait3A_144 = tpu.memref_squeeze %dma_wait3A_143 : memref<1x80x128xf32, #tpu.memory_space<vmem>> -> memref<80x128xf32, #tpu.memory_space<vmem>>
    %dma_wait3A_145 = arith.constant 80 : i32
    %dma_wait3A_146 = tpu.memref_slice %arg6[%dma_wait3A_145] : memref<10000xi32, #tpu.memory_space<vmem>> -> memref<80xi32, #tpu.memory_space<vmem>>
    %dma_wait3A_147 = arith.constant 0 : i32
    %dma_wait3A_148 = arith.constant 0 : i32
    %dma_wait3A_149 = tpu.memref_slice %arg8[%dma_wait3A_147, %dma_wait3A_148] : memref<10000x128xf32, #tpu.memory_space<vmem_shared>> -> memref<10000x128xf32, #tpu.memory_space<vmem_shared>>
    tpu.wait_indirect_dma semaphore(%arg12 : memref<!tpu.dma_semaphore, #tpu.memory_space<semaphore_mem>>) src(%dma_wait3A_144 : memref<80x128xf32, #tpu.memory_space<vmem>>) dst(%dma_wait3A_149 : memref<10000x128xf32, #tpu.memory_space<vmem_shared>>)
    %dma_start3A_150 = arith.constant 1 : i32
    %dma_start3A_151 = arith.constant 0 : i32
    %dma_start3A_152 = arith.constant 0 : i32
    %dma_start3A_153 = tpu.memref_slice %arg7[%dma_start3A_150, %dma_start3A_151, %dma_start3A_152] : memref<2x80x128xf32, #tpu.memory_space<vmem>> -> memref<1x80x128xf32, #tpu.memory_space<vmem>>
    %dma_start3A_154 = tpu.memref_squeeze %dma_start3A_153 : memref<1x80x128xf32, #tpu.memory_space<vmem>> -> memref<80x128xf32, #tpu.memory_space<vmem>>
    %dma_start3A_155 = arith.constant 240 : i32
    %dma_start3A_156 = tpu.memref_slice %arg5[%dma_start3A_155] : memref<10000xi32, #tpu.memory_space<vmem>> -> memref<80xi32, #tpu.memory_space<vmem>>
    %dma_start3A_157 = arith.constant 0 : i32
    %dma_start3A_158 = arith.constant 0 : i32
    %dma_start3A_159 = tpu.memref_slice %arg2[%dma_start3A_157, %dma_start3A_158] : memref<10000x128xf32, #tpu.memory_space<hbm>> -> memref<10000x128xf32, #tpu.memory_space<hbm>>
    tpu.enqueue_indirect_dma source(%dma_start3A_159 : memref<10000x128xf32, #tpu.memory_space<hbm>>) target(%dma_start3A_154 : memref<80x128xf32, #tpu.memory_space<vmem>>) offsets(%dma_start3A_156 : memref<80xi32, #tpu.memory_space<vmem>>) semaphore(%arg10 : memref<!tpu.dma_semaphore, #tpu.memory_space<semaphore_mem>>)
    %scan3A_160 = arith.constant 1 : i32
    %scan3A_161 = arith.constant 0 : i32
    %scan3A_162 = arith.constant 0 : i32
    %scan3A_163 = arith.constant 60 : i32
    %scan3A_164 = arith.addi %scan3A_162, %scan3A_163 : i32
    %scan3A_165 = arith.constant 1 : i32
    scf.for %scan3A_760 = %scan3A_162 to %scan3A_164 step %scan3A_165  : i32 {
      %mul3A_761 = arith.constant 1 : i32
      %mul3A_762 = arith.muli %scan3A_760, %mul3A_761 : i32
      %add3A_763 = arith.constant 0 : i32
      %add3A_764 = arith.addi %add3A_763, %mul3A_762 : i32
      %mul3A_765 = arith.constant 2 : i32
      %mul3A_766 = arith.muli %add3A_764, %mul3A_765 : i32
      %add3A_767 = arith.constant 3 : i32
      %add3A_768 = arith.addi %add3A_767, %mul3A_766 : i32
      %mul3A_769 = arith.constant 80 : i32
      %mul3A_770 = arith.muli %add3A_768, %mul3A_769 : i32
      %dma_wait3A_771 = arith.constant 0 : i32
      %dma_wait3A_772 = arith.constant 0 : i32
      %dma_wait3A_773 = tpu.memref_slice %arg7[%scan3A_160, %dma_wait3A_771, %dma_wait3A_772] : memref<2x80x128xf32, #tpu.memory_space<vmem>> -> memref<1x80x128xf32, #tpu.memory_space<vmem>>
      %dma_wait3A_774 = tpu.memref_squeeze %dma_wait3A_773 : memref<1x80x128xf32, #tpu.memory_space<vmem>> -> memref<80x128xf32, #tpu.memory_space<vmem>>
      %dma_wait3A_775 = tpu.memref_slice %arg5[%mul3A_770] : memref<10000xi32, #tpu.memory_space<vmem>> -> memref<80xi32, #tpu.memory_space<vmem>>
      %dma_wait3A_776 = arith.constant 0 : i32
      %dma_wait3A_777 = arith.constant 0 : i32
      %dma_wait3A_778 = tpu.memref_slice %arg2[%dma_wait3A_776, %dma_wait3A_777] : memref<10000x128xf32, #tpu.memory_space<hbm>> -> memref<10000x128xf32, #tpu.memory_space<hbm>>
      tpu.wait_indirect_dma semaphore(%arg10 : memref<!tpu.dma_semaphore, #tpu.memory_space<semaphore_mem>>) src(%dma_wait3A_778 : memref<10000x128xf32, #tpu.memory_space<hbm>>) dst(%dma_wait3A_774 : memref<80x128xf32, #tpu.memory_space<vmem>>)
      %mul3A_779 = arith.constant 80 : i32
      %mul3A_780 = arith.muli %add3A_768, %mul3A_779 : i32
      %dma_start3A_781 = arith.constant 0 : i32
      %dma_start3A_782 = arith.constant 0 : i32
      %dma_start3A_783 = tpu.memref_slice %arg7[%scan3A_160, %dma_start3A_781, %dma_start3A_782] : memref<2x80x128xf32, #tpu.memory_space<vmem>> -> memref<1x80x128xf32, #tpu.memory_space<vmem>>
      %dma_start3A_784 = tpu.memref_squeeze %dma_start3A_783 : memref<1x80x128xf32, #tpu.memory_space<vmem>> -> memref<80x128xf32, #tpu.memory_space<vmem>>
      %dma_start3A_785 = tpu.memref_slice %arg6[%mul3A_780] : memref<10000xi32, #tpu.memory_space<vmem>> -> memref<80xi32, #tpu.memory_space<vmem>>
      %dma_start3A_786 = arith.constant 0 : i32
      %dma_start3A_787 = arith.constant 0 : i32
      %dma_start3A_788 = tpu.memref_slice %arg8[%dma_start3A_786, %dma_start3A_787] : memref<10000x128xf32, #tpu.memory_space<vmem_shared>> -> memref<10000x128xf32, #tpu.memory_space<vmem_shared>>
      tpu.enqueue_indirect_dma source(%dma_start3A_784 : memref<80x128xf32, #tpu.memory_space<vmem>>) target(%dma_start3A_788 : memref<10000x128xf32, #tpu.memory_space<vmem_shared>>) offsets(%dma_start3A_785 : memref<80xi32, #tpu.memory_space<vmem>>) semaphore(%arg12 : memref<!tpu.dma_semaphore, #tpu.memory_space<semaphore_mem>>) {add = true}
      %sub3A = arith.constant 1 : i32
      %sub3A_789 = arith.subi %add3A_768, %sub3A : i32
      %mul3A_790 = arith.constant 80 : i32
      %mul3A_791 = arith.muli %sub3A_789, %mul3A_790 : i32
      %dma_wait3A_792 = arith.constant 0 : i32
      %dma_wait3A_793 = arith.constant 0 : i32
      %dma_wait3A_794 = tpu.memref_slice %arg7[%scan3A_161, %dma_wait3A_792, %dma_wait3A_793] : memref<2x80x128xf32, #tpu.memory_space<vmem>> -> memref<1x80x128xf32, #tpu.memory_space<vmem>>
      %dma_wait3A_795 = tpu.memref_squeeze %dma_wait3A_794 : memref<1x80x128xf32, #tpu.memory_space<vmem>> -> memref<80x128xf32, #tpu.memory_space<vmem>>
      %dma_wait3A_796 = tpu.memref_slice %arg6[%mul3A_791] : memref<10000xi32, #tpu.memory_space<vmem>> -> memref<80xi32, #tpu.memory_space<vmem>>
      %dma_wait3A_797 = arith.constant 0 : i32
      %dma_wait3A_798 = arith.constant 0 : i32
      %dma_wait3A_799 = tpu.memref_slice %arg8[%dma_wait3A_797, %dma_wait3A_798] : memref<10000x128xf32, #tpu.memory_space<vmem_shared>> -> memref<10000x128xf32, #tpu.memory_space<vmem_shared>>
      tpu.wait_indirect_dma semaphore(%arg11 : memref<!tpu.dma_semaphore, #tpu.memory_space<semaphore_mem>>) src(%dma_wait3A_795 : memref<80x128xf32, #tpu.memory_space<vmem>>) dst(%dma_wait3A_799 : memref<10000x128xf32, #tpu.memory_space<vmem_shared>>)
      %add3A_800 = arith.constant 1 : i32
      %add3A_801 = arith.addi %add3A_768, %add3A_800 : i32
      %mul3A_802 = arith.constant 80 : i32
      %mul3A_803 = arith.muli %add3A_801, %mul3A_802 : i32
      %dma_start3A_804 = arith.constant 0 : i32
      %dma_start3A_805 = arith.constant 0 : i32
      %dma_start3A_806 = tpu.memref_slice %arg7[%scan3A_161, %dma_start3A_804, %dma_start3A_805] : memref<2x80x128xf32, #tpu.memory_space<vmem>> -> memref<1x80x128xf32, #tpu.memory_space<vmem>>
      %dma_start3A_807 = tpu.memref_squeeze %dma_start3A_806 : memref<1x80x128xf32, #tpu.memory_space<vmem>> -> memref<80x128xf32, #tpu.memory_space<vmem>>
      %dma_start3A_808 = tpu.memref_slice %arg5[%mul3A_803] : memref<10000xi32, #tpu.memory_space<vmem>> -> memref<80xi32, #tpu.memory_space<vmem>>
      %dma_start3A_809 = arith.constant 0 : i32
      %dma_start3A_810 = arith.constant 0 : i32
      %dma_start3A_811 = tpu.memref_slice %arg2[%dma_start3A_809, %dma_start3A_810] : memref<10000x128xf32, #tpu.memory_space<hbm>> -> memref<10000x128xf32, #tpu.memory_space<hbm>>
      tpu.enqueue_indirect_dma source(%dma_start3A_811 : memref<10000x128xf32, #tpu.memory_space<hbm>>) target(%dma_start3A_807 : memref<80x128xf32, #tpu.memory_space<vmem>>) offsets(%dma_start3A_808 : memref<80xi32, #tpu.memory_space<vmem>>) semaphore(%arg9 : memref<!tpu.dma_semaphore, #tpu.memory_space<semaphore_mem>>)
      %add3A_812 = arith.constant 1 : i32
      %add3A_813 = arith.addi %add3A_768, %add3A_812 : i32
      %mul3A_814 = arith.constant 80 : i32
      %mul3A_815 = arith.muli %add3A_813, %mul3A_814 : i32
      %dma_wait3A_816 = arith.constant 0 : i32
      %dma_wait3A_817 = arith.constant 0 : i32
      %dma_wait3A_818 = tpu.memref_slice %arg7[%scan3A_161, %dma_wait3A_816, %dma_wait3A_817] : memref<2x80x128xf32, #tpu.memory_space<vmem>> -> memref<1x80x128xf32, #tpu.memory_space<vmem>>
      %dma_wait3A_819 = tpu.memref_squeeze %dma_wait3A_818 : memref<1x80x128xf32, #tpu.memory_space<vmem>> -> memref<80x128xf32, #tpu.memory_space<vmem>>
      %dma_wait3A_820 = tpu.memref_slice %arg5[%mul3A_815] : memref<10000xi32, #tpu.memory_space<vmem>> -> memref<80xi32, #tpu.memory_space<vmem>>
      %dma_wait3A_821 = arith.constant 0 : i32
      %dma_wait3A_822 = arith.constant 0 : i32
      %dma_wait3A_823 = tpu.memref_slice %arg2[%dma_wait3A_821, %dma_wait3A_822] : memref<10000x128xf32, #tpu.memory_space<hbm>> -> memref<10000x128xf32, #tpu.memory_space<hbm>>
      tpu.wait_indirect_dma semaphore(%arg9 : memref<!tpu.dma_semaphore, #tpu.memory_space<semaphore_mem>>) src(%dma_wait3A_823 : memref<10000x128xf32, #tpu.memory_space<hbm>>) dst(%dma_wait3A_819 : memref<80x128xf32, #tpu.memory_space<vmem>>)
      %mul3A_824 = arith.constant 80 : i32
      %mul3A_825 = arith.muli %add3A_813, %mul3A_824 : i32
      %dma_start3A_826 = arith.constant 0 : i32
      %dma_start3A_827 = arith.constant 0 : i32
      %dma_start3A_828 = tpu.memref_slice %arg7[%scan3A_161, %dma_start3A_826, %dma_start3A_827] : memref<2x80x128xf32, #tpu.memory_space<vmem>> -> memref<1x80x128xf32, #tpu.memory_space<vmem>>
      %dma_start3A_829 = tpu.memref_squeeze %dma_start3A_828 : memref<1x80x128xf32, #tpu.memory_space<vmem>> -> memref<80x128xf32, #tpu.memory_space<vmem>>
      %dma_start3A_830 = tpu.memref_slice %arg6[%mul3A_825] : memref<10000xi32, #tpu.memory_space<vmem>> -> memref<80xi32, #tpu.memory_space<vmem>>
      %dma_start3A_831 = arith.constant 0 : i32
      %dma_start3A_832 = arith.constant 0 : i32
      %dma_start3A_833 = tpu.memref_slice %arg8[%dma_start3A_831, %dma_start3A_832] : memref<10000x128xf32, #tpu.memory_space<vmem_shared>> -> memref<10000x128xf32, #tpu.memory_space<vmem_shared>>
      tpu.enqueue_indirect_dma source(%dma_start3A_829 : memref<80x128xf32, #tpu.memory_space<vmem>>) target(%dma_start3A_833 : memref<10000x128xf32, #tpu.memory_space<vmem_shared>>) offsets(%dma_start3A_830 : memref<80xi32, #tpu.memory_space<vmem>>) semaphore(%arg11 : memref<!tpu.dma_semaphore, #tpu.memory_space<semaphore_mem>>) {add = true}
      %sub3A_834 = arith.constant 1 : i32
      %sub3A_835 = arith.subi %add3A_813, %sub3A_834 : i32
      %mul3A_836 = arith.constant 80 : i32
      %mul3A_837 = arith.muli %sub3A_835, %mul3A_836 : i32
      %dma_wait3A_838 = arith.constant 0 : i32
      %dma_wait3A_839 = arith.constant 0 : i32
      %dma_wait3A_840 = tpu.memref_slice %arg7[%scan3A_160, %dma_wait3A_838, %dma_wait3A_839] : memref<2x80x128xf32, #tpu.memory_space<vmem>> -> memref<1x80x128xf32, #tpu.memory_space<vmem>>
      %dma_wait3A_841 = tpu.memref_squeeze %dma_wait3A_840 : memref<1x80x128xf32, #tpu.memory_space<vmem>> -> memref<80x128xf32, #tpu.memory_space<vmem>>
      %dma_wait3A_842 = tpu.memref_slice %arg6[%mul3A_837] : memref<10000xi32, #tpu.memory_space<vmem>> -> memref<80xi32, #tpu.memory_space<vmem>>
      %dma_wait3A_843 = arith.constant 0 : i32
      %dma_wait3A_844 = arith.constant 0 : i32
      %dma_wait3A_845 = tpu.memref_slice %arg8[%dma_wait3A_843, %dma_wait3A_844] : memref<10000x128xf32, #tpu.memory_space<vmem_shared>> -> memref<10000x128xf32, #tpu.memory_space<vmem_shared>>
      tpu.wait_indirect_dma semaphore(%arg12 : memref<!tpu.dma_semaphore, #tpu.memory_space<semaphore_mem>>) src(%dma_wait3A_841 : memref<80x128xf32, #tpu.memory_space<vmem>>) dst(%dma_wait3A_845 : memref<10000x128xf32, #tpu.memory_space<vmem_shared>>)
      %add3A_846 = arith.constant 1 : i32
      %add3A_847 = arith.addi %add3A_813, %add3A_846 : i32
      %mul3A_848 = arith.constant 80 : i32
      %mul3A_849 = arith.muli %add3A_847, %mul3A_848 : i32
      %dma_start3A_850 = arith.constant 0 : i32
      %dma_start3A_851 = arith.constant 0 : i32
      %dma_start3A_852 = tpu.memref_slice %arg7[%scan3A_160, %dma_start3A_850, %dma_start3A_851] : memref<2x80x128xf32, #tpu.memory_space<vmem>> -> memref<1x80x128xf32, #tpu.memory_space<vmem>>
      %dma_start3A_853 = tpu.memref_squeeze %dma_start3A_852 : memref<1x80x128xf32, #tpu.memory_space<vmem>> -> memref<80x128xf32, #tpu.memory_space<vmem>>
      %dma_start3A_854 = tpu.memref_slice %arg5[%mul3A_849] : memref<10000xi32, #tpu.memory_space<vmem>> -> memref<80xi32, #tpu.memory_space<vmem>>
      %dma_start3A_855 = arith.constant 0 : i32
      %dma_start3A_856 = arith.constant 0 : i32
      %dma_start3A_857 = tpu.memref_slice %arg2[%dma_start3A_855, %dma_start3A_856] : memref<10000x128xf32, #tpu.memory_space<hbm>> -> memref<10000x128xf32, #tpu.memory_space<hbm>>
      tpu.enqueue_indirect_dma source(%dma_start3A_857 : memref<10000x128xf32, #tpu.memory_space<hbm>>) target(%dma_start3A_853 : memref<80x128xf32, #tpu.memory_space<vmem>>) offsets(%dma_start3A_854 : memref<80xi32, #tpu.memory_space<vmem>>) semaphore(%arg10 : memref<!tpu.dma_semaphore, #tpu.memory_space<semaphore_mem>>)
    }
    %scan3A_166 = arith.constant 60 : i32
    %dma_wait3A_167 = arith.constant 1 : i32
    %dma_wait3A_168 = arith.constant 0 : i32
    %dma_wait3A_169 = arith.constant 0 : i32
    %dma_wait3A_170 = tpu.memref_slice %arg7[%dma_wait3A_167, %dma_wait3A_168, %dma_wait3A_169] : memref<2x80x128xf32, #tpu.memory_space<vmem>> -> memref<1x80x128xf32, #tpu.memory_space<vmem>>
    %dma_wait3A_171 = tpu.memref_squeeze %dma_wait3A_170 : memref<1x80x128xf32, #tpu.memory_space<vmem>> -> memref<80x128xf32, #tpu.memory_space<vmem>>
    %dma_wait3A_172 = arith.constant 9840 : i32
    %dma_wait3A_173 = tpu.memref_slice %arg5[%dma_wait3A_172] : memref<10000xi32, #tpu.memory_space<vmem>> -> memref<80xi32, #tpu.memory_space<vmem>>
    %dma_wait3A_174 = arith.constant 0 : i32
    %dma_wait3A_175 = arith.constant 0 : i32
    %dma_wait3A_176 = tpu.memref_slice %arg2[%dma_wait3A_174, %dma_wait3A_175] : memref<10000x128xf32, #tpu.memory_space<hbm>> -> memref<10000x128xf32, #tpu.memory_space<hbm>>
    tpu.wait_indirect_dma semaphore(%arg10 : memref<!tpu.dma_semaphore, #tpu.memory_space<semaphore_mem>>) src(%dma_wait3A_176 : memref<10000x128xf32, #tpu.memory_space<hbm>>) dst(%dma_wait3A_171 : memref<80x128xf32, #tpu.memory_space<vmem>>)
    %dma_start3A_177 = arith.constant 1 : i32
    %dma_start3A_178 = arith.constant 0 : i32
    %dma_start3A_179 = arith.constant 0 : i32
    %dma_start3A_180 = tpu.memref_slice %arg7[%dma_start3A_177, %dma_start3A_178, %dma_start3A_179] : memref<2x80x128xf32, #tpu.memory_space<vmem>> -> memref<1x80x128xf32, #tpu.memory_space<vmem>>
    %dma_start3A_181 = tpu.memref_squeeze %dma_start3A_180 : memref<1x80x128xf32, #tpu.memory_space<vmem>> -> memref<80x128xf32, #tpu.memory_space<vmem>>
    %dma_start3A_182 = arith.constant 9840 : i32
    %dma_start3A_183 = tpu.memref_slice %arg6[%dma_start3A_182] : memref<10000xi32, #tpu.memory_space<vmem>> -> memref<80xi32, #tpu.memory_space<vmem>>
    %dma_start3A_184 = arith.constant 0 : i32
    %dma_start3A_185 = arith.constant 0 : i32
    %dma_start3A_186 = tpu.memref_slice %arg8[%dma_start3A_184, %dma_start3A_185] : memref<10000x128xf32, #tpu.memory_space<vmem_shared>> -> memref<10000x128xf32, #tpu.memory_space<vmem_shared>>
    tpu.enqueue_indirect_dma source(%dma_start3A_181 : memref<80x128xf32, #tpu.memory_space<vmem>>) target(%dma_start3A_186 : memref<10000x128xf32, #tpu.memory_space<vmem_shared>>) offsets(%dma_start3A_183 : memref<80xi32, #tpu.memory_space<vmem>>) semaphore(%arg12 : memref<!tpu.dma_semaphore, #tpu.memory_space<semaphore_mem>>) {add = true}
    %dma_wait3A_187 = arith.constant 0 : i32
    %dma_wait3A_188 = arith.constant 0 : i32
    %dma_wait3A_189 = arith.constant 0 : i32
    %dma_wait3A_190 = tpu.memref_slice %arg7[%dma_wait3A_187, %dma_wait3A_188, %dma_wait3A_189] : memref<2x80x128xf32, #tpu.memory_space<vmem>> -> memref<1x80x128xf32, #tpu.memory_space<vmem>>
    %dma_wait3A_191 = tpu.memref_squeeze %dma_wait3A_190 : memref<1x80x128xf32, #tpu.memory_space<vmem>> -> memref<80x128xf32, #tpu.memory_space<vmem>>
    %dma_wait3A_192 = arith.constant 9760 : i32
    %dma_wait3A_193 = tpu.memref_slice %arg6[%dma_wait3A_192] : memref<10000xi32, #tpu.memory_space<vmem>> -> memref<80xi32, #tpu.memory_space<vmem>>
    %dma_wait3A_194 = arith.constant 0 : i32
    %dma_wait3A_195 = arith.constant 0 : i32
    %dma_wait3A_196 = tpu.memref_slice %arg8[%dma_wait3A_194, %dma_wait3A_195] : memref<10000x128xf32, #tpu.memory_space<vmem_shared>> -> memref<10000x128xf32, #tpu.memory_space<vmem_shared>>
    tpu.wait_indirect_dma semaphore(%arg11 : memref<!tpu.dma_semaphore, #tpu.memory_space<semaphore_mem>>) src(%dma_wait3A_191 : memref<80x128xf32, #tpu.memory_space<vmem>>) dst(%dma_wait3A_196 : memref<10000x128xf32, #tpu.memory_space<vmem_shared>>)
    %dma_start3A_197 = arith.constant 0 : i32
    %dma_start3A_198 = arith.constant 0 : i32
    %dma_start3A_199 = arith.constant 0 : i32
    %dma_start3A_200 = tpu.memref_slice %arg7[%dma_start3A_197, %dma_start3A_198, %dma_start3A_199] : memref<2x80x128xf32, #tpu.memory_space<vmem>> -> memref<1x80x128xf32, #tpu.memory_space<vmem>>
    %dma_start3A_201 = tpu.memref_squeeze %dma_start3A_200 : memref<1x80x128xf32, #tpu.memory_space<vmem>> -> memref<80x128xf32, #tpu.memory_space<vmem>>
    %dma_start3A_202 = arith.constant 9920 : i32
    %dma_start3A_203 = tpu.memref_slice %arg5[%dma_start3A_202] : memref<10000xi32, #tpu.memory_space<vmem>> -> memref<80xi32, #tpu.memory_space<vmem>>
    %dma_start3A_204 = arith.constant 0 : i32
    %dma_start3A_205 = arith.constant 0 : i32
    %dma_start3A_206 = tpu.memref_slice %arg2[%dma_start3A_204, %dma_start3A_205] : memref<10000x128xf32, #tpu.memory_space<hbm>> -> memref<10000x128xf32, #tpu.memory_space<hbm>>
    tpu.enqueue_indirect_dma source(%dma_start3A_206 : memref<10000x128xf32, #tpu.memory_space<hbm>>) target(%dma_start3A_201 : memref<80x128xf32, #tpu.memory_space<vmem>>) offsets(%dma_start3A_203 : memref<80xi32, #tpu.memory_space<vmem>>) semaphore(%arg9 : memref<!tpu.dma_semaphore, #tpu.memory_space<semaphore_mem>>)
    %dma_wait3A_207 = arith.constant 0 : i32
    %dma_wait3A_208 = arith.constant 0 : i32
    %dma_wait3A_209 = arith.constant 0 : i32
    %dma_wait3A_210 = tpu.memref_slice %arg7[%dma_wait3A_207, %dma_wait3A_208, %dma_wait3A_209] : memref<2x80x128xf32, #tpu.memory_space<vmem>> -> memref<1x80x128xf32, #tpu.memory_space<vmem>>
    %dma_wait3A_211 = tpu.memref_squeeze %dma_wait3A_210 : memref<1x80x128xf32, #tpu.memory_space<vmem>> -> memref<80x128xf32, #tpu.memory_space<vmem>>
    %dma_wait3A_212 = arith.constant 9920 : i32
    %dma_wait3A_213 = tpu.memref_slice %arg5[%dma_wait3A_212] : memref<10000xi32, #tpu.memory_space<vmem>> -> memref<80xi32, #tpu.memory_space<vmem>>
    %dma_wait3A_214 = arith.constant 0 : i32
    %dma_wait3A_215 = arith.constant 0 : i32
    %dma_wait3A_216 = tpu.memref_slice %arg2[%dma_wait3A_214, %dma_wait3A_215] : memref<10000x128xf32, #tpu.memory_space<hbm>> -> memref<10000x128xf32, #tpu.memory_space<hbm>>
    tpu.wait_indirect_dma semaphore(%arg9 : memref<!tpu.dma_semaphore, #tpu.memory_space<semaphore_mem>>) src(%dma_wait3A_216 : memref<10000x128xf32, #tpu.memory_space<hbm>>) dst(%dma_wait3A_211 : memref<80x128xf32, #tpu.memory_space<vmem>>)
    %dma_start3A_217 = arith.constant 0 : i32
    %dma_start3A_218 = arith.constant 0 : i32
    %dma_start3A_219 = arith.constant 0 : i32
    %dma_start3A_220 = tpu.memref_slice %arg7[%dma_start3A_217, %dma_start3A_218, %dma_start3A_219] : memref<2x80x128xf32, #tpu.memory_space<vmem>> -> memref<1x80x128xf32, #tpu.memory_space<vmem>>
    %dma_start3A_221 = tpu.memref_squeeze %dma_start3A_220 : memref<1x80x128xf32, #tpu.memory_space<vmem>> -> memref<80x128xf32, #tpu.memory_space<vmem>>
    %dma_start3A_222 = arith.constant 9920 : i32
    %dma_start3A_223 = tpu.memref_slice %arg6[%dma_start3A_222] : memref<10000xi32, #tpu.memory_space<vmem>> -> memref<80xi32, #tpu.memory_space<vmem>>
    %dma_start3A_224 = arith.constant 0 : i32
    %dma_start3A_225 = arith.constant 0 : i32
    %dma_start3A_226 = tpu.memref_slice %arg8[%dma_start3A_224, %dma_start3A_225] : memref<10000x128xf32, #tpu.memory_space<vmem_shared>> -> memref<10000x128xf32, #tpu.memory_space<vmem_shared>>
    tpu.enqueue_indirect_dma source(%dma_start3A_221 : memref<80x128xf32, #tpu.memory_space<vmem>>) target(%dma_start3A_226 : memref<10000x128xf32, #tpu.memory_space<vmem_shared>>) offsets(%dma_start3A_223 : memref<80xi32, #tpu.memory_space<vmem>>) semaphore(%arg11 : memref<!tpu.dma_semaphore, #tpu.memory_space<semaphore_mem>>) {add = true}
    %dma_wait3A_227 = arith.constant 1 : i32
    %dma_wait3A_228 = arith.constant 0 : i32
    %dma_wait3A_229 = arith.constant 0 : i32
    %dma_wait3A_230 = tpu.memref_slice %arg7[%dma_wait3A_227, %dma_wait3A_228, %dma_wait3A_229] : memref<2x80x128xf32, #tpu.memory_space<vmem>> -> memref<1x80x128xf32, #tpu.memory_space<vmem>>
    %dma_wait3A_231 = tpu.memref_squeeze %dma_wait3A_230 : memref<1x80x128xf32, #tpu.memory_space<vmem>> -> memref<80x128xf32, #tpu.memory_space<vmem>>
    %dma_wait3A_232 = arith.constant 9840 : i32
    %dma_wait3A_233 = tpu.memref_slice %arg6[%dma_wait3A_232] : memref<10000xi32, #tpu.memory_space<vmem>> -> memref<80xi32, #tpu.memory_space<vmem>>
    %dma_wait3A_234 = arith.constant 0 : i32
    %dma_wait3A_235 = arith.constant 0 : i32
    %dma_wait3A_236 = tpu.memref_slice %arg8[%dma_wait3A_234, %dma_wait3A_235] : memref<10000x128xf32, #tpu.memory_space<vmem_shared>> -> memref<10000x128xf32, #tpu.memory_space<vmem_shared>>
    tpu.wait_indirect_dma semaphore(%arg12 : memref<!tpu.dma_semaphore, #tpu.memory_space<semaphore_mem>>) src(%dma_wait3A_231 : memref<80x128xf32, #tpu.memory_space<vmem>>) dst(%dma_wait3A_236 : memref<10000x128xf32, #tpu.memory_space<vmem_shared>>)
    %dma_wait3A_237 = arith.constant 0 : i32
    %dma_wait3A_238 = arith.constant 0 : i32
    %dma_wait3A_239 = arith.constant 0 : i32
    %dma_wait3A_240 = tpu.memref_slice %arg7[%dma_wait3A_237, %dma_wait3A_238, %dma_wait3A_239] : memref<2x80x128xf32, #tpu.memory_space<vmem>> -> memref<1x80x128xf32, #tpu.memory_space<vmem>>
    %dma_wait3A_241 = tpu.memref_squeeze %dma_wait3A_240 : memref<1x80x128xf32, #tpu.memory_space<vmem>> -> memref<80x128xf32, #tpu.memory_space<vmem>>
    %dma_wait3A_242 = arith.constant 9920 : i32
    %dma_wait3A_243 = tpu.memref_slice %arg6[%dma_wait3A_242] : memref<10000xi32, #tpu.memory_space<vmem>> -> memref<80xi32, #tpu.memory_space<vmem>>
    %dma_wait3A_244 = arith.constant 0 : i32
    %dma_wait3A_245 = arith.constant 0 : i32
    %dma_wait3A_246 = tpu.memref_slice %arg8[%dma_wait3A_244, %dma_wait3A_245] : memref<10000x128xf32, #tpu.memory_space<vmem_shared>> -> memref<10000x128xf32, #tpu.memory_space<vmem_shared>>
    tpu.wait_indirect_dma semaphore(%arg11 : memref<!tpu.dma_semaphore, #tpu.memory_space<semaphore_mem>>) src(%dma_wait3A_241 : memref<80x128xf32, #tpu.memory_space<vmem>>) dst(%dma_wait3A_246 : memref<10000x128xf32, #tpu.memory_space<vmem_shared>>)
    %barrier3A_247 = arith.constant 0 : index
    tpu.barrier barrier_id(%barrier3A_247)
    %add3A_248 = arith.constant 0 : i32
    %add3A_249 = arith.addi %min3A_3, %add3A_248 : i32
    %dma_start3A_250 = arith.constant 0 : i32
    %dma_start3A_251 = arith.constant 0 : i32
    %dma_start3A_252 = arith.constant 0 : i32
    %dma_start3A_253 = tpu.memref_slice %arg7[%dma_start3A_250, %dma_start3A_251, %dma_start3A_252] : memref<2x80x128xf32, #tpu.memory_space<vmem>> -> memref<1x80x128xf32, #tpu.memory_space<vmem>>
    %dma_start3A_254 = tpu.memref_squeeze %dma_start3A_253 : memref<1x80x128xf32, #tpu.memory_space<vmem>> -> memref<80x128xf32, #tpu.memory_space<vmem>>
    %dma_start3A_255 = arith.constant 0 : i32
    %dma_start3A_256 = tpu.memref_slice %arg8[%add3A_249, %dma_start3A_255] : memref<10000x128xf32, #tpu.memory_space<vmem_shared>> -> memref<80x128xf32, #tpu.memory_space<vmem_shared>>
    %dma_start3A_257 = arith.constant 0 : i32
    %dma_start3A_258 = arith.constant 0 : i32
    %dma_start3A_259 = tpu.memref_slice %arg7[%dma_start3A_250, %dma_start3A_257, %dma_start3A_258] : memref<2x80x128xf32, #tpu.memory_space<vmem>> -> memref<1x80x128xf32, #tpu.memory_space<vmem>>
    %dma_start3A_260 = tpu.memref_squeeze %dma_start3A_259 : memref<1x80x128xf32, #tpu.memory_space<vmem>> -> memref<80x128xf32, #tpu.memory_space<vmem>>
    %dma_start3A_261 = arith.constant 0 : i32
    %dma_start3A_262 = tpu.memref_slice %arg8[%add3A_249, %dma_start3A_261] : memref<10000x128xf32, #tpu.memory_space<vmem_shared>> -> memref<80x128xf32, #tpu.memory_space<vmem_shared>>
    tpu.enqueue_dma source(%dma_start3A_262 : memref<80x128xf32, #tpu.memory_space<vmem_shared>>) target(%dma_start3A_260 : memref<80x128xf32, #tpu.memory_space<vmem>>) target_semaphore(%arg9 : memref<!tpu.dma_semaphore, #tpu.memory_space<semaphore_mem>>)
    %add3A_263 = arith.constant 0 : i32
    %add3A_264 = arith.addi %min3A_3, %add3A_263 : i32
    %dma_wait3A_265 = arith.constant 0 : i32
    %dma_wait3A_266 = arith.constant 0 : i32
    %dma_wait3A_267 = arith.constant 0 : i32
    %dma_wait3A_268 = tpu.memref_slice %arg7[%dma_wait3A_265, %dma_wait3A_266, %dma_wait3A_267] : memref<2x80x128xf32, #tpu.memory_space<vmem>> -> memref<1x80x128xf32, #tpu.memory_space<vmem>>
    %dma_wait3A_269 = tpu.memref_squeeze %dma_wait3A_268 : memref<1x80x128xf32, #tpu.memory_space<vmem>> -> memref<80x128xf32, #tpu.memory_space<vmem>>
    %dma_wait3A_270 = arith.constant 0 : i32
    %dma_wait3A_271 = tpu.memref_slice %arg8[%add3A_264, %dma_wait3A_270] : memref<10000x128xf32, #tpu.memory_space<vmem_shared>> -> memref<80x128xf32, #tpu.memory_space<vmem_shared>>
    %dma_wait3A_272 = arith.constant 0 : i32
    %dma_wait3A_273 = arith.constant 0 : i32
    %dma_wait3A_274 = tpu.memref_slice %arg7[%dma_wait3A_265, %dma_wait3A_272, %dma_wait3A_273] : memref<2x80x128xf32, #tpu.memory_space<vmem>> -> memref<1x80x128xf32, #tpu.memory_space<vmem>>
    %dma_wait3A_275 = tpu.memref_squeeze %dma_wait3A_274 : memref<1x80x128xf32, #tpu.memory_space<vmem>> -> memref<80x128xf32, #tpu.memory_space<vmem>>
    %dma_wait3A_276 = arith.constant 0 : i32
    %dma_wait3A_277 = tpu.memref_slice %arg8[%add3A_264, %dma_wait3A_276] : memref<10000x128xf32, #tpu.memory_space<vmem_shared>> -> memref<80x128xf32, #tpu.memory_space<vmem_shared>>
    tpu.wait_dma2 semaphore(%arg9 : memref<!tpu.dma_semaphore, #tpu.memory_space<semaphore_mem>>) src(%dma_wait3A_277 : memref<80x128xf32, #tpu.memory_space<vmem_shared>>) dst(%dma_wait3A_275 : memref<80x128xf32, #tpu.memory_space<vmem>>)
    %add3A_278 = arith.constant 0 : i32
    %add3A_279 = arith.addi %min3A_3, %add3A_278 : i32
    %dma_start3A_280 = arith.constant 0 : i32
    %dma_start3A_281 = arith.constant 0 : i32
    %dma_start3A_282 = arith.constant 0 : i32
    %dma_start3A_283 = tpu.memref_slice %arg7[%dma_start3A_280, %dma_start3A_281, %dma_start3A_282] : memref<2x80x128xf32, #tpu.memory_space<vmem>> -> memref<1x80x128xf32, #tpu.memory_space<vmem>>
    %dma_start3A_284 = tpu.memref_squeeze %dma_start3A_283 : memref<1x80x128xf32, #tpu.memory_space<vmem>> -> memref<80x128xf32, #tpu.memory_space<vmem>>
    %dma_start3A_285 = arith.constant 0 : i32
    %dma_start3A_286 = tpu.memref_slice %arg4[%arg0, %add3A_279, %dma_start3A_285] : memref<2x10000x128xf32, #tpu.memory_space<hbm>> -> memref<1x80x128xf32, #tpu.memory_space<hbm>>
    %dma_start3A_287 = tpu.memref_squeeze %dma_start3A_286 : memref<1x80x128xf32, #tpu.memory_space<hbm>> -> memref<80x128xf32, #tpu.memory_space<hbm>>
    %dma_start3A_288 = arith.constant 0 : i32
    %dma_start3A_289 = tpu.memref_slice %arg4[%arg0, %add3A_279, %dma_start3A_288] : memref<2x10000x128xf32, #tpu.memory_space<hbm>> -> memref<1x80x128xf32, #tpu.memory_space<hbm>>
    %dma_start3A_290 = tpu.memref_squeeze %dma_start3A_289 : memref<1x80x128xf32, #tpu.memory_space<hbm>> -> memref<80x128xf32, #tpu.memory_space<hbm>>
    %dma_start3A_291 = arith.constant 0 : i32
    %dma_start3A_292 = arith.constant 0 : i32
    %dma_start3A_293 = tpu.memref_slice %arg7[%dma_start3A_280, %dma_start3A_291, %dma_start3A_292] : memref<2x80x128xf32, #tpu.memory_space<vmem>> -> memref<1x80x128xf32, #tpu.memory_space<vmem>>
    %dma_start3A_294 = tpu.memref_squeeze %dma_start3A_293 : memref<1x80x128xf32, #tpu.memory_space<vmem>> -> memref<80x128xf32, #tpu.memory_space<vmem>>
    tpu.enqueue_dma source(%dma_start3A_294 : memref<80x128xf32, #tpu.memory_space<vmem>>) target(%dma_start3A_290 : memref<80x128xf32, #tpu.memory_space<hbm>>) target_semaphore(%arg11 : memref<!tpu.dma_semaphore, #tpu.memory_space<semaphore_mem>>)
    %add3A_295 = arith.constant 80 : i32
    %add3A_296 = arith.addi %min3A_3, %add3A_295 : i32
    %dma_start3A_297 = arith.constant 1 : i32
    %dma_start3A_298 = arith.constant 0 : i32
    %dma_start3A_299 = arith.constant 0 : i32
    %dma_start3A_300 = tpu.memref_slice %arg7[%dma_start3A_297, %dma_start3A_298, %dma_start3A_299] : memref<2x80x128xf32, #tpu.memory_space<vmem>> -> memref<1x80x128xf32, #tpu.memory_space<vmem>>
    %dma_start3A_301 = tpu.memref_squeeze %dma_start3A_300 : memref<1x80x128xf32, #tpu.memory_space<vmem>> -> memref<80x128xf32, #tpu.memory_space<vmem>>
    %dma_start3A_302 = arith.constant 0 : i32
    %dma_start3A_303 = tpu.memref_slice %arg8[%add3A_296, %dma_start3A_302] : memref<10000x128xf32, #tpu.memory_space<vmem_shared>> -> memref<80x128xf32, #tpu.memory_space<vmem_shared>>
    %dma_start3A_304 = arith.constant 0 : i32
    %dma_start3A_305 = arith.constant 0 : i32
    %dma_start3A_306 = tpu.memref_slice %arg7[%dma_start3A_297, %dma_start3A_304, %dma_start3A_305] : memref<2x80x128xf32, #tpu.memory_space<vmem>> -> memref<1x80x128xf32, #tpu.memory_space<vmem>>
    %dma_start3A_307 = tpu.memref_squeeze %dma_start3A_306 : memref<1x80x128xf32, #tpu.memory_space<vmem>> -> memref<80x128xf32, #tpu.memory_space<vmem>>
    %dma_start3A_308 = arith.constant 0 : i32
    %dma_start3A_309 = tpu.memref_slice %arg8[%add3A_296, %dma_start3A_308] : memref<10000x128xf32, #tpu.memory_space<vmem_shared>> -> memref<80x128xf32, #tpu.memory_space<vmem_shared>>
    tpu.enqueue_dma source(%dma_start3A_309 : memref<80x128xf32, #tpu.memory_space<vmem_shared>>) target(%dma_start3A_307 : memref<80x128xf32, #tpu.memory_space<vmem>>) target_semaphore(%arg10 : memref<!tpu.dma_semaphore, #tpu.memory_space<semaphore_mem>>)
    %add3A_310 = arith.constant 80 : i32
    %add3A_311 = arith.addi %min3A_3, %add3A_310 : i32
    %dma_wait3A_312 = arith.constant 1 : i32
    %dma_wait3A_313 = arith.constant 0 : i32
    %dma_wait3A_314 = arith.constant 0 : i32
    %dma_wait3A_315 = tpu.memref_slice %arg7[%dma_wait3A_312, %dma_wait3A_313, %dma_wait3A_314] : memref<2x80x128xf32, #tpu.memory_space<vmem>> -> memref<1x80x128xf32, #tpu.memory_space<vmem>>
    %dma_wait3A_316 = tpu.memref_squeeze %dma_wait3A_315 : memref<1x80x128xf32, #tpu.memory_space<vmem>> -> memref<80x128xf32, #tpu.memory_space<vmem>>
    %dma_wait3A_317 = arith.constant 0 : i32
    %dma_wait3A_318 = tpu.memref_slice %arg8[%add3A_311, %dma_wait3A_317] : memref<10000x128xf32, #tpu.memory_space<vmem_shared>> -> memref<80x128xf32, #tpu.memory_space<vmem_shared>>
    %dma_wait3A_319 = arith.constant 0 : i32
    %dma_wait3A_320 = arith.constant 0 : i32
    %dma_wait3A_321 = tpu.memref_slice %arg7[%dma_wait3A_312, %dma_wait3A_319, %dma_wait3A_320] : memref<2x80x128xf32, #tpu.memory_space<vmem>> -> memref<1x80x128xf32, #tpu.memory_space<vmem>>
    %dma_wait3A_322 = tpu.memref_squeeze %dma_wait3A_321 : memref<1x80x128xf32, #tpu.memory_space<vmem>> -> memref<80x128xf32, #tpu.memory_space<vmem>>
    %dma_wait3A_323 = arith.constant 0 : i32
    %dma_wait3A_324 = tpu.memref_slice %arg8[%add3A_311, %dma_wait3A_323] : memref<10000x128xf32, #tpu.memory_space<vmem_shared>> -> memref<80x128xf32, #tpu.memory_space<vmem_shared>>
    tpu.wait_dma2 semaphore(%arg10 : memref<!tpu.dma_semaphore, #tpu.memory_space<semaphore_mem>>) src(%dma_wait3A_324 : memref<80x128xf32, #tpu.memory_space<vmem_shared>>) dst(%dma_wait3A_322 : memref<80x128xf32, #tpu.memory_space<vmem>>)
    %add3A_325 = arith.constant 80 : i32
    %add3A_326 = arith.addi %min3A_3, %add3A_325 : i32
    %dma_start3A_327 = arith.constant 1 : i32
    %dma_start3A_328 = arith.constant 0 : i32
    %dma_start3A_329 = arith.constant 0 : i32
    %dma_start3A_330 = tpu.memref_slice %arg7[%dma_start3A_327, %dma_start3A_328, %dma_start3A_329] : memref<2x80x128xf32, #tpu.memory_space<vmem>> -> memref<1x80x128xf32, #tpu.memory_space<vmem>>
    %dma_start3A_331 = tpu.memref_squeeze %dma_start3A_330 : memref<1x80x128xf32, #tpu.memory_space<vmem>> -> memref<80x128xf32, #tpu.memory_space<vmem>>
    %dma_start3A_332 = arith.constant 0 : i32
    %dma_start3A_333 = tpu.memref_slice %arg4[%arg0, %add3A_326, %dma_start3A_332] : memref<2x10000x128xf32, #tpu.memory_space<hbm>> -> memref<1x80x128xf32, #tpu.memory_space<hbm>>
    %dma_start3A_334 = tpu.memref_squeeze %dma_start3A_333 : memref<1x80x128xf32, #tpu.memory_space<hbm>> -> memref<80x128xf32, #tpu.memory_space<hbm>>
    %dma_start3A_335 = arith.constant 0 : i32
    %dma_start3A_336 = tpu.memref_slice %arg4[%arg0, %add3A_326, %dma_start3A_335] : memref<2x10000x128xf32, #tpu.memory_space<hbm>> -> memref<1x80x128xf32, #tpu.memory_space<hbm>>
    %dma_start3A_337 = tpu.memref_squeeze %dma_start3A_336 : memref<1x80x128xf32, #tpu.memory_space<hbm>> -> memref<80x128xf32, #tpu.memory_space<hbm>>
    %dma_start3A_338 = arith.constant 0 : i32
    %dma_start3A_339 = arith.constant 0 : i32
    %dma_start3A_340 = tpu.memref_slice %arg7[%dma_start3A_327, %dma_start3A_338, %dma_start3A_339] : memref<2x80x128xf32, #tpu.memory_space<vmem>> -> memref<1x80x128xf32, #tpu.memory_space<vmem>>
    %dma_start3A_341 = tpu.memref_squeeze %dma_start3A_340 : memref<1x80x128xf32, #tpu.memory_space<vmem>> -> memref<80x128xf32, #tpu.memory_space<vmem>>
    tpu.enqueue_dma source(%dma_start3A_341 : memref<80x128xf32, #tpu.memory_space<vmem>>) target(%dma_start3A_337 : memref<80x128xf32, #tpu.memory_space<hbm>>) target_semaphore(%arg12 : memref<!tpu.dma_semaphore, #tpu.memory_space<semaphore_mem>>)
    %add3A_342 = arith.constant 0 : i32
    %add3A_343 = arith.addi %min3A_3, %add3A_342 : i32
    %dma_wait3A_344 = arith.constant 0 : i32
    %dma_wait3A_345 = arith.constant 0 : i32
    %dma_wait3A_346 = arith.constant 0 : i32
    %dma_wait3A_347 = tpu.memref_slice %arg7[%dma_wait3A_344, %dma_wait3A_345, %dma_wait3A_346] : memref<2x80x128xf32, #tpu.memory_space<vmem>> -> memref<1x80x128xf32, #tpu.memory_space<vmem>>
    %dma_wait3A_348 = tpu.memref_squeeze %dma_wait3A_347 : memref<1x80x128xf32, #tpu.memory_space<vmem>> -> memref<80x128xf32, #tpu.memory_space<vmem>>
    %dma_wait3A_349 = arith.constant 0 : i32
    %dma_wait3A_350 = tpu.memref_slice %arg4[%arg0, %add3A_343, %dma_wait3A_349] : memref<2x10000x128xf32, #tpu.memory_space<hbm>> -> memref<1x80x128xf32, #tpu.memory_space<hbm>>
    %dma_wait3A_351 = tpu.memref_squeeze %dma_wait3A_350 : memref<1x80x128xf32, #tpu.memory_space<hbm>> -> memref<80x128xf32, #tpu.memory_space<hbm>>
    %dma_wait3A_352 = arith.constant 0 : i32
    %dma_wait3A_353 = tpu.memref_slice %arg4[%arg0, %add3A_343, %dma_wait3A_352] : memref<2x10000x128xf32, #tpu.memory_space<hbm>> -> memref<1x80x128xf32, #tpu.memory_space<hbm>>
    %dma_wait3A_354 = tpu.memref_squeeze %dma_wait3A_353 : memref<1x80x128xf32, #tpu.memory_space<hbm>> -> memref<80x128xf32, #tpu.memory_space<hbm>>
    %dma_wait3A_355 = arith.constant 0 : i32
    %dma_wait3A_356 = arith.constant 0 : i32
    %dma_wait3A_357 = tpu.memref_slice %arg7[%dma_wait3A_344, %dma_wait3A_355, %dma_wait3A_356] : memref<2x80x128xf32, #tpu.memory_space<vmem>> -> memref<1x80x128xf32, #tpu.memory_space<vmem>>
    %dma_wait3A_358 = tpu.memref_squeeze %dma_wait3A_357 : memref<1x80x128xf32, #tpu.memory_space<vmem>> -> memref<80x128xf32, #tpu.memory_space<vmem>>
    tpu.wait_dma2 semaphore(%arg11 : memref<!tpu.dma_semaphore, #tpu.memory_space<semaphore_mem>>) src(%dma_wait3A_358 : memref<80x128xf32, #tpu.memory_space<vmem>>) dst(%dma_wait3A_354 : memref<80x128xf32, #tpu.memory_space<hbm>>)
    %add3A_359 = arith.constant 160 : i32
    %add3A_360 = arith.addi %min3A_3, %add3A_359 : i32
    %dma_start3A_361 = arith.constant 0 : i32
    %dma_start3A_362 = arith.constant 0 : i32
    %dma_start3A_363 = arith.constant 0 : i32
    %dma_start3A_364 = tpu.memref_slice %arg7[%dma_start3A_361, %dma_start3A_362, %dma_start3A_363] : memref<2x80x128xf32, #tpu.memory_space<vmem>> -> memref<1x80x128xf32, #tpu.memory_space<vmem>>
    %dma_start3A_365 = tpu.memref_squeeze %dma_start3A_364 : memref<1x80x128xf32, #tpu.memory_space<vmem>> -> memref<80x128xf32, #tpu.memory_space<vmem>>
    %dma_start3A_366 = arith.constant 0 : i32
    %dma_start3A_367 = tpu.memref_slice %arg8[%add3A_360, %dma_start3A_366] : memref<10000x128xf32, #tpu.memory_space<vmem_shared>> -> memref<80x128xf32, #tpu.memory_space<vmem_shared>>
    %dma_start3A_368 = arith.constant 0 : i32
    %dma_start3A_369 = arith.constant 0 : i32
    %dma_start3A_370 = tpu.memref_slice %arg7[%dma_start3A_361, %dma_start3A_368, %dma_start3A_369] : memref<2x80x128xf32, #tpu.memory_space<vmem>> -> memref<1x80x128xf32, #tpu.memory_space<vmem>>
    %dma_start3A_371 = tpu.memref_squeeze %dma_start3A_370 : memref<1x80x128xf32, #tpu.memory_space<vmem>> -> memref<80x128xf32, #tpu.memory_space<vmem>>
    %dma_start3A_372 = arith.constant 0 : i32
    %dma_start3A_373 = tpu.memref_slice %arg8[%add3A_360, %dma_start3A_372] : memref<10000x128xf32, #tpu.memory_space<vmem_shared>> -> memref<80x128xf32, #tpu.memory_space<vmem_shared>>
    tpu.enqueue_dma source(%dma_start3A_373 : memref<80x128xf32, #tpu.memory_space<vmem_shared>>) target(%dma_start3A_371 : memref<80x128xf32, #tpu.memory_space<vmem>>) target_semaphore(%arg9 : memref<!tpu.dma_semaphore, #tpu.memory_space<semaphore_mem>>)
    %add3A_374 = arith.constant 160 : i32
    %add3A_375 = arith.addi %min3A_3, %add3A_374 : i32
    %dma_wait3A_376 = arith.constant 0 : i32
    %dma_wait3A_377 = arith.constant 0 : i32
    %dma_wait3A_378 = arith.constant 0 : i32
    %dma_wait3A_379 = tpu.memref_slice %arg7[%dma_wait3A_376, %dma_wait3A_377, %dma_wait3A_378] : memref<2x80x128xf32, #tpu.memory_space<vmem>> -> memref<1x80x128xf32, #tpu.memory_space<vmem>>
    %dma_wait3A_380 = tpu.memref_squeeze %dma_wait3A_379 : memref<1x80x128xf32, #tpu.memory_space<vmem>> -> memref<80x128xf32, #tpu.memory_space<vmem>>
    %dma_wait3A_381 = arith.constant 0 : i32
    %dma_wait3A_382 = tpu.memref_slice %arg8[%add3A_375, %dma_wait3A_381] : memref<10000x128xf32, #tpu.memory_space<vmem_shared>> -> memref<80x128xf32, #tpu.memory_space<vmem_shared>>
    %dma_wait3A_383 = arith.constant 0 : i32
    %dma_wait3A_384 = arith.constant 0 : i32
    %dma_wait3A_385 = tpu.memref_slice %arg7[%dma_wait3A_376, %dma_wait3A_383, %dma_wait3A_384] : memref<2x80x128xf32, #tpu.memory_space<vmem>> -> memref<1x80x128xf32, #tpu.memory_space<vmem>>
    %dma_wait3A_386 = tpu.memref_squeeze %dma_wait3A_385 : memref<1x80x128xf32, #tpu.memory_space<vmem>> -> memref<80x128xf32, #tpu.memory_space<vmem>>
    %dma_wait3A_387 = arith.constant 0 : i32
    %dma_wait3A_388 = tpu.memref_slice %arg8[%add3A_375, %dma_wait3A_387] : memref<10000x128xf32, #tpu.memory_space<vmem_shared>> -> memref<80x128xf32, #tpu.memory_space<vmem_shared>>
    tpu.wait_dma2 semaphore(%arg9 : memref<!tpu.dma_semaphore, #tpu.memory_space<semaphore_mem>>) src(%dma_wait3A_388 : memref<80x128xf32, #tpu.memory_space<vmem_shared>>) dst(%dma_wait3A_386 : memref<80x128xf32, #tpu.memory_space<vmem>>)
    %add3A_389 = arith.constant 160 : i32
    %add3A_390 = arith.addi %min3A_3, %add3A_389 : i32
    %dma_start3A_391 = arith.constant 0 : i32
    %dma_start3A_392 = arith.constant 0 : i32
    %dma_start3A_393 = arith.constant 0 : i32
    %dma_start3A_394 = tpu.memref_slice %arg7[%dma_start3A_391, %dma_start3A_392, %dma_start3A_393] : memref<2x80x128xf32, #tpu.memory_space<vmem>> -> memref<1x80x128xf32, #tpu.memory_space<vmem>>
    %dma_start3A_395 = tpu.memref_squeeze %dma_start3A_394 : memref<1x80x128xf32, #tpu.memory_space<vmem>> -> memref<80x128xf32, #tpu.memory_space<vmem>>
    %dma_start3A_396 = arith.constant 0 : i32
    %dma_start3A_397 = tpu.memref_slice %arg4[%arg0, %add3A_390, %dma_start3A_396] : memref<2x10000x128xf32, #tpu.memory_space<hbm>> -> memref<1x80x128xf32, #tpu.memory_space<hbm>>
    %dma_start3A_398 = tpu.memref_squeeze %dma_start3A_397 : memref<1x80x128xf32, #tpu.memory_space<hbm>> -> memref<80x128xf32, #tpu.memory_space<hbm>>
    %dma_start3A_399 = arith.constant 0 : i32
    %dma_start3A_400 = tpu.memref_slice %arg4[%arg0, %add3A_390, %dma_start3A_399] : memref<2x10000x128xf32, #tpu.memory_space<hbm>> -> memref<1x80x128xf32, #tpu.memory_space<hbm>>
    %dma_start3A_401 = tpu.memref_squeeze %dma_start3A_400 : memref<1x80x128xf32, #tpu.memory_space<hbm>> -> memref<80x128xf32, #tpu.memory_space<hbm>>
    %dma_start3A_402 = arith.constant 0 : i32
    %dma_start3A_403 = arith.constant 0 : i32
    %dma_start3A_404 = tpu.memref_slice %arg7[%dma_start3A_391, %dma_start3A_402, %dma_start3A_403] : memref<2x80x128xf32, #tpu.memory_space<vmem>> -> memref<1x80x128xf32, #tpu.memory_space<vmem>>
    %dma_start3A_405 = tpu.memref_squeeze %dma_start3A_404 : memref<1x80x128xf32, #tpu.memory_space<vmem>> -> memref<80x128xf32, #tpu.memory_space<vmem>>
    tpu.enqueue_dma source(%dma_start3A_405 : memref<80x128xf32, #tpu.memory_space<vmem>>) target(%dma_start3A_401 : memref<80x128xf32, #tpu.memory_space<hbm>>) target_semaphore(%arg11 : memref<!tpu.dma_semaphore, #tpu.memory_space<semaphore_mem>>)
    %add3A_406 = arith.constant 80 : i32
    %add3A_407 = arith.addi %min3A_3, %add3A_406 : i32
    %dma_wait3A_408 = arith.constant 1 : i32
    %dma_wait3A_409 = arith.constant 0 : i32
    %dma_wait3A_410 = arith.constant 0 : i32
    %dma_wait3A_411 = tpu.memref_slice %arg7[%dma_wait3A_408, %dma_wait3A_409, %dma_wait3A_410] : memref<2x80x128xf32, #tpu.memory_space<vmem>> -> memref<1x80x128xf32, #tpu.memory_space<vmem>>
    %dma_wait3A_412 = tpu.memref_squeeze %dma_wait3A_411 : memref<1x80x128xf32, #tpu.memory_space<vmem>> -> memref<80x128xf32, #tpu.memory_space<vmem>>
    %dma_wait3A_413 = arith.constant 0 : i32
    %dma_wait3A_414 = tpu.memref_slice %arg4[%arg0, %add3A_407, %dma_wait3A_413] : memref<2x10000x128xf32, #tpu.memory_space<hbm>> -> memref<1x80x128xf32, #tpu.memory_space<hbm>>
    %dma_wait3A_415 = tpu.memref_squeeze %dma_wait3A_414 : memref<1x80x128xf32, #tpu.memory_space<hbm>> -> memref<80x128xf32, #tpu.memory_space<hbm>>
    %dma_wait3A_416 = arith.constant 0 : i32
    %dma_wait3A_417 = tpu.memref_slice %arg4[%arg0, %add3A_407, %dma_wait3A_416] : memref<2x10000x128xf32, #tpu.memory_space<hbm>> -> memref<1x80x128xf32, #tpu.memory_space<hbm>>
    %dma_wait3A_418 = tpu.memref_squeeze %dma_wait3A_417 : memref<1x80x128xf32, #tpu.memory_space<hbm>> -> memref<80x128xf32, #tpu.memory_space<hbm>>
    %dma_wait3A_419 = arith.constant 0 : i32
    %dma_wait3A_420 = arith.constant 0 : i32
    %dma_wait3A_421 = tpu.memref_slice %arg7[%dma_wait3A_408, %dma_wait3A_419, %dma_wait3A_420] : memref<2x80x128xf32, #tpu.memory_space<vmem>> -> memref<1x80x128xf32, #tpu.memory_space<vmem>>
    %dma_wait3A_422 = tpu.memref_squeeze %dma_wait3A_421 : memref<1x80x128xf32, #tpu.memory_space<vmem>> -> memref<80x128xf32, #tpu.memory_space<vmem>>
    tpu.wait_dma2 semaphore(%arg12 : memref<!tpu.dma_semaphore, #tpu.memory_space<semaphore_mem>>) src(%dma_wait3A_422 : memref<80x128xf32, #tpu.memory_space<vmem>>) dst(%dma_wait3A_418 : memref<80x128xf32, #tpu.memory_space<hbm>>)
    %add3A_423 = arith.constant 240 : i32
    %add3A_424 = arith.addi %min3A_3, %add3A_423 : i32
    %dma_start3A_425 = arith.constant 1 : i32
    %dma_start3A_426 = arith.constant 0 : i32
    %dma_start3A_427 = arith.constant 0 : i32
    %dma_start3A_428 = tpu.memref_slice %arg7[%dma_start3A_425, %dma_start3A_426, %dma_start3A_427] : memref<2x80x128xf32, #tpu.memory_space<vmem>> -> memref<1x80x128xf32, #tpu.memory_space<vmem>>
    %dma_start3A_429 = tpu.memref_squeeze %dma_start3A_428 : memref<1x80x128xf32, #tpu.memory_space<vmem>> -> memref<80x128xf32, #tpu.memory_space<vmem>>
    %dma_start3A_430 = arith.constant 0 : i32
    %dma_start3A_431 = tpu.memref_slice %arg8[%add3A_424, %dma_start3A_430] : memref<10000x128xf32, #tpu.memory_space<vmem_shared>> -> memref<80x128xf32, #tpu.memory_space<vmem_shared>>
    %dma_start3A_432 = arith.constant 0 : i32
    %dma_start3A_433 = arith.constant 0 : i32
    %dma_start3A_434 = tpu.memref_slice %arg7[%dma_start3A_425, %dma_start3A_432, %dma_start3A_433] : memref<2x80x128xf32, #tpu.memory_space<vmem>> -> memref<1x80x128xf32, #tpu.memory_space<vmem>>
    %dma_start3A_435 = tpu.memref_squeeze %dma_start3A_434 : memref<1x80x128xf32, #tpu.memory_space<vmem>> -> memref<80x128xf32, #tpu.memory_space<vmem>>
    %dma_start3A_436 = arith.constant 0 : i32
    %dma_start3A_437 = tpu.memref_slice %arg8[%add3A_424, %dma_start3A_436] : memref<10000x128xf32, #tpu.memory_space<vmem_shared>> -> memref<80x128xf32, #tpu.memory_space<vmem_shared>>
    tpu.enqueue_dma source(%dma_start3A_437 : memref<80x128xf32, #tpu.memory_space<vmem_shared>>) target(%dma_start3A_435 : memref<80x128xf32, #tpu.memory_space<vmem>>) target_semaphore(%arg10 : memref<!tpu.dma_semaphore, #tpu.memory_space<semaphore_mem>>)
    %add3A_438 = arith.constant 240 : i32
    %add3A_439 = arith.addi %min3A_3, %add3A_438 : i32
    %dma_wait3A_440 = arith.constant 1 : i32
    %dma_wait3A_441 = arith.constant 0 : i32
    %dma_wait3A_442 = arith.constant 0 : i32
    %dma_wait3A_443 = tpu.memref_slice %arg7[%dma_wait3A_440, %dma_wait3A_441, %dma_wait3A_442] : memref<2x80x128xf32, #tpu.memory_space<vmem>> -> memref<1x80x128xf32, #tpu.memory_space<vmem>>
    %dma_wait3A_444 = tpu.memref_squeeze %dma_wait3A_443 : memref<1x80x128xf32, #tpu.memory_space<vmem>> -> memref<80x128xf32, #tpu.memory_space<vmem>>
    %dma_wait3A_445 = arith.constant 0 : i32
    %dma_wait3A_446 = tpu.memref_slice %arg8[%add3A_439, %dma_wait3A_445] : memref<10000x128xf32, #tpu.memory_space<vmem_shared>> -> memref<80x128xf32, #tpu.memory_space<vmem_shared>>
    %dma_wait3A_447 = arith.constant 0 : i32
    %dma_wait3A_448 = arith.constant 0 : i32
    %dma_wait3A_449 = tpu.memref_slice %arg7[%dma_wait3A_440, %dma_wait3A_447, %dma_wait3A_448] : memref<2x80x128xf32, #tpu.memory_space<vmem>> -> memref<1x80x128xf32, #tpu.memory_space<vmem>>
    %dma_wait3A_450 = tpu.memref_squeeze %dma_wait3A_449 : memref<1x80x128xf32, #tpu.memory_space<vmem>> -> memref<80x128xf32, #tpu.memory_space<vmem>>
    %dma_wait3A_451 = arith.constant 0 : i32
    %dma_wait3A_452 = tpu.memref_slice %arg8[%add3A_439, %dma_wait3A_451] : memref<10000x128xf32, #tpu.memory_space<vmem_shared>> -> memref<80x128xf32, #tpu.memory_space<vmem_shared>>
    tpu.wait_dma2 semaphore(%arg10 : memref<!tpu.dma_semaphore, #tpu.memory_space<semaphore_mem>>) src(%dma_wait3A_452 : memref<80x128xf32, #tpu.memory_space<vmem_shared>>) dst(%dma_wait3A_450 : memref<80x128xf32, #tpu.memory_space<vmem>>)
    %add3A_453 = arith.constant 240 : i32
    %add3A_454 = arith.addi %min3A_3, %add3A_453 : i32
    %dma_start3A_455 = arith.constant 1 : i32
    %dma_start3A_456 = arith.constant 0 : i32
    %dma_start3A_457 = arith.constant 0 : i32
    %dma_start3A_458 = tpu.memref_slice %arg7[%dma_start3A_455, %dma_start3A_456, %dma_start3A_457] : memref<2x80x128xf32, #tpu.memory_space<vmem>> -> memref<1x80x128xf32, #tpu.memory_space<vmem>>
    %dma_start3A_459 = tpu.memref_squeeze %dma_start3A_458 : memref<1x80x128xf32, #tpu.memory_space<vmem>> -> memref<80x128xf32, #tpu.memory_space<vmem>>
    %dma_start3A_460 = arith.constant 0 : i32
    %dma_start3A_461 = tpu.memref_slice %arg4[%arg0, %add3A_454, %dma_start3A_460] : memref<2x10000x128xf32, #tpu.memory_space<hbm>> -> memref<1x80x128xf32, #tpu.memory_space<hbm>>
    %dma_start3A_462 = tpu.memref_squeeze %dma_start3A_461 : memref<1x80x128xf32, #tpu.memory_space<hbm>> -> memref<80x128xf32, #tpu.memory_space<hbm>>
    %dma_start3A_463 = arith.constant 0 : i32
    %dma_start3A_464 = tpu.memref_slice %arg4[%arg0, %add3A_454, %dma_start3A_463] : memref<2x10000x128xf32, #tpu.memory_space<hbm>> -> memref<1x80x128xf32, #tpu.memory_space<hbm>>
    %dma_start3A_465 = tpu.memref_squeeze %dma_start3A_464 : memref<1x80x128xf32, #tpu.memory_space<hbm>> -> memref<80x128xf32, #tpu.memory_space<hbm>>
    %dma_start3A_466 = arith.constant 0 : i32
    %dma_start3A_467 = arith.constant 0 : i32
    %dma_start3A_468 = tpu.memref_slice %arg7[%dma_start3A_455, %dma_start3A_466, %dma_start3A_467] : memref<2x80x128xf32, #tpu.memory_space<vmem>> -> memref<1x80x128xf32, #tpu.memory_space<vmem>>
    %dma_start3A_469 = tpu.memref_squeeze %dma_start3A_468 : memref<1x80x128xf32, #tpu.memory_space<vmem>> -> memref<80x128xf32, #tpu.memory_space<vmem>>
    tpu.enqueue_dma source(%dma_start3A_469 : memref<80x128xf32, #tpu.memory_space<vmem>>) target(%dma_start3A_465 : memref<80x128xf32, #tpu.memory_space<hbm>>) target_semaphore(%arg12 : memref<!tpu.dma_semaphore, #tpu.memory_space<semaphore_mem>>)
    %add3A_470 = arith.constant 160 : i32
    %add3A_471 = arith.addi %min3A_3, %add3A_470 : i32
    %dma_wait3A_472 = arith.constant 0 : i32
    %dma_wait3A_473 = arith.constant 0 : i32
    %dma_wait3A_474 = arith.constant 0 : i32
    %dma_wait3A_475 = tpu.memref_slice %arg7[%dma_wait3A_472, %dma_wait3A_473, %dma_wait3A_474] : memref<2x80x128xf32, #tpu.memory_space<vmem>> -> memref<1x80x128xf32, #tpu.memory_space<vmem>>
    %dma_wait3A_476 = tpu.memref_squeeze %dma_wait3A_475 : memref<1x80x128xf32, #tpu.memory_space<vmem>> -> memref<80x128xf32, #tpu.memory_space<vmem>>
    %dma_wait3A_477 = arith.constant 0 : i32
    %dma_wait3A_478 = tpu.memref_slice %arg4[%arg0, %add3A_471, %dma_wait3A_477] : memref<2x10000x128xf32, #tpu.memory_space<hbm>> -> memref<1x80x128xf32, #tpu.memory_space<hbm>>
    %dma_wait3A_479 = tpu.memref_squeeze %dma_wait3A_478 : memref<1x80x128xf32, #tpu.memory_space<hbm>> -> memref<80x128xf32, #tpu.memory_space<hbm>>
    %dma_wait3A_480 = arith.constant 0 : i32
    %dma_wait3A_481 = tpu.memref_slice %arg4[%arg0, %add3A_471, %dma_wait3A_480] : memref<2x10000x128xf32, #tpu.memory_space<hbm>> -> memref<1x80x128xf32, #tpu.memory_space<hbm>>
    %dma_wait3A_482 = tpu.memref_squeeze %dma_wait3A_481 : memref<1x80x128xf32, #tpu.memory_space<hbm>> -> memref<80x128xf32, #tpu.memory_space<hbm>>
    %dma_wait3A_483 = arith.constant 0 : i32
    %dma_wait3A_484 = arith.constant 0 : i32
    %dma_wait3A_485 = tpu.memref_slice %arg7[%dma_wait3A_472, %dma_wait3A_483, %dma_wait3A_484] : memref<2x80x128xf32, #tpu.memory_space<vmem>> -> memref<1x80x128xf32, #tpu.memory_space<vmem>>
    %dma_wait3A_486 = tpu.memref_squeeze %dma_wait3A_485 : memref<1x80x128xf32, #tpu.memory_space<vmem>> -> memref<80x128xf32, #tpu.memory_space<vmem>>
    tpu.wait_dma2 semaphore(%arg11 : memref<!tpu.dma_semaphore, #tpu.memory_space<semaphore_mem>>) src(%dma_wait3A_486 : memref<80x128xf32, #tpu.memory_space<vmem>>) dst(%dma_wait3A_482 : memref<80x128xf32, #tpu.memory_space<hbm>>)
    %add3A_487 = arith.constant 320 : i32
    %add3A_488 = arith.addi %min3A_3, %add3A_487 : i32
    %dma_start3A_489 = arith.constant 0 : i32
    %dma_start3A_490 = arith.constant 0 : i32
    %dma_start3A_491 = arith.constant 0 : i32
    %dma_start3A_492 = tpu.memref_slice %arg7[%dma_start3A_489, %dma_start3A_490, %dma_start3A_491] : memref<2x80x128xf32, #tpu.memory_space<vmem>> -> memref<1x80x128xf32, #tpu.memory_space<vmem>>
    %dma_start3A_493 = tpu.memref_squeeze %dma_start3A_492 : memref<1x80x128xf32, #tpu.memory_space<vmem>> -> memref<80x128xf32, #tpu.memory_space<vmem>>
    %dma_start3A_494 = arith.constant 0 : i32
    %dma_start3A_495 = tpu.memref_slice %arg8[%add3A_488, %dma_start3A_494] : memref<10000x128xf32, #tpu.memory_space<vmem_shared>> -> memref<80x128xf32, #tpu.memory_space<vmem_shared>>
    %dma_start3A_496 = arith.constant 0 : i32
    %dma_start3A_497 = arith.constant 0 : i32
    %dma_start3A_498 = tpu.memref_slice %arg7[%dma_start3A_489, %dma_start3A_496, %dma_start3A_497] : memref<2x80x128xf32, #tpu.memory_space<vmem>> -> memref<1x80x128xf32, #tpu.memory_space<vmem>>
    %dma_start3A_499 = tpu.memref_squeeze %dma_start3A_498 : memref<1x80x128xf32, #tpu.memory_space<vmem>> -> memref<80x128xf32, #tpu.memory_space<vmem>>
    %dma_start3A_500 = arith.constant 0 : i32
    %dma_start3A_501 = tpu.memref_slice %arg8[%add3A_488, %dma_start3A_500] : memref<10000x128xf32, #tpu.memory_space<vmem_shared>> -> memref<80x128xf32, #tpu.memory_space<vmem_shared>>
    tpu.enqueue_dma source(%dma_start3A_501 : memref<80x128xf32, #tpu.memory_space<vmem_shared>>) target(%dma_start3A_499 : memref<80x128xf32, #tpu.memory_space<vmem>>) target_semaphore(%arg9 : memref<!tpu.dma_semaphore, #tpu.memory_space<semaphore_mem>>)
    %add3A_502 = arith.constant 320 : i32
    %add3A_503 = arith.addi %min3A_3, %add3A_502 : i32
    %dma_wait3A_504 = arith.constant 0 : i32
    %dma_wait3A_505 = arith.constant 0 : i32
    %dma_wait3A_506 = arith.constant 0 : i32
    %dma_wait3A_507 = tpu.memref_slice %arg7[%dma_wait3A_504, %dma_wait3A_505, %dma_wait3A_506] : memref<2x80x128xf32, #tpu.memory_space<vmem>> -> memref<1x80x128xf32, #tpu.memory_space<vmem>>
    %dma_wait3A_508 = tpu.memref_squeeze %dma_wait3A_507 : memref<1x80x128xf32, #tpu.memory_space<vmem>> -> memref<80x128xf32, #tpu.memory_space<vmem>>
    %dma_wait3A_509 = arith.constant 0 : i32
    %dma_wait3A_510 = tpu.memref_slice %arg8[%add3A_503, %dma_wait3A_509] : memref<10000x128xf32, #tpu.memory_space<vmem_shared>> -> memref<80x128xf32, #tpu.memory_space<vmem_shared>>
    %dma_wait3A_511 = arith.constant 0 : i32
    %dma_wait3A_512 = arith.constant 0 : i32
    %dma_wait3A_513 = tpu.memref_slice %arg7[%dma_wait3A_504, %dma_wait3A_511, %dma_wait3A_512] : memref<2x80x128xf32, #tpu.memory_space<vmem>> -> memref<1x80x128xf32, #tpu.memory_space<vmem>>
    %dma_wait3A_514 = tpu.memref_squeeze %dma_wait3A_513 : memref<1x80x128xf32, #tpu.memory_space<vmem>> -> memref<80x128xf32, #tpu.memory_space<vmem>>
    %dma_wait3A_515 = arith.constant 0 : i32
    %dma_wait3A_516 = tpu.memref_slice %arg8[%add3A_503, %dma_wait3A_515] : memref<10000x128xf32, #tpu.memory_space<vmem_shared>> -> memref<80x128xf32, #tpu.memory_space<vmem_shared>>
    tpu.wait_dma2 semaphore(%arg9 : memref<!tpu.dma_semaphore, #tpu.memory_space<semaphore_mem>>) src(%dma_wait3A_516 : memref<80x128xf32, #tpu.memory_space<vmem_shared>>) dst(%dma_wait3A_514 : memref<80x128xf32, #tpu.memory_space<vmem>>)
    %add3A_517 = arith.constant 320 : i32
    %add3A_518 = arith.addi %min3A_3, %add3A_517 : i32
    %dma_start3A_519 = arith.constant 0 : i32
    %dma_start3A_520 = arith.constant 0 : i32
    %dma_start3A_521 = arith.constant 0 : i32
    %dma_start3A_522 = tpu.memref_slice %arg7[%dma_start3A_519, %dma_start3A_520, %dma_start3A_521] : memref<2x80x128xf32, #tpu.memory_space<vmem>> -> memref<1x80x128xf32, #tpu.memory_space<vmem>>
    %dma_start3A_523 = tpu.memref_squeeze %dma_start3A_522 : memref<1x80x128xf32, #tpu.memory_space<vmem>> -> memref<80x128xf32, #tpu.memory_space<vmem>>
    %dma_start3A_524 = arith.constant 0 : i32
    %dma_start3A_525 = tpu.memref_slice %arg4[%arg0, %add3A_518, %dma_start3A_524] : memref<2x10000x128xf32, #tpu.memory_space<hbm>> -> memref<1x80x128xf32, #tpu.memory_space<hbm>>
    %dma_start3A_526 = tpu.memref_squeeze %dma_start3A_525 : memref<1x80x128xf32, #tpu.memory_space<hbm>> -> memref<80x128xf32, #tpu.memory_space<hbm>>
    %dma_start3A_527 = arith.constant 0 : i32
    %dma_start3A_528 = tpu.memref_slice %arg4[%arg0, %add3A_518, %dma_start3A_527] : memref<2x10000x128xf32, #tpu.memory_space<hbm>> -> memref<1x80x128xf32, #tpu.memory_space<hbm>>
    %dma_start3A_529 = tpu.memref_squeeze %dma_start3A_528 : memref<1x80x128xf32, #tpu.memory_space<hbm>> -> memref<80x128xf32, #tpu.memory_space<hbm>>
    %dma_start3A_530 = arith.constant 0 : i32
    %dma_start3A_531 = arith.constant 0 : i32
    %dma_start3A_532 = tpu.memref_slice %arg7[%dma_start3A_519, %dma_start3A_530, %dma_start3A_531] : memref<2x80x128xf32, #tpu.memory_space<vmem>> -> memref<1x80x128xf32, #tpu.memory_space<vmem>>
    %dma_start3A_533 = tpu.memref_squeeze %dma_start3A_532 : memref<1x80x128xf32, #tpu.memory_space<vmem>> -> memref<80x128xf32, #tpu.memory_space<vmem>>
    tpu.enqueue_dma source(%dma_start3A_533 : memref<80x128xf32, #tpu.memory_space<vmem>>) target(%dma_start3A_529 : memref<80x128xf32, #tpu.memory_space<hbm>>) target_semaphore(%arg11 : memref<!tpu.dma_semaphore, #tpu.memory_space<semaphore_mem>>)
    %add3A_534 = arith.constant 240 : i32
    %add3A_535 = arith.addi %min3A_3, %add3A_534 : i32
    %dma_wait3A_536 = arith.constant 1 : i32
    %dma_wait3A_537 = arith.constant 0 : i32
    %dma_wait3A_538 = arith.constant 0 : i32
    %dma_wait3A_539 = tpu.memref_slice %arg7[%dma_wait3A_536, %dma_wait3A_537, %dma_wait3A_538] : memref<2x80x128xf32, #tpu.memory_space<vmem>> -> memref<1x80x128xf32, #tpu.memory_space<vmem>>
    %dma_wait3A_540 = tpu.memref_squeeze %dma_wait3A_539 : memref<1x80x128xf32, #tpu.memory_space<vmem>> -> memref<80x128xf32, #tpu.memory_space<vmem>>
    %dma_wait3A_541 = arith.constant 0 : i32
    %dma_wait3A_542 = tpu.memref_slice %arg4[%arg0, %add3A_535, %dma_wait3A_541] : memref<2x10000x128xf32, #tpu.memory_space<hbm>> -> memref<1x80x128xf32, #tpu.memory_space<hbm>>
    %dma_wait3A_543 = tpu.memref_squeeze %dma_wait3A_542 : memref<1x80x128xf32, #tpu.memory_space<hbm>> -> memref<80x128xf32, #tpu.memory_space<hbm>>
    %dma_wait3A_544 = arith.constant 0 : i32
    %dma_wait3A_545 = tpu.memref_slice %arg4[%arg0, %add3A_535, %dma_wait3A_544] : memref<2x10000x128xf32, #tpu.memory_space<hbm>> -> memref<1x80x128xf32, #tpu.memory_space<hbm>>
    %dma_wait3A_546 = tpu.memref_squeeze %dma_wait3A_545 : memref<1x80x128xf32, #tpu.memory_space<hbm>> -> memref<80x128xf32, #tpu.memory_space<hbm>>
    %dma_wait3A_547 = arith.constant 0 : i32
    %dma_wait3A_548 = arith.constant 0 : i32
    %dma_wait3A_549 = tpu.memref_slice %arg7[%dma_wait3A_536, %dma_wait3A_547, %dma_wait3A_548] : memref<2x80x128xf32, #tpu.memory_space<vmem>> -> memref<1x80x128xf32, #tpu.memory_space<vmem>>
    %dma_wait3A_550 = tpu.memref_squeeze %dma_wait3A_549 : memref<1x80x128xf32, #tpu.memory_space<vmem>> -> memref<80x128xf32, #tpu.memory_space<vmem>>
    tpu.wait_dma2 semaphore(%arg12 : memref<!tpu.dma_semaphore, #tpu.memory_space<semaphore_mem>>) src(%dma_wait3A_550 : memref<80x128xf32, #tpu.memory_space<vmem>>) dst(%dma_wait3A_546 : memref<80x128xf32, #tpu.memory_space<hbm>>)
    %add3A_551 = arith.constant 400 : i32
    %add3A_552 = arith.addi %min3A_3, %add3A_551 : i32
    %dma_start3A_553 = arith.constant 1 : i32
    %dma_start3A_554 = arith.constant 0 : i32
    %dma_start3A_555 = arith.constant 0 : i32
    %dma_start3A_556 = tpu.memref_slice %arg7[%dma_start3A_553, %dma_start3A_554, %dma_start3A_555] : memref<2x80x128xf32, #tpu.memory_space<vmem>> -> memref<1x80x128xf32, #tpu.memory_space<vmem>>
    %dma_start3A_557 = tpu.memref_squeeze %dma_start3A_556 : memref<1x80x128xf32, #tpu.memory_space<vmem>> -> memref<80x128xf32, #tpu.memory_space<vmem>>
    %dma_start3A_558 = arith.constant 0 : i32
    %dma_start3A_559 = tpu.memref_slice %arg8[%add3A_552, %dma_start3A_558] : memref<10000x128xf32, #tpu.memory_space<vmem_shared>> -> memref<80x128xf32, #tpu.memory_space<vmem_shared>>
    %dma_start3A_560 = arith.constant 0 : i32
    %dma_start3A_561 = arith.constant 0 : i32
    %dma_start3A_562 = tpu.memref_slice %arg7[%dma_start3A_553, %dma_start3A_560, %dma_start3A_561] : memref<2x80x128xf32, #tpu.memory_space<vmem>> -> memref<1x80x128xf32, #tpu.memory_space<vmem>>
    %dma_start3A_563 = tpu.memref_squeeze %dma_start3A_562 : memref<1x80x128xf32, #tpu.memory_space<vmem>> -> memref<80x128xf32, #tpu.memory_space<vmem>>
    %dma_start3A_564 = arith.constant 0 : i32
    %dma_start3A_565 = tpu.memref_slice %arg8[%add3A_552, %dma_start3A_564] : memref<10000x128xf32, #tpu.memory_space<vmem_shared>> -> memref<80x128xf32, #tpu.memory_space<vmem_shared>>
    tpu.enqueue_dma source(%dma_start3A_565 : memref<80x128xf32, #tpu.memory_space<vmem_shared>>) target(%dma_start3A_563 : memref<80x128xf32, #tpu.memory_space<vmem>>) target_semaphore(%arg10 : memref<!tpu.dma_semaphore, #tpu.memory_space<semaphore_mem>>)
    %add3A_566 = arith.constant 400 : i32
    %add3A_567 = arith.addi %min3A_3, %add3A_566 : i32
    %dma_wait3A_568 = arith.constant 1 : i32
    %dma_wait3A_569 = arith.constant 0 : i32
    %dma_wait3A_570 = arith.constant 0 : i32
    %dma_wait3A_571 = tpu.memref_slice %arg7[%dma_wait3A_568, %dma_wait3A_569, %dma_wait3A_570] : memref<2x80x128xf32, #tpu.memory_space<vmem>> -> memref<1x80x128xf32, #tpu.memory_space<vmem>>
    %dma_wait3A_572 = tpu.memref_squeeze %dma_wait3A_571 : memref<1x80x128xf32, #tpu.memory_space<vmem>> -> memref<80x128xf32, #tpu.memory_space<vmem>>
    %dma_wait3A_573 = arith.constant 0 : i32
    %dma_wait3A_574 = tpu.memref_slice %arg8[%add3A_567, %dma_wait3A_573] : memref<10000x128xf32, #tpu.memory_space<vmem_shared>> -> memref<80x128xf32, #tpu.memory_space<vmem_shared>>
    %dma_wait3A_575 = arith.constant 0 : i32
    %dma_wait3A_576 = arith.constant 0 : i32
    %dma_wait3A_577 = tpu.memref_slice %arg7[%dma_wait3A_568, %dma_wait3A_575, %dma_wait3A_576] : memref<2x80x128xf32, #tpu.memory_space<vmem>> -> memref<1x80x128xf32, #tpu.memory_space<vmem>>
    %dma_wait3A_578 = tpu.memref_squeeze %dma_wait3A_577 : memref<1x80x128xf32, #tpu.memory_space<vmem>> -> memref<80x128xf32, #tpu.memory_space<vmem>>
    %dma_wait3A_579 = arith.constant 0 : i32
    %dma_wait3A_580 = tpu.memref_slice %arg8[%add3A_567, %dma_wait3A_579] : memref<10000x128xf32, #tpu.memory_space<vmem_shared>> -> memref<80x128xf32, #tpu.memory_space<vmem_shared>>
    tpu.wait_dma2 semaphore(%arg10 : memref<!tpu.dma_semaphore, #tpu.memory_space<semaphore_mem>>) src(%dma_wait3A_580 : memref<80x128xf32, #tpu.memory_space<vmem_shared>>) dst(%dma_wait3A_578 : memref<80x128xf32, #tpu.memory_space<vmem>>)
    %add3A_581 = arith.constant 400 : i32
    %add3A_582 = arith.addi %min3A_3, %add3A_581 : i32
    %dma_start3A_583 = arith.constant 1 : i32
    %dma_start3A_584 = arith.constant 0 : i32
    %dma_start3A_585 = arith.constant 0 : i32
    %dma_start3A_586 = tpu.memref_slice %arg7[%dma_start3A_583, %dma_start3A_584, %dma_start3A_585] : memref<2x80x128xf32, #tpu.memory_space<vmem>> -> memref<1x80x128xf32, #tpu.memory_space<vmem>>
    %dma_start3A_587 = tpu.memref_squeeze %dma_start3A_586 : memref<1x80x128xf32, #tpu.memory_space<vmem>> -> memref<80x128xf32, #tpu.memory_space<vmem>>
    %dma_start3A_588 = arith.constant 0 : i32
    %dma_start3A_589 = tpu.memref_slice %arg4[%arg0, %add3A_582, %dma_start3A_588] : memref<2x10000x128xf32, #tpu.memory_space<hbm>> -> memref<1x80x128xf32, #tpu.memory_space<hbm>>
    %dma_start3A_590 = tpu.memref_squeeze %dma_start3A_589 : memref<1x80x128xf32, #tpu.memory_space<hbm>> -> memref<80x128xf32, #tpu.memory_space<hbm>>
    %dma_start3A_591 = arith.constant 0 : i32
    %dma_start3A_592 = tpu.memref_slice %arg4[%arg0, %add3A_582, %dma_start3A_591] : memref<2x10000x128xf32, #tpu.memory_space<hbm>> -> memref<1x80x128xf32, #tpu.memory_space<hbm>>
    %dma_start3A_593 = tpu.memref_squeeze %dma_start3A_592 : memref<1x80x128xf32, #tpu.memory_space<hbm>> -> memref<80x128xf32, #tpu.memory_space<hbm>>
    %dma_start3A_594 = arith.constant 0 : i32
    %dma_start3A_595 = arith.constant 0 : i32
    %dma_start3A_596 = tpu.memref_slice %arg7[%dma_start3A_583, %dma_start3A_594, %dma_start3A_595] : memref<2x80x128xf32, #tpu.memory_space<vmem>> -> memref<1x80x128xf32, #tpu.memory_space<vmem>>
    %dma_start3A_597 = tpu.memref_squeeze %dma_start3A_596 : memref<1x80x128xf32, #tpu.memory_space<vmem>> -> memref<80x128xf32, #tpu.memory_space<vmem>>
    tpu.enqueue_dma source(%dma_start3A_597 : memref<80x128xf32, #tpu.memory_space<vmem>>) target(%dma_start3A_593 : memref<80x128xf32, #tpu.memory_space<hbm>>) target_semaphore(%arg12 : memref<!tpu.dma_semaphore, #tpu.memory_space<semaphore_mem>>)
    %add3A_598 = arith.constant 320 : i32
    %add3A_599 = arith.addi %min3A_3, %add3A_598 : i32
    %dma_wait3A_600 = arith.constant 0 : i32
    %dma_wait3A_601 = arith.constant 0 : i32
    %dma_wait3A_602 = arith.constant 0 : i32
    %dma_wait3A_603 = tpu.memref_slice %arg7[%dma_wait3A_600, %dma_wait3A_601, %dma_wait3A_602] : memref<2x80x128xf32, #tpu.memory_space<vmem>> -> memref<1x80x128xf32, #tpu.memory_space<vmem>>
    %dma_wait3A_604 = tpu.memref_squeeze %dma_wait3A_603 : memref<1x80x128xf32, #tpu.memory_space<vmem>> -> memref<80x128xf32, #tpu.memory_space<vmem>>
    %dma_wait3A_605 = arith.constant 0 : i32
    %dma_wait3A_606 = tpu.memref_slice %arg4[%arg0, %add3A_599, %dma_wait3A_605] : memref<2x10000x128xf32, #tpu.memory_space<hbm>> -> memref<1x80x128xf32, #tpu.memory_space<hbm>>
    %dma_wait3A_607 = tpu.memref_squeeze %dma_wait3A_606 : memref<1x80x128xf32, #tpu.memory_space<hbm>> -> memref<80x128xf32, #tpu.memory_space<hbm>>
    %dma_wait3A_608 = arith.constant 0 : i32
    %dma_wait3A_609 = tpu.memref_slice %arg4[%arg0, %add3A_599, %dma_wait3A_608] : memref<2x10000x128xf32, #tpu.memory_space<hbm>> -> memref<1x80x128xf32, #tpu.memory_space<hbm>>
    %dma_wait3A_610 = tpu.memref_squeeze %dma_wait3A_609 : memref<1x80x128xf32, #tpu.memory_space<hbm>> -> memref<80x128xf32, #tpu.memory_space<hbm>>
    %dma_wait3A_611 = arith.constant 0 : i32
    %dma_wait3A_612 = arith.constant 0 : i32
    %dma_wait3A_613 = tpu.memref_slice %arg7[%dma_wait3A_600, %dma_wait3A_611, %dma_wait3A_612] : memref<2x80x128xf32, #tpu.memory_space<vmem>> -> memref<1x80x128xf32, #tpu.memory_space<vmem>>
    %dma_wait3A_614 = tpu.memref_squeeze %dma_wait3A_613 : memref<1x80x128xf32, #tpu.memory_space<vmem>> -> memref<80x128xf32, #tpu.memory_space<vmem>>
    tpu.wait_dma2 semaphore(%arg11 : memref<!tpu.dma_semaphore, #tpu.memory_space<semaphore_mem>>) src(%dma_wait3A_614 : memref<80x128xf32, #tpu.memory_space<vmem>>) dst(%dma_wait3A_610 : memref<80x128xf32, #tpu.memory_space<hbm>>)
    %add3A_615 = arith.constant 480 : i32
    %add3A_616 = arith.addi %min3A_3, %add3A_615 : i32
    %dma_start3A_617 = arith.constant 0 : i32
    %dma_start3A_618 = arith.constant 0 : i32
    %dma_start3A_619 = arith.constant 0 : i32
    %dma_start3A_620 = tpu.memref_slice %arg7[%dma_start3A_617, %dma_start3A_618, %dma_start3A_619] : memref<2x80x128xf32, #tpu.memory_space<vmem>> -> memref<1x80x128xf32, #tpu.memory_space<vmem>>
    %dma_start3A_621 = tpu.memref_squeeze %dma_start3A_620 : memref<1x80x128xf32, #tpu.memory_space<vmem>> -> memref<80x128xf32, #tpu.memory_space<vmem>>
    %dma_start3A_622 = arith.constant 0 : i32
    %dma_start3A_623 = tpu.memref_slice %arg8[%add3A_616, %dma_start3A_622] : memref<10000x128xf32, #tpu.memory_space<vmem_shared>> -> memref<80x128xf32, #tpu.memory_space<vmem_shared>>
    %dma_start3A_624 = arith.constant 0 : i32
    %dma_start3A_625 = arith.constant 0 : i32
    %dma_start3A_626 = tpu.memref_slice %arg7[%dma_start3A_617, %dma_start3A_624, %dma_start3A_625] : memref<2x80x128xf32, #tpu.memory_space<vmem>> -> memref<1x80x128xf32, #tpu.memory_space<vmem>>
    %dma_start3A_627 = tpu.memref_squeeze %dma_start3A_626 : memref<1x80x128xf32, #tpu.memory_space<vmem>> -> memref<80x128xf32, #tpu.memory_space<vmem>>
    %dma_start3A_628 = arith.constant 0 : i32
    %dma_start3A_629 = tpu.memref_slice %arg8[%add3A_616, %dma_start3A_628] : memref<10000x128xf32, #tpu.memory_space<vmem_shared>> -> memref<80x128xf32, #tpu.memory_space<vmem_shared>>
    tpu.enqueue_dma source(%dma_start3A_629 : memref<80x128xf32, #tpu.memory_space<vmem_shared>>) target(%dma_start3A_627 : memref<80x128xf32, #tpu.memory_space<vmem>>) target_semaphore(%arg9 : memref<!tpu.dma_semaphore, #tpu.memory_space<semaphore_mem>>)
    %add3A_630 = arith.constant 480 : i32
    %add3A_631 = arith.addi %min3A_3, %add3A_630 : i32
    %dma_wait3A_632 = arith.constant 0 : i32
    %dma_wait3A_633 = arith.constant 0 : i32
    %dma_wait3A_634 = arith.constant 0 : i32
    %dma_wait3A_635 = tpu.memref_slice %arg7[%dma_wait3A_632, %dma_wait3A_633, %dma_wait3A_634] : memref<2x80x128xf32, #tpu.memory_space<vmem>> -> memref<1x80x128xf32, #tpu.memory_space<vmem>>
    %dma_wait3A_636 = tpu.memref_squeeze %dma_wait3A_635 : memref<1x80x128xf32, #tpu.memory_space<vmem>> -> memref<80x128xf32, #tpu.memory_space<vmem>>
    %dma_wait3A_637 = arith.constant 0 : i32
    %dma_wait3A_638 = tpu.memref_slice %arg8[%add3A_631, %dma_wait3A_637] : memref<10000x128xf32, #tpu.memory_space<vmem_shared>> -> memref<80x128xf32, #tpu.memory_space<vmem_shared>>
    %dma_wait3A_639 = arith.constant 0 : i32
    %dma_wait3A_640 = arith.constant 0 : i32
    %dma_wait3A_641 = tpu.memref_slice %arg7[%dma_wait3A_632, %dma_wait3A_639, %dma_wait3A_640] : memref<2x80x128xf32, #tpu.memory_space<vmem>> -> memref<1x80x128xf32, #tpu.memory_space<vmem>>
    %dma_wait3A_642 = tpu.memref_squeeze %dma_wait3A_641 : memref<1x80x128xf32, #tpu.memory_space<vmem>> -> memref<80x128xf32, #tpu.memory_space<vmem>>
    %dma_wait3A_643 = arith.constant 0 : i32
    %dma_wait3A_644 = tpu.memref_slice %arg8[%add3A_631, %dma_wait3A_643] : memref<10000x128xf32, #tpu.memory_space<vmem_shared>> -> memref<80x128xf32, #tpu.memory_space<vmem_shared>>
    tpu.wait_dma2 semaphore(%arg9 : memref<!tpu.dma_semaphore, #tpu.memory_space<semaphore_mem>>) src(%dma_wait3A_644 : memref<80x128xf32, #tpu.memory_space<vmem_shared>>) dst(%dma_wait3A_642 : memref<80x128xf32, #tpu.memory_space<vmem>>)
    %add3A_645 = arith.constant 480 : i32
    %add3A_646 = arith.addi %min3A_3, %add3A_645 : i32
    %dma_start3A_647 = arith.constant 0 : i32
    %dma_start3A_648 = arith.constant 0 : i32
    %dma_start3A_649 = arith.constant 0 : i32
    %dma_start3A_650 = tpu.memref_slice %arg7[%dma_start3A_647, %dma_start3A_648, %dma_start3A_649] : memref<2x80x128xf32, #tpu.memory_space<vmem>> -> memref<1x80x128xf32, #tpu.memory_space<vmem>>
    %dma_start3A_651 = tpu.memref_squeeze %dma_start3A_650 : memref<1x80x128xf32, #tpu.memory_space<vmem>> -> memref<80x128xf32, #tpu.memory_space<vmem>>
    %dma_start3A_652 = arith.constant 0 : i32
    %dma_start3A_653 = tpu.memref_slice %arg4[%arg0, %add3A_646, %dma_start3A_652] : memref<2x10000x128xf32, #tpu.memory_space<hbm>> -> memref<1x80x128xf32, #tpu.memory_space<hbm>>
    %dma_start3A_654 = tpu.memref_squeeze %dma_start3A_653 : memref<1x80x128xf32, #tpu.memory_space<hbm>> -> memref<80x128xf32, #tpu.memory_space<hbm>>
    %dma_start3A_655 = arith.constant 0 : i32
    %dma_start3A_656 = tpu.memref_slice %arg4[%arg0, %add3A_646, %dma_start3A_655] : memref<2x10000x128xf32, #tpu.memory_space<hbm>> -> memref<1x80x128xf32, #tpu.memory_space<hbm>>
    %dma_start3A_657 = tpu.memref_squeeze %dma_start3A_656 : memref<1x80x128xf32, #tpu.memory_space<hbm>> -> memref<80x128xf32, #tpu.memory_space<hbm>>
    %dma_start3A_658 = arith.constant 0 : i32
    %dma_start3A_659 = arith.constant 0 : i32
    %dma_start3A_660 = tpu.memref_slice %arg7[%dma_start3A_647, %dma_start3A_658, %dma_start3A_659] : memref<2x80x128xf32, #tpu.memory_space<vmem>> -> memref<1x80x128xf32, #tpu.memory_space<vmem>>
    %dma_start3A_661 = tpu.memref_squeeze %dma_start3A_660 : memref<1x80x128xf32, #tpu.memory_space<vmem>> -> memref<80x128xf32, #tpu.memory_space<vmem>>
    tpu.enqueue_dma source(%dma_start3A_661 : memref<80x128xf32, #tpu.memory_space<vmem>>) target(%dma_start3A_657 : memref<80x128xf32, #tpu.memory_space<hbm>>) target_semaphore(%arg11 : memref<!tpu.dma_semaphore, #tpu.memory_space<semaphore_mem>>)
    %add3A_662 = arith.constant 400 : i32
    %add3A_663 = arith.addi %min3A_3, %add3A_662 : i32
    %dma_wait3A_664 = arith.constant 1 : i32
    %dma_wait3A_665 = arith.constant 0 : i32
    %dma_wait3A_666 = arith.constant 0 : i32
    %dma_wait3A_667 = tpu.memref_slice %arg7[%dma_wait3A_664, %dma_wait3A_665, %dma_wait3A_666] : memref<2x80x128xf32, #tpu.memory_space<vmem>> -> memref<1x80x128xf32, #tpu.memory_space<vmem>>
    %dma_wait3A_668 = tpu.memref_squeeze %dma_wait3A_667 : memref<1x80x128xf32, #tpu.memory_space<vmem>> -> memref<80x128xf32, #tpu.memory_space<vmem>>
    %dma_wait3A_669 = arith.constant 0 : i32
    %dma_wait3A_670 = tpu.memref_slice %arg4[%arg0, %add3A_663, %dma_wait3A_669] : memref<2x10000x128xf32, #tpu.memory_space<hbm>> -> memref<1x80x128xf32, #tpu.memory_space<hbm>>
    %dma_wait3A_671 = tpu.memref_squeeze %dma_wait3A_670 : memref<1x80x128xf32, #tpu.memory_space<hbm>> -> memref<80x128xf32, #tpu.memory_space<hbm>>
    %dma_wait3A_672 = arith.constant 0 : i32
    %dma_wait3A_673 = tpu.memref_slice %arg4[%arg0, %add3A_663, %dma_wait3A_672] : memref<2x10000x128xf32, #tpu.memory_space<hbm>> -> memref<1x80x128xf32, #tpu.memory_space<hbm>>
    %dma_wait3A_674 = tpu.memref_squeeze %dma_wait3A_673 : memref<1x80x128xf32, #tpu.memory_space<hbm>> -> memref<80x128xf32, #tpu.memory_space<hbm>>
    %dma_wait3A_675 = arith.constant 0 : i32
    %dma_wait3A_676 = arith.constant 0 : i32
    %dma_wait3A_677 = tpu.memref_slice %arg7[%dma_wait3A_664, %dma_wait3A_675, %dma_wait3A_676] : memref<2x80x128xf32, #tpu.memory_space<vmem>> -> memref<1x80x128xf32, #tpu.memory_space<vmem>>
    %dma_wait3A_678 = tpu.memref_squeeze %dma_wait3A_677 : memref<1x80x128xf32, #tpu.memory_space<vmem>> -> memref<80x128xf32, #tpu.memory_space<vmem>>
    tpu.wait_dma2 semaphore(%arg12 : memref<!tpu.dma_semaphore, #tpu.memory_space<semaphore_mem>>) src(%dma_wait3A_678 : memref<80x128xf32, #tpu.memory_space<vmem>>) dst(%dma_wait3A_674 : memref<80x128xf32, #tpu.memory_space<hbm>>)
    %add3A_679 = arith.constant 560 : i32
    %add3A_680 = arith.addi %min3A_3, %add3A_679 : i32
    %dma_start3A_681 = arith.constant 1 : i32
    %dma_start3A_682 = arith.constant 0 : i32
    %dma_start3A_683 = arith.constant 0 : i32
    %dma_start3A_684 = tpu.memref_slice %arg7[%dma_start3A_681, %dma_start3A_682, %dma_start3A_683] : memref<2x80x128xf32, #tpu.memory_space<vmem>> -> memref<1x80x128xf32, #tpu.memory_space<vmem>>
    %dma_start3A_685 = tpu.memref_squeeze %dma_start3A_684 : memref<1x80x128xf32, #tpu.memory_space<vmem>> -> memref<80x128xf32, #tpu.memory_space<vmem>>
    %dma_start3A_686 = arith.constant 0 : i32
    %dma_start3A_687 = tpu.memref_slice %arg8[%add3A_680, %dma_start3A_686] : memref<10000x128xf32, #tpu.memory_space<vmem_shared>> -> memref<80x128xf32, #tpu.memory_space<vmem_shared>>
    %dma_start3A_688 = arith.constant 0 : i32
    %dma_start3A_689 = arith.constant 0 : i32
    %dma_start3A_690 = tpu.memref_slice %arg7[%dma_start3A_681, %dma_start3A_688, %dma_start3A_689] : memref<2x80x128xf32, #tpu.memory_space<vmem>> -> memref<1x80x128xf32, #tpu.memory_space<vmem>>
    %dma_start3A_691 = tpu.memref_squeeze %dma_start3A_690 : memref<1x80x128xf32, #tpu.memory_space<vmem>> -> memref<80x128xf32, #tpu.memory_space<vmem>>
    %dma_start3A_692 = arith.constant 0 : i32
    %dma_start3A_693 = tpu.memref_slice %arg8[%add3A_680, %dma_start3A_692] : memref<10000x128xf32, #tpu.memory_space<vmem_shared>> -> memref<80x128xf32, #tpu.memory_space<vmem_shared>>
    tpu.enqueue_dma source(%dma_start3A_693 : memref<80x128xf32, #tpu.memory_space<vmem_shared>>) target(%dma_start3A_691 : memref<80x128xf32, #tpu.memory_space<vmem>>) target_semaphore(%arg10 : memref<!tpu.dma_semaphore, #tpu.memory_space<semaphore_mem>>)
    %add3A_694 = arith.constant 560 : i32
    %add3A_695 = arith.addi %min3A_3, %add3A_694 : i32
    %dma_wait3A_696 = arith.constant 1 : i32
    %dma_wait3A_697 = arith.constant 0 : i32
    %dma_wait3A_698 = arith.constant 0 : i32
    %dma_wait3A_699 = tpu.memref_slice %arg7[%dma_wait3A_696, %dma_wait3A_697, %dma_wait3A_698] : memref<2x80x128xf32, #tpu.memory_space<vmem>> -> memref<1x80x128xf32, #tpu.memory_space<vmem>>
    %dma_wait3A_700 = tpu.memref_squeeze %dma_wait3A_699 : memref<1x80x128xf32, #tpu.memory_space<vmem>> -> memref<80x128xf32, #tpu.memory_space<vmem>>
    %dma_wait3A_701 = arith.constant 0 : i32
    %dma_wait3A_702 = tpu.memref_slice %arg8[%add3A_695, %dma_wait3A_701] : memref<10000x128xf32, #tpu.memory_space<vmem_shared>> -> memref<80x128xf32, #tpu.memory_space<vmem_shared>>
    %dma_wait3A_703 = arith.constant 0 : i32
    %dma_wait3A_704 = arith.constant 0 : i32
    %dma_wait3A_705 = tpu.memref_slice %arg7[%dma_wait3A_696, %dma_wait3A_703, %dma_wait3A_704] : memref<2x80x128xf32, #tpu.memory_space<vmem>> -> memref<1x80x128xf32, #tpu.memory_space<vmem>>
    %dma_wait3A_706 = tpu.memref_squeeze %dma_wait3A_705 : memref<1x80x128xf32, #tpu.memory_space<vmem>> -> memref<80x128xf32, #tpu.memory_space<vmem>>
    %dma_wait3A_707 = arith.constant 0 : i32
    %dma_wait3A_708 = tpu.memref_slice %arg8[%add3A_695, %dma_wait3A_707] : memref<10000x128xf32, #tpu.memory_space<vmem_shared>> -> memref<80x128xf32, #tpu.memory_space<vmem_shared>>
    tpu.wait_dma2 semaphore(%arg10 : memref<!tpu.dma_semaphore, #tpu.memory_space<semaphore_mem>>) src(%dma_wait3A_708 : memref<80x128xf32, #tpu.memory_space<vmem_shared>>) dst(%dma_wait3A_706 : memref<80x128xf32, #tpu.memory_space<vmem>>)
    %add3A_709 = arith.constant 560 : i32
    %add3A_710 = arith.addi %min3A_3, %add3A_709 : i32
    %dma_start3A_711 = arith.constant 1 : i32
    %dma_start3A_712 = arith.constant 0 : i32
    %dma_start3A_713 = arith.constant 0 : i32
    %dma_start3A_714 = tpu.memref_slice %arg7[%dma_start3A_711, %dma_start3A_712, %dma_start3A_713] : memref<2x80x128xf32, #tpu.memory_space<vmem>> -> memref<1x80x128xf32, #tpu.memory_space<vmem>>
    %dma_start3A_715 = tpu.memref_squeeze %dma_start3A_714 : memref<1x80x128xf32, #tpu.memory_space<vmem>> -> memref<80x128xf32, #tpu.memory_space<vmem>>
    %dma_start3A_716 = arith.constant 0 : i32
    %dma_start3A_717 = tpu.memref_slice %arg4[%arg0, %add3A_710, %dma_start3A_716] : memref<2x10000x128xf32, #tpu.memory_space<hbm>> -> memref<1x80x128xf32, #tpu.memory_space<hbm>>
    %dma_start3A_718 = tpu.memref_squeeze %dma_start3A_717 : memref<1x80x128xf32, #tpu.memory_space<hbm>> -> memref<80x128xf32, #tpu.memory_space<hbm>>
    %dma_start3A_719 = arith.constant 0 : i32
    %dma_start3A_720 = tpu.memref_slice %arg4[%arg0, %add3A_710, %dma_start3A_719] : memref<2x10000x128xf32, #tpu.memory_space<hbm>> -> memref<1x80x128xf32, #tpu.memory_space<hbm>>
    %dma_start3A_721 = tpu.memref_squeeze %dma_start3A_720 : memref<1x80x128xf32, #tpu.memory_space<hbm>> -> memref<80x128xf32, #tpu.memory_space<hbm>>
    %dma_start3A_722 = arith.constant 0 : i32
    %dma_start3A_723 = arith.constant 0 : i32
    %dma_start3A_724 = tpu.memref_slice %arg7[%dma_start3A_711, %dma_start3A_722, %dma_start3A_723] : memref<2x80x128xf32, #tpu.memory_space<vmem>> -> memref<1x80x128xf32, #tpu.memory_space<vmem>>
    %dma_start3A_725 = tpu.memref_squeeze %dma_start3A_724 : memref<1x80x128xf32, #tpu.memory_space<vmem>> -> memref<80x128xf32, #tpu.memory_space<vmem>>
    tpu.enqueue_dma source(%dma_start3A_725 : memref<80x128xf32, #tpu.memory_space<vmem>>) target(%dma_start3A_721 : memref<80x128xf32, #tpu.memory_space<hbm>>) target_semaphore(%arg12 : memref<!tpu.dma_semaphore, #tpu.memory_space<semaphore_mem>>)
    %add3A_726 = arith.constant 480 : i32
    %add3A_727 = arith.addi %min3A_3, %add3A_726 : i32
    %dma_wait3A_728 = arith.constant 0 : i32
    %dma_wait3A_729 = arith.constant 0 : i32
    %dma_wait3A_730 = arith.constant 0 : i32
    %dma_wait3A_731 = tpu.memref_slice %arg7[%dma_wait3A_728, %dma_wait3A_729, %dma_wait3A_730] : memref<2x80x128xf32, #tpu.memory_space<vmem>> -> memref<1x80x128xf32, #tpu.memory_space<vmem>>
    %dma_wait3A_732 = tpu.memref_squeeze %dma_wait3A_731 : memref<1x80x128xf32, #tpu.memory_space<vmem>> -> memref<80x128xf32, #tpu.memory_space<vmem>>
    %dma_wait3A_733 = arith.constant 0 : i32
    %dma_wait3A_734 = tpu.memref_slice %arg4[%arg0, %add3A_727, %dma_wait3A_733] : memref<2x10000x128xf32, #tpu.memory_space<hbm>> -> memref<1x80x128xf32, #tpu.memory_space<hbm>>
    %dma_wait3A_735 = tpu.memref_squeeze %dma_wait3A_734 : memref<1x80x128xf32, #tpu.memory_space<hbm>> -> memref<80x128xf32, #tpu.memory_space<hbm>>
    %dma_wait3A_736 = arith.constant 0 : i32
    %dma_wait3A_737 = tpu.memref_slice %arg4[%arg0, %add3A_727, %dma_wait3A_736] : memref<2x10000x128xf32, #tpu.memory_space<hbm>> -> memref<1x80x128xf32, #tpu.memory_space<hbm>>
    %dma_wait3A_738 = tpu.memref_squeeze %dma_wait3A_737 : memref<1x80x128xf32, #tpu.memory_space<hbm>> -> memref<80x128xf32, #tpu.memory_space<hbm>>
    %dma_wait3A_739 = arith.constant 0 : i32
    %dma_wait3A_740 = arith.constant 0 : i32
    %dma_wait3A_741 = tpu.memref_slice %arg7[%dma_wait3A_728, %dma_wait3A_739, %dma_wait3A_740] : memref<2x80x128xf32, #tpu.memory_space<vmem>> -> memref<1x80x128xf32, #tpu.memory_space<vmem>>
    %dma_wait3A_742 = tpu.memref_squeeze %dma_wait3A_741 : memref<1x80x128xf32, #tpu.memory_space<vmem>> -> memref<80x128xf32, #tpu.memory_space<vmem>>
    tpu.wait_dma2 semaphore(%arg11 : memref<!tpu.dma_semaphore, #tpu.memory_space<semaphore_mem>>) src(%dma_wait3A_742 : memref<80x128xf32, #tpu.memory_space<vmem>>) dst(%dma_wait3A_738 : memref<80x128xf32, #tpu.memory_space<hbm>>)
    %add3A_743 = arith.constant 560 : i32
    %add3A_744 = arith.addi %min3A_3, %add3A_743 : i32
    %dma_wait3A_745 = arith.constant 1 : i32
    %dma_wait3A_746 = arith.constant 0 : i32
    %dma_wait3A_747 = arith.constant 0 : i32
    %dma_wait3A_748 = tpu.memref_slice %arg7[%dma_wait3A_745, %dma_wait3A_746, %dma_wait3A_747] : memref<2x80x128xf32, #tpu.memory_space<vmem>> -> memref<1x80x128xf32, #tpu.memory_space<vmem>>
    %dma_wait3A_749 = tpu.memref_squeeze %dma_wait3A_748 : memref<1x80x128xf32, #tpu.memory_space<vmem>> -> memref<80x128xf32, #tpu.memory_space<vmem>>
    %dma_wait3A_750 = arith.constant 0 : i32
    %dma_wait3A_751 = tpu.memref_slice %arg4[%arg0, %add3A_744, %dma_wait3A_750] : memref<2x10000x128xf32, #tpu.memory_space<hbm>> -> memref<1x80x128xf32, #tpu.memory_space<hbm>>
    %dma_wait3A_752 = tpu.memref_squeeze %dma_wait3A_751 : memref<1x80x128xf32, #tpu.memory_space<hbm>> -> memref<80x128xf32, #tpu.memory_space<hbm>>
    %dma_wait3A_753 = arith.constant 0 : i32
    %dma_wait3A_754 = tpu.memref_slice %arg4[%arg0, %add3A_744, %dma_wait3A_753] : memref<2x10000x128xf32, #tpu.memory_space<hbm>> -> memref<1x80x128xf32, #tpu.memory_space<hbm>>
    %dma_wait3A_755 = tpu.memref_squeeze %dma_wait3A_754 : memref<1x80x128xf32, #tpu.memory_space<hbm>> -> memref<80x128xf32, #tpu.memory_space<hbm>>
    %dma_wait3A_756 = arith.constant 0 : i32
    %dma_wait3A_757 = arith.constant 0 : i32
    %dma_wait3A_758 = tpu.memref_slice %arg7[%dma_wait3A_745, %dma_wait3A_756, %dma_wait3A_757] : memref<2x80x128xf32, #tpu.memory_space<vmem>> -> memref<1x80x128xf32, #tpu.memory_space<vmem>>
    %dma_wait3A_759 = tpu.memref_squeeze %dma_wait3A_758 : memref<1x80x128xf32, #tpu.memory_space<vmem>> -> memref<80x128xf32, #tpu.memory_space<vmem>>
    tpu.wait_dma2 semaphore(%arg12 : memref<!tpu.dma_semaphore, #tpu.memory_space<semaphore_mem>>) src(%dma_wait3A_759 : memref<80x128xf32, #tpu.memory_space<vmem>>) dst(%dma_wait3A_755 : memref<80x128xf32, #tpu.memory_space<hbm>>)
    return
  }
}

module attributes {stable_mosaic.version = 14 : i64} {
  func.func @_prep_body(%arg0: i32, %arg1: memref<2000x2xf32, #tpu.memory_space<vmem>>, %arg2: memref<2000x128xf32, #tpu.memory_space<vmem>>, %arg3: memref<2000x128xf32, #tpu.memory_space<vmem>>, %arg4: memref<2000x1xf32, #tpu.memory_space<vmem>>, %arg5: memref<2000x1xf32, #tpu.memory_space<vmem>>) attributes {dimension_semantics = [#tpu.dimension_semantics<arbitrary>], iteration_bounds = array<i64: 5>, scalar_prefetch = 0 : i64, scratch_operands = 0 : i64, tpu.core_type = #tpu.core_type<tc>, window_params = [{transform_indices = @transform_0, window_bounds = array<i64: 2000, 2>}, {transform_indices = @transform_1, window_bounds = array<i64: 2000, 128>}, {transform_indices = @transform_2, window_bounds = array<i64: 2000, 128>}, {transform_indices = @transform_3, window_bounds = array<i64: 2000, 1>}, {transform_indices = @transform_4, window_bounds = array<i64: 2000, 1>}]} {
    %get3A = arith.constant 0 : index
    %get3A_0 = arith.constant 0 : index
    %get3A_1 = vector.load %arg1[%get3A, %get3A_0] : memref<2000x2xf32, #tpu.memory_space<vmem>>, vector<2000x1xf32>
    %get3A_2 = arith.constant 0 : index
    %get3A_3 = arith.constant 1 : index
    %get3A_4 = vector.load %arg1[%get3A_2, %get3A_3] : memref<2000x2xf32, #tpu.memory_space<vmem>>, vector<2000x1xf32>
    %add3A = arith.addf %get3A_1, %get3A_4 : vector<2000x1xf32>
    %add3A_5 = arith.constant 1.000000e+00 : f32
    %add3A_6 = vector.broadcast %add3A_5 : f32 to vector<2000x1xf32>
    %add3A_7 = arith.addf %add3A, %add3A_6 : vector<2000x1xf32>
    %rsqrt3A = math.rsqrt %add3A_7 : vector<2000x1xf32>
    %swap3A = arith.constant 0 : index
    %swap3A_8 = arith.constant 0 : index
    %swap3A_9 = vector.load %arg4[%swap3A, %swap3A_8] : memref<2000x1xf32, #tpu.memory_space<vmem>>, vector<2000x1xf32>
    tpu.vector_store %arg4[%swap3A, %swap3A_8], %rsqrt3A {strides = array<i32>} : memref<2000x1xf32, #tpu.memory_space<vmem>>, vector<2000x1xf32>,
    %div3A = arith.constant 1.000000e+00 : f32
    %div3A_10 = vector.broadcast %div3A : f32 to vector<2000x1xf32>
    %div3A_11 = arith.divf %div3A_10, %add3A_7 : vector<2000x1xf32>
    %swap3A_12 = arith.constant 0 : index
    %swap3A_13 = arith.constant 0 : index
    %swap3A_14 = vector.load %arg5[%swap3A_12, %swap3A_13] : memref<2000x1xf32, #tpu.memory_space<vmem>>, vector<2000x1xf32>
    tpu.vector_store %arg5[%swap3A_12, %swap3A_13], %div3A_11 {strides = array<i32>} : memref<2000x1xf32, #tpu.memory_space<vmem>>, vector<2000x1xf32>,
    %get3A_15 = arith.constant 0 : index
    %get3A_16 = arith.constant 0 : index
    %get3A_17 = vector.load %arg2[%get3A_15, %get3A_16] : memref<2000x128xf32, #tpu.memory_space<vmem>>, vector<2000x128xf32>
    %mul3A = vector.broadcast %rsqrt3A : vector<2000x1xf32> to vector<2000x128xf32>
    %mul3A_18 = arith.mulf %get3A_17, %mul3A : vector<2000x128xf32>
    %swap3A_19 = arith.constant 0 : index
    %swap3A_20 = arith.constant 0 : index
    %swap3A_21 = vector.load %arg3[%swap3A_19, %swap3A_20] : memref<2000x128xf32, #tpu.memory_space<vmem>>, vector<2000x128xf32>
    tpu.vector_store %arg3[%swap3A_19, %swap3A_20], %mul3A_18 {strides = array<i32>} : memref<2000x128xf32, #tpu.memory_space<vmem>>, vector<2000x128xf32>,
    return
  }
  func.func @transform_0(%arg0: i32) -> (i32, i32) {
    %c0_i32 = arith.constant 0 : i32
    %c0_i32_0 = arith.constant 0 : i32
    return %arg0, %c0_i32 : i32, i32
  }
  func.func @transform_1(%arg0: i32) -> (i32, i32) {
    %c0_i32 = arith.constant 0 : i32
    %c0_i32_0 = arith.constant 0 : i32
    return %arg0, %c0_i32 : i32, i32
  }
  func.func @transform_2(%arg0: i32) -> (i32, i32) {
    %c0_i32 = arith.constant 0 : i32
    %c0_i32_0 = arith.constant 0 : i32
    return %arg0, %c0_i32 : i32, i32
  }
  func.func @transform_3(%arg0: i32) -> (i32, i32) {
    %c0_i32 = arith.constant 0 : i32
    %c0_i32_0 = arith.constant 0 : i32
    return %arg0, %c0_i32 : i32, i32
  }
  func.func @transform_4(%arg0: i32) -> (i32, i32) {
    %c0_i32 = arith.constant 0 : i32
    %c0_i32_0 = arith.constant 0 : i32
    return %arg0, %c0_i32 : i32, i32
  }
}

module attributes {stable_mosaic.version = 14 : i64} {
  func.func @_mid_body(%arg0: i32, %arg1: memref<2x2000x128xf32, #tpu.memory_space<vmem>>, %arg2: memref<2000x128xf32, #tpu.memory_space<vmem>>, %arg3: memref<2000x1xf32, #tpu.memory_space<vmem>>, %arg4: memref<2000x1xf32, #tpu.memory_space<vmem>>, %arg5: memref<128x256xf32, #tpu.memory_space<vmem>>, %arg6: memref<1x256xf32, #tpu.memory_space<vmem>>, %arg7: memref<256x128xf32, #tpu.memory_space<vmem>>, %arg8: memref<2000x128xf32, #tpu.memory_space<vmem>>, %arg9: memref<2000x128xf32, #tpu.memory_space<vmem>>) attributes {dimension_semantics = [#tpu.dimension_semantics<arbitrary>], iteration_bounds = array<i64: 5>, scalar_prefetch = 0 : i64, scratch_operands = 0 : i64, tpu.core_type = #tpu.core_type<tc>, window_params = [{transform_indices = @transform_0, window_bounds = array<i64: 2, 2000, 128>}, {transform_indices = @transform_1, window_bounds = array<i64: 2000, 128>}, {transform_indices = @transform_2, window_bounds = array<i64: 2000, 1>}, {transform_indices = @transform_3, window_bounds = array<i64: 2000, 1>}, {pipeline_mode = #tpu.pipeline_mode<synchronous>, transform_indices = @transform_4, window_bounds = array<i64: 128, 256>}, {pipeline_mode = #tpu.pipeline_mode<synchronous>, transform_indices = @transform_5, window_bounds = array<i64: 1, 256>}, {pipeline_mode = #tpu.pipeline_mode<synchronous>, transform_indices = @transform_6, window_bounds = array<i64: 256, 128>}, {transform_indices = @transform_7, window_bounds = array<i64: 2000, 128>}, {transform_indices = @transform_8, window_bounds = array<i64: 2000, 128>}]} {
    %get3A = arith.constant 0 : index
    %get3A_0 = arith.constant 0 : index
    %get3A_1 = vector.load %arg3[%get3A, %get3A_0] : memref<2000x1xf32, #tpu.memory_space<vmem>>, vector<2000x1xf32>
    %get3A_2 = arith.constant 0 : index
    %get3A_3 = arith.constant 0 : index
    %get3A_4 = arith.constant 0 : index
    %get3A_5 = vector.load %arg1[%get3A_2, %get3A_3, %get3A_4] : memref<2x2000x128xf32, #tpu.memory_space<vmem>>, vector<1x2000x128xf32>
    %get3A_6 = vector.shape_cast %get3A_5 : vector<1x2000x128xf32> to vector<2000x128xf32>
    %get3A_7 = arith.constant 1 : index
    %get3A_8 = arith.constant 0 : index
    %get3A_9 = arith.constant 0 : index
    %get3A_10 = vector.load %arg1[%get3A_7, %get3A_8, %get3A_9] : memref<2x2000x128xf32, #tpu.memory_space<vmem>>, vector<1x2000x128xf32>
    %get3A_11 = vector.shape_cast %get3A_10 : vector<1x2000x128xf32> to vector<2000x128xf32>
    %add3A = arith.addf %get3A_6, %get3A_11 : vector<2000x128xf32>
    %mul3A = vector.broadcast %get3A_1 : vector<2000x1xf32> to vector<2000x128xf32>
    %mul3A_12 = arith.mulf %mul3A, %add3A : vector<2000x128xf32>
    %get3A_13 = arith.constant 0 : index
    %get3A_14 = arith.constant 0 : index
    %get3A_15 = vector.load %arg4[%get3A_13, %get3A_14] : memref<2000x1xf32, #tpu.memory_space<vmem>>, vector<2000x1xf32>
    %get3A_16 = arith.constant 0 : index
    %get3A_17 = arith.constant 0 : index
    %get3A_18 = vector.load %arg2[%get3A_16, %get3A_17] : memref<2000x128xf32, #tpu.memory_space<vmem>>, vector<2000x128xf32>
    %mul3A_19 = vector.broadcast %get3A_15 : vector<2000x1xf32> to vector<2000x128xf32>
    %mul3A_20 = arith.mulf %mul3A_19, %get3A_18 : vector<2000x128xf32>
    %add3A_21 = arith.addf %mul3A_12, %mul3A_20 : vector<2000x128xf32>
    %get3A_22 = arith.constant 0 : index
    %get3A_23 = arith.constant 0 : index
    %get3A_24 = vector.load %arg5[%get3A_22, %get3A_23] : memref<128x256xf32, #tpu.memory_space<vmem>>, vector<128x256xf32>
    %dot_general3A = arith.constant dense<0.000000e+00> : vector<2000x256xf32>
    %dot_general3A_25 = tpu.matmul %add3A_21, %get3A_24, %dot_general3A {dimension_numbers = #tpu.dot_dimension_numbers<[1], [0], [0], [1], [0, 0, 1, 1], [], []>, transpose_lhs_hint = false} : vector<2000x128xf32>, vector<128x256xf32>, vector<2000x256xf32> -> vector<2000x256xf32>
    %get3A_26 = arith.constant 0 : index
    %get3A_27 = arith.constant 0 : index
    %get3A_28 = vector.load %arg6[%get3A_26, %get3A_27] : memref<1x256xf32, #tpu.memory_space<vmem>>, vector<1x256xf32>
    %add3A_29 = vector.broadcast %get3A_28 : vector<1x256xf32> to vector<2000x256xf32>
    %add3A_30 = arith.addf %dot_general3A_25, %add3A_29 : vector<2000x256xf32>
    %max3A = arith.constant 0.000000e+00 : f32
    %max3A_31 = vector.broadcast %max3A : f32 to vector<2000x256xf32>
    %max3A_32 = arith.maximumf %add3A_30, %max3A_31 : vector<2000x256xf32>
    %get3A_33 = arith.constant 0 : index
    %get3A_34 = arith.constant 0 : index
    %get3A_35 = vector.load %arg7[%get3A_33, %get3A_34] : memref<256x128xf32, #tpu.memory_space<vmem>>, vector<256x128xf32>
    %dot_general3A_36 = arith.constant dense<0.000000e+00> : vector<2000x128xf32>
    %dot_general3A_37 = tpu.matmul %max3A_32, %get3A_35, %dot_general3A_36 {dimension_numbers = #tpu.dot_dimension_numbers<[1], [0], [0], [1], [0, 0, 1, 1], [], []>, transpose_lhs_hint = false} : vector<2000x256xf32>, vector<256x128xf32>, vector<2000x128xf32> -> vector<2000x128xf32>
    %swap3A = arith.constant 0 : index
    %swap3A_38 = arith.constant 0 : index
    %swap3A_39 = vector.load %arg8[%swap3A, %swap3A_38] : memref<2000x128xf32, #tpu.memory_space<vmem>>, vector<2000x128xf32>
    tpu.vector_store %arg8[%swap3A, %swap3A_38], %dot_general3A_37 {strides = array<i32>} : memref<2000x128xf32, #tpu.memory_space<vmem>>, vector<2000x128xf32>,
    %get3A_40 = arith.constant 0 : index
    %get3A_41 = arith.constant 0 : index
    %get3A_42 = vector.load %arg3[%get3A_40, %get3A_41] : memref<2000x1xf32, #tpu.memory_space<vmem>>, vector<2000x1xf32>
    %mul3A_43 = vector.broadcast %get3A_42 : vector<2000x1xf32> to vector<2000x128xf32>
    %mul3A_44 = arith.mulf %dot_general3A_37, %mul3A_43 : vector<2000x128xf32>
    %swap3A_45 = arith.constant 0 : index
    %swap3A_46 = arith.constant 0 : index
    %swap3A_47 = vector.load %arg9[%swap3A_45, %swap3A_46] : memref<2000x128xf32, #tpu.memory_space<vmem>>, vector<2000x128xf32>
    tpu.vector_store %arg9[%swap3A_45, %swap3A_46], %mul3A_44 {strides = array<i32>} : memref<2000x128xf32, #tpu.memory_space<vmem>>, vector<2000x128xf32>,
    return
  }
  func.func @transform_0(%arg0: i32) -> (i32, i32, i32) {
    %c0_i32 = arith.constant 0 : i32
    %c0_i32_0 = arith.constant 0 : i32
    %c0_i32_1 = arith.constant 0 : i32
    return %c0_i32, %arg0, %c0_i32_0 : i32, i32, i32
  }
  func.func @transform_1(%arg0: i32) -> (i32, i32) {
    %c0_i32 = arith.constant 0 : i32
    %c0_i32_0 = arith.constant 0 : i32
    return %arg0, %c0_i32 : i32, i32
  }
  func.func @transform_2(%arg0: i32) -> (i32, i32) {
    %c0_i32 = arith.constant 0 : i32
    %c0_i32_0 = arith.constant 0 : i32
    return %arg0, %c0_i32 : i32, i32
  }
  func.func @transform_3(%arg0: i32) -> (i32, i32) {
    %c0_i32 = arith.constant 0 : i32
    %c0_i32_0 = arith.constant 0 : i32
    return %arg0, %c0_i32 : i32, i32
  }
  func.func @transform_4(%arg0: i32) -> (i32, i32) {
    %c0_i32 = arith.constant 0 : i32
    %c0_i32_0 = arith.constant 0 : i32
    %c0_i32_1 = arith.constant 0 : i32
    return %c0_i32, %c0_i32_0 : i32, i32
  }
  func.func @transform_5(%arg0: i32) -> (i32, i32) {
    %c0_i32 = arith.constant 0 : i32
    %c0_i32_0 = arith.constant 0 : i32
    %c0_i32_1 = arith.constant 0 : i32
    return %c0_i32, %c0_i32_0 : i32, i32
  }
  func.func @transform_6(%arg0: i32) -> (i32, i32) {
    %c0_i32 = arith.constant 0 : i32
    %c0_i32_0 = arith.constant 0 : i32
    %c0_i32_1 = arith.constant 0 : i32
    return %c0_i32, %c0_i32_0 : i32, i32
  }
  func.func @transform_7(%arg0: i32) -> (i32, i32) {
    %c0_i32 = arith.constant 0 : i32
    %c0_i32_0 = arith.constant 0 : i32
    return %arg0, %c0_i32 : i32, i32
  }
  func.func @transform_8(%arg0: i32) -> (i32, i32) {
    %c0_i32 = arith.constant 0 : i32
    %c0_i32_0 = arith.constant 0 : i32
    return %arg0, %c0_i32 : i32, i32
  }
}

module attributes {stable_mosaic.version = 14 : i64} {
  func.func @_final_body(%arg0: i32, %arg1: memref<2x2000x128xf32, #tpu.memory_space<vmem>>, %arg2: memref<2000x128xf32, #tpu.memory_space<vmem>>, %arg3: memref<2000x1xf32, #tpu.memory_space<vmem>>, %arg4: memref<2000x1xf32, #tpu.memory_space<vmem>>, %arg5: memref<1x128xf32, #tpu.memory_space<vmem>>, %arg6: memref<2000x128xf32, #tpu.memory_space<vmem>>) attributes {dimension_semantics = [#tpu.dimension_semantics<arbitrary>], iteration_bounds = array<i64: 5>, scalar_prefetch = 0 : i64, scratch_operands = 0 : i64, tpu.core_type = #tpu.core_type<tc>, window_params = [{transform_indices = @transform_0, window_bounds = array<i64: 2, 2000, 128>}, {transform_indices = @transform_1, window_bounds = array<i64: 2000, 128>}, {transform_indices = @transform_2, window_bounds = array<i64: 2000, 1>}, {transform_indices = @transform_3, window_bounds = array<i64: 2000, 1>}, {pipeline_mode = #tpu.pipeline_mode<synchronous>, transform_indices = @transform_4, window_bounds = array<i64: 1, 128>}, {transform_indices = @transform_5, window_bounds = array<i64: 2000, 128>}]} {
    %get3A = arith.constant 0 : index
    %get3A_0 = arith.constant 0 : index
    %get3A_1 = vector.load %arg3[%get3A, %get3A_0] : memref<2000x1xf32, #tpu.memory_space<vmem>>, vector<2000x1xf32>
    %get3A_2 = arith.constant 0 : index
    %get3A_3 = arith.constant 0 : index
    %get3A_4 = arith.constant 0 : index
    %get3A_5 = vector.load %arg1[%get3A_2, %get3A_3, %get3A_4] : memref<2x2000x128xf32, #tpu.memory_space<vmem>>, vector<1x2000x128xf32>
    %get3A_6 = vector.shape_cast %get3A_5 : vector<1x2000x128xf32> to vector<2000x128xf32>
    %get3A_7 = arith.constant 1 : index
    %get3A_8 = arith.constant 0 : index
    %get3A_9 = arith.constant 0 : index
    %get3A_10 = vector.load %arg1[%get3A_7, %get3A_8, %get3A_9] : memref<2x2000x128xf32, #tpu.memory_space<vmem>>, vector<1x2000x128xf32>
    %get3A_11 = vector.shape_cast %get3A_10 : vector<1x2000x128xf32> to vector<2000x128xf32>
    %add3A = arith.addf %get3A_6, %get3A_11 : vector<2000x128xf32>
    %mul3A = vector.broadcast %get3A_1 : vector<2000x1xf32> to vector<2000x128xf32>
    %mul3A_12 = arith.mulf %mul3A, %add3A : vector<2000x128xf32>
    %get3A_13 = arith.constant 0 : index
    %get3A_14 = arith.constant 0 : index
    %get3A_15 = vector.load %arg4[%get3A_13, %get3A_14] : memref<2000x1xf32, #tpu.memory_space<vmem>>, vector<2000x1xf32>
    %get3A_16 = arith.constant 0 : index
    %get3A_17 = arith.constant 0 : index
    %get3A_18 = vector.load %arg2[%get3A_16, %get3A_17] : memref<2000x128xf32, #tpu.memory_space<vmem>>, vector<2000x128xf32>
    %mul3A_19 = vector.broadcast %get3A_15 : vector<2000x1xf32> to vector<2000x128xf32>
    %mul3A_20 = arith.mulf %mul3A_19, %get3A_18 : vector<2000x128xf32>
    %add3A_21 = arith.addf %mul3A_12, %mul3A_20 : vector<2000x128xf32>
    %get3A_22 = arith.constant 0 : index
    %get3A_23 = arith.constant 0 : index
    %get3A_24 = vector.load %arg5[%get3A_22, %get3A_23] : memref<1x128xf32, #tpu.memory_space<vmem>>, vector<1x128xf32>
    %add3A_25 = vector.broadcast %get3A_24 : vector<1x128xf32> to vector<2000x128xf32>
    %add3A_26 = arith.addf %add3A_21, %add3A_25 : vector<2000x128xf32>
    %max3A = arith.constant 0.000000e+00 : f32
    %max3A_27 = vector.broadcast %max3A : f32 to vector<2000x128xf32>
    %max3A_28 = arith.maximumf %add3A_26, %max3A_27 : vector<2000x128xf32>
    %swap3A = arith.constant 0 : index
    %swap3A_29 = arith.constant 0 : index
    %swap3A_30 = vector.load %arg6[%swap3A, %swap3A_29] : memref<2000x128xf32, #tpu.memory_space<vmem>>, vector<2000x128xf32>
    tpu.vector_store %arg6[%swap3A, %swap3A_29], %max3A_28 {strides = array<i32>} : memref<2000x128xf32, #tpu.memory_space<vmem>>, vector<2000x128xf32>,
    return
  }
  func.func @transform_0(%arg0: i32) -> (i32, i32, i32) {
    %c0_i32 = arith.constant 0 : i32
    %c0_i32_0 = arith.constant 0 : i32
    %c0_i32_1 = arith.constant 0 : i32
    return %c0_i32, %arg0, %c0_i32_0 : i32, i32, i32
  }
  func.func @transform_1(%arg0: i32) -> (i32, i32) {
    %c0_i32 = arith.constant 0 : i32
    %c0_i32_0 = arith.constant 0 : i32
    return %arg0, %c0_i32 : i32, i32
  }
  func.func @transform_2(%arg0: i32) -> (i32, i32) {
    %c0_i32 = arith.constant 0 : i32
    %c0_i32_0 = arith.constant 0 : i32
    return %arg0, %c0_i32 : i32, i32
  }
  func.func @transform_3(%arg0: i32) -> (i32, i32) {
    %c0_i32 = arith.constant 0 : i32
    %c0_i32_0 = arith.constant 0 : i32
    return %arg0, %c0_i32 : i32, i32
  }
  func.func @transform_4(%arg0: i32) -> (i32, i32) {
    %c0_i32 = arith.constant 0 : i32
    %c0_i32_0 = arith.constant 0 : i32
    %c0_i32_1 = arith.constant 0 : i32
    return %c0_i32, %c0_i32_0 : i32, i32
  }
  func.func @transform_5(%arg0: i32) -> (i32, i32) {
    %c0_i32 = arith.constant 0 : i32
    %c0_i32_0 = arith.constant 0 : i32
    return %arg0, %c0_i32 : i32, i32
  }
}

</mosaic_0001>

<sc_bundles>
// kernel: kernel.11.cloned.1.call-start
scs
__scs_entry_jumppad:
0x0: {  	(pc) =	sbr.rel $0x88, $3  }
0x1: {  	(tag) =	ssettag $0x0;
	lr =	simm.s32 $0x1  }
0x2: {  	[smem:$0x3F9B] =	sst lr;
	_ =	strace $0xD0000000  }
0x3: {  	_ = 	snop  }
0x4: {  	_ = 	snop  }
0x5: {  	_ = 	snop  }
0x6: {  	_ = 	snop  }
0x7: {  	_ = 	snop  }
__scs_overlays_trampoline_lowered:
0x8: {  	[smem:$0x3FAA] =	sst s0  }
0x9: {  	[smem:$0x3FAB] =	sst s1  }
0xa: {  	[smem:$0x3FAC] =	sst s2  }
0xb: {  	[smem:$0x3FAD] =	sst s3  }
0xc: {  	[smem:$0x3FAE] =	sst s4  }
0xd: {  	[smem:$0x3FAF] =	sst s5  }
0xe: {  	[smem:$0x3FB0] =	sst s6  }
0xf: {  	[smem:$0x3FB1] =	sst s7  }
0x10: {  	[smem:$0x3FB2] =	sst s8  }
0x11: {  	[smem:$0x3FB3] =	sst s9;
	s0 =	simm.s32 @!p0 $0x0  }
0x12: {  	s1 =	sld [smem:$0x3F99];
	s0 =	simm.s32 @p0 $0x1  }
0x13: {  	[smem:$0x3FB4] =	sst s0;
	s0 =	simm.s32 @!p1 $0x0  }
0x14: {  	s2 =	sld [smem:$0x3F98];
	s0 =	simm.s32 @p1 $0x1  }
0x15: {  	[smem:$0x3FB5] =	sst s0;
	s0 =	simm.s32 @!p2 $0x0  }
0x16: {  	s3 =	sld [smem:$0x3FDB];
	s0 =	simm.s32 @p2 $0x1  }
0x17: {  	s4 =	simm.s32 $0x1BF5;
	[smem:$0x3FB7] =	sst s0  }
0x18: {  	s0 =	sld [smem:$0x3F9A];
	_ =	swait.ge [sflag:s4], $0x0  }
0x19: {  	s7 =	sld [smem:$0x3F9B]  }
0x1a: {  	s8 =	sadd.s32 $0xFFFFE003, lr  }
0x1b: {  	s9 =	sadd.s32 $0xFFFFFEF7, lr;
	s5 =	simm.s32 $0xFFFFFFFF;
	p2 =	slt.u32 s8, $0xFFFFF086  }
0x1c: {  	p1 =	slt.u32 s9, $0xF7A;
	s5 =	simm.s32 @!p2 $0x0  }
0x1d: {  	s5 =	simm.s32 @p1 $0x1;
	p0 =	seq.s32 s7, s2  }
0x1e: {  	s7 =	smul.u32 @!p0 $0xF7A, s2;
	p2 =	seq.s32 @!p0 s5, $0x0  }
0x1f: {  	s9 =	smul.u32 $0xF7A, s1;
	s8 =	simm.s32 @!p0 $0x1BF5;
	p2 =	por !p2, p0  }
0x20: {  	[sflag:s8] =	ssyncset.s32 @!p0 $0xFFFFF086;
	s6 =	sadd.s32 @!p0 s3, s7;
	s7 =	simm.s32 @!p0 $0x108  }
0x21: {  	s3 =	sadd.s32 s3, s9;
	s6 =	sadd.s32 @!p0 $0x88, s6;
	s7 =	simm.s32 @p2 $0x1082  }
0x22: {  	[simem:s7], [sflag:s8] =	dma.local @!p0 [hbm:s6], $0xF7A  }
0x23: {  	s9 =	sor.u32 $0xD0000000, s2;
	s6 =	simm.s32 $0x108;
	_ =	swait.ge @!p0 [sflag:s8], $0x0  }
0x24: {  	s3 =	sadd.s32 $0x88, s3;
	s6 =	simm.s32 @!p1 $0x1082;
	[sflag:s4] =	ssyncset.s32 $0xFFFFF086  }
0x25: {  	[simem:s6], [sflag:s4] =	dma.local [hbm:s3], $0xF7A  }
0x26: {  	[smem:$0x3F9B] =	sst s1;
	(tag) =	ssettag s2;
	_ =	strace s9  }
0x27: {  	s1 =	sld [smem:$0x3FAB]  }
0x28: {  	s2 =	sld [smem:$0x3FAC]  }
0x29: {  	s4 =	sld [smem:$0x3FAE]  }
0x2a: {  	p0 =	seq.s32 s5, $0x0;
	s5 =	sld [smem:$0x3FAF]  }
0x2b: {  	s6 =	sld [smem:$0x3FB0]  }
0x2c: {  	s7 =	sld [smem:$0x3FB1]  }
0x2d: {  	s3 =	simm.s32 $0x108;
	s8 =	sld [smem:$0x3FB2]  }
0x2e: {  	s3 =	simm.s32 @!p0 $0x1082;
	s9 =	sld [smem:$0x3FB3]  }
0x2f: {  	lr =	sadd.s32 s0, s3;
	s0 =	sld [smem:$0x3FAA]  }
0x30: {  	s3 =	sld [smem:$0x3FAD]  }
0x31: {  	[smem:$0x3FB6] =	sst s10  }
0x32: {  	s10 =	sld [smem:$0x3FB4];
	_ =	sdelay $0x3  }
0x33: {  	p0 =	seq.s32 s10, $0x1;
	s10 =	sld [smem:$0x3FB6];
	_ =	sdelay $0x3  }
0x34: {  	[smem:$0x3FB6] =	sst s10  }
0x35: {  	s10 =	sld [smem:$0x3FB5];
	_ =	sdelay $0x3  }
0x36: {  	p1 =	seq.s32 s10, $0x1;
	s10 =	sld [smem:$0x3FB6];
	_ =	sdelay $0x3  }
0x37: {  	[smem:$0x3FB6] =	sst s10  }
0x38: {  	s10 =	sld [smem:$0x3FB7]  }
0x39: {  	_ = 	snop;
	(pc) =	sbr.ind lr, $3  }
0x3a: {  	_ = 	snop  }
0x3b: {  	_ = 	snop  }
0x3c: {  	p2 =	seq.s32 s10, $0x1;
	s10 =	sld [smem:$0x3FB6]  }
0x3d: {  	_ =	shalt  }
0x3e: {  	_ =	shalt  }
0x3f: {  	_ =	shalt  }
0x40: {  	_ =	shalt  }
0x41: {  	_ =	shalt  }
0x42: {  	_ =	shalt  }
0x43: {  	_ =	shalt  }
0x44: {  	_ =	shalt  }
0x45: {  	_ =	shalt  }
0x46: {  	_ =	shalt  }
0x47: {  	_ =	shalt  }
0x48: {  	_ =	shalt  }
0x49: {  	_ =	shalt  }
0x4a: {  	_ =	shalt  }
0x4b: {  	_ =	shalt  }
0x4c: {  	_ =	shalt  }
0x4d: {  	_ =	shalt  }
0x4e: {  	_ =	shalt  }
0x4f: {  	_ =	shalt  }
0x50: {  	_ =	shalt  }
0x51: {  	_ =	shalt  }
0x52: {  	_ =	shalt  }
0x53: {  	_ =	shalt  }
0x54: {  	_ =	shalt  }
0x55: {  	_ =	shalt  }
0x56: {  	_ =	shalt  }
0x57: {  	_ =	shalt  }
0x58: {  	_ =	shalt  }
0x59: {  	_ =	shalt  }
0x5a: {  	_ =	shalt  }
0x5b: {  	_ =	shalt  }
0x5c: {  	_ =	shalt  }
0x5d: {  	_ =	shalt  }
0x5e: {  	_ =	shalt  }
0x5f: {  	_ =	shalt  }
0x60: {  	_ =	shalt  }
0x61: {  	_ =	shalt  }
0x62: {  	_ =	shalt  }
0x63: {  	_ =	shalt  }
0x64: {  	_ =	shalt  }
0x65: {  	_ =	shalt  }
0x66: {  	_ =	shalt  }
0x67: {  	_ =	shalt  }
0x68: {  	_ =	shalt  }
0x69: {  	_ =	shalt  }
0x6a: {  	_ =	shalt  }
0x6b: {  	_ =	shalt  }
0x6c: {  	_ =	shalt  }
0x6d: {  	_ =	shalt  }
0x6e: {  	_ =	shalt  }
0x6f: {  	_ =	shalt  }
0x70: {  	_ =	shalt  }
0x71: {  	_ =	shalt  }
0x72: {  	_ =	shalt  }
0x73: {  	_ =	shalt  }
0x74: {  	_ =	shalt  }
0x75: {  	_ =	shalt  }
0x76: {  	_ =	shalt  }
0x77: {  	_ =	shalt  }
0x78: {  	_ =	shalt  }
0x79: {  	_ =	shalt  }
0x7a: {  	_ =	shalt  }
0x7b: {  	_ =	shalt  }
0x7c: {  	_ =	shalt  }
0x7d: {  	_ =	shalt  }
0x7e: {  	_ =	shalt  }
0x7f: {  	_ =	shalt  }
0x80: {  	_ =	shalt  }
0x81: {  	_ =	shalt  }
0x82: {  	_ =	shalt  }
0x83: {  	_ =	shalt  }
0x84: {  	_ =	shalt  }
0x85: {  	_ =	shalt  }
0x86: {  	_ =	shalt  }
0x87: {  	_ =	shalt  }
.Lfunc_end0:
.L_simem_size_0:
called_computation.1_lowered:
.L_overlay_start_0:
0x88: {  	s2 =	sld [smem:$0x3FD9]  }
0x89: {  	s3 =	sld [smem:$0x3FFE];
	_ =	sdelay $0x1  }
0x8a: {  	s1 =	srdreg.scid  }
0x8b: {  	s0 =	sand.u32 $0x1, s1  }
0x8c: {  	s17 =	sshll.u32 s0, $0xA;
	s2 =	sadd.s32 s3, s2  }
0x8d: {  	s2 =	sadd.s32 s2, s17  }
0x8e: {  	[smem:$0x3FC2] =	sst s2  }
0x8f: {  	_ = 	snop  }
0x90: {  	s2 =	sld [smem:$0x3FD0];
	(tm) =	ssettm $0x1  }
0x91: {  	s18 =	sld [smem:$0x3FFB];
	_ =	sdelay $0x3  }
0x92: {  	_ =	strace s18  }
0x93: {  	s3 =	sld [smem:$0x3FFC];
	_ =	sdelay $0x3  }
0x94: {  	_ =	strace s3  }
0x95: {  	s3 =	sld [smem:$0x3FFD];
	_ =	sdelay $0x3  }
0x96: {  	_ =	strace s3  }
0x97: {  	_ =	strace $0x8FFFFFFF  }
0x98: {  	s19 =	sld [smem:$0x3FDB];
	_ =	sdelay $0x1  }
0x99: {  	s4 =	simm.s32 $_scs_section_size  }
0x9a: {  	s5 =	simm.s32 $_size__tile_overlayer_lowered;
	s6 =	simm.s32 $_tile_overlayer_lowered  }
0x9b: {  	s22 =	simm.s32 $0x1BFF;
	s21 =	sshll.u32 s6, $0x1;
	s3 =	sadd.s32 s4, s19  }
0x9c: {  	s7 =	simm.s32 $0x0;
	s20 =	sshll.u32 s5, $0x1;
	s5 =	sadd.s32 s21, s3  }
0x9d: {  	[timem:s7], [sflag:s22] =	dma.local [hbm:s5], s20  }
0x9e: {  	_ =	swait.ge [sflag:s22], s20  }
0x9f: {  	s4 =	ssub.s32 $0x0, s20;
	[sflag:s22] =	ssyncset.done $0x0  }
0xa0: {  	[sflag:s22] =	ssyncadd.s32 s4;
	_ =	sdelay $0x1  }
0xa1: {  	s23 =	simm.s32 $0x1B8B  }
0xa2: {  	_ =	swait.ge [sflag:s23], $0x1  }
0xa3: {  	[sflag:s23] =	ssyncset.done $0x0  }
0xa4: {  	s25 =	simm.s32 $0x1B8E;
	s24 =	sld [smem:$0x3FFE];
	[sflag:s23] =	ssyncadd.s32 $0xFFFFFFFF  }
0xa5: {  	s26 =	simm.s32 $execute0_lowered;
	[smem:$0x3FD2] =	sst s25  }
0xa6: {  	s5 =	sshll.u32 s26, $0x1;
	_ =	strace $0x80000049;
	[dreg:$0x1] =	wrdreg $0xFFFFFFFF  }
0xa7: {  	s28 =	simm.s32 $_size_execute0_lowered;
	s3 =	sadd.s32 s3, s5;
	[dreg:$0x0] =	wrdreg $0x0  }
0xa8: {  	s5 =	sshll.u32 s28, $0x1;
	[dreg:$0x2] =	wrdreg s3  }
0xa9: {  	[dreg:$0x3] =	wrdreg s5  }
0xaa: {  	[dreg:$0x4] =	wrdreg $0xC0  }
0xab: {  	_ =	task [dreg:s7], $0x5FFFF  }
0xac: {  	[dreg:$0x1] =	wrdreg $0xFFFFFFFF  }
0xad: {  	[dreg:$0x0] =	wrdreg $0x60  }
0xae: {  	[dreg:$0x2] =	wrdreg s2  }
0xaf: {  	[dreg:$0x3] =	wrdreg s24  }
0xb0: {  	[dreg:$0x4] =	wrdreg $0x9F000  }
0xb1: {  	[dreg:$0x5] =	wrdreg $0x9  }
0xb2: {  	_ =	task.clear_ibuf [dreg:s7], $0x6FFFF;
	_ =	strace $0x90000049  }
0xb3: {  	s29 =	simm.s32 $0x9;
	_ =	strace $0x8000004B  }
0xb4: {  	_ =	swait.ge [sflag:s29], $0x1  }
0xb5: {  	[sflag:s29] =	ssyncadd.s32 $0xFFFFFFFF  }
0xb6: {  	_ =	strace $0x9000004B  }
0xb7: {  	_ =	sfence  }
0xb8: {  	s30 =	sld [smem:$0x0];
	_ =	sdelay $0x2  }
0xb9: {  	s31 =	sshll.u32 s1, $0xD;
	s1 =	sshrl.u32 s1, $0x2  }
0xba: {  	s3 =	sand.u32 $0x4000, s31;
	s1 =	sadd.s32 s1, s30  }
0xbb: {  	s0 =	sor.u32 s3, s0;
	s1 =	sshll.u32 s1, $0x11  }
0xbc: {  	s0 =	sor.u32 s1, s0  }
0xbd: {  	s0 =	sadd.s32 $0x8F2B, s0  }
0xbe: {  	[sflag:s0] =	ssyncadd.remote.s32 $0x1  }
0xbf: {  	_ =	sfence.sel $0xFFFF  }
0xc0: {  	[dreg:$0x0] =	wrdreg $0xFFFFFFFF;
	(pc) =	sbr.abs _section_cstart, $3  }
0xc1: {  	[dreg:$0x1] =	wrdreg $0xFFFFFFFF  }
0xc2: {  	_ =	task.clear_ibuf [dreg:s7], $0x2FFFF;
	_ =	strace $0x9FFFFFFF  }
0xc3: {  	(tm) =	ssettm $0x7FFFFFFF  }
tec
execute0_lowered:
.L_overlay_start_1:
0x0: {  	(tag) =	ssettag $0x1  }
0x1: {  	s1 =	rddreg [dreg:$0x0]  }
0x2: {  	s0 =	rddreg [dreg:$0x1]  }
0x3: {  	s2 =	rddreg [dreg:$0x2];
	s3 =	srdreg.scid  }
0x4: {  	s4 =	simm.s32 $0x0;
	s9 =	stileid.u32;
	s28 =	simm.s32 $0x1  }
0x5: {  	s29 =	simm.s32 $0x50;
	s30 =	simm.s32 $0x4F00;
	s31 =	simm.s32 $0x7700  }
0x6: {  	s3 =	sand.u32 $0x1, s3;
	[smem:$0x7FF] =	sst s4;
	s6 =	sadd.s32 $0x2E00, s0  }
0x7: {  	s7 =	smul.u32 $0x280, s9;
	s0 =	sadd.s32 $0x3DC00, s0;
	s5 =	sshll.u32 s3, $0x4  }
0x8: {  	_ =	strace $0x8000004A;
	s8 =	ssub.s32 $0x2, s3;
	s3 =	smul.u32 $0x138800, s3  }
0x9: {  	s5 =	sor.u32 s9, s5;
	s9 =	sshll.u32 s9, $0x7;
	s10 =	sshrl.u32 s8, $0x1  }
0xa: {  	s7 =	smin.u32 s7, $0x2490;
	s5 =	sshrl.u32 s5, $0x3;
	s9 =	sand.u32 $0x380, s9  }
0xb: {  	s8 =	ssub.s32 s8, s10;
	s10 =	sshll.u32 s7, $0x7;
	s5 =	smul.u32 $0x13C00, s5  }
0xc: {  	s14 =	sadd.s32 s3, s10;
	s15 =	sadd.s32 $0x2800, s10;
	s7 =	sadd.s32 s10, s2  }
0xd: {  	s11 =	sadd.s32 $0x5000, s10;
	s19 =	sadd.s32 $0x7800, s10;
	s12 =	sadd.s32 $0xA000, s10  }
0xe: {  	s23 =	sadd.s32 $0xC800, s10;
	s25 =	sadd.s32 $0xF000, s10;
	s10 =	sadd.s32 $0x11800, s10  }
0xf: {  	s16 =	sadd.s32 s3, s15;
	s18 =	sadd.s32 s3, s11;
	s11 =	sadd.s32 s11, s2  }
0x10: {  	s20 =	sadd.s32 s3, s19;
	s13 =	sadd.s32 s19, s2;
	s21 =	sadd.s32 s3, s12  }
0x11: {  	s24 =	sadd.s32 s3, s23;
	s26 =	sadd.s32 s3, s25;
	s19 =	sadd.s32 s25, s2  }
0x12: {  	s3 =	sadd.s32 s3, s10;
	s25 =	simm.s32 $0x400;
	s5 =	sor.u32 s9, s5  }
0x13: {  	s17 =	sshrl.u32 s16, $0x3;
	s9 =	sshrl.u32 s5, $0x3;
	s5 =	sadd.s32 $0x4F000, s5  }
0x14: {  	s22 =	sshrl.u32 s21, $0x3;
	s21 =	sadd.s32 s10, s2;
	s5 =	sshrl.u32 s5, $0x3  }
0x15: {  	s3 =	sshrl.u32 s3, $0x3;
	s16 =	sadd.s32 s0, s22;
	s5 =	sadd.s32 s6, s5  }
0x16: {  	s9 =	sadd.s32 s6, s9;
	[dreg:$0x5] =	wrdreg s5;
	s5 =	sshrl.u32 s14, $0x3  }
0x17: {  	s22 =	sadd.s32 s0, s3;
	[dreg:$0x4] =	wrdreg s9;
	s5 =	sadd.s32 s0, s5  }
0x18: {  	s3 =	simm.s32 $0x2;
	[dreg:$0x6] =	wrdreg s5;
	s5 =	sadd.s32 s0, s17  }
0x19: {  	s9 =	sadd.s32 s15, s2;
	[dreg:$0x7] =	wrdreg s5;
	s5 =	sshrl.u32 s18, $0x3  }
0x1a: {  	s15 =	sadd.s32 s12, s2;
	s6 =	simm.s32 $0x4;
	s5 =	sadd.s32 s0, s5  }
0x1b: {  	s17 =	sadd.s32 s23, s2;
	[dreg:$0x8] =	wrdreg s5;
	s5 =	sshrl.u32 s20, $0x3  }
0x1c: {  	s23 =	smax.u32 s8, $0x1;
	s8 =	simm.s32 $0x0;
	s5 =	sadd.s32 s0, s5  }
0x1d: {  	[dreg:$0x9] =	wrdreg s5;
	s5 =	sshrl.u32 s24, $0x3;
	s24 =	simm.s32 $0x80  }
0x1e: {  	s18 =	sadd.s32 s0, s5;
	s5 =	sshrl.u32 s26, $0x3;
	s26 =	simm.s32 $0x2780  }
0x1f: {  	v0 =	vimm.f32 $0.0e+00;
	s20 =	sadd.s32 s0, s5;
	s0 =	simm.s32 $0x5;
	s5 =	simm.s32 $0x3  }
.LBB2_1:
0x20: {  	s10 =	rddreg [dreg:$0x4]  }
0x21: {  	[tilespmem:s4], [sflag:$0x1] =	stream.strided.gather [hbm4b:s10+s24], $0x2780, s25, s24, $0x38;
	[tilespmem:$0x1D780] =	vst v63  }
0x22: {  	s14 =	rddreg [dreg:$0x5];
	s12 =	simm.s32 $0x200;
	s10 =	simm.s32 $0x0  }
0x23: {  	[tilespmem:s26], [sflag:$0x2] =	stream.strided.gather [hbm4b:s14+s24], $0x2780, s25, s24, $0x38;
	[tilespmem:$0x1D780] =	vst v63  }
.LBB2_2:
0x24: {  	p0 =	sne.s32 s12, $0x9E00;
	[tilespmem:s10+$0x7770] =	vst v0  }
0x25: {  	[tilespmem:s10+$0x7700] =	vst v0  }
0x26: {  	[tilespmem:s10+$0x7710] =	vst v0  }
.Ltmp0:
0x27: {  	[tilespmem:s10+$0x7720] =	vst v0;
	(pc) =	sbr.rel @p0 .LBB2_2-.Ltmp0, $4  }
0x28: {  	[tilespmem:s10+$0x7730] =	vst v0  }
0x29: {  	[tilespmem:s10+$0x7740] =	vst v0  }
0x2a: {  	[tilespmem:s10+$0x7750] =	vst v0  }
0x2b: {  	[tilespmem:s10+$0x7760] =	vst v0;
	s10 =	sshra.s32 s12, $0x2;
	s12 =	sadd.s32 $0x200, s12  }
0x2c: {  	[tilespmem:s10+$0x7770] =	vst v0  }
0x2d: {  	[tilespmem:s10+$0x7700] =	vst v0  }
0x2e: {  	[tilespmem:s10+$0x7710] =	vst v0  }
0x2f: {  	[tilespmem:s10+$0x7720] =	vst v0  }
0x30: {  	[tilespmem:s10+$0x7730] =	vst v0  }
0x31: {  	[tilespmem:s10+$0x7740] =	vst v0  }
0x32: {  	[tilespmem:s10+$0x7750] =	vst v0  }
0x33: {  	[tilespmem:s10+$0x7760] =	vst v0  }
0x34: {  	_ =	swait.ge [sflag:s28], $0x2780  }
0x35: {  	[sflag:s28] =	ssyncset.done $0x0  }
0x36: {  	[sflag:s28] =	ssyncadd.s32 $0xFFFFD880  }
0x37: {  	[tilespmem:s30], [sflag:$0x1] =	stream.indirect.gather [hbm4b:s1+s29], $0x80, s4, s29, $0xb8;
	[tilespmem:$0x1D780] =	vst v63  }
0x38: {  	_ = 	snop  }
0x39: {  	[spmem:s7] =	stream.linear.scatter [tilespmem:s31], [sflag:$0x5], $0x2800, $0x38;
	[tilespmem:$0x1D780] =	vst v63  }
0x3a: {  	_ =	swait.ge [sflag:s0], $0x2800  }
0x3b: {  	[sflag:s0] =	ssyncset.done $0x0  }
0x3c: {  	[sflag:s0] =	ssyncadd.s32 $0xFFFFD800  }
0x3d: {  	[spmem:s9] =	stream.linear.scatter [tilespmem:s31], [sflag:$0x5], $0x2800, $0x38;
	[tilespmem:$0x1D780] =	vst v63  }
0x3e: {  	_ =	swait.ge [sflag:s0], $0x2800  }
0x3f: {  	[sflag:s0] =	ssyncset.done $0x0  }
0x40: {  	[sflag:s0] =	ssyncadd.s32 $0xFFFFD800  }
0x41: {  	[spmem:s11] =	stream.linear.scatter [tilespmem:s31], [sflag:$0x5], $0x2800, $0x38;
	[tilespmem:$0x1D780] =	vst v63  }
0x42: {  	_ =	swait.ge [sflag:s0], $0x2800  }
0x43: {  	[sflag:s0] =	ssyncset.done $0x0  }
0x44: {  	[sflag:s0] =	ssyncadd.s32 $0xFFFFD800  }
0x45: {  	[spmem:s13] =	stream.linear.scatter [tilespmem:s31], [sflag:$0x5], $0x2800, $0x38;
	[tilespmem:$0x1D780] =	vst v63  }
0x46: {  	_ =	swait.ge [sflag:s0], $0x2800  }
0x47: {  	[sflag:s0] =	ssyncset.done $0x0  }
0x48: {  	[sflag:s0] =	ssyncadd.s32 $0xFFFFD800  }
0x49: {  	[spmem:s15] =	stream.linear.scatter [tilespmem:s31], [sflag:$0x5], $0x2800, $0x38;
	[tilespmem:$0x1D780] =	vst v63  }
0x4a: {  	_ =	swait.ge [sflag:s0], $0x2800  }
0x4b: {  	[sflag:s0] =	ssyncset.done $0x0  }
0x4c: {  	[sflag:s0] =	ssyncadd.s32 $0xFFFFD800  }
0x4d: {  	[spmem:s17] =	stream.linear.scatter [tilespmem:s31], [sflag:$0x5], $0x2800, $0x38;
	[tilespmem:$0x1D780] =	vst v63  }
0x4e: {  	_ =	swait.ge [sflag:s0], $0x2800  }
0x4f: {  	[sflag:s0] =	ssyncset.done $0x0  }
0x50: {  	[sflag:s0] =	ssyncadd.s32 $0xFFFFD800  }
0x51: {  	[spmem:s19] =	stream.linear.scatter [tilespmem:s31], [sflag:$0x5], $0x2800, $0x38;
	[tilespmem:$0x1D780] =	vst v63  }
0x52: {  	_ =	swait.ge [sflag:s0], $0x2800  }
0x53: {  	[sflag:s0] =	ssyncset.done $0x0  }
0x54: {  	[sflag:s0] =	ssyncadd.s32 $0xFFFFD800  }
0x55: {  	[spmem:s21] =	stream.linear.scatter [tilespmem:s31], [sflag:$0x5], $0x2800, $0x38;
	[tilespmem:$0x1D780] =	vst v63  }
0x56: {  	_ =	swait.ge [sflag:s0], $0x2800  }
0x57: {  	[sflag:s0] =	ssyncset.done $0x0  }
0x58: {  	[sflag:s0] =	ssyncadd.s32 $0xFFFFD800  }
0x59: {  	_ =	swait.ge [sflag:s3], $0x2780  }
0x5a: {  	[sflag:s3] =	ssyncset.done $0x0  }
0x5b: {  	[sflag:s3] =	ssyncadd.s32 $0xFFFFD880  }
0x5c: {  	[bflag:$0x0] =	sbarrier.arrive $0xFFFF  }
0x5d: {  	_ =	swait.ge [sflag:s28], $0x2800  }
0x5e: {  	[sflag:s28] =	ssyncset.done $0x0  }
0x5f: {  	[sflag:s28] =	ssyncadd.s32 $0xFFFFD800  }
0x60: {  	[spmem:s2] =	stream.indirect.scatter.add.f32 [tilespmem:s30], [sflag:$0x3], $0x80, s26, s29, $0xb8;
	[tilespmem:$0x1D780] =	vst v63  }
0x61: {  	_ = 	snop  }
0x62: {  	[tilespmem:s31], [sflag:$0x2] =	stream.indirect.gather [hbm4b:s1+s29], $0x80, s29, s29, $0xb8;
	[tilespmem:$0x1D780] =	vst v63  }
0x63: {  	_ =	swait.ge [sflag:s3], $0x2800  }
0x64: {  	[sflag:s3] =	ssyncset.done $0x0  }
0x65: {  	s14 =	simm.s32 $0x27D0;
	[sflag:s3] =	ssyncadd.s32 $0xFFFFD800  }
0x66: {  	[spmem:s2] =	stream.indirect.scatter.add.f32 [tilespmem:s31], [sflag:$0x4], $0x80, s14, s29, $0xb8;
	[tilespmem:$0x1D780] =	vst v63  }
0x67: {  	_ =	swait.ge [sflag:s5], $0x2800  }
0x68: {  	[sflag:s5] =	ssyncset.done $0x0  }
0x69: {  	s12 =	simm.s32 $0xA0;
	[sflag:s5] =	ssyncadd.s32 $0xFFFFD800  }
0x6a: {  	[tilespmem:s30], [sflag:$0x1] =	stream.indirect.gather [hbm4b:s1+s29], $0x80, s12, s29, $0xb8;
	[tilespmem:$0x1D780] =	vst v63  }
0x6b: {  	_ =	swait.ge [sflag:s28], $0x2800  }
0x6c: {  	[sflag:s28] =	ssyncset.done $0x0  }
0x6d: {  	s14 =	simm.s32 $0x2820;
	[sflag:s28] =	ssyncadd.s32 $0xFFFFD800  }
0x6e: {  	[spmem:s2] =	stream.indirect.scatter.add.f32 [tilespmem:s30], [sflag:$0x3], $0x80, s14, s29, $0xb8;
	[tilespmem:$0x1D780] =	vst v63  }
0x6f: {  	_ =	swait.ge [sflag:s6], $0x2800  }
0x70: {  	[sflag:s6] =	ssyncset.done $0x0  }
0x71: {  	s12 =	simm.s32 $0xF0;
	[sflag:s6] =	ssyncadd.s32 $0xFFFFD800  }
0x72: {  	[tilespmem:s31], [sflag:$0x2] =	stream.indirect.gather [hbm4b:s1+s29], $0x80, s12, s29, $0xb8;
	[tilespmem:$0x1D780] =	vst v63  }
0x73: {  	_ =	swait.ge [sflag:s3], $0x2800  }
0x74: {  	[sflag:s3] =	ssyncset.done $0x0  }
0x75: {  	s14 =	simm.s32 $0x2870;
	[sflag:s3] =	ssyncadd.s32 $0xFFFFD800  }
0x76: {  	[spmem:s2] =	stream.indirect.scatter.add.f32 [tilespmem:s31], [sflag:$0x4], $0x80, s14, s29, $0xb8;
	[tilespmem:$0x1D780] =	vst v63  }
0x77: {  	_ =	swait.ge [sflag:s5], $0x2800  }
0x78: {  	[sflag:s5] =	ssyncset.done $0x0  }
0x79: {  	s12 =	simm.s32 $0x140;
	[sflag:s5] =	ssyncadd.s32 $0xFFFFD800  }
0x7a: {  	[tilespmem:s30], [sflag:$0x1] =	stream.indirect.gather [hbm4b:s1+s29], $0x80, s12, s29, $0xb8;
	[tilespmem:$0x1D780] =	vst v63  }
0x7b: {  	_ =	swait.ge [sflag:s28], $0x2800  }
0x7c: {  	[sflag:s28] =	ssyncset.done $0x0  }
0x7d: {  	s14 =	simm.s32 $0x28C0;
	[sflag:s28] =	ssyncadd.s32 $0xFFFFD800  }
0x7e: {  	[spmem:s2] =	stream.indirect.scatter.add.f32 [tilespmem:s30], [sflag:$0x3], $0x80, s14, s29, $0xb8;
	[tilespmem:$0x1D780] =	vst v63  }
0x7f: {  	_ =	swait.ge [sflag:s6], $0x2800  }
0x80: {  	[sflag:s6] =	ssyncset.done $0x0  }
0x81: {  	s10 =	simm.s32 $0xFFFF6C80;
	s12 =	simm.s32 $0x190;
	[sflag:s6] =	ssyncadd.s32 $0xFFFFD800  }
.LBB2_4:
0x82: {  	[tilespmem:s31], [sflag:$0x2] =	stream.indirect.gather [hbm4b:s1+s29], $0x80, s12, s29, $0xb8;
	[tilespmem:$0x1D780] =	vst v63  }
0x83: {  	s12 =	smov.u32 s10  }
0x84: {  	p0 =	sne.s32 s10, $0xFFFFFD80;
	s10 =	sadd.s32 $0x280, s10;
	_ =	swait.ge [sflag:s3], $0x2800  }
0x85: {  	s12 =	sshra.s32 s12, $0x2;
	[sflag:s3] =	ssyncset.done $0x0  }
0x86: {  	s14 =	sadd.s32 $0x4DF0, s12;
	[sflag:s3] =	ssyncadd.s32 $0xFFFFD800  }
0x87: {  	[spmem:s2] =	stream.indirect.scatter.add.f32 [tilespmem:s31], [sflag:$0x4], $0x80, s14, s29, $0xb8;
	[tilespmem:$0x1D780] =	vst v63  }
0x88: {  	_ =	swait.ge [sflag:s5], $0x2800  }
0x89: {  	[sflag:s5] =	ssyncset.done $0x0  }
0x8a: {  	s14 =	sadd.s32 $0x26C0, s12;
	[sflag:s5] =	ssyncadd.s32 $0xFFFFD800  }
0x8b: {  	[tilespmem:s30], [sflag:$0x1] =	stream.indirect.gather [hbm4b:s1+s29], $0x80, s14, s29, $0xb8;
	[tilespmem:$0x1D780] =	vst v63  }
0x8c: {  	_ =	swait.ge [sflag:s28], $0x2800  }
0x8d: {  	[sflag:s28] =	ssyncset.done $0x0  }
.Ltmp1:
0x8e: {  	s14 =	sadd.s32 $0x4E40, s12;
	[sflag:s28] =	ssyncadd.s32 $0xFFFFD800;
	(pc) =	sbr.rel @p0 .LBB2_4-.Ltmp1, $4  }
0x8f: {  	[spmem:s2] =	stream.indirect.scatter.add.f32 [tilespmem:s30], [sflag:$0x3], $0x80, s14, s29, $0xb8;
	[tilespmem:$0x1D780] =	vst v63  }
0x90: {  	_ =	swait.ge [sflag:s6], $0x2800  }
0x91: {  	[sflag:s6] =	ssyncset.done $0x0  }
0x92: {  	s12 =	sadd.s32 $0x2710, s12;
	[sflag:s6] =	ssyncadd.s32 $0xFFFFD800  }
0x93: {  	[tilespmem:s31], [sflag:$0x2] =	stream.indirect.gather [hbm4b:s1+s29], $0x80, s12, s29, $0xb8;
	[tilespmem:$0x1D780] =	vst v63  }
0x94: {  	_ =	swait.ge [sflag:s3], $0x2800  }
0x95: {  	[sflag:s3] =	ssyncset.done $0x0  }
0x96: {  	s10 =	simm.s32 $0x4DF0;
	[sflag:s3] =	ssyncadd.s32 $0xFFFFD800  }
0x97: {  	[spmem:s2] =	stream.indirect.scatter.add.f32 [tilespmem:s31], [sflag:$0x4], $0x80, s10, s29, $0xb8;
	[tilespmem:$0x1D780] =	vst v63  }
0x98: {  	_ =	swait.ge [sflag:s5], $0x2800  }
0x99: {  	[sflag:s5] =	ssyncset.done $0x0  }
0x9a: {  	s12 =	simm.s32 $0x26C0;
	[sflag:s5] =	ssyncadd.s32 $0xFFFFD800  }
0x9b: {  	[tilespmem:s30], [sflag:$0x1] =	stream.indirect.gather [hbm4b:s1+s29], $0x80, s12, s29, $0xb8;
	[tilespmem:$0x1D780] =	vst v63  }
0x9c: {  	_ =	swait.ge [sflag:s28], $0x2800  }
0x9d: {  	[sflag:s28] =	ssyncset.done $0x0  }
0x9e: {  	s14 =	simm.s32 $0x4E40;
	[sflag:s28] =	ssyncadd.s32 $0xFFFFD800  }
0x9f: {  	[spmem:s2] =	stream.indirect.scatter.add.f32 [tilespmem:s30], [sflag:$0x3], $0x80, s14, s29, $0xb8;
	[tilespmem:$0x1D780] =	vst v63  }
0xa0: {  	_ =	swait.ge [sflag:s6], $0x2800  }
0xa1: {  	[sflag:s6] =	ssyncset.done $0x0  }
0xa2: {  	[sflag:s6] =	ssyncadd.s32 $0xFFFFD800  }
0xa3: {  	_ =	swait.ge [sflag:s5], $0x2800  }
0xa4: {  	[sflag:s5] =	ssyncset.done $0x0  }
0xa5: {  	[sflag:s5] =	ssyncadd.s32 $0xFFFFD800  }
0xa6: {  	[bflag:$0x0] =	sbarrier.arrive $0xFFFF  }
0xa7: {  	[tilespmem:s30], [sflag:$0x1] =	stream.linear.gather [spmem:s7], $0x2800, $0x38;
	[tilespmem:$0x1D780] =	vst v63  }
0xa8: {  	_ =	swait.ge [sflag:s28], $0x2800  }
0xa9: {  	[sflag:s28] =	ssyncset.done $0x0  }
0xaa: {  	s12 =	rddreg [dreg:$0x6];
	[sflag:s28] =	ssyncadd.s32 $0xFFFFD800  }
0xab: {  	[hbm4b:s12+s4] =	stream.linear.scatter [tilespmem:s30], [sflag:$0x3], $0x2800, $0x38;
	[tilespmem:$0x1D780] =	vst v63  }
0xac: {  	_ = 	snop  }
0xad: {  	[tilespmem:s31], [sflag:$0x2] =	stream.linear.gather [spmem:s9], $0x2800, $0x38;
	[tilespmem:$0x1D780] =	vst v63  }
0xae: {  	_ =	swait.ge [sflag:s3], $0x2800  }
0xaf: {  	[sflag:s3] =	ssyncset.done $0x0  }
0xb0: {  	s14 =	rddreg [dreg:$0x7];
	[sflag:s3] =	ssyncadd.s32 $0xFFFFD800  }
0xb1: {  	[hbm4b:s14+s4] =	stream.linear.scatter [tilespmem:s31], [sflag:$0x4], $0x2800, $0x38;
	[tilespmem:$0x1D780] =	vst v63  }
0xb2: {  	_ =	swait.ge [sflag:s5], $0x2800  }
0xb3: {  	[sflag:s5] =	ssyncset.done $0x0  }
0xb4: {  	[sflag:s5] =	ssyncadd.s32 $0xFFFFD800  }
0xb5: {  	[tilespmem:s30], [sflag:$0x1] =	stream.linear.gather [spmem:s11], $0x2800, $0x38;
	[tilespmem:$0x1D780] =	vst v63  }
0xb6: {  	_ =	swait.ge [sflag:s28], $0x2800  }
0xb7: {  	[sflag:s28] =	ssyncset.done $0x0  }
0xb8: {  	s12 =	rddreg [dreg:$0x8];
	[sflag:s28] =	ssyncadd.s32 $0xFFFFD800  }
0xb9: {  	[hbm4b:s12+s4] =	stream.linear.scatter [tilespmem:s30], [sflag:$0x3], $0x2800, $0x38;
	[tilespmem:$0x1D780] =	vst v63  }
0xba: {  	_ =	swait.ge [sflag:s6], $0x2800  }
0xbb: {  	[sflag:s6] =	ssyncset.done $0x0  }
0xbc: {  	[sflag:s6] =	ssyncadd.s32 $0xFFFFD800  }
0xbd: {  	[tilespmem:s31], [sflag:$0x2] =	stream.linear.gather [spmem:s13], $0x2800, $0x38;
	[tilespmem:$0x1D780] =	vst v63  }
0xbe: {  	_ =	swait.ge [sflag:s3], $0x2800  }
0xbf: {  	[sflag:s3] =	ssyncset.done $0x0  }
0xc0: {  	s14 =	rddreg [dreg:$0x9];
	[sflag:s3] =	ssyncadd.s32 $0xFFFFD800  }
0xc1: {  	[hbm4b:s14+s4] =	stream.linear.scatter [tilespmem:s31], [sflag:$0x4], $0x2800, $0x38;
	[tilespmem:$0x1D780] =	vst v63  }
0xc2: {  	_ =	swait.ge [sflag:s5], $0x2800  }
0xc3: {  	[sflag:s5] =	ssyncset.done $0x0  }
0xc4: {  	[sflag:s5] =	ssyncadd.s32 $0xFFFFD800  }
0xc5: {  	[tilespmem:s30], [sflag:$0x1] =	stream.linear.gather [spmem:s15], $0x2800, $0x38;
	[tilespmem:$0x1D780] =	vst v63  }
0xc6: {  	_ =	swait.ge [sflag:s28], $0x2800  }
0xc7: {  	[sflag:s28] =	ssyncset.done $0x0  }
0xc8: {  	[sflag:s28] =	ssyncadd.s32 $0xFFFFD800  }
0xc9: {  	[hbm4b:s16+s4] =	stream.linear.scatter [tilespmem:s30], [sflag:$0x3], $0x2800, $0x38;
	[tilespmem:$0x1D780] =	vst v63  }
0xca: {  	_ =	swait.ge [sflag:s6], $0x2800  }
0xcb: {  	[sflag:s6] =	ssyncset.done $0x0  }
0xcc: {  	[sflag:s6] =	ssyncadd.s32 $0xFFFFD800  }
0xcd: {  	[tilespmem:s31], [sflag:$0x2] =	stream.linear.gather [spmem:s17], $0x2800, $0x38;
	[tilespmem:$0x1D780] =	vst v63  }
0xce: {  	_ =	swait.ge [sflag:s3], $0x2800  }
0xcf: {  	[sflag:s3] =	ssyncset.done $0x0  }
0xd0: {  	[sflag:s3] =	ssyncadd.s32 $0xFFFFD800  }
0xd1: {  	[hbm4b:s18+s4] =	stream.linear.scatter [tilespmem:s31], [sflag:$0x4], $0x2800, $0x38;
	[tilespmem:$0x1D780] =	vst v63  }
0xd2: {  	_ =	swait.ge [sflag:s5], $0x2800  }
0xd3: {  	[sflag:s5] =	ssyncset.done $0x0  }
0xd4: {  	[sflag:s5] =	ssyncadd.s32 $0xFFFFD800  }
0xd5: {  	[tilespmem:s30], [sflag:$0x1] =	stream.linear.gather [spmem:s19], $0x2800, $0x38;
	[tilespmem:$0x1D780] =	vst v63  }
0xd6: {  	_ =	swait.ge [sflag:s28], $0x2800  }
0xd7: {  	[sflag:s28] =	ssyncset.done $0x0  }
0xd8: {  	[sflag:s28] =	ssyncadd.s32 $0xFFFFD800  }
0xd9: {  	[hbm4b:s20+s4] =	stream.linear.scatter [tilespmem:s30], [sflag:$0x3], $0x2800, $0x38;
	[tilespmem:$0x1D780] =	vst v63  }
0xda: {  	_ =	swait.ge [sflag:s6], $0x2800  }
0xdb: {  	[sflag:s6] =	ssyncset.done $0x0  }
0xdc: {  	[sflag:s6] =	ssyncadd.s32 $0xFFFFD800  }
0xdd: {  	[tilespmem:s31], [sflag:$0x2] =	stream.linear.gather [spmem:s21], $0x2800, $0x38;
	[tilespmem:$0x1D780] =	vst v63  }
0xde: {  	_ =	swait.ge [sflag:s3], $0x2800  }
0xdf: {  	[sflag:s3] =	ssyncset.done $0x0  }
0xe0: {  	s8 =	sadd.s32 $0x1, s8;
	[sflag:s3] =	ssyncadd.s32 $0xFFFFD800  }
0xe1: {  	[hbm4b:s22+s4] =	stream.linear.scatter [tilespmem:s31], [sflag:$0x4], $0x2800, $0x38;
	[tilespmem:$0x1D780] =	vst v63  }
0xe2: {  	p0 =	sne.s32 s8, s23;
	_ =	swait.ge [sflag:s5], $0x2800  }
.Ltmp2:
0xe3: {  	[sflag:s5] =	ssyncset.done $0x0;
	(pc) =	sbr.rel @p0 .LBB2_1-.Ltmp2, $4  }
0xe4: {  	[sflag:s5] =	ssyncadd.s32 $0xFFFFD800  }
0xe5: {  	_ =	swait.ge [sflag:s6], $0x2800  }
0xe6: {  	[sflag:s6] =	ssyncset.done $0x0  }
0xe7: {  	[sflag:s6] =	ssyncadd.s32 $0xFFFFD800  }
0xe8: {  	_ =	sfence.sel $0x180000  }
0xe9: {  	[bflag:$0x0] =	sbarrier.arrive $0xFFFF  }
0xea: {  	_ =	strace $0x9000004A  }
0xeb: {  	s0 =	stileid.u32;
	[bflag:$0x2] =	sbarrier.arrive $0xFFFF  }
0xec: {  	p0 =	sne.s32 s0, $0x0;
	s0 =	rddreg [dreg:$0x3]  }
0xed: {  	s0 =	sadd.s32 @!p0 $0x100000, s0  }
0xee: {  	[sflag:s0] =	ssyncadd.tile.s32 @!p0 $0x1;
	_ =	shalt  }
.Lfunc_end2:
_tile_overlayer_lowered:
.L_overlay_start_2:
0xef: {  	(tag) =	ssettag $0x2  }
0xf0: {  	s0 =	rddreg [dreg:$0x0];
	s2 =	stileid.u32  }
0xf1: {  	s1 =	rddreg [dreg:$0x1];
	p0 =	sne.s32 s2, $0x0  }
0xf2: {  	s3 =	rddreg [dreg:$0x2];
	[bflag:$0x3] =	sbarrier.arrive $0xFFFF;
	s2 =	simm.s32 @!p0 $0x1C05  }
0xf3: {  	[timem:s3], [sflag:s2] =	dma.local @!p0 [hbm:s0], s1  }
0xf4: {  	s0 =	simm.s32 @!p0 $0x5  }
0xf5: {  	_ =	swait.ge @!p0 [sflag:s0], s1  }
0xf6: {  	s1 =	ssub.s32 @!p0 $0x0, s1;
	[sflag:s0] =	ssyncset.done @!p0 $0x0  }
0xf7: {  	[sflag:s0] =	ssyncadd.s32 @!p0 s1  }
0xf8: {  	[bflag:$0x3] =	sbarrier.arrive $0xFFFF  }
0xf9: {  	_ =	shalt  }

// kernel: kernel.14.cloned.1.call-start
scs
__scs_entry_jumppad:
0x0: {  	(pc) =	sbr.rel $0x88, $3  }
0x1: {  	(tag) =	ssettag $0x0;
	lr =	simm.s32 $0x1  }
0x2: {  	[smem:$0x3F9B] =	sst lr;
	_ =	strace $0xD0000000  }
0x3: {  	_ = 	snop  }
0x4: {  	_ = 	snop  }
0x5: {  	_ = 	snop  }
0x6: {  	_ = 	snop  }
0x7: {  	_ = 	snop  }
__scs_overlays_trampoline_lowered:
0x8: {  	[smem:$0x3FAA] =	sst s0  }
0x9: {  	[smem:$0x3FAB] =	sst s1  }
0xa: {  	[smem:$0x3FAC] =	sst s2  }
0xb: {  	[smem:$0x3FAD] =	sst s3  }
0xc: {  	[smem:$0x3FAE] =	sst s4  }
0xd: {  	[smem:$0x3FAF] =	sst s5  }
0xe: {  	[smem:$0x3FB0] =	sst s6  }
0xf: {  	[smem:$0x3FB1] =	sst s7  }
0x10: {  	[smem:$0x3FB2] =	sst s8  }
0x11: {  	[smem:$0x3FB3] =	sst s9;
	s0 =	simm.s32 @!p0 $0x0  }
0x12: {  	s1 =	sld [smem:$0x3F99];
	s0 =	simm.s32 @p0 $0x1  }
0x13: {  	[smem:$0x3FB4] =	sst s0;
	s0 =	simm.s32 @!p1 $0x0  }
0x14: {  	s2 =	sld [smem:$0x3F98];
	s0 =	simm.s32 @p1 $0x1  }
0x15: {  	[smem:$0x3FB5] =	sst s0;
	s0 =	simm.s32 @!p2 $0x0  }
0x16: {  	s3 =	sld [smem:$0x3FDB];
	s0 =	simm.s32 @p2 $0x1  }
0x17: {  	s4 =	simm.s32 $0x1BF5;
	[smem:$0x3FB7] =	sst s0  }
0x18: {  	s0 =	sld [smem:$0x3F9A];
	_ =	swait.ge [sflag:s4], $0x0  }
0x19: {  	s7 =	sld [smem:$0x3F9B]  }
0x1a: {  	s8 =	sadd.s32 $0xFFFFE003, lr  }
0x1b: {  	s9 =	sadd.s32 $0xFFFFFEF7, lr;
	s5 =	simm.s32 $0xFFFFFFFF;
	p2 =	slt.u32 s8, $0xFFFFF086  }
0x1c: {  	p1 =	slt.u32 s9, $0xF7A;
	s5 =	simm.s32 @!p2 $0x0  }
0x1d: {  	s5 =	simm.s32 @p1 $0x1;
	p0 =	seq.s32 s7, s2  }
0x1e: {  	s7 =	smul.u32 @!p0 $0xF7A, s2;
	p2 =	seq.s32 @!p0 s5, $0x0  }
0x1f: {  	s9 =	smul.u32 $0xF7A, s1;
	s8 =	simm.s32 @!p0 $0x1BF5;
	p2 =	por !p2, p0  }
0x20: {  	[sflag:s8] =	ssyncset.s32 @!p0 $0xFFFFF086;
	s6 =	sadd.s32 @!p0 s3, s7;
	s7 =	simm.s32 @!p0 $0x108  }
0x21: {  	s3 =	sadd.s32 s3, s9;
	s6 =	sadd.s32 @!p0 $0x88, s6;
	s7 =	simm.s32 @p2 $0x1082  }
0x22: {  	[simem:s7], [sflag:s8] =	dma.local @!p0 [hbm:s6], $0xF7A  }
0x23: {  	s9 =	sor.u32 $0xD0000000, s2;
	s6 =	simm.s32 $0x108;
	_ =	swait.ge @!p0 [sflag:s8], $0x0  }
0x24: {  	s3 =	sadd.s32 $0x88, s3;
	s6 =	simm.s32 @!p1 $0x1082;
	[sflag:s4] =	ssyncset.s32 $0xFFFFF086  }
0x25: {  	[simem:s6], [sflag:s4] =	dma.local [hbm:s3], $0xF7A  }
0x26: {  	[smem:$0x3F9B] =	sst s1;
	(tag) =	ssettag s2;
	_ =	strace s9  }
0x27: {  	s1 =	sld [smem:$0x3FAB]  }
0x28: {  	s2 =	sld [smem:$0x3FAC]  }
0x29: {  	s4 =	sld [smem:$0x3FAE]  }
0x2a: {  	p0 =	seq.s32 s5, $0x0;
	s5 =	sld [smem:$0x3FAF]  }
0x2b: {  	s6 =	sld [smem:$0x3FB0]  }
0x2c: {  	s7 =	sld [smem:$0x3FB1]  }
0x2d: {  	s3 =	simm.s32 $0x108;
	s8 =	sld [smem:$0x3FB2]  }
0x2e: {  	s3 =	simm.s32 @!p0 $0x1082;
	s9 =	sld [smem:$0x3FB3]  }
0x2f: {  	lr =	sadd.s32 s0, s3;
	s0 =	sld [smem:$0x3FAA]  }
0x30: {  	s3 =	sld [smem:$0x3FAD]  }
0x31: {  	[smem:$0x3FB6] =	sst s10  }
0x32: {  	s10 =	sld [smem:$0x3FB4];
	_ =	sdelay $0x3  }
0x33: {  	p0 =	seq.s32 s10, $0x1;
	s10 =	sld [smem:$0x3FB6];
	_ =	sdelay $0x3  }
0x34: {  	[smem:$0x3FB6] =	sst s10  }
0x35: {  	s10 =	sld [smem:$0x3FB5];
	_ =	sdelay $0x3  }
0x36: {  	p1 =	seq.s32 s10, $0x1;
	s10 =	sld [smem:$0x3FB6];
	_ =	sdelay $0x3  }
0x37: {  	[smem:$0x3FB6] =	sst s10  }
0x38: {  	s10 =	sld [smem:$0x3FB7]  }
0x39: {  	_ = 	snop;
	(pc) =	sbr.ind lr, $3  }
0x3a: {  	_ = 	snop  }
0x3b: {  	_ = 	snop  }
0x3c: {  	p2 =	seq.s32 s10, $0x1;
	s10 =	sld [smem:$0x3FB6]  }
0x3d: {  	_ =	shalt  }
0x3e: {  	_ =	shalt  }
0x3f: {  	_ =	shalt  }
0x40: {  	_ =	shalt  }
0x41: {  	_ =	shalt  }
0x42: {  	_ =	shalt  }
0x43: {  	_ =	shalt  }
0x44: {  	_ =	shalt  }
0x45: {  	_ =	shalt  }
0x46: {  	_ =	shalt  }
0x47: {  	_ =	shalt  }
0x48: {  	_ =	shalt  }
0x49: {  	_ =	shalt  }
0x4a: {  	_ =	shalt  }
0x4b: {  	_ =	shalt  }
0x4c: {  	_ =	shalt  }
0x4d: {  	_ =	shalt  }
0x4e: {  	_ =	shalt  }
0x4f: {  	_ =	shalt  }
0x50: {  	_ =	shalt  }
0x51: {  	_ =	shalt  }
0x52: {  	_ =	shalt  }
0x53: {  	_ =	shalt  }
0x54: {  	_ =	shalt  }
0x55: {  	_ =	shalt  }
0x56: {  	_ =	shalt  }
0x57: {  	_ =	shalt  }
0x58: {  	_ =	shalt  }
0x59: {  	_ =	shalt  }
0x5a: {  	_ =	shalt  }
0x5b: {  	_ =	shalt  }
0x5c: {  	_ =	shalt  }
0x5d: {  	_ =	shalt  }
0x5e: {  	_ =	shalt  }
0x5f: {  	_ =	shalt  }
0x60: {  	_ =	shalt  }
0x61: {  	_ =	shalt  }
0x62: {  	_ =	shalt  }
0x63: {  	_ =	shalt  }
0x64: {  	_ =	shalt  }
0x65: {  	_ =	shalt  }
0x66: {  	_ =	shalt  }
0x67: {  	_ =	shalt  }
0x68: {  	_ =	shalt  }
0x69: {  	_ =	shalt  }
0x6a: {  	_ =	shalt  }
0x6b: {  	_ =	shalt  }
0x6c: {  	_ =	shalt  }
0x6d: {  	_ =	shalt  }
0x6e: {  	_ =	shalt  }
0x6f: {  	_ =	shalt  }
0x70: {  	_ =	shalt  }
0x71: {  	_ =	shalt  }
0x72: {  	_ =	shalt  }
0x73: {  	_ =	shalt  }
0x74: {  	_ =	shalt  }
0x75: {  	_ =	shalt  }
0x76: {  	_ =	shalt  }
0x77: {  	_ =	shalt  }
0x78: {  	_ =	shalt  }
0x79: {  	_ =	shalt  }
0x7a: {  	_ =	shalt  }
0x7b: {  	_ =	shalt  }
0x7c: {  	_ =	shalt  }
0x7d: {  	_ =	shalt  }
0x7e: {  	_ =	shalt  }
0x7f: {  	_ =	shalt  }
0x80: {  	_ =	shalt  }
0x81: {  	_ =	shalt  }
0x82: {  	_ =	shalt  }
0x83: {  	_ =	shalt  }
0x84: {  	_ =	shalt  }
0x85: {  	_ =	shalt  }
0x86: {  	_ =	shalt  }
0x87: {  	_ =	shalt  }
.Lfunc_end0:
.L_simem_size_0:
called_computation.2_lowered:
.L_overlay_start_0:
0x88: {  	s2 =	sld [smem:$0x3FD9]  }
0x89: {  	s3 =	sld [smem:$0x3FFE];
	_ =	sdelay $0x1  }
0x8a: {  	s1 =	srdreg.scid  }
0x8b: {  	s0 =	sand.u32 $0x1, s1  }
0x8c: {  	s17 =	sshll.u32 s0, $0xA;
	s2 =	sadd.s32 s3, s2  }
0x8d: {  	s2 =	sadd.s32 s2, s17  }
0x8e: {  	[smem:$0x3FC2] =	sst s2  }
0x8f: {  	_ = 	snop  }
0x90: {  	s2 =	sld [smem:$0x3FD0];
	(tm) =	ssettm $0x1  }
0x91: {  	s18 =	sld [smem:$0x3FFB];
	_ =	sdelay $0x3  }
0x92: {  	_ =	strace s18  }
0x93: {  	s3 =	sld [smem:$0x3FFC];
	_ =	sdelay $0x3  }
0x94: {  	_ =	strace s3  }
0x95: {  	s3 =	sld [smem:$0x3FFD];
	_ =	sdelay $0x3  }
0x96: {  	_ =	strace s3  }
0x97: {  	_ =	strace $0x8FFFFFFF  }
0x98: {  	s19 =	sld [smem:$0x3FDB];
	_ =	sdelay $0x1  }
0x99: {  	s4 =	simm.s32 $_scs_section_size  }
0x9a: {  	s5 =	simm.s32 $_size__tile_overlayer_lowered;
	s6 =	simm.s32 $_tile_overlayer_lowered  }
0x9b: {  	s22 =	simm.s32 $0x1BFF;
	s21 =	sshll.u32 s6, $0x1;
	s3 =	sadd.s32 s4, s19  }
0x9c: {  	s7 =	simm.s32 $0x0;
	s20 =	sshll.u32 s5, $0x1;
	s5 =	sadd.s32 s21, s3  }
0x9d: {  	[timem:s7], [sflag:s22] =	dma.local [hbm:s5], s20  }
0x9e: {  	_ =	swait.ge [sflag:s22], s20  }
0x9f: {  	s4 =	ssub.s32 $0x0, s20;
	[sflag:s22] =	ssyncset.done $0x0  }
0xa0: {  	[sflag:s22] =	ssyncadd.s32 s4;
	_ =	sdelay $0x1  }
0xa1: {  	s23 =	simm.s32 $0x1B8B  }
0xa2: {  	_ =	swait.ge [sflag:s23], $0x1  }
0xa3: {  	[sflag:s23] =	ssyncset.done $0x0  }
0xa4: {  	s25 =	simm.s32 $0x1B8E;
	s24 =	sld [smem:$0x3FFE];
	[sflag:s23] =	ssyncadd.s32 $0xFFFFFFFF  }
0xa5: {  	s26 =	simm.s32 $execute0_lowered;
	[smem:$0x3FD2] =	sst s25  }
0xa6: {  	s5 =	sshll.u32 s26, $0x1;
	_ =	strace $0x8000004C;
	[dreg:$0x1] =	wrdreg $0xFFFFFFFF  }
0xa7: {  	s28 =	simm.s32 $_size_execute0_lowered;
	s3 =	sadd.s32 s3, s5;
	[dreg:$0x0] =	wrdreg $0x0  }
0xa8: {  	s5 =	sshll.u32 s28, $0x1;
	[dreg:$0x2] =	wrdreg s3  }
0xa9: {  	[dreg:$0x3] =	wrdreg s5  }
0xaa: {  	[dreg:$0x4] =	wrdreg $0xC0  }
0xab: {  	_ =	task [dreg:s7], $0x5FFFF  }
0xac: {  	[dreg:$0x1] =	wrdreg $0xFFFFFFFF  }
0xad: {  	[dreg:$0x0] =	wrdreg $0x60  }
0xae: {  	[dreg:$0x2] =	wrdreg s2  }
0xaf: {  	[dreg:$0x3] =	wrdreg s24  }
0xb0: {  	[dreg:$0x4] =	wrdreg $0x9F000  }
0xb1: {  	[dreg:$0x5] =	wrdreg $0x9  }
0xb2: {  	_ =	task.clear_ibuf [dreg:s7], $0x6FFFF;
	_ =	strace $0x9000004C  }
0xb3: {  	s29 =	simm.s32 $0x9;
	_ =	strace $0x8000004E  }
0xb4: {  	_ =	swait.ge [sflag:s29], $0x1  }
0xb5: {  	[sflag:s29] =	ssyncadd.s32 $0xFFFFFFFF  }
0xb6: {  	_ =	strace $0x9000004E  }
0xb7: {  	_ =	sfence  }
0xb8: {  	s30 =	sld [smem:$0x0];
	_ =	sdelay $0x2  }
0xb9: {  	s31 =	sshll.u32 s1, $0xD;
	s1 =	sshrl.u32 s1, $0x2  }
0xba: {  	s3 =	sand.u32 $0x4000, s31;
	s1 =	sadd.s32 s1, s30  }
0xbb: {  	s0 =	sor.u32 s3, s0;
	s1 =	sshll.u32 s1, $0x11  }
0xbc: {  	s0 =	sor.u32 s1, s0  }
0xbd: {  	s0 =	sadd.s32 $0x8F2B, s0  }
0xbe: {  	[sflag:s0] =	ssyncadd.remote.s32 $0x1  }
0xbf: {  	_ =	sfence.sel $0xFFFF  }
0xc0: {  	[dreg:$0x0] =	wrdreg $0xFFFFFFFF;
	(pc) =	sbr.abs _section_cstart, $3  }
0xc1: {  	[dreg:$0x1] =	wrdreg $0xFFFFFFFF  }
0xc2: {  	_ =	task.clear_ibuf [dreg:s7], $0x2FFFF;
	_ =	strace $0x9FFFFFFF  }
0xc3: {  	(tm) =	ssettm $0x7FFFFFFF  }
tec
execute0_lowered:
.L_overlay_start_1:
0x0: {  	(tag) =	ssettag $0x1  }
0x1: {  	s1 =	rddreg [dreg:$0x0]  }
0x2: {  	s0 =	rddreg [dreg:$0x1]  }
0x3: {  	s2 =	rddreg [dreg:$0x2];
	s3 =	srdreg.scid  }
0x4: {  	s4 =	simm.s32 $0x0;
	s9 =	stileid.u32;
	s28 =	simm.s32 $0x1  }
0x5: {  	s29 =	simm.s32 $0x50;
	s30 =	simm.s32 $0x4F00;
	s31 =	simm.s32 $0x7700  }
0x6: {  	s3 =	sand.u32 $0x1, s3;
	[smem:$0x7FF] =	sst s4;
	s6 =	sadd.s32 $0x2E00, s0  }
0x7: {  	s7 =	smul.u32 $0x280, s9;
	s0 =	sadd.s32 $0x3DC00, s0;
	s5 =	sshll.u32 s3, $0x4  }
0x8: {  	_ =	strace $0x8000004D;
	s8 =	ssub.s32 $0x2, s3;
	s3 =	smul.u32 $0x138800, s3  }
0x9: {  	s5 =	sor.u32 s9, s5;
	s9 =	sshll.u32 s9, $0x7;
	s10 =	sshrl.u32 s8, $0x1  }
0xa: {  	s7 =	smin.u32 s7, $0x2490;
	s5 =	sshrl.u32 s5, $0x3;
	s9 =	sand.u32 $0x380, s9  }
0xb: {  	s8 =	ssub.s32 s8, s10;
	s10 =	sshll.u32 s7, $0x7;
	s5 =	smul.u32 $0x13C00, s5  }
0xc: {  	s14 =	sadd.s32 s3, s10;
	s15 =	sadd.s32 $0x2800, s10;
	s7 =	sadd.s32 s10, s2  }
0xd: {  	s11 =	sadd.s32 $0x5000, s10;
	s19 =	sadd.s32 $0x7800, s10;
	s12 =	sadd.s32 $0xA000, s10  }
0xe: {  	s23 =	sadd.s32 $0xC800, s10;
	s25 =	sadd.s32 $0xF000, s10;
	s10 =	sadd.s32 $0x11800, s10  }
0xf: {  	s16 =	sadd.s32 s3, s15;
	s18 =	sadd.s32 s3, s11;
	s11 =	sadd.s32 s11, s2  }
0x10: {  	s20 =	sadd.s32 s3, s19;
	s13 =	sadd.s32 s19, s2;
	s21 =	sadd.s32 s3, s12  }
0x11: {  	s24 =	sadd.s32 s3, s23;
	s26 =	sadd.s32 s3, s25;
	s19 =	sadd.s32 s25, s2  }
0x12: {  	s3 =	sadd.s32 s3, s10;
	s25 =	simm.s32 $0x400;
	s5 =	sor.u32 s9, s5  }
0x13: {  	s17 =	sshrl.u32 s16, $0x3;
	s9 =	sshrl.u32 s5, $0x3;
	s5 =	sadd.s32 $0x4F000, s5  }
0x14: {  	s22 =	sshrl.u32 s21, $0x3;
	s21 =	sadd.s32 s10, s2;
	s5 =	sshrl.u32 s5, $0x3  }
0x15: {  	s3 =	sshrl.u32 s3, $0x3;
	s16 =	sadd.s32 s0, s22;
	s5 =	sadd.s32 s6, s5  }
0x16: {  	s9 =	sadd.s32 s6, s9;
	[dreg:$0x5] =	wrdreg s5;
	s5 =	sshrl.u32 s14, $0x3  }
0x17: {  	s22 =	sadd.s32 s0, s3;
	[dreg:$0x4] =	wrdreg s9;
	s5 =	sadd.s32 s0, s5  }
0x18: {  	s3 =	simm.s32 $0x2;
	[dreg:$0x6] =	wrdreg s5;
	s5 =	sadd.s32 s0, s17  }
0x19: {  	s9 =	sadd.s32 s15, s2;
	[dreg:$0x7] =	wrdreg s5;
	s5 =	sshrl.u32 s18, $0x3  }
0x1a: {  	s15 =	sadd.s32 s12, s2;
	s6 =	simm.s32 $0x4;
	s5 =	sadd.s32 s0, s5  }
0x1b: {  	s17 =	sadd.s32 s23, s2;
	[dreg:$0x8] =	wrdreg s5;
	s5 =	sshrl.u32 s20, $0x3  }
0x1c: {  	s23 =	smax.u32 s8, $0x1;
	s8 =	simm.s32 $0x0;
	s5 =	sadd.s32 s0, s5  }
0x1d: {  	[dreg:$0x9] =	wrdreg s5;
	s5 =	sshrl.u32 s24, $0x3;
	s24 =	simm.s32 $0x80  }
0x1e: {  	s18 =	sadd.s32 s0, s5;
	s5 =	sshrl.u32 s26, $0x3;
	s26 =	simm.s32 $0x2780  }
0x1f: {  	v0 =	vimm.f32 $0.0e+00;
	s20 =	sadd.s32 s0, s5;
	s0 =	simm.s32 $0x5;
	s5 =	simm.s32 $0x3  }
.LBB2_1:
0x20: {  	s10 =	rddreg [dreg:$0x4]  }
0x21: {  	[tilespmem:s4], [sflag:$0x1] =	stream.strided.gather [hbm4b:s10+s24], $0x2780, s25, s24, $0x38;
	[tilespmem:$0x1D780] =	vst v63  }
0x22: {  	s14 =	rddreg [dreg:$0x5];
	s12 =	simm.s32 $0x200;
	s10 =	simm.s32 $0x0  }
0x23: {  	[tilespmem:s26], [sflag:$0x2] =	stream.strided.gather [hbm4b:s14+s24], $0x2780, s25, s24, $0x38;
	[tilespmem:$0x1D780] =	vst v63  }
.LBB2_2:
0x24: {  	p0 =	sne.s32 s12, $0x9E00;
	[tilespmem:s10+$0x7770] =	vst v0  }
0x25: {  	[tilespmem:s10+$0x7700] =	vst v0  }
0x26: {  	[tilespmem:s10+$0x7710] =	vst v0  }
.Ltmp0:
0x27: {  	[tilespmem:s10+$0x7720] =	vst v0;
	(pc) =	sbr.rel @p0 .LBB2_2-.Ltmp0, $4  }
0x28: {  	[tilespmem:s10+$0x7730] =	vst v0  }
0x29: {  	[tilespmem:s10+$0x7740] =	vst v0  }
0x2a: {  	[tilespmem:s10+$0x7750] =	vst v0  }
0x2b: {  	[tilespmem:s10+$0x7760] =	vst v0;
	s10 =	sshra.s32 s12, $0x2;
	s12 =	sadd.s32 $0x200, s12  }
0x2c: {  	[tilespmem:s10+$0x7770] =	vst v0  }
0x2d: {  	[tilespmem:s10+$0x7700] =	vst v0  }
0x2e: {  	[tilespmem:s10+$0x7710] =	vst v0  }
0x2f: {  	[tilespmem:s10+$0x7720] =	vst v0  }
0x30: {  	[tilespmem:s10+$0x7730] =	vst v0  }
0x31: {  	[tilespmem:s10+$0x7740] =	vst v0  }
0x32: {  	[tilespmem:s10+$0x7750] =	vst v0  }
0x33: {  	[tilespmem:s10+$0x7760] =	vst v0  }
0x34: {  	_ =	swait.ge [sflag:s28], $0x2780  }
0x35: {  	[sflag:s28] =	ssyncset.done $0x0  }
0x36: {  	[sflag:s28] =	ssyncadd.s32 $0xFFFFD880  }
0x37: {  	[tilespmem:s30], [sflag:$0x1] =	stream.indirect.gather [hbm4b:s1+s29], $0x80, s4, s29, $0xb8;
	[tilespmem:$0x1D780] =	vst v63  }
0x38: {  	_ = 	snop  }
0x39: {  	[spmem:s7] =	stream.linear.scatter [tilespmem:s31], [sflag:$0x5], $0x2800, $0x38;
	[tilespmem:$0x1D780] =	vst v63  }
0x3a: {  	_ =	swait.ge [sflag:s0], $0x2800  }
0x3b: {  	[sflag:s0] =	ssyncset.done $0x0  }
0x3c: {  	[sflag:s0] =	ssyncadd.s32 $0xFFFFD800  }
0x3d: {  	[spmem:s9] =	stream.linear.scatter [tilespmem:s31], [sflag:$0x5], $0x2800, $0x38;
	[tilespmem:$0x1D780] =	vst v63  }
0x3e: {  	_ =	swait.ge [sflag:s0], $0x2800  }
0x3f: {  	[sflag:s0] =	ssyncset.done $0x0  }
0x40: {  	[sflag:s0] =	ssyncadd.s32 $0xFFFFD800  }
0x41: {  	[spmem:s11] =	stream.linear.scatter [tilespmem:s31], [sflag:$0x5], $0x2800, $0x38;
	[tilespmem:$0x1D780] =	vst v63  }
0x42: {  	_ =	swait.ge [sflag:s0], $0x2800  }
0x43: {  	[sflag:s0] =	ssyncset.done $0x0  }
0x44: {  	[sflag:s0] =	ssyncadd.s32 $0xFFFFD800  }
0x45: {  	[spmem:s13] =	stream.linear.scatter [tilespmem:s31], [sflag:$0x5], $0x2800, $0x38;
	[tilespmem:$0x1D780] =	vst v63  }
0x46: {  	_ =	swait.ge [sflag:s0], $0x2800  }
0x47: {  	[sflag:s0] =	ssyncset.done $0x0  }
0x48: {  	[sflag:s0] =	ssyncadd.s32 $0xFFFFD800  }
0x49: {  	[spmem:s15] =	stream.linear.scatter [tilespmem:s31], [sflag:$0x5], $0x2800, $0x38;
	[tilespmem:$0x1D780] =	vst v63  }
0x4a: {  	_ =	swait.ge [sflag:s0], $0x2800  }
0x4b: {  	[sflag:s0] =	ssyncset.done $0x0  }
0x4c: {  	[sflag:s0] =	ssyncadd.s32 $0xFFFFD800  }
0x4d: {  	[spmem:s17] =	stream.linear.scatter [tilespmem:s31], [sflag:$0x5], $0x2800, $0x38;
	[tilespmem:$0x1D780] =	vst v63  }
0x4e: {  	_ =	swait.ge [sflag:s0], $0x2800  }
0x4f: {  	[sflag:s0] =	ssyncset.done $0x0  }
0x50: {  	[sflag:s0] =	ssyncadd.s32 $0xFFFFD800  }
0x51: {  	[spmem:s19] =	stream.linear.scatter [tilespmem:s31], [sflag:$0x5], $0x2800, $0x38;
	[tilespmem:$0x1D780] =	vst v63  }
0x52: {  	_ =	swait.ge [sflag:s0], $0x2800  }
0x53: {  	[sflag:s0] =	ssyncset.done $0x0  }
0x54: {  	[sflag:s0] =	ssyncadd.s32 $0xFFFFD800  }
0x55: {  	[spmem:s21] =	stream.linear.scatter [tilespmem:s31], [sflag:$0x5], $0x2800, $0x38;
	[tilespmem:$0x1D780] =	vst v63  }
0x56: {  	_ =	swait.ge [sflag:s0], $0x2800  }
0x57: {  	[sflag:s0] =	ssyncset.done $0x0  }
0x58: {  	[sflag:s0] =	ssyncadd.s32 $0xFFFFD800  }
0x59: {  	_ =	swait.ge [sflag:s3], $0x2780  }
0x5a: {  	[sflag:s3] =	ssyncset.done $0x0  }
0x5b: {  	[sflag:s3] =	ssyncadd.s32 $0xFFFFD880  }
0x5c: {  	[bflag:$0x0] =	sbarrier.arrive $0xFFFF  }
0x5d: {  	_ =	swait.ge [sflag:s28], $0x2800  }
0x5e: {  	[sflag:s28] =	ssyncset.done $0x0  }
0x5f: {  	[sflag:s28] =	ssyncadd.s32 $0xFFFFD800  }
0x60: {  	[spmem:s2] =	stream.indirect.scatter.add.f32 [tilespmem:s30], [sflag:$0x3], $0x80, s26, s29, $0xb8;
	[tilespmem:$0x1D780] =	vst v63  }
0x61: {  	_ = 	snop  }
0x62: {  	[tilespmem:s31], [sflag:$0x2] =	stream.indirect.gather [hbm4b:s1+s29], $0x80, s29, s29, $0xb8;
	[tilespmem:$0x1D780] =	vst v63  }
0x63: {  	_ =	swait.ge [sflag:s3], $0x2800  }
0x64: {  	[sflag:s3] =	ssyncset.done $0x0  }
0x65: {  	s14 =	simm.s32 $0x27D0;
	[sflag:s3] =	ssyncadd.s32 $0xFFFFD800  }
0x66: {  	[spmem:s2] =	stream.indirect.scatter.add.f32 [tilespmem:s31], [sflag:$0x4], $0x80, s14, s29, $0xb8;
	[tilespmem:$0x1D780] =	vst v63  }
0x67: {  	_ =	swait.ge [sflag:s5], $0x2800  }
0x68: {  	[sflag:s5] =	ssyncset.done $0x0  }
0x69: {  	s12 =	simm.s32 $0xA0;
	[sflag:s5] =	ssyncadd.s32 $0xFFFFD800  }
0x6a: {  	[tilespmem:s30], [sflag:$0x1] =	stream.indirect.gather [hbm4b:s1+s29], $0x80, s12, s29, $0xb8;
	[tilespmem:$0x1D780] =	vst v63  }
0x6b: {  	_ =	swait.ge [sflag:s28], $0x2800  }
0x6c: {  	[sflag:s28] =	ssyncset.done $0x0  }
0x6d: {  	s14 =	simm.s32 $0x2820;
	[sflag:s28] =	ssyncadd.s32 $0xFFFFD800  }
0x6e: {  	[spmem:s2] =	stream.indirect.scatter.add.f32 [tilespmem:s30], [sflag:$0x3], $0x80, s14, s29, $0xb8;
	[tilespmem:$0x1D780] =	vst v63  }
0x6f: {  	_ =	swait.ge [sflag:s6], $0x2800  }
0x70: {  	[sflag:s6] =	ssyncset.done $0x0  }
0x71: {  	s12 =	simm.s32 $0xF0;
	[sflag:s6] =	ssyncadd.s32 $0xFFFFD800  }
0x72: {  	[tilespmem:s31], [sflag:$0x2] =	stream.indirect.gather [hbm4b:s1+s29], $0x80, s12, s29, $0xb8;
	[tilespmem:$0x1D780] =	vst v63  }
0x73: {  	_ =	swait.ge [sflag:s3], $0x2800  }
0x74: {  	[sflag:s3] =	ssyncset.done $0x0  }
0x75: {  	s14 =	simm.s32 $0x2870;
	[sflag:s3] =	ssyncadd.s32 $0xFFFFD800  }
0x76: {  	[spmem:s2] =	stream.indirect.scatter.add.f32 [tilespmem:s31], [sflag:$0x4], $0x80, s14, s29, $0xb8;
	[tilespmem:$0x1D780] =	vst v63  }
0x77: {  	_ =	swait.ge [sflag:s5], $0x2800  }
0x78: {  	[sflag:s5] =	ssyncset.done $0x0  }
0x79: {  	s12 =	simm.s32 $0x140;
	[sflag:s5] =	ssyncadd.s32 $0xFFFFD800  }
0x7a: {  	[tilespmem:s30], [sflag:$0x1] =	stream.indirect.gather [hbm4b:s1+s29], $0x80, s12, s29, $0xb8;
	[tilespmem:$0x1D780] =	vst v63  }
0x7b: {  	_ =	swait.ge [sflag:s28], $0x2800  }
0x7c: {  	[sflag:s28] =	ssyncset.done $0x0  }
0x7d: {  	s14 =	simm.s32 $0x28C0;
	[sflag:s28] =	ssyncadd.s32 $0xFFFFD800  }
0x7e: {  	[spmem:s2] =	stream.indirect.scatter.add.f32 [tilespmem:s30], [sflag:$0x3], $0x80, s14, s29, $0xb8;
	[tilespmem:$0x1D780] =	vst v63  }
0x7f: {  	_ =	swait.ge [sflag:s6], $0x2800  }
0x80: {  	[sflag:s6] =	ssyncset.done $0x0  }
0x81: {  	s10 =	simm.s32 $0xFFFF6C80;
	s12 =	simm.s32 $0x190;
	[sflag:s6] =	ssyncadd.s32 $0xFFFFD800  }
.LBB2_4:
0x82: {  	[tilespmem:s31], [sflag:$0x2] =	stream.indirect.gather [hbm4b:s1+s29], $0x80, s12, s29, $0xb8;
	[tilespmem:$0x1D780] =	vst v63  }
0x83: {  	s12 =	smov.u32 s10  }
0x84: {  	p0 =	sne.s32 s10, $0xFFFFFD80;
	s10 =	sadd.s32 $0x280, s10;
	_ =	swait.ge [sflag:s3], $0x2800  }
0x85: {  	s12 =	sshra.s32 s12, $0x2;
	[sflag:s3] =	ssyncset.done $0x0  }
0x86: {  	s14 =	sadd.s32 $0x4DF0, s12;
	[sflag:s3] =	ssyncadd.s32 $0xFFFFD800  }
0x87: {  	[spmem:s2] =	stream.indirect.scatter.add.f32 [tilespmem:s31], [sflag:$0x4], $0x80, s14, s29, $0xb8;
	[tilespmem:$0x1D780] =	vst v63  }
0x88: {  	_ =	swait.ge [sflag:s5], $0x2800  }
0x89: {  	[sflag:s5] =	ssyncset.done $0x0  }
0x8a: {  	s14 =	sadd.s32 $0x26C0, s12;
	[sflag:s5] =	ssyncadd.s32 $0xFFFFD800  }
0x8b: {  	[tilespmem:s30], [sflag:$0x1] =	stream.indirect.gather [hbm4b:s1+s29], $0x80, s14, s29, $0xb8;
	[tilespmem:$0x1D780] =	vst v63  }
0x8c: {  	_ =	swait.ge [sflag:s28], $0x2800  }
0x8d: {  	[sflag:s28] =	ssyncset.done $0x0  }
.Ltmp1:
0x8e: {  	s14 =	sadd.s32 $0x4E40, s12;
	[sflag:s28] =	ssyncadd.s32 $0xFFFFD800;
	(pc) =	sbr.rel @p0 .LBB2_4-.Ltmp1, $4  }
0x8f: {  	[spmem:s2] =	stream.indirect.scatter.add.f32 [tilespmem:s30], [sflag:$0x3], $0x80, s14, s29, $0xb8;
	[tilespmem:$0x1D780] =	vst v63  }
0x90: {  	_ =	swait.ge [sflag:s6], $0x2800  }
0x91: {  	[sflag:s6] =	ssyncset.done $0x0  }
0x92: {  	s12 =	sadd.s32 $0x2710, s12;
	[sflag:s6] =	ssyncadd.s32 $0xFFFFD800  }
0x93: {  	[tilespmem:s31], [sflag:$0x2] =	stream.indirect.gather [hbm4b:s1+s29], $0x80, s12, s29, $0xb8;
	[tilespmem:$0x1D780] =	vst v63  }
0x94: {  	_ =	swait.ge [sflag:s3], $0x2800  }
0x95: {  	[sflag:s3] =	ssyncset.done $0x0  }
0x96: {  	s10 =	simm.s32 $0x4DF0;
	[sflag:s3] =	ssyncadd.s32 $0xFFFFD800  }
0x97: {  	[spmem:s2] =	stream.indirect.scatter.add.f32 [tilespmem:s31], [sflag:$0x4], $0x80, s10, s29, $0xb8;
	[tilespmem:$0x1D780] =	vst v63  }
0x98: {  	_ =	swait.ge [sflag:s5], $0x2800  }
0x99: {  	[sflag:s5] =	ssyncset.done $0x0  }
0x9a: {  	s12 =	simm.s32 $0x26C0;
	[sflag:s5] =	ssyncadd.s32 $0xFFFFD800  }
0x9b: {  	[tilespmem:s30], [sflag:$0x1] =	stream.indirect.gather [hbm4b:s1+s29], $0x80, s12, s29, $0xb8;
	[tilespmem:$0x1D780] =	vst v63  }
0x9c: {  	_ =	swait.ge [sflag:s28], $0x2800  }
0x9d: {  	[sflag:s28] =	ssyncset.done $0x0  }
0x9e: {  	s14 =	simm.s32 $0x4E40;
	[sflag:s28] =	ssyncadd.s32 $0xFFFFD800  }
0x9f: {  	[spmem:s2] =	stream.indirect.scatter.add.f32 [tilespmem:s30], [sflag:$0x3], $0x80, s14, s29, $0xb8;
	[tilespmem:$0x1D780] =	vst v63  }
0xa0: {  	_ =	swait.ge [sflag:s6], $0x2800  }
0xa1: {  	[sflag:s6] =	ssyncset.done $0x0  }
0xa2: {  	[sflag:s6] =	ssyncadd.s32 $0xFFFFD800  }
0xa3: {  	_ =	swait.ge [sflag:s5], $0x2800  }
0xa4: {  	[sflag:s5] =	ssyncset.done $0x0  }
0xa5: {  	[sflag:s5] =	ssyncadd.s32 $0xFFFFD800  }
0xa6: {  	[bflag:$0x0] =	sbarrier.arrive $0xFFFF  }
0xa7: {  	[tilespmem:s30], [sflag:$0x1] =	stream.linear.gather [spmem:s7], $0x2800, $0x38;
	[tilespmem:$0x1D780] =	vst v63  }
0xa8: {  	_ =	swait.ge [sflag:s28], $0x2800  }
0xa9: {  	[sflag:s28] =	ssyncset.done $0x0  }
0xaa: {  	s12 =	rddreg [dreg:$0x6];
	[sflag:s28] =	ssyncadd.s32 $0xFFFFD800  }
0xab: {  	[hbm4b:s12+s4] =	stream.linear.scatter [tilespmem:s30], [sflag:$0x3], $0x2800, $0x38;
	[tilespmem:$0x1D780] =	vst v63  }
0xac: {  	_ = 	snop  }
0xad: {  	[tilespmem:s31], [sflag:$0x2] =	stream.linear.gather [spmem:s9], $0x2800, $0x38;
	[tilespmem:$0x1D780] =	vst v63  }
0xae: {  	_ =	swait.ge [sflag:s3], $0x2800  }
0xaf: {  	[sflag:s3] =	ssyncset.done $0x0  }
0xb0: {  	s14 =	rddreg [dreg:$0x7];
	[sflag:s3] =	ssyncadd.s32 $0xFFFFD800  }
0xb1: {  	[hbm4b:s14+s4] =	stream.linear.scatter [tilespmem:s31], [sflag:$0x4], $0x2800, $0x38;
	[tilespmem:$0x1D780] =	vst v63  }
0xb2: {  	_ =	swait.ge [sflag:s5], $0x2800  }
0xb3: {  	[sflag:s5] =	ssyncset.done $0x0  }
0xb4: {  	[sflag:s5] =	ssyncadd.s32 $0xFFFFD800  }
0xb5: {  	[tilespmem:s30], [sflag:$0x1] =	stream.linear.gather [spmem:s11], $0x2800, $0x38;
	[tilespmem:$0x1D780] =	vst v63  }
0xb6: {  	_ =	swait.ge [sflag:s28], $0x2800  }
0xb7: {  	[sflag:s28] =	ssyncset.done $0x0  }
0xb8: {  	s12 =	rddreg [dreg:$0x8];
	[sflag:s28] =	ssyncadd.s32 $0xFFFFD800  }
0xb9: {  	[hbm4b:s12+s4] =	stream.linear.scatter [tilespmem:s30], [sflag:$0x3], $0x2800, $0x38;
	[tilespmem:$0x1D780] =	vst v63  }
0xba: {  	_ =	swait.ge [sflag:s6], $0x2800  }
0xbb: {  	[sflag:s6] =	ssyncset.done $0x0  }
0xbc: {  	[sflag:s6] =	ssyncadd.s32 $0xFFFFD800  }
0xbd: {  	[tilespmem:s31], [sflag:$0x2] =	stream.linear.gather [spmem:s13], $0x2800, $0x38;
	[tilespmem:$0x1D780] =	vst v63  }
0xbe: {  	_ =	swait.ge [sflag:s3], $0x2800  }
0xbf: {  	[sflag:s3] =	ssyncset.done $0x0  }
0xc0: {  	s14 =	rddreg [dreg:$0x9];
	[sflag:s3] =	ssyncadd.s32 $0xFFFFD800  }
0xc1: {  	[hbm4b:s14+s4] =	stream.linear.scatter [tilespmem:s31], [sflag:$0x4], $0x2800, $0x38;
	[tilespmem:$0x1D780] =	vst v63  }
0xc2: {  	_ =	swait.ge [sflag:s5], $0x2800  }
0xc3: {  	[sflag:s5] =	ssyncset.done $0x0  }
0xc4: {  	[sflag:s5] =	ssyncadd.s32 $0xFFFFD800  }
0xc5: {  	[tilespmem:s30], [sflag:$0x1] =	stream.linear.gather [spmem:s15], $0x2800, $0x38;
	[tilespmem:$0x1D780] =	vst v63  }
0xc6: {  	_ =	swait.ge [sflag:s28], $0x2800  }
0xc7: {  	[sflag:s28] =	ssyncset.done $0x0  }
0xc8: {  	[sflag:s28] =	ssyncadd.s32 $0xFFFFD800  }
0xc9: {  	[hbm4b:s16+s4] =	stream.linear.scatter [tilespmem:s30], [sflag:$0x3], $0x2800, $0x38;
	[tilespmem:$0x1D780] =	vst v63  }
0xca: {  	_ =	swait.ge [sflag:s6], $0x2800  }
0xcb: {  	[sflag:s6] =	ssyncset.done $0x0  }
0xcc: {  	[sflag:s6] =	ssyncadd.s32 $0xFFFFD800  }
0xcd: {  	[tilespmem:s31], [sflag:$0x2] =	stream.linear.gather [spmem:s17], $0x2800, $0x38;
	[tilespmem:$0x1D780] =	vst v63  }
0xce: {  	_ =	swait.ge [sflag:s3], $0x2800  }
0xcf: {  	[sflag:s3] =	ssyncset.done $0x0  }
0xd0: {  	[sflag:s3] =	ssyncadd.s32 $0xFFFFD800  }
0xd1: {  	[hbm4b:s18+s4] =	stream.linear.scatter [tilespmem:s31], [sflag:$0x4], $0x2800, $0x38;
	[tilespmem:$0x1D780] =	vst v63  }
0xd2: {  	_ =	swait.ge [sflag:s5], $0x2800  }
0xd3: {  	[sflag:s5] =	ssyncset.done $0x0  }
0xd4: {  	[sflag:s5] =	ssyncadd.s32 $0xFFFFD800  }
0xd5: {  	[tilespmem:s30], [sflag:$0x1] =	stream.linear.gather [spmem:s19], $0x2800, $0x38;
	[tilespmem:$0x1D780] =	vst v63  }
0xd6: {  	_ =	swait.ge [sflag:s28], $0x2800  }
0xd7: {  	[sflag:s28] =	ssyncset.done $0x0  }
0xd8: {  	[sflag:s28] =	ssyncadd.s32 $0xFFFFD800  }
0xd9: {  	[hbm4b:s20+s4] =	stream.linear.scatter [tilespmem:s30], [sflag:$0x3], $0x2800, $0x38;
	[tilespmem:$0x1D780] =	vst v63  }
0xda: {  	_ =	swait.ge [sflag:s6], $0x2800  }
0xdb: {  	[sflag:s6] =	ssyncset.done $0x0  }
0xdc: {  	[sflag:s6] =	ssyncadd.s32 $0xFFFFD800  }
0xdd: {  	[tilespmem:s31], [sflag:$0x2] =	stream.linear.gather [spmem:s21], $0x2800, $0x38;
	[tilespmem:$0x1D780] =	vst v63  }
0xde: {  	_ =	swait.ge [sflag:s3], $0x2800  }
0xdf: {  	[sflag:s3] =	ssyncset.done $0x0  }
0xe0: {  	s8 =	sadd.s32 $0x1, s8;
	[sflag:s3] =	ssyncadd.s32 $0xFFFFD800  }
0xe1: {  	[hbm4b:s22+s4] =	stream.linear.scatter [tilespmem:s31], [sflag:$0x4], $0x2800, $0x38;
	[tilespmem:$0x1D780] =	vst v63  }
0xe2: {  	p0 =	sne.s32 s8, s23;
	_ =	swait.ge [sflag:s5], $0x2800  }
.Ltmp2:
0xe3: {  	[sflag:s5] =	ssyncset.done $0x0;
	(pc) =	sbr.rel @p0 .LBB2_1-.Ltmp2, $4  }
0xe4: {  	[sflag:s5] =	ssyncadd.s32 $0xFFFFD800  }
0xe5: {  	_ =	swait.ge [sflag:s6], $0x2800  }
0xe6: {  	[sflag:s6] =	ssyncset.done $0x0  }
0xe7: {  	[sflag:s6] =	ssyncadd.s32 $0xFFFFD800  }
0xe8: {  	_ =	sfence.sel $0x180000  }
0xe9: {  	[bflag:$0x0] =	sbarrier.arrive $0xFFFF  }
0xea: {  	_ =	strace $0x9000004D  }
0xeb: {  	s0 =	stileid.u32;
	[bflag:$0x2] =	sbarrier.arrive $0xFFFF  }
0xec: {  	p0 =	sne.s32 s0, $0x0;
	s0 =	rddreg [dreg:$0x3]  }
0xed: {  	s0 =	sadd.s32 @!p0 $0x100000, s0  }
0xee: {  	[sflag:s0] =	ssyncadd.tile.s32 @!p0 $0x1;
	_ =	shalt  }
.Lfunc_end2:
_tile_overlayer_lowered:
.L_overlay_start_2:
0xef: {  	(tag) =	ssettag $0x2  }
0xf0: {  	s0 =	rddreg [dreg:$0x0];
	s2 =	stileid.u32  }
0xf1: {  	s1 =	rddreg [dreg:$0x1];
	p0 =	sne.s32 s2, $0x0  }
0xf2: {  	s3 =	rddreg [dreg:$0x2];
	[bflag:$0x3] =	sbarrier.arrive $0xFFFF;
	s2 =	simm.s32 @!p0 $0x1C05  }
0xf3: {  	[timem:s3], [sflag:s2] =	dma.local @!p0 [hbm:s0], s1  }
0xf4: {  	s0 =	simm.s32 @!p0 $0x5  }
0xf5: {  	_ =	swait.ge @!p0 [sflag:s0], s1  }
0xf6: {  	s1 =	ssub.s32 @!p0 $0x0, s1;
	[sflag:s0] =	ssyncset.done @!p0 $0x0  }
0xf7: {  	[sflag:s0] =	ssyncadd.s32 @!p0 s1  }
0xf8: {  	[bflag:$0x3] =	sbarrier.arrive $0xFFFF  }
0xf9: {  	_ =	shalt  }

// kernel: kernel.8.cloned.1.call-start
scs
__scs_entry_jumppad:
0x0: {  	(pc) =	sbr.rel $0x88, $3  }
0x1: {  	(tag) =	ssettag $0x0;
	lr =	simm.s32 $0x1  }
0x2: {  	[smem:$0x3F9B] =	sst lr;
	_ =	strace $0xD0000000  }
0x3: {  	_ = 	snop  }
0x4: {  	_ = 	snop  }
0x5: {  	_ = 	snop  }
0x6: {  	_ = 	snop  }
0x7: {  	_ = 	snop  }
__scs_overlays_trampoline_lowered:
0x8: {  	[smem:$0x3FAA] =	sst s0  }
0x9: {  	[smem:$0x3FAB] =	sst s1  }
0xa: {  	[smem:$0x3FAC] =	sst s2  }
0xb: {  	[smem:$0x3FAD] =	sst s3  }
0xc: {  	[smem:$0x3FAE] =	sst s4  }
0xd: {  	[smem:$0x3FAF] =	sst s5  }
0xe: {  	[smem:$0x3FB0] =	sst s6  }
0xf: {  	[smem:$0x3FB1] =	sst s7  }
0x10: {  	[smem:$0x3FB2] =	sst s8  }
0x11: {  	[smem:$0x3FB3] =	sst s9;
	s0 =	simm.s32 @!p0 $0x0  }
0x12: {  	s1 =	sld [smem:$0x3F99];
	s0 =	simm.s32 @p0 $0x1  }
0x13: {  	[smem:$0x3FB4] =	sst s0;
	s0 =	simm.s32 @!p1 $0x0  }
0x14: {  	s2 =	sld [smem:$0x3F98];
	s0 =	simm.s32 @p1 $0x1  }
0x15: {  	[smem:$0x3FB5] =	sst s0;
	s0 =	simm.s32 @!p2 $0x0  }
0x16: {  	s3 =	sld [smem:$0x3FDB];
	s0 =	simm.s32 @p2 $0x1  }
0x17: {  	s4 =	simm.s32 $0x1BF5;
	[smem:$0x3FB7] =	sst s0  }
0x18: {  	s0 =	sld [smem:$0x3F9A];
	_ =	swait.ge [sflag:s4], $0x0  }
0x19: {  	s7 =	sld [smem:$0x3F9B]  }
0x1a: {  	s8 =	sadd.s32 $0xFFFFE003, lr  }
0x1b: {  	s9 =	sadd.s32 $0xFFFFFEF7, lr;
	s5 =	simm.s32 $0xFFFFFFFF;
	p2 =	slt.u32 s8, $0xFFFFF086  }
0x1c: {  	p1 =	slt.u32 s9, $0xF7A;
	s5 =	simm.s32 @!p2 $0x0  }
0x1d: {  	s5 =	simm.s32 @p1 $0x1;
	p0 =	seq.s32 s7, s2  }
0x1e: {  	s7 =	smul.u32 @!p0 $0xF7A, s2;
	p2 =	seq.s32 @!p0 s5, $0x0  }
0x1f: {  	s9 =	smul.u32 $0xF7A, s1;
	s8 =	simm.s32 @!p0 $0x1BF5;
	p2 =	por !p2, p0  }
0x20: {  	[sflag:s8] =	ssyncset.s32 @!p0 $0xFFFFF086;
	s6 =	sadd.s32 @!p0 s3, s7;
	s7 =	simm.s32 @!p0 $0x108  }
0x21: {  	s3 =	sadd.s32 s3, s9;
	s6 =	sadd.s32 @!p0 $0x88, s6;
	s7 =	simm.s32 @p2 $0x1082  }
0x22: {  	[simem:s7], [sflag:s8] =	dma.local @!p0 [hbm:s6], $0xF7A  }
0x23: {  	s9 =	sor.u32 $0xD0000000, s2;
	s6 =	simm.s32 $0x108;
	_ =	swait.ge @!p0 [sflag:s8], $0x0  }
0x24: {  	s3 =	sadd.s32 $0x88, s3;
	s6 =	simm.s32 @!p1 $0x1082;
	[sflag:s4] =	ssyncset.s32 $0xFFFFF086  }
0x25: {  	[simem:s6], [sflag:s4] =	dma.local [hbm:s3], $0xF7A  }
0x26: {  	[smem:$0x3F9B] =	sst s1;
	(tag) =	ssettag s2;
	_ =	strace s9  }
0x27: {  	s1 =	sld [smem:$0x3FAB]  }
0x28: {  	s2 =	sld [smem:$0x3FAC]  }
0x29: {  	s4 =	sld [smem:$0x3FAE]  }
0x2a: {  	p0 =	seq.s32 s5, $0x0;
	s5 =	sld [smem:$0x3FAF]  }
0x2b: {  	s6 =	sld [smem:$0x3FB0]  }
0x2c: {  	s7 =	sld [smem:$0x3FB1]  }
0x2d: {  	s3 =	simm.s32 $0x108;
	s8 =	sld [smem:$0x3FB2]  }
0x2e: {  	s3 =	simm.s32 @!p0 $0x1082;
	s9 =	sld [smem:$0x3FB3]  }
0x2f: {  	lr =	sadd.s32 s0, s3;
	s0 =	sld [smem:$0x3FAA]  }
0x30: {  	s3 =	sld [smem:$0x3FAD]  }
0x31: {  	[smem:$0x3FB6] =	sst s10  }
0x32: {  	s10 =	sld [smem:$0x3FB4];
	_ =	sdelay $0x3  }
0x33: {  	p0 =	seq.s32 s10, $0x1;
	s10 =	sld [smem:$0x3FB6];
	_ =	sdelay $0x3  }
0x34: {  	[smem:$0x3FB6] =	sst s10  }
0x35: {  	s10 =	sld [smem:$0x3FB5];
	_ =	sdelay $0x3  }
0x36: {  	p1 =	seq.s32 s10, $0x1;
	s10 =	sld [smem:$0x3FB6];
	_ =	sdelay $0x3  }
0x37: {  	[smem:$0x3FB6] =	sst s10  }
0x38: {  	s10 =	sld [smem:$0x3FB7]  }
0x39: {  	_ = 	snop;
	(pc) =	sbr.ind lr, $3  }
0x3a: {  	_ = 	snop  }
0x3b: {  	_ = 	snop  }
0x3c: {  	p2 =	seq.s32 s10, $0x1;
	s10 =	sld [smem:$0x3FB6]  }
0x3d: {  	_ =	shalt  }
0x3e: {  	_ =	shalt  }
0x3f: {  	_ =	shalt  }
0x40: {  	_ =	shalt  }
0x41: {  	_ =	shalt  }
0x42: {  	_ =	shalt  }
0x43: {  	_ =	shalt  }
0x44: {  	_ =	shalt  }
0x45: {  	_ =	shalt  }
0x46: {  	_ =	shalt  }
0x47: {  	_ =	shalt  }
0x48: {  	_ =	shalt  }
0x49: {  	_ =	shalt  }
0x4a: {  	_ =	shalt  }
0x4b: {  	_ =	shalt  }
0x4c: {  	_ =	shalt  }
0x4d: {  	_ =	shalt  }
0x4e: {  	_ =	shalt  }
0x4f: {  	_ =	shalt  }
0x50: {  	_ =	shalt  }
0x51: {  	_ =	shalt  }
0x52: {  	_ =	shalt  }
0x53: {  	_ =	shalt  }
0x54: {  	_ =	shalt  }
0x55: {  	_ =	shalt  }
0x56: {  	_ =	shalt  }
0x57: {  	_ =	shalt  }
0x58: {  	_ =	shalt  }
0x59: {  	_ =	shalt  }
0x5a: {  	_ =	shalt  }
0x5b: {  	_ =	shalt  }
0x5c: {  	_ =	shalt  }
0x5d: {  	_ =	shalt  }
0x5e: {  	_ =	shalt  }
0x5f: {  	_ =	shalt  }
0x60: {  	_ =	shalt  }
0x61: {  	_ =	shalt  }
0x62: {  	_ =	shalt  }
0x63: {  	_ =	shalt  }
0x64: {  	_ =	shalt  }
0x65: {  	_ =	shalt  }
0x66: {  	_ =	shalt  }
0x67: {  	_ =	shalt  }
0x68: {  	_ =	shalt  }
0x69: {  	_ =	shalt  }
0x6a: {  	_ =	shalt  }
0x6b: {  	_ =	shalt  }
0x6c: {  	_ =	shalt  }
0x6d: {  	_ =	shalt  }
0x6e: {  	_ =	shalt  }
0x6f: {  	_ =	shalt  }
0x70: {  	_ =	shalt  }
0x71: {  	_ =	shalt  }
0x72: {  	_ =	shalt  }
0x73: {  	_ =	shalt  }
0x74: {  	_ =	shalt  }
0x75: {  	_ =	shalt  }
0x76: {  	_ =	shalt  }
0x77: {  	_ =	shalt  }
0x78: {  	_ =	shalt  }
0x79: {  	_ =	shalt  }
0x7a: {  	_ =	shalt  }
0x7b: {  	_ =	shalt  }
0x7c: {  	_ =	shalt  }
0x7d: {  	_ =	shalt  }
0x7e: {  	_ =	shalt  }
0x7f: {  	_ =	shalt  }
0x80: {  	_ =	shalt  }
0x81: {  	_ =	shalt  }
0x82: {  	_ =	shalt  }
0x83: {  	_ =	shalt  }
0x84: {  	_ =	shalt  }
0x85: {  	_ =	shalt  }
0x86: {  	_ =	shalt  }
0x87: {  	_ =	shalt  }
.Lfunc_end0:
.L_simem_size_0:
called_computation_lowered:
.L_overlay_start_0:
0x88: {  	s2 =	sld [smem:$0x3FD9]  }
0x89: {  	s3 =	sld [smem:$0x3FFE];
	_ =	sdelay $0x1  }
0x8a: {  	s1 =	srdreg.scid  }
0x8b: {  	s0 =	sand.u32 $0x1, s1  }
0x8c: {  	s17 =	sshll.u32 s0, $0xA;
	s2 =	sadd.s32 s3, s2  }
0x8d: {  	s2 =	sadd.s32 s2, s17  }
0x8e: {  	[smem:$0x3FC2] =	sst s2  }
0x8f: {  	_ = 	snop  }
0x90: {  	s2 =	sld [smem:$0x3FD0];
	(tm) =	ssettm $0x1  }
0x91: {  	s18 =	sld [smem:$0x3FFB];
	_ =	sdelay $0x3  }
0x92: {  	_ =	strace s18  }
0x93: {  	s3 =	sld [smem:$0x3FFC];
	_ =	sdelay $0x3  }
0x94: {  	_ =	strace s3  }
0x95: {  	s3 =	sld [smem:$0x3FFD];
	_ =	sdelay $0x3  }
0x96: {  	_ =	strace s3  }
0x97: {  	_ =	strace $0x8FFFFFFF  }
0x98: {  	s19 =	sld [smem:$0x3FDB];
	_ =	sdelay $0x1  }
0x99: {  	s4 =	simm.s32 $_scs_section_size  }
0x9a: {  	s5 =	simm.s32 $_size__tile_overlayer_lowered;
	s6 =	simm.s32 $_tile_overlayer_lowered  }
0x9b: {  	s22 =	simm.s32 $0x1BFF;
	s21 =	sshll.u32 s6, $0x1;
	s3 =	sadd.s32 s4, s19  }
0x9c: {  	s7 =	simm.s32 $0x0;
	s20 =	sshll.u32 s5, $0x1;
	s5 =	sadd.s32 s21, s3  }
0x9d: {  	[timem:s7], [sflag:s22] =	dma.local [hbm:s5], s20  }
0x9e: {  	_ =	swait.ge [sflag:s22], s20  }
0x9f: {  	s4 =	ssub.s32 $0x0, s20;
	[sflag:s22] =	ssyncset.done $0x0  }
0xa0: {  	[sflag:s22] =	ssyncadd.s32 s4;
	_ =	sdelay $0x1  }
0xa1: {  	s23 =	simm.s32 $0x1B8B  }
0xa2: {  	_ =	swait.ge [sflag:s23], $0x1  }
0xa3: {  	[sflag:s23] =	ssyncset.done $0x0  }
0xa4: {  	s25 =	simm.s32 $0x1B8E;
	s24 =	sld [smem:$0x3FFE];
	[sflag:s23] =	ssyncadd.s32 $0xFFFFFFFF  }
0xa5: {  	s26 =	simm.s32 $execute0_lowered;
	[smem:$0x3FD2] =	sst s25  }
0xa6: {  	s5 =	sshll.u32 s26, $0x1;
	_ =	strace $0x80000046;
	[dreg:$0x1] =	wrdreg $0xFFFFFFFF  }
0xa7: {  	s28 =	simm.s32 $_size_execute0_lowered;
	s3 =	sadd.s32 s3, s5;
	[dreg:$0x0] =	wrdreg $0x0  }
0xa8: {  	s5 =	sshll.u32 s28, $0x1;
	[dreg:$0x2] =	wrdreg s3  }
0xa9: {  	[dreg:$0x3] =	wrdreg s5  }
0xaa: {  	[dreg:$0x4] =	wrdreg $0xC0  }
0xab: {  	_ =	task [dreg:s7], $0x5FFFF  }
0xac: {  	[dreg:$0x1] =	wrdreg $0xFFFFFFFF  }
0xad: {  	[dreg:$0x0] =	wrdreg $0x60  }
0xae: {  	[dreg:$0x2] =	wrdreg s24  }
0xaf: {  	[dreg:$0x3] =	wrdreg s2  }
0xb0: {  	[dreg:$0x4] =	wrdreg $0x2A800  }
0xb1: {  	[dreg:$0x5] =	wrdreg $0x9  }
0xb2: {  	_ =	task.clear_ibuf [dreg:s7], $0x6FFFF;
	_ =	strace $0x90000046  }
0xb3: {  	s29 =	simm.s32 $0x9;
	_ =	strace $0x80000048  }
0xb4: {  	_ =	swait.ge [sflag:s29], $0x1  }
0xb5: {  	[sflag:s29] =	ssyncadd.s32 $0xFFFFFFFF  }
0xb6: {  	_ =	strace $0x90000048  }
0xb7: {  	_ =	sfence  }
0xb8: {  	s30 =	sld [smem:$0x0];
	_ =	sdelay $0x2  }
0xb9: {  	s31 =	sshll.u32 s1, $0xD;
	s1 =	sshrl.u32 s1, $0x2  }
0xba: {  	s3 =	sand.u32 $0x4000, s31;
	s1 =	sadd.s32 s1, s30  }
0xbb: {  	s0 =	sor.u32 s3, s0;
	s1 =	sshll.u32 s1, $0x11  }
0xbc: {  	s0 =	sor.u32 s1, s0  }
0xbd: {  	s0 =	sadd.s32 $0x8F2B, s0  }
0xbe: {  	[sflag:s0] =	ssyncadd.remote.s32 $0x1  }
0xbf: {  	_ =	sfence.sel $0xFFFF  }
0xc0: {  	[dreg:$0x0] =	wrdreg $0xFFFFFFFF;
	(pc) =	sbr.abs _section_cstart, $3  }
0xc1: {  	[dreg:$0x1] =	wrdreg $0xFFFFFFFF  }
0xc2: {  	_ =	task.clear_ibuf [dreg:s7], $0x2FFFF;
	_ =	strace $0x9FFFFFFF  }
0xc3: {  	(tm) =	ssettm $0x7FFFFFFF  }
tec
execute0_lowered:
.L_overlay_start_1:
0x0: {  	(tag) =	ssettag $0x1  }
0x1: {  	s5 =	rddreg [dreg:$0x0]  }
0x2: {  	s6 =	rddreg [dreg:$0x1]  }
0x3: {  	s0 =	srdreg.scid;
	s2 =	rddreg [dreg:$0x2];
	s3 =	simm.s32 $0x0  }
0x4: {  	s10 =	simm.s32 $0x2800;
	s11 =	simm.s32 $0x3;
	s4 =	sand.u32 $0x1, s0  }
0x5: {  	s12 =	simm.s32 $0x1;
	s0 =	stileid.u32;
	s1 =	sshll.u32 s4, $0x4  }
0x6: {  	s13 =	simm.s32 $0x50;
	s14 =	simm.s32 $0x2780;
	s1 =	sor.u32 s0, s1  }
0x7: {  	s15 =	simm.s32 $0x2;
	s30 =	smul.u32 $0x280, s0;
	s1 =	sshrl.u32 s1, $0x3  }
0x8: {  	s16 =	simm.s32 $0x0;
	s8 =	sshll.u32 s0, $0x7;
	s7 =	smul.u32 $0x13C00, s1  }
0x9: {  	s9 =	smul.u32 $0x2710, s4;
	s4 =	ssub.s32 $0x2, s4;
	s8 =	sand.u32 $0x380, s8  }
0xa: {  	[smem:$0x7FF] =	sst s3;
	s31 =	sshrl.u32 s4, $0x1;
	s7 =	sor.u32 s8, s7  }
0xb: {  	s1 =	rddreg [dreg:$0x3];
	s8 =	smin.u32 s30, $0x2490;
	s7 =	sadd.s32 $0x4F000, s7  }
0xc: {  	_ =	strace $0x80000047;
	s9 =	sadd.s32 s9, s8;
	s7 =	sshrl.u32 s7, $0x3  }
0xd: {  	s9 =	sshrl.u32 s9, $0x3;
	s5 =	sadd.s32 s7, s5;
	s7 =	ssub.s32 s4, s31  }
0xe: {  	s6 =	sadd.s32 s6, s9;
	s9 =	simm.s32 $0x400;
	s4 =	sadd.s32 $0x2E00, s5  }
0xf: {  	v0 =	vimm.f32 $0.0e+00;
	v1 =	vimm.f32 $1.000000000e+00;
	s5 =	sadd.s32 s8, s2;
	s7 =	smax.u32 s7, $0x1;
	s8 =	simm.s32 $0x80  }
.LBB2_1:
0x10: {  	[tilespmem:s3], [sflag:$0x1] =	stream.strided.gather [hbm4b:s4+s8], $0x2780, s9, s8, $0x38;
	[tilespmem:$0x2CF8] =	vst v63  }
0x11: {  	[tilespmem:$0x2800] =	vst v0  }
0x12: {  	[tilespmem:$0x2810] =	vst v0  }
0x13: {  	[tilespmem:$0x2820] =	vst v0  }
0x14: {  	[tilespmem:$0x2830] =	vst v0  }
0x15: {  	[tilespmem:$0x2840] =	vst v0  }
0x16: {  	[tilespmem:$0x2850] =	vst v0  }
0x17: {  	[tilespmem:$0x2860] =	vst v0  }
0x18: {  	[tilespmem:$0x2870] =	vst v0  }
0x19: {  	[tilespmem:$0x2880] =	vst v0  }
0x1a: {  	[tilespmem:$0x2890] =	vst v0  }
0x1b: {  	[tilespmem:$0x28A0] =	vst v0  }
0x1c: {  	[tilespmem:$0x28B0] =	vst v0  }
0x1d: {  	[tilespmem:$0x28C0] =	vst v0  }
0x1e: {  	[tilespmem:$0x28D0] =	vst v0  }
0x1f: {  	[tilespmem:$0x28E0] =	vst v0  }
0x20: {  	[tilespmem:$0x28F0] =	vst v0  }
0x21: {  	[tilespmem:$0x2900] =	vst v0  }
0x22: {  	[tilespmem:$0x2910] =	vst v0  }
0x23: {  	[tilespmem:$0x2920] =	vst v0  }
0x24: {  	[tilespmem:$0x2930] =	vst v0  }
0x25: {  	[tilespmem:$0x2940] =	vst v0  }
0x26: {  	[tilespmem:$0x2950] =	vst v0  }
0x27: {  	[tilespmem:$0x2960] =	vst v0  }
0x28: {  	[tilespmem:$0x2970] =	vst v0  }
0x29: {  	[tilespmem:$0x2980] =	vst v0  }
0x2a: {  	[tilespmem:$0x2990] =	vst v0  }
0x2b: {  	[tilespmem:$0x29A0] =	vst v0  }
0x2c: {  	[tilespmem:$0x29B0] =	vst v0  }
0x2d: {  	[tilespmem:$0x29C0] =	vst v0  }
0x2e: {  	[tilespmem:$0x29D0] =	vst v0  }
0x2f: {  	[tilespmem:$0x29E0] =	vst v0  }
0x30: {  	[tilespmem:$0x29F0] =	vst v0  }
0x31: {  	[tilespmem:$0x2A00] =	vst v0  }
0x32: {  	[tilespmem:$0x2A10] =	vst v0  }
0x33: {  	[tilespmem:$0x2A20] =	vst v0  }
0x34: {  	[tilespmem:$0x2A30] =	vst v0  }
0x35: {  	[tilespmem:$0x2A40] =	vst v0  }
0x36: {  	[tilespmem:$0x2A50] =	vst v0  }
0x37: {  	[tilespmem:$0x2A60] =	vst v0  }
0x38: {  	[tilespmem:$0x2A70] =	vst v0  }
0x39: {  	[tilespmem:$0x2780] =	vst v1  }
0x3a: {  	[tilespmem:$0x2790] =	vst v1  }
0x3b: {  	[tilespmem:$0x27A0] =	vst v1  }
0x3c: {  	[tilespmem:$0x27B0] =	vst v1  }
0x3d: {  	[tilespmem:$0x27C0] =	vst v1  }
0x3e: {  	[spmem:s5] =	stream.linear.scatter [tilespmem:s10], [sflag:$0x3], $0x280, $0x38;
	[tilespmem:$0x2CF8] =	vst v63  }
0x3f: {  	_ =	swait.ge [sflag:s11], $0x280  }
0x40: {  	[sflag:s11] =	ssyncset.done $0x0  }
0x41: {  	[sflag:s11] =	ssyncadd.s32 $0xFFFFFD80  }
0x42: {  	_ =	swait.ge [sflag:s12], $0x2780  }
0x43: {  	[sflag:s12] =	ssyncset.done $0x0  }
0x44: {  	[sflag:s12] =	ssyncadd.s32 $0xFFFFD880  }
0x45: {  	[bflag:$0x0] =	sbarrier.arrive $0xFFFF  }
0x46: {  	[spmem:s2] =	stream.indirect.scatter.add.f32 [tilespmem:s14], [sflag:$0x1], $0x1, s3, s13, $0xb8;
	[tilespmem:$0x2CF8] =	vst v63  }
0x47: {  	s17 =	simm.s32 $0x50  }
0x48: {  	[spmem:s2] =	stream.indirect.scatter.add.f32 [tilespmem:s14], [sflag:$0x2], $0x1, s17, s13, $0xb8;
	[tilespmem:$0x2CF8] =	vst v63  }
0x49: {  	_ =	swait.ge [sflag:s12], $0x50  }
0x4a: {  	[sflag:s12] =	ssyncset.done $0x0  }
0x4b: {  	s31 =	simm.s32 $0xA0;
	[sflag:s12] =	ssyncadd.s32 $0xFFFFFFB0  }
0x4c: {  	[spmem:s2] =	stream.indirect.scatter.add.f32 [tilespmem:s14], [sflag:$0x1], $0x1, s31, s13, $0xb8;
	[tilespmem:$0x2CF8] =	vst v63  }
0x4d: {  	_ =	swait.ge [sflag:s15], $0x50  }
0x4e: {  	s18 =	simm.s32 $0xFFFF6A00;
	s17 =	simm.s32 $0xFFFFD9E0;
	[sflag:s15] =	ssyncset.done $0x0  }
.LBB2_2:
0x4f: {  	s19 =	sadd.s32 $0x2710, s17  }
0x50: {  	[sflag:s15] =	ssyncadd.s32 $0xFFFFFFB0;
	s20 =	smov.u32 s18;
	s21 =	sadd.s32 $0x280, s18  }
0x51: {  	[spmem:s2] =	stream.indirect.scatter.add.f32 [tilespmem:s14], [sflag:$0x2], $0x1, s19, s13, $0xb8;
	[tilespmem:$0x2CF8] =	vst v63  }
0x52: {  	p0 =	sne.s32 s18, $0xFFFFFD80;
	_ =	swait.ge [sflag:s12], $0x50  }
.Ltmp0:
0x53: {  	[sflag:s12] =	ssyncset.done $0x0;
	(pc) =	sbr.rel @p0 .LBB2_2-.Ltmp0, $4  }
0x54: {  	s17 =	sadd.s32 $0x2760, s17;
	[sflag:s12] =	ssyncadd.s32 $0xFFFFFFB0  }
0x55: {  	[spmem:s2] =	stream.indirect.scatter.add.f32 [tilespmem:s14], [sflag:$0x1], $0x1, s17, s13, $0xb8;
	[tilespmem:$0x2CF8] =	vst v63  }
0x56: {  	_ =	swait.ge [sflag:s15], $0x50  }
0x57: {  	s18 =	smov.u32 s21;
	s17 =	sshra.s32 s20, $0x2;
	[sflag:s15] =	ssyncset.done $0x0  }
0x58: {  	s18 =	sadd.s32 $0x2710, s17;
	[sflag:s15] =	ssyncadd.s32 $0xFFFFFFB0  }
0x59: {  	[spmem:s2] =	stream.indirect.scatter.add.f32 [tilespmem:s14], [sflag:$0x2], $0x1, s18, s13, $0xb8;
	[tilespmem:$0x2CF8] =	vst v63  }
0x5a: {  	_ =	swait.ge [sflag:s12], $0x50  }
0x5b: {  	[sflag:s12] =	ssyncset.done $0x0  }
0x5c: {  	s31 =	sadd.s32 $0x2760, s17;
	[sflag:s12] =	ssyncadd.s32 $0xFFFFFFB0  }
0x5d: {  	[spmem:s2] =	stream.indirect.scatter.add.f32 [tilespmem:s14], [sflag:$0x1], $0x1, s31, s13, $0xb8;
	[tilespmem:$0x2CF8] =	vst v63  }
0x5e: {  	_ =	swait.ge [sflag:s15], $0x50  }
0x5f: {  	[sflag:s15] =	ssyncset.done $0x0  }
0x60: {  	[sflag:s15] =	ssyncadd.s32 $0xFFFFFFB0  }
0x61: {  	_ =	swait.ge [sflag:s12], $0x50  }
0x62: {  	[sflag:s12] =	ssyncset.done $0x0  }
0x63: {  	[sflag:s12] =	ssyncadd.s32 $0xFFFFFFB0  }
0x64: {  	[bflag:$0x0] =	sbarrier.arrive $0xFFFF  }
0x65: {  	[tilespmem:s10], [sflag:$0x3] =	stream.linear.gather [spmem:s5], $0x280, $0x38;
	[tilespmem:$0x2CF8] =	vst v63  }
0x66: {  	s16 =	sadd.s32 $0x1, s16;
	_ =	swait.ge [sflag:s11], $0x280  }
0x67: {  	p0 =	sne.s32 s16, s7;
	[sflag:s11] =	ssyncset.done $0x0  }
.Ltmp1:
0x68: {  	[sflag:s11] =	ssyncadd.s32 $0xFFFFFD80;
	(pc) =	sbr.rel @p0 .LBB2_1-.Ltmp1, $4  }
0x69: {  	[hbm4b:s6+s3] =	stream.linear.scatter [tilespmem:s10], [sflag:$0x3], $0x280, $0x38;
	[tilespmem:$0x2CF8] =	vst v63  }
0x6a: {  	_ =	swait.ge [sflag:s11], $0x280  }
0x6b: {  	[sflag:s11] =	ssyncset.done $0x0  }
0x6c: {  	[sflag:s11] =	ssyncadd.s32 $0xFFFFFD80  }
0x6d: {  	_ =	sfence.sel $0x180000  }
0x6e: {  	[bflag:$0x0] =	sbarrier.arrive $0xFFFF  }
0x6f: {  	p0 =	sne.s32 s0, $0x0;
	_ =	strace $0x90000047  }
0x70: {  	s0 =	sadd.s32 @!p0 $0x100000, s1;
	[bflag:$0x2] =	sbarrier.arrive $0xFFFF  }
0x71: {  	[sflag:s0] =	ssyncadd.tile.s32 @!p0 $0x1;
	_ =	shalt  }
.Lfunc_end2:
_tile_overlayer_lowered:
.L_overlay_start_2:
0x72: {  	(tag) =	ssettag $0x2  }
0x73: {  	s0 =	rddreg [dreg:$0x0];
	s2 =	stileid.u32  }
0x74: {  	s1 =	rddreg [dreg:$0x1];
	p0 =	sne.s32 s2, $0x0  }
0x75: {  	s3 =	rddreg [dreg:$0x2];
	[bflag:$0x3] =	sbarrier.arrive $0xFFFF;
	s2 =	simm.s32 @!p0 $0x1C03  }
0x76: {  	[timem:s3], [sflag:s2] =	dma.local @!p0 [hbm:s0], s1  }
0x77: {  	s0 =	simm.s32 @!p0 $0x3  }
0x78: {  	_ =	swait.ge @!p0 [sflag:s0], s1  }
0x79: {  	s1 =	ssub.s32 @!p0 $0x0, s1;
	[sflag:s0] =	ssyncset.done @!p0 $0x0  }
0x7a: {  	[sflag:s0] =	ssyncadd.s32 @!p0 s1  }
0x7b: {  	[bflag:$0x3] =	sbarrier.arrive $0xFFFF  }
0x7c: {  	_ =	shalt  }

</sc_bundles>
